<compile_context>
chip_gen: v7x
topology: tpu7x:2x2x1
jax: 0.10.2.dev20260603
libtpu: 0.0.44.dev20260713+nightly
codegen_flags: <defaults>
</compile_context>

<pallas_src>
import functools

import jax
import jax.numpy as jnp
import numpy as np
from jax import lax
from jax.experimental import pallas as pl
from jax.experimental.pallas import tpu as pltpu
from jax.experimental.pallas import tpu_sc as plsc

NC = 2
NS = 16
NW = NC * NS
L = 16
NB = 2048
CHUNK = 8192
_MININT = np.int32(-2147483648)


CROWS = 4


@functools.lru_cache(maxsize=None)
def _make_hist_kernel(rows, cols, shift, mshift, mmask):
    n = rows * cols
    rows_w = rows // NW
    nchunks = rows_w // CROWS
    assert rows_w * NW == rows and nchunks * CROWS == rows_w and nchunks % 2 == 0

    mesh = plsc.VectorSubcoreMesh(
        core_axis_name="c", subcore_axis_name="s", num_cores=NC, num_subcores=NS
    )

    @functools.partial(
        pl.kernel,
        out_type=jax.ShapeDtypeStruct((NW, NB), jnp.int32),
        mesh=mesh,
        compiler_params=pltpu.CompilerParams(needs_layout_passes=False),
        scratch_types=[
            pltpu.VMEM((2 * CROWS, cols), jnp.float32),
            pltpu.VMEM((2 * L * NB,), jnp.int32),
            pltpu.VMEM((NB,), jnp.int32),
            pltpu.VMEM((L,), jnp.int32),
            pltpu.SemaphoreType.DMA,
            pltpu.SemaphoreType.DMA,
        ],
    )
    def hist_kernel(x_hbm, pref_hbm, out_hbm, buf, hist, part, prefv, sem0, sem1):
        wid = lax.axis_index("s") * NC + lax.axis_index("c")
        base_row = wid * rows_w

        pltpu.sync_copy(pref_hbm, prefv)
        pv = prefv[...]

        zero16 = jnp.zeros((L,), jnp.int32)

        def zbody(i, carry):
            hist[pl.ds(i * L, L)] = zero16
            return carry

        lax.fori_loop(0, (2 * L * NB) // L, zbody, 0)

        lane_base = lax.iota(jnp.int32, L) * NB
        ones16 = jnp.ones((L,), jnp.int32)
        sh = jnp.int32(shift)
        msh = jnp.int32(mshift)
        mmk = jnp.int32(mmask)

        vec_per_row = cols // L

        def process(slot):
            @plsc.parallel_loop(0, CROWS * vec_per_row, unroll=8)
            def _(i):
                row = slot * CROWS + (i // vec_per_row)
                col = (i % vec_per_row) * L
                v = buf[row, pl.ds(col, L)]
                b = plsc.bitcast(v, jnp.int32)
                key = b ^ ((b >> 31) | _MININT)
                if shift > 0:
                    bucket = lax.shift_right_logical(key, sh)
                else:
                    bucket = key
                if shift + 11 < 32:
                    bucket = bucket & jnp.int32(NB - 1)
                copy_off = (i & 1) * (L * NB)
                idx = bucket + lane_base + copy_off
                if mmask != 0:
                    match = lax.shift_right_logical(key, msh) == pv
                    plsc.addupdate_scatter(hist, [idx], ones16, mask=match)
                else:
                    plsc.addupdate_scatter(hist, [idx], ones16)

        def dma_in(chunk, slot, sem):
            return pltpu.make_async_copy(
                x_hbm.at[pl.ds(base_row + chunk * CROWS, CROWS), :],
                buf.at[pl.ds(slot * CROWS, CROWS), :],
                sem,
            )

        dma_in(0, 0, sem0).start()

        def cbody(s, carry):
            c0 = 2 * s
            dma_in(c0 + 1, 1, sem1).start()
            dma_in(c0, 0, sem0).wait()
            process(0)

            @pl.when(c0 + 2 < nchunks)
            def _():
                dma_in(c0 + 2, 0, sem0).start()

            dma_in(c0 + 1, 1, sem1).wait()
            process(1)
            return carry

        lax.fori_loop(0, nchunks // 2, cbody, 0)

        def rbody(j, carry):
            acc = hist[pl.ds(j * L, L)]
            for bank in range(1, 2 * L):
                acc = acc + hist[pl.ds(bank * NB + j * L, L)]
            part[pl.ds(j * L, L)] = acc
            return carry

        lax.fori_loop(0, NB // L, rbody, 0)
        pltpu.sync_copy(part, out_hbm.at[wid])

    return hist_kernel


CBUF = 32768


@functools.lru_cache(maxsize=None)
def _make_hist_compact_kernel(rows, cols):
    rows_w = rows // NW
    nchunks = rows_w // CROWS
    assert rows_w * NW == rows and nchunks * CROWS == rows_w and nchunks % 2 == 0

    mesh = plsc.VectorSubcoreMesh(
        core_axis_name="c", subcore_axis_name="s", num_cores=NC, num_subcores=NS
    )

    @functools.partial(
        pl.kernel,
        out_type=(
            jax.ShapeDtypeStruct((NW, NB), jnp.int32),
            jax.ShapeDtypeStruct((NW, L), jnp.int32),
            jax.ShapeDtypeStruct((NW * CBUF,), jnp.int32),
        ),
        mesh=mesh,
        compiler_params=pltpu.CompilerParams(needs_layout_passes=False),
        scratch_types=[
            pltpu.VMEM((2 * CROWS, cols), jnp.float32),
            pltpu.VMEM((2 * L * NB,), jnp.int32),
            pltpu.VMEM((CBUF,), jnp.int32),
            pltpu.VMEM((NB,), jnp.int32),
            pltpu.VMEM((L,), jnp.int32),
            pltpu.VMEM((L,), jnp.int32),
            pltpu.SemaphoreType.DMA,
            pltpu.SemaphoreType.DMA,
        ],
    )
    def hist_kernel(
        x_hbm, pref_hbm, out_hbm, counts_hbm, cand_hbm,
        buf, hist, cbuf, part, prefv, cntv, sem0, sem1,
    ):
        wid = lax.axis_index("s") * NC + lax.axis_index("c")
        base_row = wid * rows_w

        pltpu.sync_copy(pref_hbm, prefv)
        pv = prefv[...]

        zero16 = jnp.zeros((L,), jnp.int32)

        def zbody(i, carry):
            hist[pl.ds(i * L, L)] = zero16
            return carry

        lax.fori_loop(0, (2 * L * NB) // L, zbody, 0)

        lane_base = lax.iota(jnp.int32, L) * NB
        ones16 = jnp.ones((L,), jnp.int32)
        cap = jnp.int32(CBUF - L)

        vec_per_row = cols // L

        def process(slot, fill_in):
            @plsc.parallel_loop(
                0, CROWS * vec_per_row, carry=fill_in, unroll=8
            )
            def fill_out(i, fill):
                row = slot * CROWS + (i // vec_per_row)
                col = (i % vec_per_row) * L
                v = buf[row, pl.ds(col, L)]
                b = plsc.bitcast(v, jnp.int32)
                key = b ^ ((b >> 31) | _MININT)
                bucket = lax.shift_right_logical(
                    key, jnp.int32(10)
                ) & jnp.int32(NB - 1)
                match = lax.shift_right_logical(key, jnp.int32(21)) == pv
                copy_off = (i & 1) * (L * NB)
                plsc.addupdate_scatter(
                    hist, [bucket + lane_base + copy_off], ones16, mask=match
                )
                off = jnp.minimum(fill, cap)
                plsc.store_compressed(cbuf.at[pl.ds(off, L)], key, mask=match)
                cnt = plsc.all_reduce_population_count(match)
                return fill + cnt[0]

            return fill_out

        def dma_in(chunk, slot, sem):
            return pltpu.make_async_copy(
                x_hbm.at[pl.ds(base_row + chunk * CROWS, CROWS), :],
                buf.at[pl.ds(slot * CROWS, CROWS), :],
                sem,
            )

        dma_in(0, 0, sem0).start()

        def cbody(s, fill):
            c0 = 2 * s
            dma_in(c0 + 1, 1, sem1).start()
            dma_in(c0, 0, sem0).wait()
            fill = process(0, fill)

            @pl.when(c0 + 2 < nchunks)
            def _():
                dma_in(c0 + 2, 0, sem0).start()

            dma_in(c0 + 1, 1, sem1).wait()
            return process(1, fill)

        fill = lax.fori_loop(0, nchunks // 2, cbody, jnp.int32(0))

        def rbody(j, carry):
            acc = hist[pl.ds(j * L, L)]
            for bank in range(1, 2 * L):
                acc = acc + hist[pl.ds(bank * NB + j * L, L)]
            part[pl.ds(j * L, L)] = acc
            return carry

        lax.fori_loop(0, NB // L, rbody, 0)
        pltpu.sync_copy(part, out_hbm.at[wid])

        cntv[...] = jnp.broadcast_to(fill, (L,))
        pltpu.sync_copy(cntv, counts_hbm.at[wid])
        pltpu.sync_copy(cbuf, cand_hbm.at[pl.ds(wid * CBUF, CBUF)])

    return hist_kernel


@functools.lru_cache(maxsize=None)
def _make_cand_kernel(rows, cols):
    rows_w = rows // NW
    nchunks = rows_w // CROWS
    assert rows_w * NW == rows and nchunks * CROWS == rows_w
    assert CBUF % CHUNK == 0 and CBUF // CHUNK > 0

    mesh = plsc.VectorSubcoreMesh(
        core_axis_name="c", subcore_axis_name="s", num_cores=NC, num_subcores=NS
    )

    @functools.partial(
        pl.kernel,
        out_type=jax.ShapeDtypeStruct((NW, NB), jnp.int32),
        mesh=mesh,
        compiler_params=pltpu.CompilerParams(needs_layout_passes=False),
        scratch_types=[
            pltpu.VMEM((CHUNK,), jnp.int32),
            pltpu.VMEM((CROWS, cols), jnp.float32),
            pltpu.VMEM((L * NB,), jnp.int32),
            pltpu.VMEM((NB,), jnp.int32),
            pltpu.VMEM((L,), jnp.int32),
            pltpu.VMEM((L,), jnp.int32),
        ],
    )
    def cand_kernel(
        cand_hbm, counts_hbm, x_hbm, pref_hbm, out_hbm,
        kbuf, fbuf, hist, part, prefv, cntv,
    ):
        wid = lax.axis_index("s") * NC + lax.axis_index("c")

        pltpu.sync_copy(pref_hbm, prefv)
        pltpu.sync_copy(counts_hbm.at[wid], cntv)
        pv = prefv[...]
        cnt_splat = cntv[...]
        cnt0 = cnt_splat[0]

        zero16 = jnp.zeros((L,), jnp.int32)

        def zbody(i, carry):
            hist[pl.ds(i * L, L)] = zero16
            return carry

        lax.fori_loop(0, (L * NB) // L, zbody, 0)

        lane_base = lax.iota(jnp.int32, L) * NB
        lane_iota = lax.iota(jnp.int32, L)
        ones16 = jnp.ones((L,), jnp.int32)

        @pl.when(cnt0 <= CBUF - L)
        def _fast():
            for c in range(CBUF // CHUNK):
                pltpu.sync_copy(
                    cand_hbm.at[pl.ds(wid * CBUF + c * CHUNK, CHUNK)], kbuf
                )

                @plsc.parallel_loop(0, CHUNK // L, unroll=8)
                def _(i):
                    key = kbuf[pl.ds(i * L, L)]
                    gidx = lane_iota + (i * L + c * CHUNK)
                    match = (
                        lax.shift_right_logical(key, jnp.int32(10)) == pv
                    ) & (gidx < cnt_splat)
                    bucket = key & jnp.int32(NB - 1)
                    plsc.addupdate_scatter(
                        hist, [bucket + lane_base], ones16, mask=match
                    )

        @pl.when(cnt0 > CBUF - L)
        def _slow():
            base_row = wid * rows_w

            def chbody(ch, carry):
                pltpu.sync_copy(
                    x_hbm.at[pl.ds(base_row + ch * CROWS, CROWS), :], fbuf
                )

                @plsc.parallel_loop(0, cols // L, unroll=8)
                def _(i):
                    for r in range(CROWS):
                        v = fbuf[r, pl.ds(i * L, L)]
                        b = plsc.bitcast(v, jnp.int32)
                        key = b ^ ((b >> 31) | _MININT)
                        match = (
                            lax.shift_right_logical(key, jnp.int32(10)) == pv
                        )
                        bucket = key & jnp.int32(NB - 1)
                        plsc.addupdate_scatter(
                            hist, [bucket + lane_base], ones16, mask=match
                        )

                return carry

            lax.fori_loop(0, nchunks, chbody, 0)

        def rbody(j, carry):
            acc = hist[pl.ds(j * L, L)]
            for bank in range(1, L):
                acc = acc + hist[pl.ds(bank * NB + j * L, L)]
            part[pl.ds(j * L, L)] = acc
            return carry

        lax.fori_loop(0, NB // L, rbody, 0)
        pltpu.sync_copy(part, out_hbm.at[wid])

    return cand_kernel


def _pick(hist_rows, k):
    h = jnp.sum(hist_rows, axis=0)
    c = jnp.cumsum(h)
    b = jnp.sum((c <= k).astype(jnp.int32))
    below = jnp.where(b > 0, c[jnp.maximum(b - 1, 0)], 0)
    return b, k - below


def _thr_body(m_ref, x_ref, o_ref):
    o_ref[...] = (x_ref[...] > m_ref[0, 0]).astype(jnp.float32)


@functools.lru_cache(maxsize=None)
def _make_threshold(rows, cols, block_rows):
    grid = rows // block_rows
    return pl.pallas_call(
        _thr_body,
        grid=(grid,),
        in_specs=[
            pl.BlockSpec((1, 1), lambda i: (0, 0)),
            pl.BlockSpec((block_rows, cols), lambda i: (i, 0)),
        ],
        out_specs=pl.BlockSpec((block_rows, cols), lambda i: (i, 0)),
        out_shape=jax.ShapeDtypeStruct((rows, cols), jnp.float32),
    )


def kernel(x):
    n = x.size
    rank = (n - 1) // 2
    cols = x.shape[-1]
    rows = n // cols
    xf = x.reshape(rows, cols)

    splat = lambda v: jnp.broadcast_to(jnp.int32(v), (L,))

    h1 = _make_hist_kernel(rows, cols, 21, 0, 0)(xf, splat(0))
    b1, k1 = _pick(h1, jnp.int32(rank))

    h2, counts, cand = _make_hist_compact_kernel(rows, cols)(xf, splat(0) + b1)
    b2, k2 = _pick(h2, k1)

    h3 = _make_cand_kernel(rows, cols)(
        cand, counts, xf, splat(0) + ((b1 << 11) | b2)
    )
    b3, _ = _pick(h3, k2)

    mkey = (b1 << 21) | (b2 << 10) | b3
    mbits = jnp.where(mkey < 0, mkey ^ _MININT, ~mkey)
    m = lax.bitcast_convert_type(mbits, jnp.float32)

    out = _make_threshold(rows, cols, 512)(m.reshape(1, 1), xf)
    return out.reshape(x.shape)

# --- scband reference (transcript-rebuilt; emitter-appended) ---
"""Pipeline reference for scband-balanced-binarize-52329881535026 (READ-ONLY COPY).

The authoritative reference and input builder live on the scoring server;
editing this copy changes nothing except your own understanding.
"""

import jax, jax.numpy as jnp
import numpy as np

def setup_inputs(seed: int = 0) -> dict:
    key = jax.random.key(seed)
    x = jax.random.normal(key, (2, 4096, 2048), dtype=jnp.float32)
    return {"x": x}

def reference(x):
    # torch.median(x) on a tensor flattens and returns the LOWER of the two
    # middle values for even-sized inputs: sorted[(n-1)//2].
    flat = jnp.sort(x.reshape(-1))
    n = flat.shape[0]
    m = flat[(n - 1) // 2]
    return jnp.where(x > m, jnp.float32(1.0), jnp.float32(0.0))

if __name__ == "__main__":
    import jax
    _d = setup_inputs()
    print(jax.jit(kernel)(*tuple(_d.values())))

</pallas_src>

<mosaic_0001>
#map = affine_map<(d0, d1) -> (0, 0)>
#map1 = affine_map<(d0, d1) -> (0)>
module attributes {stable_mosaic.version = 14 : i64} {
  func.func @hist_kernel(%arg0: i32, %arg1: i32, %arg2: memref<8192x2048xf32, #tpu.memory_space<hbm>>, %arg3: memref<16xi32, #tpu.memory_space<hbm>>, %arg4: memref<32x2048xi32, #tpu.memory_space<hbm>>, %arg5: memref<32x16xi32, #tpu.memory_space<hbm>>, %arg6: memref<1048576xi32, #tpu.memory_space<hbm>>, %arg7: memref<8x2048xf32, #tpu.memory_space<vmem>>, %arg8: memref<65536xi32, #tpu.memory_space<vmem>>, %arg9: memref<32768xi32, #tpu.memory_space<vmem>>, %arg10: memref<2048xi32, #tpu.memory_space<vmem>>, %arg11: memref<16xi32, #tpu.memory_space<vmem>>, %arg12: memref<16xi32, #tpu.memory_space<vmem>>, %arg13: memref<!tpu.dma_semaphore, #tpu.memory_space<semaphore_mem>>, %arg14: memref<!tpu.dma_semaphore, #tpu.memory_space<semaphore_mem>>) attributes {dimension_semantics = [#tpu.dimension_semantics<core_parallel>, #tpu.dimension_semantics<subcore_parallel>], iteration_bounds = array<i64: 2, 16>, scalar_prefetch = 0 : i64, scratch_operands = 8 : i64, tpu.core_type = #tpu.core_type<sc_vector_subcore>, window_params = [{transform_indices = #map}, {transform_indices = #map1}, {transform_indices = #map}, {transform_indices = #map}, {transform_indices = #map1}]} {
    %mul3A = arith.constant 2 : i32
    %mul3A_0 = arith.muli %arg1, %mul3A : i32
    %add3A = arith.addi %mul3A_0, %arg0 : i32
    %mul3A_1 = arith.constant 256 : i32
    %mul3A_2 = arith.muli %add3A, %mul3A_1 : i32
    "tpu.region"() ({
      %run_scoped3A = tpu.sem_alloc : memref<!tpu.dma_semaphore, #tpu.memory_space<semaphore_mem>>
      tpu.enqueue_dma source(%arg3 : memref<16xi32, #tpu.memory_space<hbm>>) target(%arg11 : memref<16xi32, #tpu.memory_space<vmem>>) target_semaphore(%run_scoped3A : memref<!tpu.dma_semaphore, #tpu.memory_space<semaphore_mem>>)
      tpu.wait_dma2 semaphore(%run_scoped3A : memref<!tpu.dma_semaphore, #tpu.memory_space<semaphore_mem>>) src(%arg3 : memref<16xi32, #tpu.memory_space<hbm>>) dst(%arg11 : memref<16xi32, #tpu.memory_space<vmem>>)
      tpu.yield
    }) : () -> ()
    %get3A = arith.constant 0 : index
    %get3A_3 = tpu.vector_load %arg11[%get3A] {strides = array<i32>} : memref<16xi32, #tpu.memory_space<vmem>>, vector<16xi32>,
    %broadcast_in_dim3A = arith.constant 0 : i32
    %broadcast_in_dim3A_4 = vector.broadcast %broadcast_in_dim3A : i32 to vector<16xi32>
    %scan3A = arith.constant 0 : i32
    %scan3A_5 = arith.constant 0 : i32
    %scan3A_6 = arith.constant 4096 : i32
    %scan3A_7 = arith.addi %scan3A_5, %scan3A_6 : i32
    %scan3A_8 = arith.constant 1 : i32
    scf.for %scan3A_44 = %scan3A_5 to %scan3A_7 step %scan3A_8  : i32 {
      %mul3A_45 = arith.constant 16 : i32
      %mul3A_46 = arith.muli %scan3A_44, %mul3A_45 : i32
      %swap3A_47 = arith.index_cast %mul3A_46 : i32 to index
      %swap3A_48 = tpu.vector_load %arg8[%swap3A_47] {strides = array<i32>} : memref<65536xi32, #tpu.memory_space<vmem>>, vector<16xi32>,
      tpu.vector_store %arg8[%swap3A_47], %broadcast_in_dim3A_4 {strides = array<i32>} : memref<65536xi32, #tpu.memory_space<vmem>>, vector<16xi32>,
    }
    %scan3A_9 = arith.constant 4096 : i32
    %iota3A = tpu.iota {dimensions = array<i32: 0>} : vector<16xi32>
    %mul3A_10 = arith.constant 2048 : i32
    %mul3A_11 = vector.broadcast %mul3A_10 : i32 to vector<16xi32>
    %mul3A_12 = arith.muli %iota3A, %mul3A_11 : vector<16xi32>
    %broadcast_in_dim3A_13 = arith.constant 1 : i32
    %broadcast_in_dim3A_14 = vector.broadcast %broadcast_in_dim3A_13 : i32 to vector<16xi32>
    %add3A_15 = arith.constant 0 : i32
    %add3A_16 = arith.addi %mul3A_2, %add3A_15 : i32
    %dma_start3A = arith.constant 0 : i32
    %dma_start3A_17 = arith.constant 0 : i32
    %dma_start3A_18 = tpu.memref_slice %arg7[%dma_start3A, %dma_start3A_17] : memref<8x2048xf32, #tpu.memory_space<vmem>> -> memref<4x2048xf32, #tpu.memory_space<vmem>>
    %dma_start3A_19 = arith.constant 0 : i32
    %dma_start3A_20 = tpu.memref_slice %arg2[%add3A_16, %dma_start3A_19] : memref<8192x2048xf32, #tpu.memory_space<hbm>> -> memref<4x2048xf32, #tpu.memory_space<hbm>>
    %dma_start3A_21 = arith.constant 0 : i32
    %dma_start3A_22 = arith.constant 0 : i32
    %dma_start3A_23 = tpu.memref_slice %arg7[%dma_start3A_21, %dma_start3A_22] : memref<8x2048xf32, #tpu.memory_space<vmem>> -> memref<4x2048xf32, #tpu.memory_space<vmem>>
    %dma_start3A_24 = arith.constant 0 : i32
    %dma_start3A_25 = tpu.memref_slice %arg2[%add3A_16, %dma_start3A_24] : memref<8192x2048xf32, #tpu.memory_space<hbm>> -> memref<4x2048xf32, #tpu.memory_space<hbm>>
    tpu.enqueue_dma source(%dma_start3A_25 : memref<4x2048xf32, #tpu.memory_space<hbm>>) target(%dma_start3A_23 : memref<4x2048xf32, #tpu.memory_space<vmem>>) target_semaphore(%arg13 : memref<!tpu.dma_semaphore, #tpu.memory_space<semaphore_mem>>)
    %scan3A_26 = arith.constant 32752 : i32
    %scan3A_27 = arith.constant 0 : i32
    %scan3A_28 = arith.constant 0 : i32
    %scan3A_29 = arith.constant 32 : i32
    %scan3A_30 = arith.addi %scan3A_28, %scan3A_29 : i32
    %scan3A_31 = arith.constant 1 : i32
    %scan3A_32 = scf.for %scan3A_44 = %scan3A_28 to %scan3A_30 step %scan3A_31 iter_args(%scan3A_45 = %scan3A_27) -> (i32)  : i32 {
      %mul3A_46 = arith.constant 2 : i32
      %mul3A_47 = arith.muli %mul3A_46, %scan3A_44 : i32
      %add3A_48 = arith.constant 1 : i32
      %add3A_49 = arith.addi %mul3A_47, %add3A_48 : i32
      %mul3A_50 = arith.constant 4 : i32
      %mul3A_51 = arith.muli %add3A_49, %mul3A_50 : i32
      %add3A_52 = arith.addi %mul3A_2, %mul3A_51 : i32
      %dma_start3A_53 = arith.constant 4 : i32
      %dma_start3A_54 = arith.constant 0 : i32
      %dma_start3A_55 = tpu.memref_slice %arg7[%dma_start3A_53, %dma_start3A_54] : memref<8x2048xf32, #tpu.memory_space<vmem>> -> memref<4x2048xf32, #tpu.memory_space<vmem>>
      %dma_start3A_56 = arith.constant 0 : i32
      %dma_start3A_57 = tpu.memref_slice %arg2[%add3A_52, %dma_start3A_56] : memref<8192x2048xf32, #tpu.memory_space<hbm>> -> memref<4x2048xf32, #tpu.memory_space<hbm>>
      %dma_start3A_58 = arith.constant 4 : i32
      %dma_start3A_59 = arith.constant 0 : i32
      %dma_start3A_60 = tpu.memref_slice %arg7[%dma_start3A_58, %dma_start3A_59] : memref<8x2048xf32, #tpu.memory_space<vmem>> -> memref<4x2048xf32, #tpu.memory_space<vmem>>
      %dma_start3A_61 = arith.constant 0 : i32
      %dma_start3A_62 = tpu.memref_slice %arg2[%add3A_52, %dma_start3A_61] : memref<8192x2048xf32, #tpu.memory_space<hbm>> -> memref<4x2048xf32, #tpu.memory_space<hbm>>
      tpu.enqueue_dma source(%dma_start3A_62 : memref<4x2048xf32, #tpu.memory_space<hbm>>) target(%dma_start3A_60 : memref<4x2048xf32, #tpu.memory_space<vmem>>) target_semaphore(%arg14 : memref<!tpu.dma_semaphore, #tpu.memory_space<semaphore_mem>>)
      %mul3A_63 = arith.constant 4 : i32
      %mul3A_64 = arith.muli %mul3A_47, %mul3A_63 : i32
      %add3A_65 = arith.addi %mul3A_2, %mul3A_64 : i32
      %dma_wait3A = arith.constant 0 : i32
      %dma_wait3A_66 = arith.constant 0 : i32
      %dma_wait3A_67 = tpu.memref_slice %arg7[%dma_wait3A, %dma_wait3A_66] : memref<8x2048xf32, #tpu.memory_space<vmem>> -> memref<4x2048xf32, #tpu.memory_space<vmem>>
      %dma_wait3A_68 = arith.constant 0 : i32
      %dma_wait3A_69 = tpu.memref_slice %arg2[%add3A_65, %dma_wait3A_68] : memref<8192x2048xf32, #tpu.memory_space<hbm>> -> memref<4x2048xf32, #tpu.memory_space<hbm>>
      %dma_wait3A_70 = arith.constant 0 : i32
      %dma_wait3A_71 = arith.constant 0 : i32
      %dma_wait3A_72 = tpu.memref_slice %arg7[%dma_wait3A_70, %dma_wait3A_71] : memref<8x2048xf32, #tpu.memory_space<vmem>> -> memref<4x2048xf32, #tpu.memory_space<vmem>>
      %dma_wait3A_73 = arith.constant 0 : i32
      %dma_wait3A_74 = tpu.memref_slice %arg2[%add3A_65, %dma_wait3A_73] : memref<8192x2048xf32, #tpu.memory_space<hbm>> -> memref<4x2048xf32, #tpu.memory_space<hbm>>
      tpu.wait_dma2 semaphore(%arg13 : memref<!tpu.dma_semaphore, #tpu.memory_space<semaphore_mem>>) src(%dma_wait3A_74 : memref<4x2048xf32, #tpu.memory_space<hbm>>) dst(%dma_wait3A_72 : memref<4x2048xf32, #tpu.memory_space<vmem>>)
      %parallel_loop3A = arith.constant 0 : i32
      %parallel_loop3A_75 = arith.constant 512 : i32
      %parallel_loop3A_76 = arith.constant 1 : i32
      %parallel_loop3A_77 = scf.for %parallel_loop3A_101 = %parallel_loop3A to %parallel_loop3A_75 step %parallel_loop3A_76 iter_args(%parallel_loop3A_102 = %scan3A_45) -> (i32)  : i32 {
        %parallel_loop3A_103 = arith.constant 128 : i32
        %parallel_loop3A_104 = arith.divsi %parallel_loop3A_101, %parallel_loop3A_103 : i32
        %parallel_loop3A_105 = arith.constant 0 : i32
        %parallel_loop3A_106 = arith.cmpi sgt, %parallel_loop3A_101, %parallel_loop3A_105 : i32
        %parallel_loop3A_107 = arith.extui %parallel_loop3A_106 : i1 to i32
        %parallel_loop3A_108 = arith.constant 0 : i32
        %parallel_loop3A_109 = arith.cmpi slt, %parallel_loop3A_101, %parallel_loop3A_108 : i32
        %parallel_loop3A_110 = arith.extui %parallel_loop3A_109 : i1 to i32
        %parallel_loop3A_111 = arith.subi %parallel_loop3A_107, %parallel_loop3A_110 : i32
        %parallel_loop3A_112 = arith.constant 0 : i32
        %parallel_loop3A_113 = arith.cmpi sgt, %parallel_loop3A_103, %parallel_loop3A_112 : i32
        %parallel_loop3A_114 = arith.extui %parallel_loop3A_113 : i1 to i32
        %parallel_loop3A_115 = arith.constant 0 : i32
        %parallel_loop3A_116 = arith.cmpi slt, %parallel_loop3A_103, %parallel_loop3A_115 : i32
        %parallel_loop3A_117 = arith.extui %parallel_loop3A_116 : i1 to i32
        %parallel_loop3A_118 = arith.subi %parallel_loop3A_114, %parallel_loop3A_117 : i32
        %parallel_loop3A_119 = arith.cmpi ne, %parallel_loop3A_111, %parallel_loop3A_118 : i32
        %parallel_loop3A_120 = arith.remsi %parallel_loop3A_101, %parallel_loop3A_103 : i32
        %parallel_loop3A_121 = arith.constant 0 : i32
        %parallel_loop3A_122 = arith.cmpi ne, %parallel_loop3A_120, %parallel_loop3A_121 : i32
        %parallel_loop3A_123 = arith.andi %parallel_loop3A_119, %parallel_loop3A_122 : i1
        %parallel_loop3A_124 = arith.constant 1 : i32
        %parallel_loop3A_125 = arith.subi %parallel_loop3A_104, %parallel_loop3A_124 : i32
        %parallel_loop3A_126 = arith.select %parallel_loop3A_123, %parallel_loop3A_125, %parallel_loop3A_104 : i32
        %parallel_loop3A_127 = arith.constant 0 : i32
        %parallel_loop3A_128 = arith.addi %parallel_loop3A_127, %parallel_loop3A_126 : i32
        %parallel_loop3A_129 = arith.constant 128 : i32
        %parallel_loop3A_130 = arith.constant 0 : i32
        %parallel_loop3A_131 = arith.cmpi eq, %parallel_loop3A_129, %parallel_loop3A_130 : i32
        %parallel_loop3A_132 = arith.constant 1 : i32
        %parallel_loop3A_133 = arith.select %parallel_loop3A_131, %parallel_loop3A_132, %parallel_loop3A_129 : i32
        %parallel_loop3A_134 = arith.remsi %parallel_loop3A_101, %parallel_loop3A_133 : i32
        %parallel_loop3A_135 = arith.constant 0 : i32
        %parallel_loop3A_136 = arith.cmpi ne, %parallel_loop3A_134, %parallel_loop3A_135 : i32
        %parallel_loop3A_137 = arith.constant 0 : i32
        %parallel_loop3A_138 = arith.cmpi slt, %parallel_loop3A_134, %parallel_loop3A_137 : i32
        %parallel_loop3A_139 = arith.constant 0 : i32
        %parallel_loop3A_140 = arith.cmpi slt, %parallel_loop3A_133, %parallel_loop3A_139 : i32
        %parallel_loop3A_141 = arith.xori %parallel_loop3A_138, %parallel_loop3A_140 : i1
        %parallel_loop3A_142 = arith.andi %parallel_loop3A_141, %parallel_loop3A_136 : i1
        %parallel_loop3A_143 = arith.addi %parallel_loop3A_134, %parallel_loop3A_133 : i32
        %parallel_loop3A_144 = arith.select %parallel_loop3A_142, %parallel_loop3A_143, %parallel_loop3A_134 : i32
        %parallel_loop3A_145 = arith.constant 16 : i32
        %parallel_loop3A_146 = arith.muli %parallel_loop3A_144, %parallel_loop3A_145 : i32
        %parallel_loop3A_147 = arith.index_cast %parallel_loop3A_128 : i32 to index
        %parallel_loop3A_148 = arith.index_cast %parallel_loop3A_146 : i32 to index
        %parallel_loop3A_149 = tpu.vector_load %arg7[%parallel_loop3A_147, %parallel_loop3A_148] {strides = array<i32>} : memref<8x2048xf32, #tpu.memory_space<vmem>>, vector<16xf32>,
        %parallel_loop3A_150 = vector.bitcast %parallel_loop3A_149 : vector<16xf32> to vector<16xi32>
        %parallel_loop3A_151 = arith.constant 31 : i32
        %parallel_loop3A_152 = vector.broadcast %parallel_loop3A_151 : i32 to vector<16xi32>
        %parallel_loop3A_153 = arith.shrsi %parallel_loop3A_150, %parallel_loop3A_152 : vector<16xi32>
        %parallel_loop3A_154 = arith.constant -2147483648 : i32
        %parallel_loop3A_155 = vector.broadcast %parallel_loop3A_154 : i32 to vector<16xi32>
        %parallel_loop3A_156 = arith.ori %parallel_loop3A_153, %parallel_loop3A_155 : vector<16xi32>
        %parallel_loop3A_157 = arith.xori %parallel_loop3A_150, %parallel_loop3A_156 : vector<16xi32>
        %parallel_loop3A_158 = arith.constant 10 : i32
        %parallel_loop3A_159 = vector.broadcast %parallel_loop3A_158 : i32 to vector<16xi32>
        %parallel_loop3A_160 = arith.shrui %parallel_loop3A_157, %parallel_loop3A_159 : vector<16xi32>
        %parallel_loop3A_161 = arith.constant 2047 : i32
        %parallel_loop3A_162 = vector.broadcast %parallel_loop3A_161 : i32 to vector<16xi32>
        %parallel_loop3A_163 = arith.andi %parallel_loop3A_160, %parallel_loop3A_162 : vector<16xi32>
        %parallel_loop3A_164 = arith.constant 21 : i32
        %parallel_loop3A_165 = vector.broadcast %parallel_loop3A_164 : i32 to vector<16xi32>
        %parallel_loop3A_166 = arith.shrui %parallel_loop3A_157, %parallel_loop3A_165 : vector<16xi32>
        %parallel_loop3A_167 = arith.cmpi eq, %parallel_loop3A_166, %get3A_3 : vector<16xi32>
        %parallel_loop3A_168 = arith.constant 1 : i32
        %parallel_loop3A_169 = arith.andi %parallel_loop3A_101, %parallel_loop3A_168 : i32
        %parallel_loop3A_170 = arith.constant 32768 : i32
        %parallel_loop3A_171 = arith.muli %parallel_loop3A_169, %parallel_loop3A_170 : i32
        %parallel_loop3A_172 = arith.addi %parallel_loop3A_163, %mul3A_12 : vector<16xi32>
        %parallel_loop3A_173 = vector.broadcast %parallel_loop3A_171 : i32 to vector<16xi32>
        %parallel_loop3A_174 = arith.addi %parallel_loop3A_172, %parallel_loop3A_173 : vector<16xi32>
        tpu.vector_store_idx %arg8[%parallel_loop3A_174], %broadcast_in_dim3A_14 masked %parallel_loop3A_167 {add = true} : memref<65536xi32, #tpu.memory_space<vmem>>[vector<16xi32>], vector<16xi32>, vector<16xi1>
        %parallel_loop3A_175 = arith.minsi %parallel_loop3A_102, %scan3A_26 : i32
        %parallel_loop3A_176 = arith.index_cast %parallel_loop3A_175 : i32 to index
        %parallel_loop3A_177 = tpu.vector_load %arg9[%parallel_loop3A_176] masked %parallel_loop3A_167 {strides = array<i32>} : memref<32768xi32, #tpu.memory_space<vmem>>, vector<16xi32>, vector<16xi1>
        tpu.vector_store %arg9[%parallel_loop3A_176], %parallel_loop3A_157 masked %parallel_loop3A_167 {strides = array<i32>} : memref<32768xi32, #tpu.memory_space<vmem>>, vector<16xi32>, vector<16xi1>
        %parallel_loop3A_178 = tpu.all_reduce %parallel_loop3A_167 {dim = 0 : i64, kind = #tpu.reduction_kind<sum>} : vector<16xi1> -> vector<16xi32>
        %parallel_loop3A_179 = vector.extract_strided_slice %parallel_loop3A_178 {offsets = [0], sizes = [1], strides = [1]} : vector<16xi32> to vector<1xi32>
        %parallel_loop3A_180 = vector.extract %parallel_loop3A_179[0] : i32 from vector<1xi32>
        %parallel_loop3A_181 = arith.addi %parallel_loop3A_102, %parallel_loop3A_180 : i32
        scf.yield %parallel_loop3A_181 : i32
      } {sc.loop_unroll_factor = 8 : i64, sc.parallel_access}
      %add3A_78 = arith.constant 2 : i32
      %add3A_79 = arith.addi %mul3A_47, %add3A_78 : i32
      %lt3A = arith.constant 64 : i32
      %lt3A_80 = arith.cmpi slt, %add3A_79, %lt3A : i32
      %convert_element_type3A = arith.extui %lt3A_80 : i1 to i32
      %cond3A = arith.constant 0 : i32
      %cond3A_81 = arith.cmpi ne, %convert_element_type3A, %cond3A : i32
      scf.if %cond3A_81 {
        %add3A_101 = arith.constant 2 : i32
        %add3A_102 = arith.addi %mul3A_47, %add3A_101 : i32
        %mul3A_103 = arith.constant 4 : i32
        %mul3A_104 = arith.muli %add3A_102, %mul3A_103 : i32
        %add3A_105 = arith.addi %mul3A_2, %mul3A_104 : i32
        %dma_start3A_106 = arith.constant 0 : i32
        %dma_start3A_107 = arith.constant 0 : i32
        %dma_start3A_108 = tpu.memref_slice %arg7[%dma_start3A_106, %dma_start3A_107] : memref<8x2048xf32, #tpu.memory_space<vmem>> -> memref<4x2048xf32, #tpu.memory_space<vmem>>
        %dma_start3A_109 = arith.constant 0 : i32
        %dma_start3A_110 = tpu.memref_slice %arg2[%add3A_105, %dma_start3A_109] : memref<8192x2048xf32, #tpu.memory_space<hbm>> -> memref<4x2048xf32, #tpu.memory_space<hbm>>
        %dma_start3A_111 = arith.constant 0 : i32
        %dma_start3A_112 = arith.constant 0 : i32
        %dma_start3A_113 = tpu.memref_slice %arg7[%dma_start3A_111, %dma_start3A_112] : memref<8x2048xf32, #tpu.memory_space<vmem>> -> memref<4x2048xf32, #tpu.memory_space<vmem>>
        %dma_start3A_114 = arith.constant 0 : i32
        %dma_start3A_115 = tpu.memref_slice %arg2[%add3A_105, %dma_start3A_114] : memref<8192x2048xf32, #tpu.memory_space<hbm>> -> memref<4x2048xf32, #tpu.memory_space<hbm>>
        tpu.enqueue_dma source(%dma_start3A_115 : memref<4x2048xf32, #tpu.memory_space<hbm>>) target(%dma_start3A_113 : memref<4x2048xf32, #tpu.memory_space<vmem>>) target_semaphore(%arg13 : memref<!tpu.dma_semaphore, #tpu.memory_space<semaphore_mem>>)
      } else {
      }
      %add3A_82 = arith.constant 1 : i32
      %add3A_83 = arith.addi %mul3A_47, %add3A_82 : i32
      %mul3A_84 = arith.constant 4 : i32
      %mul3A_85 = arith.muli %add3A_83, %mul3A_84 : i32
      %add3A_86 = arith.addi %mul3A_2, %mul3A_85 : i32
      %dma_wait3A_87 = arith.constant 4 : i32
      %dma_wait3A_88 = arith.constant 0 : i32
      %dma_wait3A_89 = tpu.memref_slice %arg7[%dma_wait3A_87, %dma_wait3A_88] : memref<8x2048xf32, #tpu.memory_space<vmem>> -> memref<4x2048xf32, #tpu.memory_space<vmem>>
      %dma_wait3A_90 = arith.constant 0 : i32
      %dma_wait3A_91 = tpu.memref_slice %arg2[%add3A_86, %dma_wait3A_90] : memref<8192x2048xf32, #tpu.memory_space<hbm>> -> memref<4x2048xf32, #tpu.memory_space<hbm>>
      %dma_wait3A_92 = arith.constant 4 : i32
      %dma_wait3A_93 = arith.constant 0 : i32
      %dma_wait3A_94 = tpu.memref_slice %arg7[%dma_wait3A_92, %dma_wait3A_93] : memref<8x2048xf32, #tpu.memory_space<vmem>> -> memref<4x2048xf32, #tpu.memory_space<vmem>>
      %dma_wait3A_95 = arith.constant 0 : i32
      %dma_wait3A_96 = tpu.memref_slice %arg2[%add3A_86, %dma_wait3A_95] : memref<8192x2048xf32, #tpu.memory_space<hbm>> -> memref<4x2048xf32, #tpu.memory_space<hbm>>
      tpu.wait_dma2 semaphore(%arg14 : memref<!tpu.dma_semaphore, #tpu.memory_space<semaphore_mem>>) src(%dma_wait3A_96 : memref<4x2048xf32, #tpu.memory_space<hbm>>) dst(%dma_wait3A_94 : memref<4x2048xf32, #tpu.memory_space<vmem>>)
      %parallel_loop3A_97 = arith.constant 0 : i32
      %parallel_loop3A_98 = arith.constant 512 : i32
      %parallel_loop3A_99 = arith.constant 1 : i32
      %parallel_loop3A_100 = scf.for %parallel_loop3A_101 = %parallel_loop3A_97 to %parallel_loop3A_98 step %parallel_loop3A_99 iter_args(%parallel_loop3A_102 = %parallel_loop3A_77) -> (i32)  : i32 {
        %parallel_loop3A_103 = arith.constant 128 : i32
        %parallel_loop3A_104 = arith.divsi %parallel_loop3A_101, %parallel_loop3A_103 : i32
        %parallel_loop3A_105 = arith.constant 0 : i32
        %parallel_loop3A_106 = arith.cmpi sgt, %parallel_loop3A_101, %parallel_loop3A_105 : i32
        %parallel_loop3A_107 = arith.extui %parallel_loop3A_106 : i1 to i32
        %parallel_loop3A_108 = arith.constant 0 : i32
        %parallel_loop3A_109 = arith.cmpi slt, %parallel_loop3A_101, %parallel_loop3A_108 : i32
        %parallel_loop3A_110 = arith.extui %parallel_loop3A_109 : i1 to i32
        %parallel_loop3A_111 = arith.subi %parallel_loop3A_107, %parallel_loop3A_110 : i32
        %parallel_loop3A_112 = arith.constant 0 : i32
        %parallel_loop3A_113 = arith.cmpi sgt, %parallel_loop3A_103, %parallel_loop3A_112 : i32
        %parallel_loop3A_114 = arith.extui %parallel_loop3A_113 : i1 to i32
        %parallel_loop3A_115 = arith.constant 0 : i32
        %parallel_loop3A_116 = arith.cmpi slt, %parallel_loop3A_103, %parallel_loop3A_115 : i32
        %parallel_loop3A_117 = arith.extui %parallel_loop3A_116 : i1 to i32
        %parallel_loop3A_118 = arith.subi %parallel_loop3A_114, %parallel_loop3A_117 : i32
        %parallel_loop3A_119 = arith.cmpi ne, %parallel_loop3A_111, %parallel_loop3A_118 : i32
        %parallel_loop3A_120 = arith.remsi %parallel_loop3A_101, %parallel_loop3A_103 : i32
        %parallel_loop3A_121 = arith.constant 0 : i32
        %parallel_loop3A_122 = arith.cmpi ne, %parallel_loop3A_120, %parallel_loop3A_121 : i32
        %parallel_loop3A_123 = arith.andi %parallel_loop3A_119, %parallel_loop3A_122 : i1
        %parallel_loop3A_124 = arith.constant 1 : i32
        %parallel_loop3A_125 = arith.subi %parallel_loop3A_104, %parallel_loop3A_124 : i32
        %parallel_loop3A_126 = arith.select %parallel_loop3A_123, %parallel_loop3A_125, %parallel_loop3A_104 : i32
        %parallel_loop3A_127 = arith.constant 4 : i32
        %parallel_loop3A_128 = arith.addi %parallel_loop3A_127, %parallel_loop3A_126 : i32
        %parallel_loop3A_129 = arith.constant 128 : i32
        %parallel_loop3A_130 = arith.constant 0 : i32
        %parallel_loop3A_131 = arith.cmpi eq, %parallel_loop3A_129, %parallel_loop3A_130 : i32
        %parallel_loop3A_132 = arith.constant 1 : i32
        %parallel_loop3A_133 = arith.select %parallel_loop3A_131, %parallel_loop3A_132, %parallel_loop3A_129 : i32
        %parallel_loop3A_134 = arith.remsi %parallel_loop3A_101, %parallel_loop3A_133 : i32
        %parallel_loop3A_135 = arith.constant 0 : i32
        %parallel_loop3A_136 = arith.cmpi ne, %parallel_loop3A_134, %parallel_loop3A_135 : i32
        %parallel_loop3A_137 = arith.constant 0 : i32
        %parallel_loop3A_138 = arith.cmpi slt, %parallel_loop3A_134, %parallel_loop3A_137 : i32
        %parallel_loop3A_139 = arith.constant 0 : i32
        %parallel_loop3A_140 = arith.cmpi slt, %parallel_loop3A_133, %parallel_loop3A_139 : i32
        %parallel_loop3A_141 = arith.xori %parallel_loop3A_138, %parallel_loop3A_140 : i1
        %parallel_loop3A_142 = arith.andi %parallel_loop3A_141, %parallel_loop3A_136 : i1
        %parallel_loop3A_143 = arith.addi %parallel_loop3A_134, %parallel_loop3A_133 : i32
        %parallel_loop3A_144 = arith.select %parallel_loop3A_142, %parallel_loop3A_143, %parallel_loop3A_134 : i32
        %parallel_loop3A_145 = arith.constant 16 : i32
        %parallel_loop3A_146 = arith.muli %parallel_loop3A_144, %parallel_loop3A_145 : i32
        %parallel_loop3A_147 = arith.index_cast %parallel_loop3A_128 : i32 to index
        %parallel_loop3A_148 = arith.index_cast %parallel_loop3A_146 : i32 to index
        %parallel_loop3A_149 = tpu.vector_load %arg7[%parallel_loop3A_147, %parallel_loop3A_148] {strides = array<i32>} : memref<8x2048xf32, #tpu.memory_space<vmem>>, vector<16xf32>,
        %parallel_loop3A_150 = vector.bitcast %parallel_loop3A_149 : vector<16xf32> to vector<16xi32>
        %parallel_loop3A_151 = arith.constant 31 : i32
        %parallel_loop3A_152 = vector.broadcast %parallel_loop3A_151 : i32 to vector<16xi32>
        %parallel_loop3A_153 = arith.shrsi %parallel_loop3A_150, %parallel_loop3A_152 : vector<16xi32>
        %parallel_loop3A_154 = arith.constant -2147483648 : i32
        %parallel_loop3A_155 = vector.broadcast %parallel_loop3A_154 : i32 to vector<16xi32>
        %parallel_loop3A_156 = arith.ori %parallel_loop3A_153, %parallel_loop3A_155 : vector<16xi32>
        %parallel_loop3A_157 = arith.xori %parallel_loop3A_150, %parallel_loop3A_156 : vector<16xi32>
        %parallel_loop3A_158 = arith.constant 10 : i32
        %parallel_loop3A_159 = vector.broadcast %parallel_loop3A_158 : i32 to vector<16xi32>
        %parallel_loop3A_160 = arith.shrui %parallel_loop3A_157, %parallel_loop3A_159 : vector<16xi32>
        %parallel_loop3A_161 = arith.constant 2047 : i32
        %parallel_loop3A_162 = vector.broadcast %parallel_loop3A_161 : i32 to vector<16xi32>
        %parallel_loop3A_163 = arith.andi %parallel_loop3A_160, %parallel_loop3A_162 : vector<16xi32>
        %parallel_loop3A_164 = arith.constant 21 : i32
        %parallel_loop3A_165 = vector.broadcast %parallel_loop3A_164 : i32 to vector<16xi32>
        %parallel_loop3A_166 = arith.shrui %parallel_loop3A_157, %parallel_loop3A_165 : vector<16xi32>
        %parallel_loop3A_167 = arith.cmpi eq, %parallel_loop3A_166, %get3A_3 : vector<16xi32>
        %parallel_loop3A_168 = arith.constant 1 : i32
        %parallel_loop3A_169 = arith.andi %parallel_loop3A_101, %parallel_loop3A_168 : i32
        %parallel_loop3A_170 = arith.constant 32768 : i32
        %parallel_loop3A_171 = arith.muli %parallel_loop3A_169, %parallel_loop3A_170 : i32
        %parallel_loop3A_172 = arith.addi %parallel_loop3A_163, %mul3A_12 : vector<16xi32>
        %parallel_loop3A_173 = vector.broadcast %parallel_loop3A_171 : i32 to vector<16xi32>
        %parallel_loop3A_174 = arith.addi %parallel_loop3A_172, %parallel_loop3A_173 : vector<16xi32>
        tpu.vector_store_idx %arg8[%parallel_loop3A_174], %broadcast_in_dim3A_14 masked %parallel_loop3A_167 {add = true} : memref<65536xi32, #tpu.memory_space<vmem>>[vector<16xi32>], vector<16xi32>, vector<16xi1>
        %parallel_loop3A_175 = arith.minsi %parallel_loop3A_102, %scan3A_26 : i32
        %parallel_loop3A_176 = arith.index_cast %parallel_loop3A_175 : i32 to index
        %parallel_loop3A_177 = tpu.vector_load %arg9[%parallel_loop3A_176] masked %parallel_loop3A_167 {strides = array<i32>} : memref<32768xi32, #tpu.memory_space<vmem>>, vector<16xi32>, vector<16xi1>
        tpu.vector_store %arg9[%parallel_loop3A_176], %parallel_loop3A_157 masked %parallel_loop3A_167 {strides = array<i32>} : memref<32768xi32, #tpu.memory_space<vmem>>, vector<16xi32>, vector<16xi1>
        %parallel_loop3A_178 = tpu.all_reduce %parallel_loop3A_167 {dim = 0 : i64, kind = #tpu.reduction_kind<sum>} : vector<16xi1> -> vector<16xi32>
        %parallel_loop3A_179 = vector.extract_strided_slice %parallel_loop3A_178 {offsets = [0], sizes = [1], strides = [1]} : vector<16xi32> to vector<1xi32>
        %parallel_loop3A_180 = vector.extract %parallel_loop3A_179[0] : i32 from vector<1xi32>
        %parallel_loop3A_181 = arith.addi %parallel_loop3A_102, %parallel_loop3A_180 : i32
        scf.yield %parallel_loop3A_181 : i32
      } {sc.loop_unroll_factor = 8 : i64, sc.parallel_access}
      scf.yield %parallel_loop3A_100 : i32
    }
    %scan3A_33 = arith.constant 32 : i32
    %scan3A_34 = arith.constant 0 : i32
    %scan3A_35 = arith.constant 0 : i32
    %scan3A_36 = arith.constant 128 : i32
    %scan3A_37 = arith.addi %scan3A_35, %scan3A_36 : i32
    %scan3A_38 = arith.constant 1 : i32
    scf.for %scan3A_44 = %scan3A_35 to %scan3A_37 step %scan3A_38  : i32 {
      %mul3A_45 = arith.constant 16 : i32
      %mul3A_46 = arith.muli %scan3A_44, %mul3A_45 : i32
      %get3A_47 = arith.index_cast %mul3A_46 : i32 to index
      %get3A_48 = tpu.vector_load %arg8[%get3A_47] {strides = array<i32>} : memref<65536xi32, #tpu.memory_space<vmem>>, vector<16xi32>,
      %mul3A_49 = arith.constant 16 : i32
      %mul3A_50 = arith.muli %scan3A_44, %mul3A_49 : i32
      %add3A_51 = arith.constant 2048 : i32
      %add3A_52 = arith.addi %add3A_51, %mul3A_50 : i32
      %get3A_53 = arith.index_cast %add3A_52 : i32 to index
      %get3A_54 = tpu.vector_load %arg8[%get3A_53] {strides = array<i32>} : memref<65536xi32, #tpu.memory_space<vmem>>, vector<16xi32>,
      %add3A_55 = arith.addi %get3A_48, %get3A_54 : vector<16xi32>
      %mul3A_56 = arith.constant 16 : i32
      %mul3A_57 = arith.muli %scan3A_44, %mul3A_56 : i32
      %add3A_58 = arith.constant 4096 : i32
      %add3A_59 = arith.addi %add3A_58, %mul3A_57 : i32
      %get3A_60 = arith.index_cast %add3A_59 : i32 to index
      %get3A_61 = tpu.vector_load %arg8[%get3A_60] {strides = array<i32>} : memref<65536xi32, #tpu.memory_space<vmem>>, vector<16xi32>,
      %add3A_62 = arith.addi %add3A_55, %get3A_61 : vector<16xi32>
      %mul3A_63 = arith.constant 16 : i32
      %mul3A_64 = arith.muli %scan3A_44, %mul3A_63 : i32
      %add3A_65 = arith.constant 6144 : i32
      %add3A_66 = arith.addi %add3A_65, %mul3A_64 : i32
      %get3A_67 = arith.index_cast %add3A_66 : i32 to index
      %get3A_68 = tpu.vector_load %arg8[%get3A_67] {strides = array<i32>} : memref<65536xi32, #tpu.memory_space<vmem>>, vector<16xi32>,
      %add3A_69 = arith.addi %add3A_62, %get3A_68 : vector<16xi32>
      %mul3A_70 = arith.constant 16 : i32
      %mul3A_71 = arith.muli %scan3A_44, %mul3A_70 : i32
      %add3A_72 = arith.constant 8192 : i32
      %add3A_73 = arith.addi %add3A_72, %mul3A_71 : i32
      %get3A_74 = arith.index_cast %add3A_73 : i32 to index
      %get3A_75 = tpu.vector_load %arg8[%get3A_74] {strides = array<i32>} : memref<65536xi32, #tpu.memory_space<vmem>>, vector<16xi32>,
      %add3A_76 = arith.addi %add3A_69, %get3A_75 : vector<16xi32>
      %mul3A_77 = arith.constant 16 : i32
      %mul3A_78 = arith.muli %scan3A_44, %mul3A_77 : i32
      %add3A_79 = arith.constant 10240 : i32
      %add3A_80 = arith.addi %add3A_79, %mul3A_78 : i32
      %get3A_81 = arith.index_cast %add3A_80 : i32 to index
      %get3A_82 = tpu.vector_load %arg8[%get3A_81] {strides = array<i32>} : memref<65536xi32, #tpu.memory_space<vmem>>, vector<16xi32>,
      %add3A_83 = arith.addi %add3A_76, %get3A_82 : vector<16xi32>
      %mul3A_84 = arith.constant 16 : i32
      %mul3A_85 = arith.muli %scan3A_44, %mul3A_84 : i32
      %add3A_86 = arith.constant 12288 : i32
      %add3A_87 = arith.addi %add3A_86, %mul3A_85 : i32
      %get3A_88 = arith.index_cast %add3A_87 : i32 to index
      %get3A_89 = tpu.vector_load %arg8[%get3A_88] {strides = array<i32>} : memref<65536xi32, #tpu.memory_space<vmem>>, vector<16xi32>,
      %add3A_90 = arith.addi %add3A_83, %get3A_89 : vector<16xi32>
      %mul3A_91 = arith.constant 16 : i32
      %mul3A_92 = arith.muli %scan3A_44, %mul3A_91 : i32
      %add3A_93 = arith.constant 14336 : i32
      %add3A_94 = arith.addi %add3A_93, %mul3A_92 : i32
      %get3A_95 = arith.index_cast %add3A_94 : i32 to index
      %get3A_96 = tpu.vector_load %arg8[%get3A_95] {strides = array<i32>} : memref<65536xi32, #tpu.memory_space<vmem>>, vector<16xi32>,
      %add3A_97 = arith.addi %add3A_90, %get3A_96 : vector<16xi32>
      %mul3A_98 = arith.constant 16 : i32
      %mul3A_99 = arith.muli %scan3A_44, %mul3A_98 : i32
      %add3A_100 = arith.constant 16384 : i32
      %add3A_101 = arith.addi %add3A_100, %mul3A_99 : i32
      %get3A_102 = arith.index_cast %add3A_101 : i32 to index
      %get3A_103 = tpu.vector_load %arg8[%get3A_102] {strides = array<i32>} : memref<65536xi32, #tpu.memory_space<vmem>>, vector<16xi32>,
      %add3A_104 = arith.addi %add3A_97, %get3A_103 : vector<16xi32>
      %mul3A_105 = arith.constant 16 : i32
      %mul3A_106 = arith.muli %scan3A_44, %mul3A_105 : i32
      %add3A_107 = arith.constant 18432 : i32
      %add3A_108 = arith.addi %add3A_107, %mul3A_106 : i32
      %get3A_109 = arith.index_cast %add3A_108 : i32 to index
      %get3A_110 = tpu.vector_load %arg8[%get3A_109] {strides = array<i32>} : memref<65536xi32, #tpu.memory_space<vmem>>, vector<16xi32>,
      %add3A_111 = arith.addi %add3A_104, %get3A_110 : vector<16xi32>
      %mul3A_112 = arith.constant 16 : i32
      %mul3A_113 = arith.muli %scan3A_44, %mul3A_112 : i32
      %add3A_114 = arith.constant 20480 : i32
      %add3A_115 = arith.addi %add3A_114, %mul3A_113 : i32
      %get3A_116 = arith.index_cast %add3A_115 : i32 to index
      %get3A_117 = tpu.vector_load %arg8[%get3A_116] {strides = array<i32>} : memref<65536xi32, #tpu.memory_space<vmem>>, vector<16xi32>,
      %add3A_118 = arith.addi %add3A_111, %get3A_117 : vector<16xi32>
      %mul3A_119 = arith.constant 16 : i32
      %mul3A_120 = arith.muli %scan3A_44, %mul3A_119 : i32
      %add3A_121 = arith.constant 22528 : i32
      %add3A_122 = arith.addi %add3A_121, %mul3A_120 : i32
      %get3A_123 = arith.index_cast %add3A_122 : i32 to index
      %get3A_124 = tpu.vector_load %arg8[%get3A_123] {strides = array<i32>} : memref<65536xi32, #tpu.memory_space<vmem>>, vector<16xi32>,
      %add3A_125 = arith.addi %add3A_118, %get3A_124 : vector<16xi32>
      %mul3A_126 = arith.constant 16 : i32
      %mul3A_127 = arith.muli %scan3A_44, %mul3A_126 : i32
      %add3A_128 = arith.constant 24576 : i32
      %add3A_129 = arith.addi %add3A_128, %mul3A_127 : i32
      %get3A_130 = arith.index_cast %add3A_129 : i32 to index
      %get3A_131 = tpu.vector_load %arg8[%get3A_130] {strides = array<i32>} : memref<65536xi32, #tpu.memory_space<vmem>>, vector<16xi32>,
      %add3A_132 = arith.addi %add3A_125, %get3A_131 : vector<16xi32>
      %mul3A_133 = arith.constant 16 : i32
      %mul3A_134 = arith.muli %scan3A_44, %mul3A_133 : i32
      %add3A_135 = arith.constant 26624 : i32
      %add3A_136 = arith.addi %add3A_135, %mul3A_134 : i32
      %get3A_137 = arith.index_cast %add3A_136 : i32 to index
      %get3A_138 = tpu.vector_load %arg8[%get3A_137] {strides = array<i32>} : memref<65536xi32, #tpu.memory_space<vmem>>, vector<16xi32>,
      %add3A_139 = arith.addi %add3A_132, %get3A_138 : vector<16xi32>
      %mul3A_140 = arith.constant 16 : i32
      %mul3A_141 = arith.muli %scan3A_44, %mul3A_140 : i32
      %add3A_142 = arith.constant 28672 : i32
      %add3A_143 = arith.addi %add3A_142, %mul3A_141 : i32
      %get3A_144 = arith.index_cast %add3A_143 : i32 to index
      %get3A_145 = tpu.vector_load %arg8[%get3A_144] {strides = array<i32>} : memref<65536xi32, #tpu.memory_space<vmem>>, vector<16xi32>,
      %add3A_146 = arith.addi %add3A_139, %get3A_145 : vector<16xi32>
      %mul3A_147 = arith.constant 16 : i32
      %mul3A_148 = arith.muli %scan3A_44, %mul3A_147 : i32
      %add3A_149 = arith.constant 30720 : i32
      %add3A_150 = arith.addi %add3A_149, %mul3A_148 : i32
      %get3A_151 = arith.index_cast %add3A_150 : i32 to index
      %get3A_152 = tpu.vector_load %arg8[%get3A_151] {strides = array<i32>} : memref<65536xi32, #tpu.memory_space<vmem>>, vector<16xi32>,
      %add3A_153 = arith.addi %add3A_146, %get3A_152 : vector<16xi32>
      %mul3A_154 = arith.constant 16 : i32
      %mul3A_155 = arith.muli %scan3A_44, %mul3A_154 : i32
      %add3A_156 = arith.constant 32768 : i32
      %add3A_157 = arith.addi %add3A_156, %mul3A_155 : i32
      %get3A_158 = arith.index_cast %add3A_157 : i32 to index
      %get3A_159 = tpu.vector_load %arg8[%get3A_158] {strides = array<i32>} : memref<65536xi32, #tpu.memory_space<vmem>>, vector<16xi32>,
      %add3A_160 = arith.addi %add3A_153, %get3A_159 : vector<16xi32>
      %mul3A_161 = arith.constant 16 : i32
      %mul3A_162 = arith.muli %scan3A_44, %mul3A_161 : i32
      %add3A_163 = arith.constant 34816 : i32
      %add3A_164 = arith.addi %add3A_163, %mul3A_162 : i32
      %get3A_165 = arith.index_cast %add3A_164 : i32 to index
      %get3A_166 = tpu.vector_load %arg8[%get3A_165] {strides = array<i32>} : memref<65536xi32, #tpu.memory_space<vmem>>, vector<16xi32>,
      %add3A_167 = arith.addi %add3A_160, %get3A_166 : vector<16xi32>
      %mul3A_168 = arith.constant 16 : i32
      %mul3A_169 = arith.muli %scan3A_44, %mul3A_168 : i32
      %add3A_170 = arith.constant 36864 : i32
      %add3A_171 = arith.addi %add3A_170, %mul3A_169 : i32
      %get3A_172 = arith.index_cast %add3A_171 : i32 to index
      %get3A_173 = tpu.vector_load %arg8[%get3A_172] {strides = array<i32>} : memref<65536xi32, #tpu.memory_space<vmem>>, vector<16xi32>,
      %add3A_174 = arith.addi %add3A_167, %get3A_173 : vector<16xi32>
      %mul3A_175 = arith.constant 16 : i32
      %mul3A_176 = arith.muli %scan3A_44, %mul3A_175 : i32
      %add3A_177 = arith.constant 38912 : i32
      %add3A_178 = arith.addi %add3A_177, %mul3A_176 : i32
      %get3A_179 = arith.index_cast %add3A_178 : i32 to index
      %get3A_180 = tpu.vector_load %arg8[%get3A_179] {strides = array<i32>} : memref<65536xi32, #tpu.memory_space<vmem>>, vector<16xi32>,
      %add3A_181 = arith.addi %add3A_174, %get3A_180 : vector<16xi32>
      %mul3A_182 = arith.constant 16 : i32
      %mul3A_183 = arith.muli %scan3A_44, %mul3A_182 : i32
      %add3A_184 = arith.constant 40960 : i32
      %add3A_185 = arith.addi %add3A_184, %mul3A_183 : i32
      %get3A_186 = arith.index_cast %add3A_185 : i32 to index
      %get3A_187 = tpu.vector_load %arg8[%get3A_186] {strides = array<i32>} : memref<65536xi32, #tpu.memory_space<vmem>>, vector<16xi32>,
      %add3A_188 = arith.addi %add3A_181, %get3A_187 : vector<16xi32>
      %mul3A_189 = arith.constant 16 : i32
      %mul3A_190 = arith.muli %scan3A_44, %mul3A_189 : i32
      %add3A_191 = arith.constant 43008 : i32
      %add3A_192 = arith.addi %add3A_191, %mul3A_190 : i32
      %get3A_193 = arith.index_cast %add3A_192 : i32 to index
      %get3A_194 = tpu.vector_load %arg8[%get3A_193] {strides = array<i32>} : memref<65536xi32, #tpu.memory_space<vmem>>, vector<16xi32>,
      %add3A_195 = arith.addi %add3A_188, %get3A_194 : vector<16xi32>
      %mul3A_196 = arith.constant 16 : i32
      %mul3A_197 = arith.muli %scan3A_44, %mul3A_196 : i32
      %add3A_198 = arith.constant 45056 : i32
      %add3A_199 = arith.addi %add3A_198, %mul3A_197 : i32
      %get3A_200 = arith.index_cast %add3A_199 : i32 to index
      %get3A_201 = tpu.vector_load %arg8[%get3A_200] {strides = array<i32>} : memref<65536xi32, #tpu.memory_space<vmem>>, vector<16xi32>,
      %add3A_202 = arith.addi %add3A_195, %get3A_201 : vector<16xi32>
      %mul3A_203 = arith.constant 16 : i32
      %mul3A_204 = arith.muli %scan3A_44, %mul3A_203 : i32
      %add3A_205 = arith.constant 47104 : i32
      %add3A_206 = arith.addi %add3A_205, %mul3A_204 : i32
      %get3A_207 = arith.index_cast %add3A_206 : i32 to index
      %get3A_208 = tpu.vector_load %arg8[%get3A_207] {strides = array<i32>} : memref<65536xi32, #tpu.memory_space<vmem>>, vector<16xi32>,
      %add3A_209 = arith.addi %add3A_202, %get3A_208 : vector<16xi32>
      %mul3A_210 = arith.constant 16 : i32
      %mul3A_211 = arith.muli %scan3A_44, %mul3A_210 : i32
      %add3A_212 = arith.constant 49152 : i32
      %add3A_213 = arith.addi %add3A_212, %mul3A_211 : i32
      %get3A_214 = arith.index_cast %add3A_213 : i32 to index
      %get3A_215 = tpu.vector_load %arg8[%get3A_214] {strides = array<i32>} : memref<65536xi32, #tpu.memory_space<vmem>>, vector<16xi32>,
      %add3A_216 = arith.addi %add3A_209, %get3A_215 : vector<16xi32>
      %mul3A_217 = arith.constant 16 : i32
      %mul3A_218 = arith.muli %scan3A_44, %mul3A_217 : i32
      %add3A_219 = arith.constant 51200 : i32
      %add3A_220 = arith.addi %add3A_219, %mul3A_218 : i32
      %get3A_221 = arith.index_cast %add3A_220 : i32 to index
      %get3A_222 = tpu.vector_load %arg8[%get3A_221] {strides = array<i32>} : memref<65536xi32, #tpu.memory_space<vmem>>, vector<16xi32>,
      %add3A_223 = arith.addi %add3A_216, %get3A_222 : vector<16xi32>
      %mul3A_224 = arith.constant 16 : i32
      %mul3A_225 = arith.muli %scan3A_44, %mul3A_224 : i32
      %add3A_226 = arith.constant 53248 : i32
      %add3A_227 = arith.addi %add3A_226, %mul3A_225 : i32
      %get3A_228 = arith.index_cast %add3A_227 : i32 to index
      %get3A_229 = tpu.vector_load %arg8[%get3A_228] {strides = array<i32>} : memref<65536xi32, #tpu.memory_space<vmem>>, vector<16xi32>,
      %add3A_230 = arith.addi %add3A_223, %get3A_229 : vector<16xi32>
      %mul3A_231 = arith.constant 16 : i32
      %mul3A_232 = arith.muli %scan3A_44, %mul3A_231 : i32
      %add3A_233 = arith.constant 55296 : i32
      %add3A_234 = arith.addi %add3A_233, %mul3A_232 : i32
      %get3A_235 = arith.index_cast %add3A_234 : i32 to index
      %get3A_236 = tpu.vector_load %arg8[%get3A_235] {strides = array<i32>} : memref<65536xi32, #tpu.memory_space<vmem>>, vector<16xi32>,
      %add3A_237 = arith.addi %add3A_230, %get3A_236 : vector<16xi32>
      %mul3A_238 = arith.constant 16 : i32
      %mul3A_239 = arith.muli %scan3A_44, %mul3A_238 : i32
      %add3A_240 = arith.constant 57344 : i32
      %add3A_241 = arith.addi %add3A_240, %mul3A_239 : i32
      %get3A_242 = arith.index_cast %add3A_241 : i32 to index
      %get3A_243 = tpu.vector_load %arg8[%get3A_242] {strides = array<i32>} : memref<65536xi32, #tpu.memory_space<vmem>>, vector<16xi32>,
      %add3A_244 = arith.addi %add3A_237, %get3A_243 : vector<16xi32>
      %mul3A_245 = arith.constant 16 : i32
      %mul3A_246 = arith.muli %scan3A_44, %mul3A_245 : i32
      %add3A_247 = arith.constant 59392 : i32
      %add3A_248 = arith.addi %add3A_247, %mul3A_246 : i32
      %get3A_249 = arith.index_cast %add3A_248 : i32 to index
      %get3A_250 = tpu.vector_load %arg8[%get3A_249] {strides = array<i32>} : memref<65536xi32, #tpu.memory_space<vmem>>, vector<16xi32>,
      %add3A_251 = arith.addi %add3A_244, %get3A_250 : vector<16xi32>
      %mul3A_252 = arith.constant 16 : i32
      %mul3A_253 = arith.muli %scan3A_44, %mul3A_252 : i32
      %add3A_254 = arith.constant 61440 : i32
      %add3A_255 = arith.addi %add3A_254, %mul3A_253 : i32
      %get3A_256 = arith.index_cast %add3A_255 : i32 to index
      %get3A_257 = tpu.vector_load %arg8[%get3A_256] {strides = array<i32>} : memref<65536xi32, #tpu.memory_space<vmem>>, vector<16xi32>,
      %add3A_258 = arith.addi %add3A_251, %get3A_257 : vector<16xi32>
      %mul3A_259 = arith.constant 16 : i32
      %mul3A_260 = arith.muli %scan3A_44, %mul3A_259 : i32
      %add3A_261 = arith.constant 63488 : i32
      %add3A_262 = arith.addi %add3A_261, %mul3A_260 : i32
      %get3A_263 = arith.index_cast %add3A_262 : i32 to index
      %get3A_264 = tpu.vector_load %arg8[%get3A_263] {strides = array<i32>} : memref<65536xi32, #tpu.memory_space<vmem>>, vector<16xi32>,
      %add3A_265 = arith.addi %add3A_258, %get3A_264 : vector<16xi32>
      %mul3A_266 = arith.constant 16 : i32
      %mul3A_267 = arith.muli %scan3A_44, %mul3A_266 : i32
      %swap3A_268 = arith.index_cast %mul3A_267 : i32 to index
      %swap3A_269 = tpu.vector_load %arg10[%swap3A_268] {strides = array<i32>} : memref<2048xi32, #tpu.memory_space<vmem>>, vector<16xi32>,
      tpu.vector_store %arg10[%swap3A_268], %add3A_265 {strides = array<i32>} : memref<2048xi32, #tpu.memory_space<vmem>>, vector<16xi32>,
    }
    %scan3A_39 = arith.constant 128 : i32
    "tpu.region"() ({
      %run_scoped3A = tpu.sem_alloc : memref<!tpu.dma_semaphore, #tpu.memory_space<semaphore_mem>>
      %dma_start3A_44 = arith.constant 0 : i32
      %dma_start3A_45 = tpu.memref_slice %arg4[%add3A, %dma_start3A_44] : memref<32x2048xi32, #tpu.memory_space<hbm>> -> memref<1x2048xi32, #tpu.memory_space<hbm>>
      %dma_start3A_46 = tpu.memref_squeeze %dma_start3A_45 : memref<1x2048xi32, #tpu.memory_space<hbm>> -> memref<2048xi32, #tpu.memory_space<hbm>>
      %dma_start3A_47 = arith.constant 0 : i32
      %dma_start3A_48 = tpu.memref_slice %arg4[%add3A, %dma_start3A_47] : memref<32x2048xi32, #tpu.memory_space<hbm>> -> memref<1x2048xi32, #tpu.memory_space<hbm>>
      %dma_start3A_49 = tpu.memref_squeeze %dma_start3A_48 : memref<1x2048xi32, #tpu.memory_space<hbm>> -> memref<2048xi32, #tpu.memory_space<hbm>>
      tpu.enqueue_dma source(%arg10 : memref<2048xi32, #tpu.memory_space<vmem>>) target(%dma_start3A_49 : memref<2048xi32, #tpu.memory_space<hbm>>) target_semaphore(%run_scoped3A : memref<!tpu.dma_semaphore, #tpu.memory_space<semaphore_mem>>)
      %dma_wait3A = arith.constant 0 : i32
      %dma_wait3A_50 = tpu.memref_slice %arg4[%add3A, %dma_wait3A] : memref<32x2048xi32, #tpu.memory_space<hbm>> -> memref<1x2048xi32, #tpu.memory_space<hbm>>
      %dma_wait3A_51 = tpu.memref_squeeze %dma_wait3A_50 : memref<1x2048xi32, #tpu.memory_space<hbm>> -> memref<2048xi32, #tpu.memory_space<hbm>>
      %dma_wait3A_52 = arith.constant 0 : i32
      %dma_wait3A_53 = tpu.memref_slice %arg4[%add3A, %dma_wait3A_52] : memref<32x2048xi32, #tpu.memory_space<hbm>> -> memref<1x2048xi32, #tpu.memory_space<hbm>>
      %dma_wait3A_54 = tpu.memref_squeeze %dma_wait3A_53 : memref<1x2048xi32, #tpu.memory_space<hbm>> -> memref<2048xi32, #tpu.memory_space<hbm>>
      tpu.wait_dma2 semaphore(%run_scoped3A : memref<!tpu.dma_semaphore, #tpu.memory_space<semaphore_mem>>) src(%arg10 : memref<2048xi32, #tpu.memory_space<vmem>>) dst(%dma_wait3A_54 : memref<2048xi32, #tpu.memory_space<hbm>>)
      tpu.yield
    }) : () -> ()
    %broadcast_in_dim3A_40 = vector.broadcast %scan3A_32 : i32 to vector<16xi32>
    %swap3A = arith.constant 0 : index
    %swap3A_41 = tpu.vector_load %arg12[%swap3A] {strides = array<i32>} : memref<16xi32, #tpu.memory_space<vmem>>, vector<16xi32>,
    tpu.vector_store %arg12[%swap3A], %broadcast_in_dim3A_40 {strides = array<i32>} : memref<16xi32, #tpu.memory_space<vmem>>, vector<16xi32>,
    "tpu.region"() ({
      %run_scoped3A = tpu.sem_alloc : memref<!tpu.dma_semaphore, #tpu.memory_space<semaphore_mem>>
      %dma_start3A_44 = arith.constant 0 : i32
      %dma_start3A_45 = tpu.memref_slice %arg5[%add3A, %dma_start3A_44] : memref<32x16xi32, #tpu.memory_space<hbm>> -> memref<1x16xi32, #tpu.memory_space<hbm>>
      %dma_start3A_46 = tpu.memref_squeeze %dma_start3A_45 : memref<1x16xi32, #tpu.memory_space<hbm>> -> memref<16xi32, #tpu.memory_space<hbm>>
      %dma_start3A_47 = arith.constant 0 : i32
      %dma_start3A_48 = tpu.memref_slice %arg5[%add3A, %dma_start3A_47] : memref<32x16xi32, #tpu.memory_space<hbm>> -> memref<1x16xi32, #tpu.memory_space<hbm>>
      %dma_start3A_49 = tpu.memref_squeeze %dma_start3A_48 : memref<1x16xi32, #tpu.memory_space<hbm>> -> memref<16xi32, #tpu.memory_space<hbm>>
      tpu.enqueue_dma source(%arg12 : memref<16xi32, #tpu.memory_space<vmem>>) target(%dma_start3A_49 : memref<16xi32, #tpu.memory_space<hbm>>) target_semaphore(%run_scoped3A : memref<!tpu.dma_semaphore, #tpu.memory_space<semaphore_mem>>)
      %dma_wait3A = arith.constant 0 : i32
      %dma_wait3A_50 = tpu.memref_slice %arg5[%add3A, %dma_wait3A] : memref<32x16xi32, #tpu.memory_space<hbm>> -> memref<1x16xi32, #tpu.memory_space<hbm>>
      %dma_wait3A_51 = tpu.memref_squeeze %dma_wait3A_50 : memref<1x16xi32, #tpu.memory_space<hbm>> -> memref<16xi32, #tpu.memory_space<hbm>>
      %dma_wait3A_52 = arith.constant 0 : i32
      %dma_wait3A_53 = tpu.memref_slice %arg5[%add3A, %dma_wait3A_52] : memref<32x16xi32, #tpu.memory_space<hbm>> -> memref<1x16xi32, #tpu.memory_space<hbm>>
      %dma_wait3A_54 = tpu.memref_squeeze %dma_wait3A_53 : memref<1x16xi32, #tpu.memory_space<hbm>> -> memref<16xi32, #tpu.memory_space<hbm>>
      tpu.wait_dma2 semaphore(%run_scoped3A : memref<!tpu.dma_semaphore, #tpu.memory_space<semaphore_mem>>) src(%arg12 : memref<16xi32, #tpu.memory_space<vmem>>) dst(%dma_wait3A_54 : memref<16xi32, #tpu.memory_space<hbm>>)
      tpu.yield
    }) : () -> ()
    %mul3A_42 = arith.constant 32768 : i32
    %mul3A_43 = arith.muli %add3A, %mul3A_42 : i32
    "tpu.region"() ({
      %run_scoped3A = tpu.sem_alloc : memref<!tpu.dma_semaphore, #tpu.memory_space<semaphore_mem>>
      %dma_start3A_44 = tpu.memref_slice %arg6[%mul3A_43] : memref<1048576xi32, #tpu.memory_space<hbm>> -> memref<32768xi32, #tpu.memory_space<hbm>>
      %dma_start3A_45 = tpu.memref_slice %arg6[%mul3A_43] : memref<1048576xi32, #tpu.memory_space<hbm>> -> memref<32768xi32, #tpu.memory_space<hbm>>
      tpu.enqueue_dma source(%arg9 : memref<32768xi32, #tpu.memory_space<vmem>>) target(%dma_start3A_45 : memref<32768xi32, #tpu.memory_space<hbm>>) target_semaphore(%run_scoped3A : memref<!tpu.dma_semaphore, #tpu.memory_space<semaphore_mem>>)
      %dma_wait3A = tpu.memref_slice %arg6[%mul3A_43] : memref<1048576xi32, #tpu.memory_space<hbm>> -> memref<32768xi32, #tpu.memory_space<hbm>>
      %dma_wait3A_46 = tpu.memref_slice %arg6[%mul3A_43] : memref<1048576xi32, #tpu.memory_space<hbm>> -> memref<32768xi32, #tpu.memory_space<hbm>>
      tpu.wait_dma2 semaphore(%run_scoped3A : memref<!tpu.dma_semaphore, #tpu.memory_space<semaphore_mem>>) src(%arg9 : memref<32768xi32, #tpu.memory_space<vmem>>) dst(%dma_wait3A_46 : memref<32768xi32, #tpu.memory_space<hbm>>)
      tpu.yield
    }) : () -> ()
    return
  }
}

#map = affine_map<(d0, d1) -> (0, 0)>
#map1 = affine_map<(d0, d1) -> (0)>
module attributes {stable_mosaic.version = 14 : i64} {
  func.func @hist_kernel(%arg0: i32, %arg1: i32, %arg2: memref<8192x2048xf32, #tpu.memory_space<hbm>>, %arg3: memref<16xi32, #tpu.memory_space<hbm>>, %arg4: memref<32x2048xi32, #tpu.memory_space<hbm>>, %arg5: memref<8x2048xf32, #tpu.memory_space<vmem>>, %arg6: memref<65536xi32, #tpu.memory_space<vmem>>, %arg7: memref<2048xi32, #tpu.memory_space<vmem>>, %arg8: memref<16xi32, #tpu.memory_space<vmem>>, %arg9: memref<!tpu.dma_semaphore, #tpu.memory_space<semaphore_mem>>, %arg10: memref<!tpu.dma_semaphore, #tpu.memory_space<semaphore_mem>>) attributes {dimension_semantics = [#tpu.dimension_semantics<core_parallel>, #tpu.dimension_semantics<subcore_parallel>], iteration_bounds = array<i64: 2, 16>, scalar_prefetch = 0 : i64, scratch_operands = 6 : i64, tpu.core_type = #tpu.core_type<sc_vector_subcore>, window_params = [{transform_indices = #map}, {transform_indices = #map1}, {transform_indices = #map}]} {
    %mul3A = arith.constant 2 : i32
    %mul3A_0 = arith.muli %arg1, %mul3A : i32
    %add3A = arith.addi %mul3A_0, %arg0 : i32
    %mul3A_1 = arith.constant 256 : i32
    %mul3A_2 = arith.muli %add3A, %mul3A_1 : i32
    "tpu.region"() ({
      %run_scoped3A = tpu.sem_alloc : memref<!tpu.dma_semaphore, #tpu.memory_space<semaphore_mem>>
      tpu.enqueue_dma source(%arg3 : memref<16xi32, #tpu.memory_space<hbm>>) target(%arg8 : memref<16xi32, #tpu.memory_space<vmem>>) target_semaphore(%run_scoped3A : memref<!tpu.dma_semaphore, #tpu.memory_space<semaphore_mem>>)
      tpu.wait_dma2 semaphore(%run_scoped3A : memref<!tpu.dma_semaphore, #tpu.memory_space<semaphore_mem>>) src(%arg3 : memref<16xi32, #tpu.memory_space<hbm>>) dst(%arg8 : memref<16xi32, #tpu.memory_space<vmem>>)
      tpu.yield
    }) : () -> ()
    %get3A = arith.constant 0 : index
    %get3A_3 = tpu.vector_load %arg8[%get3A] {strides = array<i32>} : memref<16xi32, #tpu.memory_space<vmem>>, vector<16xi32>,
    %broadcast_in_dim3A = arith.constant 0 : i32
    %broadcast_in_dim3A_4 = vector.broadcast %broadcast_in_dim3A : i32 to vector<16xi32>
    %scan3A = arith.constant 0 : i32
    %scan3A_5 = arith.constant 0 : i32
    %scan3A_6 = arith.constant 4096 : i32
    %scan3A_7 = arith.addi %scan3A_5, %scan3A_6 : i32
    %scan3A_8 = arith.constant 1 : i32
    scf.for %scan3A_39 = %scan3A_5 to %scan3A_7 step %scan3A_8  : i32 {
      %mul3A_40 = arith.constant 16 : i32
      %mul3A_41 = arith.muli %scan3A_39, %mul3A_40 : i32
      %swap3A = arith.index_cast %mul3A_41 : i32 to index
      %swap3A_42 = tpu.vector_load %arg6[%swap3A] {strides = array<i32>} : memref<65536xi32, #tpu.memory_space<vmem>>, vector<16xi32>,
      tpu.vector_store %arg6[%swap3A], %broadcast_in_dim3A_4 {strides = array<i32>} : memref<65536xi32, #tpu.memory_space<vmem>>, vector<16xi32>,
    }
    %scan3A_9 = arith.constant 4096 : i32
    %iota3A = tpu.iota {dimensions = array<i32: 0>} : vector<16xi32>
    %mul3A_10 = arith.constant 2048 : i32
    %mul3A_11 = vector.broadcast %mul3A_10 : i32 to vector<16xi32>
    %mul3A_12 = arith.muli %iota3A, %mul3A_11 : vector<16xi32>
    %broadcast_in_dim3A_13 = arith.constant 1 : i32
    %broadcast_in_dim3A_14 = vector.broadcast %broadcast_in_dim3A_13 : i32 to vector<16xi32>
    %add3A_15 = arith.constant 0 : i32
    %add3A_16 = arith.addi %mul3A_2, %add3A_15 : i32
    %dma_start3A = arith.constant 0 : i32
    %dma_start3A_17 = arith.constant 0 : i32
    %dma_start3A_18 = tpu.memref_slice %arg5[%dma_start3A, %dma_start3A_17] : memref<8x2048xf32, #tpu.memory_space<vmem>> -> memref<4x2048xf32, #tpu.memory_space<vmem>>
    %dma_start3A_19 = arith.constant 0 : i32
    %dma_start3A_20 = tpu.memref_slice %arg2[%add3A_16, %dma_start3A_19] : memref<8192x2048xf32, #tpu.memory_space<hbm>> -> memref<4x2048xf32, #tpu.memory_space<hbm>>
    %dma_start3A_21 = arith.constant 0 : i32
    %dma_start3A_22 = arith.constant 0 : i32
    %dma_start3A_23 = tpu.memref_slice %arg5[%dma_start3A_21, %dma_start3A_22] : memref<8x2048xf32, #tpu.memory_space<vmem>> -> memref<4x2048xf32, #tpu.memory_space<vmem>>
    %dma_start3A_24 = arith.constant 0 : i32
    %dma_start3A_25 = tpu.memref_slice %arg2[%add3A_16, %dma_start3A_24] : memref<8192x2048xf32, #tpu.memory_space<hbm>> -> memref<4x2048xf32, #tpu.memory_space<hbm>>
    tpu.enqueue_dma source(%dma_start3A_25 : memref<4x2048xf32, #tpu.memory_space<hbm>>) target(%dma_start3A_23 : memref<4x2048xf32, #tpu.memory_space<vmem>>) target_semaphore(%arg9 : memref<!tpu.dma_semaphore, #tpu.memory_space<semaphore_mem>>)
    %scan3A_26 = arith.constant 0 : i32
    %scan3A_27 = arith.constant 21 : i32
    %scan3A_28 = arith.constant 0 : i32
    %scan3A_29 = arith.constant 32 : i32
    %scan3A_30 = arith.addi %scan3A_28, %scan3A_29 : i32
    %scan3A_31 = arith.constant 1 : i32
    scf.for %scan3A_39 = %scan3A_28 to %scan3A_30 step %scan3A_31  : i32 {
      %mul3A_40 = arith.constant 2 : i32
      %mul3A_41 = arith.muli %mul3A_40, %scan3A_39 : i32
      %add3A_42 = arith.constant 1 : i32
      %add3A_43 = arith.addi %mul3A_41, %add3A_42 : i32
      %mul3A_44 = arith.constant 4 : i32
      %mul3A_45 = arith.muli %add3A_43, %mul3A_44 : i32
      %add3A_46 = arith.addi %mul3A_2, %mul3A_45 : i32
      %dma_start3A_47 = arith.constant 4 : i32
      %dma_start3A_48 = arith.constant 0 : i32
      %dma_start3A_49 = tpu.memref_slice %arg5[%dma_start3A_47, %dma_start3A_48] : memref<8x2048xf32, #tpu.memory_space<vmem>> -> memref<4x2048xf32, #tpu.memory_space<vmem>>
      %dma_start3A_50 = arith.constant 0 : i32
      %dma_start3A_51 = tpu.memref_slice %arg2[%add3A_46, %dma_start3A_50] : memref<8192x2048xf32, #tpu.memory_space<hbm>> -> memref<4x2048xf32, #tpu.memory_space<hbm>>
      %dma_start3A_52 = arith.constant 4 : i32
      %dma_start3A_53 = arith.constant 0 : i32
      %dma_start3A_54 = tpu.memref_slice %arg5[%dma_start3A_52, %dma_start3A_53] : memref<8x2048xf32, #tpu.memory_space<vmem>> -> memref<4x2048xf32, #tpu.memory_space<vmem>>
      %dma_start3A_55 = arith.constant 0 : i32
      %dma_start3A_56 = tpu.memref_slice %arg2[%add3A_46, %dma_start3A_55] : memref<8192x2048xf32, #tpu.memory_space<hbm>> -> memref<4x2048xf32, #tpu.memory_space<hbm>>
      tpu.enqueue_dma source(%dma_start3A_56 : memref<4x2048xf32, #tpu.memory_space<hbm>>) target(%dma_start3A_54 : memref<4x2048xf32, #tpu.memory_space<vmem>>) target_semaphore(%arg10 : memref<!tpu.dma_semaphore, #tpu.memory_space<semaphore_mem>>)
      %mul3A_57 = arith.constant 4 : i32
      %mul3A_58 = arith.muli %mul3A_41, %mul3A_57 : i32
      %add3A_59 = arith.addi %mul3A_2, %mul3A_58 : i32
      %dma_wait3A = arith.constant 0 : i32
      %dma_wait3A_60 = arith.constant 0 : i32
      %dma_wait3A_61 = tpu.memref_slice %arg5[%dma_wait3A, %dma_wait3A_60] : memref<8x2048xf32, #tpu.memory_space<vmem>> -> memref<4x2048xf32, #tpu.memory_space<vmem>>
      %dma_wait3A_62 = arith.constant 0 : i32
      %dma_wait3A_63 = tpu.memref_slice %arg2[%add3A_59, %dma_wait3A_62] : memref<8192x2048xf32, #tpu.memory_space<hbm>> -> memref<4x2048xf32, #tpu.memory_space<hbm>>
      %dma_wait3A_64 = arith.constant 0 : i32
      %dma_wait3A_65 = arith.constant 0 : i32
      %dma_wait3A_66 = tpu.memref_slice %arg5[%dma_wait3A_64, %dma_wait3A_65] : memref<8x2048xf32, #tpu.memory_space<vmem>> -> memref<4x2048xf32, #tpu.memory_space<vmem>>
      %dma_wait3A_67 = arith.constant 0 : i32
      %dma_wait3A_68 = tpu.memref_slice %arg2[%add3A_59, %dma_wait3A_67] : memref<8192x2048xf32, #tpu.memory_space<hbm>> -> memref<4x2048xf32, #tpu.memory_space<hbm>>
      tpu.wait_dma2 semaphore(%arg9 : memref<!tpu.dma_semaphore, #tpu.memory_space<semaphore_mem>>) src(%dma_wait3A_68 : memref<4x2048xf32, #tpu.memory_space<hbm>>) dst(%dma_wait3A_66 : memref<4x2048xf32, #tpu.memory_space<vmem>>)
      %parallel_loop3A = arith.constant 0 : i32
      %parallel_loop3A_69 = arith.constant 512 : i32
      %parallel_loop3A_70 = arith.constant 1 : i32
      scf.for %parallel_loop3A_93 = %parallel_loop3A to %parallel_loop3A_69 step %parallel_loop3A_70  : i32 {
        %parallel_loop3A_94 = arith.constant 128 : i32
        %parallel_loop3A_95 = arith.divsi %parallel_loop3A_93, %parallel_loop3A_94 : i32
        %parallel_loop3A_96 = arith.constant 0 : i32
        %parallel_loop3A_97 = arith.cmpi sgt, %parallel_loop3A_93, %parallel_loop3A_96 : i32
        %parallel_loop3A_98 = arith.extui %parallel_loop3A_97 : i1 to i32
        %parallel_loop3A_99 = arith.constant 0 : i32
        %parallel_loop3A_100 = arith.cmpi slt, %parallel_loop3A_93, %parallel_loop3A_99 : i32
        %parallel_loop3A_101 = arith.extui %parallel_loop3A_100 : i1 to i32
        %parallel_loop3A_102 = arith.subi %parallel_loop3A_98, %parallel_loop3A_101 : i32
        %parallel_loop3A_103 = arith.constant 0 : i32
        %parallel_loop3A_104 = arith.cmpi sgt, %parallel_loop3A_94, %parallel_loop3A_103 : i32
        %parallel_loop3A_105 = arith.extui %parallel_loop3A_104 : i1 to i32
        %parallel_loop3A_106 = arith.constant 0 : i32
        %parallel_loop3A_107 = arith.cmpi slt, %parallel_loop3A_94, %parallel_loop3A_106 : i32
        %parallel_loop3A_108 = arith.extui %parallel_loop3A_107 : i1 to i32
        %parallel_loop3A_109 = arith.subi %parallel_loop3A_105, %parallel_loop3A_108 : i32
        %parallel_loop3A_110 = arith.cmpi ne, %parallel_loop3A_102, %parallel_loop3A_109 : i32
        %parallel_loop3A_111 = arith.remsi %parallel_loop3A_93, %parallel_loop3A_94 : i32
        %parallel_loop3A_112 = arith.constant 0 : i32
        %parallel_loop3A_113 = arith.cmpi ne, %parallel_loop3A_111, %parallel_loop3A_112 : i32
        %parallel_loop3A_114 = arith.andi %parallel_loop3A_110, %parallel_loop3A_113 : i1
        %parallel_loop3A_115 = arith.constant 1 : i32
        %parallel_loop3A_116 = arith.subi %parallel_loop3A_95, %parallel_loop3A_115 : i32
        %parallel_loop3A_117 = arith.select %parallel_loop3A_114, %parallel_loop3A_116, %parallel_loop3A_95 : i32
        %parallel_loop3A_118 = arith.constant 0 : i32
        %parallel_loop3A_119 = arith.addi %parallel_loop3A_118, %parallel_loop3A_117 : i32
        %parallel_loop3A_120 = arith.constant 128 : i32
        %parallel_loop3A_121 = arith.constant 0 : i32
        %parallel_loop3A_122 = arith.cmpi eq, %parallel_loop3A_120, %parallel_loop3A_121 : i32
        %parallel_loop3A_123 = arith.constant 1 : i32
        %parallel_loop3A_124 = arith.select %parallel_loop3A_122, %parallel_loop3A_123, %parallel_loop3A_120 : i32
        %parallel_loop3A_125 = arith.remsi %parallel_loop3A_93, %parallel_loop3A_124 : i32
        %parallel_loop3A_126 = arith.constant 0 : i32
        %parallel_loop3A_127 = arith.cmpi ne, %parallel_loop3A_125, %parallel_loop3A_126 : i32
        %parallel_loop3A_128 = arith.constant 0 : i32
        %parallel_loop3A_129 = arith.cmpi slt, %parallel_loop3A_125, %parallel_loop3A_128 : i32
        %parallel_loop3A_130 = arith.constant 0 : i32
        %parallel_loop3A_131 = arith.cmpi slt, %parallel_loop3A_124, %parallel_loop3A_130 : i32
        %parallel_loop3A_132 = arith.xori %parallel_loop3A_129, %parallel_loop3A_131 : i1
        %parallel_loop3A_133 = arith.andi %parallel_loop3A_132, %parallel_loop3A_127 : i1
        %parallel_loop3A_134 = arith.addi %parallel_loop3A_125, %parallel_loop3A_124 : i32
        %parallel_loop3A_135 = arith.select %parallel_loop3A_133, %parallel_loop3A_134, %parallel_loop3A_125 : i32
        %parallel_loop3A_136 = arith.constant 16 : i32
        %parallel_loop3A_137 = arith.muli %parallel_loop3A_135, %parallel_loop3A_136 : i32
        %parallel_loop3A_138 = arith.index_cast %parallel_loop3A_119 : i32 to index
        %parallel_loop3A_139 = arith.index_cast %parallel_loop3A_137 : i32 to index
        %parallel_loop3A_140 = tpu.vector_load %arg5[%parallel_loop3A_138, %parallel_loop3A_139] {strides = array<i32>} : memref<8x2048xf32, #tpu.memory_space<vmem>>, vector<16xf32>,
        %parallel_loop3A_141 = vector.bitcast %parallel_loop3A_140 : vector<16xf32> to vector<16xi32>
        %parallel_loop3A_142 = arith.constant 31 : i32
        %parallel_loop3A_143 = vector.broadcast %parallel_loop3A_142 : i32 to vector<16xi32>
        %parallel_loop3A_144 = arith.shrsi %parallel_loop3A_141, %parallel_loop3A_143 : vector<16xi32>
        %parallel_loop3A_145 = arith.constant -2147483648 : i32
        %parallel_loop3A_146 = vector.broadcast %parallel_loop3A_145 : i32 to vector<16xi32>
        %parallel_loop3A_147 = arith.ori %parallel_loop3A_144, %parallel_loop3A_146 : vector<16xi32>
        %parallel_loop3A_148 = arith.xori %parallel_loop3A_141, %parallel_loop3A_147 : vector<16xi32>
        %parallel_loop3A_149 = vector.broadcast %scan3A_27 : i32 to vector<16xi32>
        %parallel_loop3A_150 = arith.shrui %parallel_loop3A_148, %parallel_loop3A_149 : vector<16xi32>
        %parallel_loop3A_151 = arith.constant 1 : i32
        %parallel_loop3A_152 = arith.andi %parallel_loop3A_93, %parallel_loop3A_151 : i32
        %parallel_loop3A_153 = arith.constant 32768 : i32
        %parallel_loop3A_154 = arith.muli %parallel_loop3A_152, %parallel_loop3A_153 : i32
        %parallel_loop3A_155 = arith.addi %parallel_loop3A_150, %mul3A_12 : vector<16xi32>
        %parallel_loop3A_156 = vector.broadcast %parallel_loop3A_154 : i32 to vector<16xi32>
        %parallel_loop3A_157 = arith.addi %parallel_loop3A_155, %parallel_loop3A_156 : vector<16xi32>
        tpu.vector_store_idx %arg6[%parallel_loop3A_157], %broadcast_in_dim3A_14 {add = true} : memref<65536xi32, #tpu.memory_space<vmem>>[vector<16xi32>], vector<16xi32>,
      } {sc.loop_unroll_factor = 8 : i64, sc.parallel_access}
      %add3A_71 = arith.constant 2 : i32
      %add3A_72 = arith.addi %mul3A_41, %add3A_71 : i32
      %lt3A = arith.constant 64 : i32
      %lt3A_73 = arith.cmpi slt, %add3A_72, %lt3A : i32
      %convert_element_type3A = arith.extui %lt3A_73 : i1 to i32
      %cond3A = arith.constant 0 : i32
      %cond3A_74 = arith.cmpi ne, %convert_element_type3A, %cond3A : i32
      scf.if %cond3A_74 {
        %add3A_93 = arith.constant 2 : i32
        %add3A_94 = arith.addi %mul3A_41, %add3A_93 : i32
        %mul3A_95 = arith.constant 4 : i32
        %mul3A_96 = arith.muli %add3A_94, %mul3A_95 : i32
        %add3A_97 = arith.addi %mul3A_2, %mul3A_96 : i32
        %dma_start3A_98 = arith.constant 0 : i32
        %dma_start3A_99 = arith.constant 0 : i32
        %dma_start3A_100 = tpu.memref_slice %arg5[%dma_start3A_98, %dma_start3A_99] : memref<8x2048xf32, #tpu.memory_space<vmem>> -> memref<4x2048xf32, #tpu.memory_space<vmem>>
        %dma_start3A_101 = arith.constant 0 : i32
        %dma_start3A_102 = tpu.memref_slice %arg2[%add3A_97, %dma_start3A_101] : memref<8192x2048xf32, #tpu.memory_space<hbm>> -> memref<4x2048xf32, #tpu.memory_space<hbm>>
        %dma_start3A_103 = arith.constant 0 : i32
        %dma_start3A_104 = arith.constant 0 : i32
        %dma_start3A_105 = tpu.memref_slice %arg5[%dma_start3A_103, %dma_start3A_104] : memref<8x2048xf32, #tpu.memory_space<vmem>> -> memref<4x2048xf32, #tpu.memory_space<vmem>>
        %dma_start3A_106 = arith.constant 0 : i32
        %dma_start3A_107 = tpu.memref_slice %arg2[%add3A_97, %dma_start3A_106] : memref<8192x2048xf32, #tpu.memory_space<hbm>> -> memref<4x2048xf32, #tpu.memory_space<hbm>>
        tpu.enqueue_dma source(%dma_start3A_107 : memref<4x2048xf32, #tpu.memory_space<hbm>>) target(%dma_start3A_105 : memref<4x2048xf32, #tpu.memory_space<vmem>>) target_semaphore(%arg9 : memref<!tpu.dma_semaphore, #tpu.memory_space<semaphore_mem>>)
      } else {
      }
      %add3A_75 = arith.constant 1 : i32
      %add3A_76 = arith.addi %mul3A_41, %add3A_75 : i32
      %mul3A_77 = arith.constant 4 : i32
      %mul3A_78 = arith.muli %add3A_76, %mul3A_77 : i32
      %add3A_79 = arith.addi %mul3A_2, %mul3A_78 : i32
      %dma_wait3A_80 = arith.constant 4 : i32
      %dma_wait3A_81 = arith.constant 0 : i32
      %dma_wait3A_82 = tpu.memref_slice %arg5[%dma_wait3A_80, %dma_wait3A_81] : memref<8x2048xf32, #tpu.memory_space<vmem>> -> memref<4x2048xf32, #tpu.memory_space<vmem>>
      %dma_wait3A_83 = arith.constant 0 : i32
      %dma_wait3A_84 = tpu.memref_slice %arg2[%add3A_79, %dma_wait3A_83] : memref<8192x2048xf32, #tpu.memory_space<hbm>> -> memref<4x2048xf32, #tpu.memory_space<hbm>>
      %dma_wait3A_85 = arith.constant 4 : i32
      %dma_wait3A_86 = arith.constant 0 : i32
      %dma_wait3A_87 = tpu.memref_slice %arg5[%dma_wait3A_85, %dma_wait3A_86] : memref<8x2048xf32, #tpu.memory_space<vmem>> -> memref<4x2048xf32, #tpu.memory_space<vmem>>
      %dma_wait3A_88 = arith.constant 0 : i32
      %dma_wait3A_89 = tpu.memref_slice %arg2[%add3A_79, %dma_wait3A_88] : memref<8192x2048xf32, #tpu.memory_space<hbm>> -> memref<4x2048xf32, #tpu.memory_space<hbm>>
      tpu.wait_dma2 semaphore(%arg10 : memref<!tpu.dma_semaphore, #tpu.memory_space<semaphore_mem>>) src(%dma_wait3A_89 : memref<4x2048xf32, #tpu.memory_space<hbm>>) dst(%dma_wait3A_87 : memref<4x2048xf32, #tpu.memory_space<vmem>>)
      %parallel_loop3A_90 = arith.constant 0 : i32
      %parallel_loop3A_91 = arith.constant 512 : i32
      %parallel_loop3A_92 = arith.constant 1 : i32
      scf.for %parallel_loop3A_93 = %parallel_loop3A_90 to %parallel_loop3A_91 step %parallel_loop3A_92  : i32 {
        %parallel_loop3A_94 = arith.constant 128 : i32
        %parallel_loop3A_95 = arith.divsi %parallel_loop3A_93, %parallel_loop3A_94 : i32
        %parallel_loop3A_96 = arith.constant 0 : i32
        %parallel_loop3A_97 = arith.cmpi sgt, %parallel_loop3A_93, %parallel_loop3A_96 : i32
        %parallel_loop3A_98 = arith.extui %parallel_loop3A_97 : i1 to i32
        %parallel_loop3A_99 = arith.constant 0 : i32
        %parallel_loop3A_100 = arith.cmpi slt, %parallel_loop3A_93, %parallel_loop3A_99 : i32
        %parallel_loop3A_101 = arith.extui %parallel_loop3A_100 : i1 to i32
        %parallel_loop3A_102 = arith.subi %parallel_loop3A_98, %parallel_loop3A_101 : i32
        %parallel_loop3A_103 = arith.constant 0 : i32
        %parallel_loop3A_104 = arith.cmpi sgt, %parallel_loop3A_94, %parallel_loop3A_103 : i32
        %parallel_loop3A_105 = arith.extui %parallel_loop3A_104 : i1 to i32
        %parallel_loop3A_106 = arith.constant 0 : i32
        %parallel_loop3A_107 = arith.cmpi slt, %parallel_loop3A_94, %parallel_loop3A_106 : i32
        %parallel_loop3A_108 = arith.extui %parallel_loop3A_107 : i1 to i32
        %parallel_loop3A_109 = arith.subi %parallel_loop3A_105, %parallel_loop3A_108 : i32
        %parallel_loop3A_110 = arith.cmpi ne, %parallel_loop3A_102, %parallel_loop3A_109 : i32
        %parallel_loop3A_111 = arith.remsi %parallel_loop3A_93, %parallel_loop3A_94 : i32
        %parallel_loop3A_112 = arith.constant 0 : i32
        %parallel_loop3A_113 = arith.cmpi ne, %parallel_loop3A_111, %parallel_loop3A_112 : i32
        %parallel_loop3A_114 = arith.andi %parallel_loop3A_110, %parallel_loop3A_113 : i1
        %parallel_loop3A_115 = arith.constant 1 : i32
        %parallel_loop3A_116 = arith.subi %parallel_loop3A_95, %parallel_loop3A_115 : i32
        %parallel_loop3A_117 = arith.select %parallel_loop3A_114, %parallel_loop3A_116, %parallel_loop3A_95 : i32
        %parallel_loop3A_118 = arith.constant 4 : i32
        %parallel_loop3A_119 = arith.addi %parallel_loop3A_118, %parallel_loop3A_117 : i32
        %parallel_loop3A_120 = arith.constant 128 : i32
        %parallel_loop3A_121 = arith.constant 0 : i32
        %parallel_loop3A_122 = arith.cmpi eq, %parallel_loop3A_120, %parallel_loop3A_121 : i32
        %parallel_loop3A_123 = arith.constant 1 : i32
        %parallel_loop3A_124 = arith.select %parallel_loop3A_122, %parallel_loop3A_123, %parallel_loop3A_120 : i32
        %parallel_loop3A_125 = arith.remsi %parallel_loop3A_93, %parallel_loop3A_124 : i32
        %parallel_loop3A_126 = arith.constant 0 : i32
        %parallel_loop3A_127 = arith.cmpi ne, %parallel_loop3A_125, %parallel_loop3A_126 : i32
        %parallel_loop3A_128 = arith.constant 0 : i32
        %parallel_loop3A_129 = arith.cmpi slt, %parallel_loop3A_125, %parallel_loop3A_128 : i32
        %parallel_loop3A_130 = arith.constant 0 : i32
        %parallel_loop3A_131 = arith.cmpi slt, %parallel_loop3A_124, %parallel_loop3A_130 : i32
        %parallel_loop3A_132 = arith.xori %parallel_loop3A_129, %parallel_loop3A_131 : i1
        %parallel_loop3A_133 = arith.andi %parallel_loop3A_132, %parallel_loop3A_127 : i1
        %parallel_loop3A_134 = arith.addi %parallel_loop3A_125, %parallel_loop3A_124 : i32
        %parallel_loop3A_135 = arith.select %parallel_loop3A_133, %parallel_loop3A_134, %parallel_loop3A_125 : i32
        %parallel_loop3A_136 = arith.constant 16 : i32
        %parallel_loop3A_137 = arith.muli %parallel_loop3A_135, %parallel_loop3A_136 : i32
        %parallel_loop3A_138 = arith.index_cast %parallel_loop3A_119 : i32 to index
        %parallel_loop3A_139 = arith.index_cast %parallel_loop3A_137 : i32 to index
        %parallel_loop3A_140 = tpu.vector_load %arg5[%parallel_loop3A_138, %parallel_loop3A_139] {strides = array<i32>} : memref<8x2048xf32, #tpu.memory_space<vmem>>, vector<16xf32>,
        %parallel_loop3A_141 = vector.bitcast %parallel_loop3A_140 : vector<16xf32> to vector<16xi32>
        %parallel_loop3A_142 = arith.constant 31 : i32
        %parallel_loop3A_143 = vector.broadcast %parallel_loop3A_142 : i32 to vector<16xi32>
        %parallel_loop3A_144 = arith.shrsi %parallel_loop3A_141, %parallel_loop3A_143 : vector<16xi32>
        %parallel_loop3A_145 = arith.constant -2147483648 : i32
        %parallel_loop3A_146 = vector.broadcast %parallel_loop3A_145 : i32 to vector<16xi32>
        %parallel_loop3A_147 = arith.ori %parallel_loop3A_144, %parallel_loop3A_146 : vector<16xi32>
        %parallel_loop3A_148 = arith.xori %parallel_loop3A_141, %parallel_loop3A_147 : vector<16xi32>
        %parallel_loop3A_149 = vector.broadcast %scan3A_27 : i32 to vector<16xi32>
        %parallel_loop3A_150 = arith.shrui %parallel_loop3A_148, %parallel_loop3A_149 : vector<16xi32>
        %parallel_loop3A_151 = arith.constant 1 : i32
        %parallel_loop3A_152 = arith.andi %parallel_loop3A_93, %parallel_loop3A_151 : i32
        %parallel_loop3A_153 = arith.constant 32768 : i32
        %parallel_loop3A_154 = arith.muli %parallel_loop3A_152, %parallel_loop3A_153 : i32
        %parallel_loop3A_155 = arith.addi %parallel_loop3A_150, %mul3A_12 : vector<16xi32>
        %parallel_loop3A_156 = vector.broadcast %parallel_loop3A_154 : i32 to vector<16xi32>
        %parallel_loop3A_157 = arith.addi %parallel_loop3A_155, %parallel_loop3A_156 : vector<16xi32>
        tpu.vector_store_idx %arg6[%parallel_loop3A_157], %broadcast_in_dim3A_14 {add = true} : memref<65536xi32, #tpu.memory_space<vmem>>[vector<16xi32>], vector<16xi32>,
      } {sc.loop_unroll_factor = 8 : i64, sc.parallel_access}
    }
    %scan3A_32 = arith.constant 32 : i32
    %scan3A_33 = arith.constant 0 : i32
    %scan3A_34 = arith.constant 0 : i32
    %scan3A_35 = arith.constant 128 : i32
    %scan3A_36 = arith.addi %scan3A_34, %scan3A_35 : i32
    %scan3A_37 = arith.constant 1 : i32
    scf.for %scan3A_39 = %scan3A_34 to %scan3A_36 step %scan3A_37  : i32 {
      %mul3A_40 = arith.constant 16 : i32
      %mul3A_41 = arith.muli %scan3A_39, %mul3A_40 : i32
      %get3A_42 = arith.index_cast %mul3A_41 : i32 to index
      %get3A_43 = tpu.vector_load %arg6[%get3A_42] {strides = array<i32>} : memref<65536xi32, #tpu.memory_space<vmem>>, vector<16xi32>,
      %mul3A_44 = arith.constant 16 : i32
      %mul3A_45 = arith.muli %scan3A_39, %mul3A_44 : i32
      %add3A_46 = arith.constant 2048 : i32
      %add3A_47 = arith.addi %add3A_46, %mul3A_45 : i32
      %get3A_48 = arith.index_cast %add3A_47 : i32 to index
      %get3A_49 = tpu.vector_load %arg6[%get3A_48] {strides = array<i32>} : memref<65536xi32, #tpu.memory_space<vmem>>, vector<16xi32>,
      %add3A_50 = arith.addi %get3A_43, %get3A_49 : vector<16xi32>
      %mul3A_51 = arith.constant 16 : i32
      %mul3A_52 = arith.muli %scan3A_39, %mul3A_51 : i32
      %add3A_53 = arith.constant 4096 : i32
      %add3A_54 = arith.addi %add3A_53, %mul3A_52 : i32
      %get3A_55 = arith.index_cast %add3A_54 : i32 to index
      %get3A_56 = tpu.vector_load %arg6[%get3A_55] {strides = array<i32>} : memref<65536xi32, #tpu.memory_space<vmem>>, vector<16xi32>,
      %add3A_57 = arith.addi %add3A_50, %get3A_56 : vector<16xi32>
      %mul3A_58 = arith.constant 16 : i32
      %mul3A_59 = arith.muli %scan3A_39, %mul3A_58 : i32
      %add3A_60 = arith.constant 6144 : i32
      %add3A_61 = arith.addi %add3A_60, %mul3A_59 : i32
      %get3A_62 = arith.index_cast %add3A_61 : i32 to index
      %get3A_63 = tpu.vector_load %arg6[%get3A_62] {strides = array<i32>} : memref<65536xi32, #tpu.memory_space<vmem>>, vector<16xi32>,
      %add3A_64 = arith.addi %add3A_57, %get3A_63 : vector<16xi32>
      %mul3A_65 = arith.constant 16 : i32
      %mul3A_66 = arith.muli %scan3A_39, %mul3A_65 : i32
      %add3A_67 = arith.constant 8192 : i32
      %add3A_68 = arith.addi %add3A_67, %mul3A_66 : i32
      %get3A_69 = arith.index_cast %add3A_68 : i32 to index
      %get3A_70 = tpu.vector_load %arg6[%get3A_69] {strides = array<i32>} : memref<65536xi32, #tpu.memory_space<vmem>>, vector<16xi32>,
      %add3A_71 = arith.addi %add3A_64, %get3A_70 : vector<16xi32>
      %mul3A_72 = arith.constant 16 : i32
      %mul3A_73 = arith.muli %scan3A_39, %mul3A_72 : i32
      %add3A_74 = arith.constant 10240 : i32
      %add3A_75 = arith.addi %add3A_74, %mul3A_73 : i32
      %get3A_76 = arith.index_cast %add3A_75 : i32 to index
      %get3A_77 = tpu.vector_load %arg6[%get3A_76] {strides = array<i32>} : memref<65536xi32, #tpu.memory_space<vmem>>, vector<16xi32>,
      %add3A_78 = arith.addi %add3A_71, %get3A_77 : vector<16xi32>
      %mul3A_79 = arith.constant 16 : i32
      %mul3A_80 = arith.muli %scan3A_39, %mul3A_79 : i32
      %add3A_81 = arith.constant 12288 : i32
      %add3A_82 = arith.addi %add3A_81, %mul3A_80 : i32
      %get3A_83 = arith.index_cast %add3A_82 : i32 to index
      %get3A_84 = tpu.vector_load %arg6[%get3A_83] {strides = array<i32>} : memref<65536xi32, #tpu.memory_space<vmem>>, vector<16xi32>,
      %add3A_85 = arith.addi %add3A_78, %get3A_84 : vector<16xi32>
      %mul3A_86 = arith.constant 16 : i32
      %mul3A_87 = arith.muli %scan3A_39, %mul3A_86 : i32
      %add3A_88 = arith.constant 14336 : i32
      %add3A_89 = arith.addi %add3A_88, %mul3A_87 : i32
      %get3A_90 = arith.index_cast %add3A_89 : i32 to index
      %get3A_91 = tpu.vector_load %arg6[%get3A_90] {strides = array<i32>} : memref<65536xi32, #tpu.memory_space<vmem>>, vector<16xi32>,
      %add3A_92 = arith.addi %add3A_85, %get3A_91 : vector<16xi32>
      %mul3A_93 = arith.constant 16 : i32
      %mul3A_94 = arith.muli %scan3A_39, %mul3A_93 : i32
      %add3A_95 = arith.constant 16384 : i32
      %add3A_96 = arith.addi %add3A_95, %mul3A_94 : i32
      %get3A_97 = arith.index_cast %add3A_96 : i32 to index
      %get3A_98 = tpu.vector_load %arg6[%get3A_97] {strides = array<i32>} : memref<65536xi32, #tpu.memory_space<vmem>>, vector<16xi32>,
      %add3A_99 = arith.addi %add3A_92, %get3A_98 : vector<16xi32>
      %mul3A_100 = arith.constant 16 : i32
      %mul3A_101 = arith.muli %scan3A_39, %mul3A_100 : i32
      %add3A_102 = arith.constant 18432 : i32
      %add3A_103 = arith.addi %add3A_102, %mul3A_101 : i32
      %get3A_104 = arith.index_cast %add3A_103 : i32 to index
      %get3A_105 = tpu.vector_load %arg6[%get3A_104] {strides = array<i32>} : memref<65536xi32, #tpu.memory_space<vmem>>, vector<16xi32>,
      %add3A_106 = arith.addi %add3A_99, %get3A_105 : vector<16xi32>
      %mul3A_107 = arith.constant 16 : i32
      %mul3A_108 = arith.muli %scan3A_39, %mul3A_107 : i32
      %add3A_109 = arith.constant 20480 : i32
      %add3A_110 = arith.addi %add3A_109, %mul3A_108 : i32
      %get3A_111 = arith.index_cast %add3A_110 : i32 to index
      %get3A_112 = tpu.vector_load %arg6[%get3A_111] {strides = array<i32>} : memref<65536xi32, #tpu.memory_space<vmem>>, vector<16xi32>,
      %add3A_113 = arith.addi %add3A_106, %get3A_112 : vector<16xi32>
      %mul3A_114 = arith.constant 16 : i32
      %mul3A_115 = arith.muli %scan3A_39, %mul3A_114 : i32
      %add3A_116 = arith.constant 22528 : i32
      %add3A_117 = arith.addi %add3A_116, %mul3A_115 : i32
      %get3A_118 = arith.index_cast %add3A_117 : i32 to index
      %get3A_119 = tpu.vector_load %arg6[%get3A_118] {strides = array<i32>} : memref<65536xi32, #tpu.memory_space<vmem>>, vector<16xi32>,
      %add3A_120 = arith.addi %add3A_113, %get3A_119 : vector<16xi32>
      %mul3A_121 = arith.constant 16 : i32
      %mul3A_122 = arith.muli %scan3A_39, %mul3A_121 : i32
      %add3A_123 = arith.constant 24576 : i32
      %add3A_124 = arith.addi %add3A_123, %mul3A_122 : i32
      %get3A_125 = arith.index_cast %add3A_124 : i32 to index
      %get3A_126 = tpu.vector_load %arg6[%get3A_125] {strides = array<i32>} : memref<65536xi32, #tpu.memory_space<vmem>>, vector<16xi32>,
      %add3A_127 = arith.addi %add3A_120, %get3A_126 : vector<16xi32>
      %mul3A_128 = arith.constant 16 : i32
      %mul3A_129 = arith.muli %scan3A_39, %mul3A_128 : i32
      %add3A_130 = arith.constant 26624 : i32
      %add3A_131 = arith.addi %add3A_130, %mul3A_129 : i32
      %get3A_132 = arith.index_cast %add3A_131 : i32 to index
      %get3A_133 = tpu.vector_load %arg6[%get3A_132] {strides = array<i32>} : memref<65536xi32, #tpu.memory_space<vmem>>, vector<16xi32>,
      %add3A_134 = arith.addi %add3A_127, %get3A_133 : vector<16xi32>
      %mul3A_135 = arith.constant 16 : i32
      %mul3A_136 = arith.muli %scan3A_39, %mul3A_135 : i32
      %add3A_137 = arith.constant 28672 : i32
      %add3A_138 = arith.addi %add3A_137, %mul3A_136 : i32
      %get3A_139 = arith.index_cast %add3A_138 : i32 to index
      %get3A_140 = tpu.vector_load %arg6[%get3A_139] {strides = array<i32>} : memref<65536xi32, #tpu.memory_space<vmem>>, vector<16xi32>,
      %add3A_141 = arith.addi %add3A_134, %get3A_140 : vector<16xi32>
      %mul3A_142 = arith.constant 16 : i32
      %mul3A_143 = arith.muli %scan3A_39, %mul3A_142 : i32
      %add3A_144 = arith.constant 30720 : i32
      %add3A_145 = arith.addi %add3A_144, %mul3A_143 : i32
      %get3A_146 = arith.index_cast %add3A_145 : i32 to index
      %get3A_147 = tpu.vector_load %arg6[%get3A_146] {strides = array<i32>} : memref<65536xi32, #tpu.memory_space<vmem>>, vector<16xi32>,
      %add3A_148 = arith.addi %add3A_141, %get3A_147 : vector<16xi32>
      %mul3A_149 = arith.constant 16 : i32
      %mul3A_150 = arith.muli %scan3A_39, %mul3A_149 : i32
      %add3A_151 = arith.constant 32768 : i32
      %add3A_152 = arith.addi %add3A_151, %mul3A_150 : i32
      %get3A_153 = arith.index_cast %add3A_152 : i32 to index
      %get3A_154 = tpu.vector_load %arg6[%get3A_153] {strides = array<i32>} : memref<65536xi32, #tpu.memory_space<vmem>>, vector<16xi32>,
      %add3A_155 = arith.addi %add3A_148, %get3A_154 : vector<16xi32>
      %mul3A_156 = arith.constant 16 : i32
      %mul3A_157 = arith.muli %scan3A_39, %mul3A_156 : i32
      %add3A_158 = arith.constant 34816 : i32
      %add3A_159 = arith.addi %add3A_158, %mul3A_157 : i32
      %get3A_160 = arith.index_cast %add3A_159 : i32 to index
      %get3A_161 = tpu.vector_load %arg6[%get3A_160] {strides = array<i32>} : memref<65536xi32, #tpu.memory_space<vmem>>, vector<16xi32>,
      %add3A_162 = arith.addi %add3A_155, %get3A_161 : vector<16xi32>
      %mul3A_163 = arith.constant 16 : i32
      %mul3A_164 = arith.muli %scan3A_39, %mul3A_163 : i32
      %add3A_165 = arith.constant 36864 : i32
      %add3A_166 = arith.addi %add3A_165, %mul3A_164 : i32
      %get3A_167 = arith.index_cast %add3A_166 : i32 to index
      %get3A_168 = tpu.vector_load %arg6[%get3A_167] {strides = array<i32>} : memref<65536xi32, #tpu.memory_space<vmem>>, vector<16xi32>,
      %add3A_169 = arith.addi %add3A_162, %get3A_168 : vector<16xi32>
      %mul3A_170 = arith.constant 16 : i32
      %mul3A_171 = arith.muli %scan3A_39, %mul3A_170 : i32
      %add3A_172 = arith.constant 38912 : i32
      %add3A_173 = arith.addi %add3A_172, %mul3A_171 : i32
      %get3A_174 = arith.index_cast %add3A_173 : i32 to index
      %get3A_175 = tpu.vector_load %arg6[%get3A_174] {strides = array<i32>} : memref<65536xi32, #tpu.memory_space<vmem>>, vector<16xi32>,
      %add3A_176 = arith.addi %add3A_169, %get3A_175 : vector<16xi32>
      %mul3A_177 = arith.constant 16 : i32
      %mul3A_178 = arith.muli %scan3A_39, %mul3A_177 : i32
      %add3A_179 = arith.constant 40960 : i32
      %add3A_180 = arith.addi %add3A_179, %mul3A_178 : i32
      %get3A_181 = arith.index_cast %add3A_180 : i32 to index
      %get3A_182 = tpu.vector_load %arg6[%get3A_181] {strides = array<i32>} : memref<65536xi32, #tpu.memory_space<vmem>>, vector<16xi32>,
      %add3A_183 = arith.addi %add3A_176, %get3A_182 : vector<16xi32>
      %mul3A_184 = arith.constant 16 : i32
      %mul3A_185 = arith.muli %scan3A_39, %mul3A_184 : i32
      %add3A_186 = arith.constant 43008 : i32
      %add3A_187 = arith.addi %add3A_186, %mul3A_185 : i32
      %get3A_188 = arith.index_cast %add3A_187 : i32 to index
      %get3A_189 = tpu.vector_load %arg6[%get3A_188] {strides = array<i32>} : memref<65536xi32, #tpu.memory_space<vmem>>, vector<16xi32>,
      %add3A_190 = arith.addi %add3A_183, %get3A_189 : vector<16xi32>
      %mul3A_191 = arith.constant 16 : i32
      %mul3A_192 = arith.muli %scan3A_39, %mul3A_191 : i32
      %add3A_193 = arith.constant 45056 : i32
      %add3A_194 = arith.addi %add3A_193, %mul3A_192 : i32
      %get3A_195 = arith.index_cast %add3A_194 : i32 to index
      %get3A_196 = tpu.vector_load %arg6[%get3A_195] {strides = array<i32>} : memref<65536xi32, #tpu.memory_space<vmem>>, vector<16xi32>,
      %add3A_197 = arith.addi %add3A_190, %get3A_196 : vector<16xi32>
      %mul3A_198 = arith.constant 16 : i32
      %mul3A_199 = arith.muli %scan3A_39, %mul3A_198 : i32
      %add3A_200 = arith.constant 47104 : i32
      %add3A_201 = arith.addi %add3A_200, %mul3A_199 : i32
      %get3A_202 = arith.index_cast %add3A_201 : i32 to index
      %get3A_203 = tpu.vector_load %arg6[%get3A_202] {strides = array<i32>} : memref<65536xi32, #tpu.memory_space<vmem>>, vector<16xi32>,
      %add3A_204 = arith.addi %add3A_197, %get3A_203 : vector<16xi32>
      %mul3A_205 = arith.constant 16 : i32
      %mul3A_206 = arith.muli %scan3A_39, %mul3A_205 : i32
      %add3A_207 = arith.constant 49152 : i32
      %add3A_208 = arith.addi %add3A_207, %mul3A_206 : i32
      %get3A_209 = arith.index_cast %add3A_208 : i32 to index
      %get3A_210 = tpu.vector_load %arg6[%get3A_209] {strides = array<i32>} : memref<65536xi32, #tpu.memory_space<vmem>>, vector<16xi32>,
      %add3A_211 = arith.addi %add3A_204, %get3A_210 : vector<16xi32>
      %mul3A_212 = arith.constant 16 : i32
      %mul3A_213 = arith.muli %scan3A_39, %mul3A_212 : i32
      %add3A_214 = arith.constant 51200 : i32
      %add3A_215 = arith.addi %add3A_214, %mul3A_213 : i32
      %get3A_216 = arith.index_cast %add3A_215 : i32 to index
      %get3A_217 = tpu.vector_load %arg6[%get3A_216] {strides = array<i32>} : memref<65536xi32, #tpu.memory_space<vmem>>, vector<16xi32>,
      %add3A_218 = arith.addi %add3A_211, %get3A_217 : vector<16xi32>
      %mul3A_219 = arith.constant 16 : i32
      %mul3A_220 = arith.muli %scan3A_39, %mul3A_219 : i32
      %add3A_221 = arith.constant 53248 : i32
      %add3A_222 = arith.addi %add3A_221, %mul3A_220 : i32
      %get3A_223 = arith.index_cast %add3A_222 : i32 to index
      %get3A_224 = tpu.vector_load %arg6[%get3A_223] {strides = array<i32>} : memref<65536xi32, #tpu.memory_space<vmem>>, vector<16xi32>,
      %add3A_225 = arith.addi %add3A_218, %get3A_224 : vector<16xi32>
      %mul3A_226 = arith.constant 16 : i32
      %mul3A_227 = arith.muli %scan3A_39, %mul3A_226 : i32
      %add3A_228 = arith.constant 55296 : i32
      %add3A_229 = arith.addi %add3A_228, %mul3A_227 : i32
      %get3A_230 = arith.index_cast %add3A_229 : i32 to index
      %get3A_231 = tpu.vector_load %arg6[%get3A_230] {strides = array<i32>} : memref<65536xi32, #tpu.memory_space<vmem>>, vector<16xi32>,
      %add3A_232 = arith.addi %add3A_225, %get3A_231 : vector<16xi32>
      %mul3A_233 = arith.constant 16 : i32
      %mul3A_234 = arith.muli %scan3A_39, %mul3A_233 : i32
      %add3A_235 = arith.constant 57344 : i32
      %add3A_236 = arith.addi %add3A_235, %mul3A_234 : i32
      %get3A_237 = arith.index_cast %add3A_236 : i32 to index
      %get3A_238 = tpu.vector_load %arg6[%get3A_237] {strides = array<i32>} : memref<65536xi32, #tpu.memory_space<vmem>>, vector<16xi32>,
      %add3A_239 = arith.addi %add3A_232, %get3A_238 : vector<16xi32>
      %mul3A_240 = arith.constant 16 : i32
      %mul3A_241 = arith.muli %scan3A_39, %mul3A_240 : i32
      %add3A_242 = arith.constant 59392 : i32
      %add3A_243 = arith.addi %add3A_242, %mul3A_241 : i32
      %get3A_244 = arith.index_cast %add3A_243 : i32 to index
      %get3A_245 = tpu.vector_load %arg6[%get3A_244] {strides = array<i32>} : memref<65536xi32, #tpu.memory_space<vmem>>, vector<16xi32>,
      %add3A_246 = arith.addi %add3A_239, %get3A_245 : vector<16xi32>
      %mul3A_247 = arith.constant 16 : i32
      %mul3A_248 = arith.muli %scan3A_39, %mul3A_247 : i32
      %add3A_249 = arith.constant 61440 : i32
      %add3A_250 = arith.addi %add3A_249, %mul3A_248 : i32
      %get3A_251 = arith.index_cast %add3A_250 : i32 to index
      %get3A_252 = tpu.vector_load %arg6[%get3A_251] {strides = array<i32>} : memref<65536xi32, #tpu.memory_space<vmem>>, vector<16xi32>,
      %add3A_253 = arith.addi %add3A_246, %get3A_252 : vector<16xi32>
      %mul3A_254 = arith.constant 16 : i32
      %mul3A_255 = arith.muli %scan3A_39, %mul3A_254 : i32
      %add3A_256 = arith.constant 63488 : i32
      %add3A_257 = arith.addi %add3A_256, %mul3A_255 : i32
      %get3A_258 = arith.index_cast %add3A_257 : i32 to index
      %get3A_259 = tpu.vector_load %arg6[%get3A_258] {strides = array<i32>} : memref<65536xi32, #tpu.memory_space<vmem>>, vector<16xi32>,
      %add3A_260 = arith.addi %add3A_253, %get3A_259 : vector<16xi32>
      %mul3A_261 = arith.constant 16 : i32
      %mul3A_262 = arith.muli %scan3A_39, %mul3A_261 : i32
      %swap3A = arith.index_cast %mul3A_262 : i32 to index
      %swap3A_263 = tpu.vector_load %arg7[%swap3A] {strides = array<i32>} : memref<2048xi32, #tpu.memory_space<vmem>>, vector<16xi32>,
      tpu.vector_store %arg7[%swap3A], %add3A_260 {strides = array<i32>} : memref<2048xi32, #tpu.memory_space<vmem>>, vector<16xi32>,
    }
    %scan3A_38 = arith.constant 128 : i32
    "tpu.region"() ({
      %run_scoped3A = tpu.sem_alloc : memref<!tpu.dma_semaphore, #tpu.memory_space<semaphore_mem>>
      %dma_start3A_39 = arith.constant 0 : i32
      %dma_start3A_40 = tpu.memref_slice %arg4[%add3A, %dma_start3A_39] : memref<32x2048xi32, #tpu.memory_space<hbm>> -> memref<1x2048xi32, #tpu.memory_space<hbm>>
      %dma_start3A_41 = tpu.memref_squeeze %dma_start3A_40 : memref<1x2048xi32, #tpu.memory_space<hbm>> -> memref<2048xi32, #tpu.memory_space<hbm>>
      %dma_start3A_42 = arith.constant 0 : i32
      %dma_start3A_43 = tpu.memref_slice %arg4[%add3A, %dma_start3A_42] : memref<32x2048xi32, #tpu.memory_space<hbm>> -> memref<1x2048xi32, #tpu.memory_space<hbm>>
      %dma_start3A_44 = tpu.memref_squeeze %dma_start3A_43 : memref<1x2048xi32, #tpu.memory_space<hbm>> -> memref<2048xi32, #tpu.memory_space<hbm>>
      tpu.enqueue_dma source(%arg7 : memref<2048xi32, #tpu.memory_space<vmem>>) target(%dma_start3A_44 : memref<2048xi32, #tpu.memory_space<hbm>>) target_semaphore(%run_scoped3A : memref<!tpu.dma_semaphore, #tpu.memory_space<semaphore_mem>>)
      %dma_wait3A = arith.constant 0 : i32
      %dma_wait3A_45 = tpu.memref_slice %arg4[%add3A, %dma_wait3A] : memref<32x2048xi32, #tpu.memory_space<hbm>> -> memref<1x2048xi32, #tpu.memory_space<hbm>>
      %dma_wait3A_46 = tpu.memref_squeeze %dma_wait3A_45 : memref<1x2048xi32, #tpu.memory_space<hbm>> -> memref<2048xi32, #tpu.memory_space<hbm>>
      %dma_wait3A_47 = arith.constant 0 : i32
      %dma_wait3A_48 = tpu.memref_slice %arg4[%add3A, %dma_wait3A_47] : memref<32x2048xi32, #tpu.memory_space<hbm>> -> memref<1x2048xi32, #tpu.memory_space<hbm>>
      %dma_wait3A_49 = tpu.memref_squeeze %dma_wait3A_48 : memref<1x2048xi32, #tpu.memory_space<hbm>> -> memref<2048xi32, #tpu.memory_space<hbm>>
      tpu.wait_dma2 semaphore(%run_scoped3A : memref<!tpu.dma_semaphore, #tpu.memory_space<semaphore_mem>>) src(%arg7 : memref<2048xi32, #tpu.memory_space<vmem>>) dst(%dma_wait3A_49 : memref<2048xi32, #tpu.memory_space<hbm>>)
      tpu.yield
    }) : () -> ()
    return
  }
}

#map = affine_map<(d0, d1) -> (0)>
#map1 = affine_map<(d0, d1) -> (0, 0)>
module attributes {stable_mosaic.version = 14 : i64} {
  func.func @cand_kernel(%arg0: i32, %arg1: i32, %arg2: memref<1048576xi32, #tpu.memory_space<hbm>>, %arg3: memref<32x16xi32, #tpu.memory_space<hbm>>, %arg4: memref<8192x2048xf32, #tpu.memory_space<hbm>>, %arg5: memref<16xi32, #tpu.memory_space<hbm>>, %arg6: memref<32x2048xi32, #tpu.memory_space<hbm>>, %arg7: memref<8192xi32, #tpu.memory_space<vmem>>, %arg8: memref<4x2048xf32, #tpu.memory_space<vmem>>, %arg9: memref<32768xi32, #tpu.memory_space<vmem>>, %arg10: memref<2048xi32, #tpu.memory_space<vmem>>, %arg11: memref<16xi32, #tpu.memory_space<vmem>>, %arg12: memref<16xi32, #tpu.memory_space<vmem>>) attributes {dimension_semantics = [#tpu.dimension_semantics<core_parallel>, #tpu.dimension_semantics<subcore_parallel>], iteration_bounds = array<i64: 2, 16>, scalar_prefetch = 0 : i64, scratch_operands = 6 : i64, tpu.core_type = #tpu.core_type<sc_vector_subcore>, window_params = [{transform_indices = #map}, {transform_indices = #map1}, {transform_indices = #map1}, {transform_indices = #map}, {transform_indices = #map1}]} {
    %mul3A = arith.constant 2 : i32
    %mul3A_0 = arith.muli %arg1, %mul3A : i32
    %add3A = arith.addi %mul3A_0, %arg0 : i32
    "tpu.region"() ({
      %run_scoped3A = tpu.sem_alloc : memref<!tpu.dma_semaphore, #tpu.memory_space<semaphore_mem>>
      tpu.enqueue_dma source(%arg5 : memref<16xi32, #tpu.memory_space<hbm>>) target(%arg11 : memref<16xi32, #tpu.memory_space<vmem>>) target_semaphore(%run_scoped3A : memref<!tpu.dma_semaphore, #tpu.memory_space<semaphore_mem>>)
      tpu.wait_dma2 semaphore(%run_scoped3A : memref<!tpu.dma_semaphore, #tpu.memory_space<semaphore_mem>>) src(%arg5 : memref<16xi32, #tpu.memory_space<hbm>>) dst(%arg11 : memref<16xi32, #tpu.memory_space<vmem>>)
      tpu.yield
    }) : () -> ()
    "tpu.region"() ({
      %run_scoped3A = tpu.sem_alloc : memref<!tpu.dma_semaphore, #tpu.memory_space<semaphore_mem>>
      %dma_start3A = arith.constant 0 : i32
      %dma_start3A_28 = tpu.memref_slice %arg3[%add3A, %dma_start3A] : memref<32x16xi32, #tpu.memory_space<hbm>> -> memref<1x16xi32, #tpu.memory_space<hbm>>
      %dma_start3A_29 = tpu.memref_squeeze %dma_start3A_28 : memref<1x16xi32, #tpu.memory_space<hbm>> -> memref<16xi32, #tpu.memory_space<hbm>>
      %dma_start3A_30 = arith.constant 0 : i32
      %dma_start3A_31 = tpu.memref_slice %arg3[%add3A, %dma_start3A_30] : memref<32x16xi32, #tpu.memory_space<hbm>> -> memref<1x16xi32, #tpu.memory_space<hbm>>
      %dma_start3A_32 = tpu.memref_squeeze %dma_start3A_31 : memref<1x16xi32, #tpu.memory_space<hbm>> -> memref<16xi32, #tpu.memory_space<hbm>>
      tpu.enqueue_dma source(%dma_start3A_32 : memref<16xi32, #tpu.memory_space<hbm>>) target(%arg12 : memref<16xi32, #tpu.memory_space<vmem>>) target_semaphore(%run_scoped3A : memref<!tpu.dma_semaphore, #tpu.memory_space<semaphore_mem>>)
      %dma_wait3A = arith.constant 0 : i32
      %dma_wait3A_33 = tpu.memref_slice %arg3[%add3A, %dma_wait3A] : memref<32x16xi32, #tpu.memory_space<hbm>> -> memref<1x16xi32, #tpu.memory_space<hbm>>
      %dma_wait3A_34 = tpu.memref_squeeze %dma_wait3A_33 : memref<1x16xi32, #tpu.memory_space<hbm>> -> memref<16xi32, #tpu.memory_space<hbm>>
      %dma_wait3A_35 = arith.constant 0 : i32
      %dma_wait3A_36 = tpu.memref_slice %arg3[%add3A, %dma_wait3A_35] : memref<32x16xi32, #tpu.memory_space<hbm>> -> memref<1x16xi32, #tpu.memory_space<hbm>>
      %dma_wait3A_37 = tpu.memref_squeeze %dma_wait3A_36 : memref<1x16xi32, #tpu.memory_space<hbm>> -> memref<16xi32, #tpu.memory_space<hbm>>
      tpu.wait_dma2 semaphore(%run_scoped3A : memref<!tpu.dma_semaphore, #tpu.memory_space<semaphore_mem>>) src(%dma_wait3A_37 : memref<16xi32, #tpu.memory_space<hbm>>) dst(%arg12 : memref<16xi32, #tpu.memory_space<vmem>>)
      tpu.yield
    }) : () -> ()
    %get3A = arith.constant 0 : index
    %get3A_1 = tpu.vector_load %arg11[%get3A] {strides = array<i32>} : memref<16xi32, #tpu.memory_space<vmem>>, vector<16xi32>,
    %get3A_2 = arith.constant 0 : index
    %get3A_3 = tpu.vector_load %arg12[%get3A_2] {strides = array<i32>} : memref<16xi32, #tpu.memory_space<vmem>>, vector<16xi32>,
    %slice3A = vector.extract_strided_slice %get3A_3 {offsets = [0], sizes = [1], strides = [1]} : vector<16xi32> to vector<1xi32>
    %squeeze3A = vector.extract %slice3A[0] : i32 from vector<1xi32>
    %broadcast_in_dim3A = arith.constant 0 : i32
    %broadcast_in_dim3A_4 = vector.broadcast %broadcast_in_dim3A : i32 to vector<16xi32>
    %scan3A = arith.constant 0 : i32
    %scan3A_5 = arith.constant 0 : i32
    %scan3A_6 = arith.constant 2048 : i32
    %scan3A_7 = arith.addi %scan3A_5, %scan3A_6 : i32
    %scan3A_8 = arith.constant 1 : i32
    scf.for %scan3A_28 = %scan3A_5 to %scan3A_7 step %scan3A_8  : i32 {
      %mul3A_29 = arith.constant 16 : i32
      %mul3A_30 = arith.muli %scan3A_28, %mul3A_29 : i32
      %swap3A = arith.index_cast %mul3A_30 : i32 to index
      %swap3A_31 = tpu.vector_load %arg9[%swap3A] {strides = array<i32>} : memref<32768xi32, #tpu.memory_space<vmem>>, vector<16xi32>,
      tpu.vector_store %arg9[%swap3A], %broadcast_in_dim3A_4 {strides = array<i32>} : memref<32768xi32, #tpu.memory_space<vmem>>, vector<16xi32>,
    }
    %scan3A_9 = arith.constant 2048 : i32
    %iota3A = tpu.iota {dimensions = array<i32: 0>} : vector<16xi32>
    %mul3A_10 = arith.constant 2048 : i32
    %mul3A_11 = vector.broadcast %mul3A_10 : i32 to vector<16xi32>
    %mul3A_12 = arith.muli %iota3A, %mul3A_11 : vector<16xi32>
    %iota3A_13 = tpu.iota {dimensions = array<i32: 0>} : vector<16xi32>
    %broadcast_in_dim3A_14 = arith.constant 1 : i32
    %broadcast_in_dim3A_15 = vector.broadcast %broadcast_in_dim3A_14 : i32 to vector<16xi32>
    %le3A = arith.constant 32752 : i32
    %le3A_16 = arith.cmpi sle, %squeeze3A, %le3A : i32
    %convert_element_type3A = arith.extui %le3A_16 : i1 to i32
    %cond3A = arith.constant 0 : i32
    %cond3A_17 = arith.cmpi ne, %convert_element_type3A, %cond3A : i32
    scf.if %cond3A_17 {
      %mul3A_28 = arith.constant 32768 : i32
      %mul3A_29 = arith.muli %add3A, %mul3A_28 : i32
      %add3A_30 = arith.constant 0 : i32
      %add3A_31 = arith.addi %mul3A_29, %add3A_30 : i32
      "tpu.region"() ({
        %run_scoped3A = tpu.sem_alloc : memref<!tpu.dma_semaphore, #tpu.memory_space<semaphore_mem>>
        %dma_start3A = tpu.memref_slice %arg2[%add3A_31] : memref<1048576xi32, #tpu.memory_space<hbm>> -> memref<8192xi32, #tpu.memory_space<hbm>>
        %dma_start3A_55 = tpu.memref_slice %arg2[%add3A_31] : memref<1048576xi32, #tpu.memory_space<hbm>> -> memref<8192xi32, #tpu.memory_space<hbm>>
        tpu.enqueue_dma source(%dma_start3A_55 : memref<8192xi32, #tpu.memory_space<hbm>>) target(%arg7 : memref<8192xi32, #tpu.memory_space<vmem>>) target_semaphore(%run_scoped3A : memref<!tpu.dma_semaphore, #tpu.memory_space<semaphore_mem>>)
        %dma_wait3A = tpu.memref_slice %arg2[%add3A_31] : memref<1048576xi32, #tpu.memory_space<hbm>> -> memref<8192xi32, #tpu.memory_space<hbm>>
        %dma_wait3A_56 = tpu.memref_slice %arg2[%add3A_31] : memref<1048576xi32, #tpu.memory_space<hbm>> -> memref<8192xi32, #tpu.memory_space<hbm>>
        tpu.wait_dma2 semaphore(%run_scoped3A : memref<!tpu.dma_semaphore, #tpu.memory_space<semaphore_mem>>) src(%dma_wait3A_56 : memref<8192xi32, #tpu.memory_space<hbm>>) dst(%arg7 : memref<8192xi32, #tpu.memory_space<vmem>>)
        tpu.yield
      }) : () -> ()
      %parallel_loop3A = arith.constant 0 : i32
      %parallel_loop3A_32 = arith.constant 512 : i32
      %parallel_loop3A_33 = arith.constant 1 : i32
      scf.for %parallel_loop3A_55 = %parallel_loop3A to %parallel_loop3A_32 step %parallel_loop3A_33  : i32 {
        %parallel_loop3A_56 = arith.constant 16 : i32
        %parallel_loop3A_57 = arith.muli %parallel_loop3A_55, %parallel_loop3A_56 : i32
        %parallel_loop3A_58 = arith.index_cast %parallel_loop3A_57 : i32 to index
        %parallel_loop3A_59 = tpu.vector_load %arg7[%parallel_loop3A_58] {strides = array<i32>} : memref<8192xi32, #tpu.memory_space<vmem>>, vector<16xi32>,
        %parallel_loop3A_60 = arith.constant 16 : i32
        %parallel_loop3A_61 = arith.muli %parallel_loop3A_55, %parallel_loop3A_60 : i32
        %parallel_loop3A_62 = arith.constant 0 : i32
        %parallel_loop3A_63 = arith.addi %parallel_loop3A_61, %parallel_loop3A_62 : i32
        %parallel_loop3A_64 = vector.broadcast %parallel_loop3A_63 : i32 to vector<16xi32>
        %parallel_loop3A_65 = arith.addi %iota3A_13, %parallel_loop3A_64 : vector<16xi32>
        %parallel_loop3A_66 = arith.constant 10 : i32
        %parallel_loop3A_67 = vector.broadcast %parallel_loop3A_66 : i32 to vector<16xi32>
        %parallel_loop3A_68 = arith.shrui %parallel_loop3A_59, %parallel_loop3A_67 : vector<16xi32>
        %parallel_loop3A_69 = arith.cmpi eq, %parallel_loop3A_68, %get3A_1 : vector<16xi32>
        %parallel_loop3A_70 = arith.cmpi slt, %parallel_loop3A_65, %get3A_3 : vector<16xi32>
        %parallel_loop3A_71 = arith.andi %parallel_loop3A_69, %parallel_loop3A_70 : vector<16xi1>
        %parallel_loop3A_72 = arith.constant 2047 : i32
        %parallel_loop3A_73 = vector.broadcast %parallel_loop3A_72 : i32 to vector<16xi32>
        %parallel_loop3A_74 = arith.andi %parallel_loop3A_59, %parallel_loop3A_73 : vector<16xi32>
        %parallel_loop3A_75 = arith.addi %parallel_loop3A_74, %mul3A_12 : vector<16xi32>
        tpu.vector_store_idx %arg9[%parallel_loop3A_75], %broadcast_in_dim3A_15 masked %parallel_loop3A_71 {add = true} : memref<32768xi32, #tpu.memory_space<vmem>>[vector<16xi32>], vector<16xi32>, vector<16xi1>
      } {sc.loop_unroll_factor = 8 : i64, sc.parallel_access}
      %mul3A_34 = arith.constant 32768 : i32
      %mul3A_35 = arith.muli %add3A, %mul3A_34 : i32
      %add3A_36 = arith.constant 8192 : i32
      %add3A_37 = arith.addi %mul3A_35, %add3A_36 : i32
      "tpu.region"() ({
        %run_scoped3A = tpu.sem_alloc : memref<!tpu.dma_semaphore, #tpu.memory_space<semaphore_mem>>
        %dma_start3A = tpu.memref_slice %arg2[%add3A_37] : memref<1048576xi32, #tpu.memory_space<hbm>> -> memref<8192xi32, #tpu.memory_space<hbm>>
        %dma_start3A_55 = tpu.memref_slice %arg2[%add3A_37] : memref<1048576xi32, #tpu.memory_space<hbm>> -> memref<8192xi32, #tpu.memory_space<hbm>>
        tpu.enqueue_dma source(%dma_start3A_55 : memref<8192xi32, #tpu.memory_space<hbm>>) target(%arg7 : memref<8192xi32, #tpu.memory_space<vmem>>) target_semaphore(%run_scoped3A : memref<!tpu.dma_semaphore, #tpu.memory_space<semaphore_mem>>)
        %dma_wait3A = tpu.memref_slice %arg2[%add3A_37] : memref<1048576xi32, #tpu.memory_space<hbm>> -> memref<8192xi32, #tpu.memory_space<hbm>>
        %dma_wait3A_56 = tpu.memref_slice %arg2[%add3A_37] : memref<1048576xi32, #tpu.memory_space<hbm>> -> memref<8192xi32, #tpu.memory_space<hbm>>
        tpu.wait_dma2 semaphore(%run_scoped3A : memref<!tpu.dma_semaphore, #tpu.memory_space<semaphore_mem>>) src(%dma_wait3A_56 : memref<8192xi32, #tpu.memory_space<hbm>>) dst(%arg7 : memref<8192xi32, #tpu.memory_space<vmem>>)
        tpu.yield
      }) : () -> ()
      %parallel_loop3A_38 = arith.constant 0 : i32
      %parallel_loop3A_39 = arith.constant 512 : i32
      %parallel_loop3A_40 = arith.constant 1 : i32
      scf.for %parallel_loop3A_55 = %parallel_loop3A_38 to %parallel_loop3A_39 step %parallel_loop3A_40  : i32 {
        %parallel_loop3A_56 = arith.constant 16 : i32
        %parallel_loop3A_57 = arith.muli %parallel_loop3A_55, %parallel_loop3A_56 : i32
        %parallel_loop3A_58 = arith.index_cast %parallel_loop3A_57 : i32 to index
        %parallel_loop3A_59 = tpu.vector_load %arg7[%parallel_loop3A_58] {strides = array<i32>} : memref<8192xi32, #tpu.memory_space<vmem>>, vector<16xi32>,
        %parallel_loop3A_60 = arith.constant 16 : i32
        %parallel_loop3A_61 = arith.muli %parallel_loop3A_55, %parallel_loop3A_60 : i32
        %parallel_loop3A_62 = arith.constant 8192 : i32
        %parallel_loop3A_63 = arith.addi %parallel_loop3A_61, %parallel_loop3A_62 : i32
        %parallel_loop3A_64 = vector.broadcast %parallel_loop3A_63 : i32 to vector<16xi32>
        %parallel_loop3A_65 = arith.addi %iota3A_13, %parallel_loop3A_64 : vector<16xi32>
        %parallel_loop3A_66 = arith.constant 10 : i32
        %parallel_loop3A_67 = vector.broadcast %parallel_loop3A_66 : i32 to vector<16xi32>
        %parallel_loop3A_68 = arith.shrui %parallel_loop3A_59, %parallel_loop3A_67 : vector<16xi32>
        %parallel_loop3A_69 = arith.cmpi eq, %parallel_loop3A_68, %get3A_1 : vector<16xi32>
        %parallel_loop3A_70 = arith.cmpi slt, %parallel_loop3A_65, %get3A_3 : vector<16xi32>
        %parallel_loop3A_71 = arith.andi %parallel_loop3A_69, %parallel_loop3A_70 : vector<16xi1>
        %parallel_loop3A_72 = arith.constant 2047 : i32
        %parallel_loop3A_73 = vector.broadcast %parallel_loop3A_72 : i32 to vector<16xi32>
        %parallel_loop3A_74 = arith.andi %parallel_loop3A_59, %parallel_loop3A_73 : vector<16xi32>
        %parallel_loop3A_75 = arith.addi %parallel_loop3A_74, %mul3A_12 : vector<16xi32>
        tpu.vector_store_idx %arg9[%parallel_loop3A_75], %broadcast_in_dim3A_15 masked %parallel_loop3A_71 {add = true} : memref<32768xi32, #tpu.memory_space<vmem>>[vector<16xi32>], vector<16xi32>, vector<16xi1>
      } {sc.loop_unroll_factor = 8 : i64, sc.parallel_access}
      %mul3A_41 = arith.constant 32768 : i32
      %mul3A_42 = arith.muli %add3A, %mul3A_41 : i32
      %add3A_43 = arith.constant 16384 : i32
      %add3A_44 = arith.addi %mul3A_42, %add3A_43 : i32
      "tpu.region"() ({
        %run_scoped3A = tpu.sem_alloc : memref<!tpu.dma_semaphore, #tpu.memory_space<semaphore_mem>>
        %dma_start3A = tpu.memref_slice %arg2[%add3A_44] : memref<1048576xi32, #tpu.memory_space<hbm>> -> memref<8192xi32, #tpu.memory_space<hbm>>
        %dma_start3A_55 = tpu.memref_slice %arg2[%add3A_44] : memref<1048576xi32, #tpu.memory_space<hbm>> -> memref<8192xi32, #tpu.memory_space<hbm>>
        tpu.enqueue_dma source(%dma_start3A_55 : memref<8192xi32, #tpu.memory_space<hbm>>) target(%arg7 : memref<8192xi32, #tpu.memory_space<vmem>>) target_semaphore(%run_scoped3A : memref<!tpu.dma_semaphore, #tpu.memory_space<semaphore_mem>>)
        %dma_wait3A = tpu.memref_slice %arg2[%add3A_44] : memref<1048576xi32, #tpu.memory_space<hbm>> -> memref<8192xi32, #tpu.memory_space<hbm>>
        %dma_wait3A_56 = tpu.memref_slice %arg2[%add3A_44] : memref<1048576xi32, #tpu.memory_space<hbm>> -> memref<8192xi32, #tpu.memory_space<hbm>>
        tpu.wait_dma2 semaphore(%run_scoped3A : memref<!tpu.dma_semaphore, #tpu.memory_space<semaphore_mem>>) src(%dma_wait3A_56 : memref<8192xi32, #tpu.memory_space<hbm>>) dst(%arg7 : memref<8192xi32, #tpu.memory_space<vmem>>)
        tpu.yield
      }) : () -> ()
      %parallel_loop3A_45 = arith.constant 0 : i32
      %parallel_loop3A_46 = arith.constant 512 : i32
      %parallel_loop3A_47 = arith.constant 1 : i32
      scf.for %parallel_loop3A_55 = %parallel_loop3A_45 to %parallel_loop3A_46 step %parallel_loop3A_47  : i32 {
        %parallel_loop3A_56 = arith.constant 16 : i32
        %parallel_loop3A_57 = arith.muli %parallel_loop3A_55, %parallel_loop3A_56 : i32
        %parallel_loop3A_58 = arith.index_cast %parallel_loop3A_57 : i32 to index
        %parallel_loop3A_59 = tpu.vector_load %arg7[%parallel_loop3A_58] {strides = array<i32>} : memref<8192xi32, #tpu.memory_space<vmem>>, vector<16xi32>,
        %parallel_loop3A_60 = arith.constant 16 : i32
        %parallel_loop3A_61 = arith.muli %parallel_loop3A_55, %parallel_loop3A_60 : i32
        %parallel_loop3A_62 = arith.constant 16384 : i32
        %parallel_loop3A_63 = arith.addi %parallel_loop3A_61, %parallel_loop3A_62 : i32
        %parallel_loop3A_64 = vector.broadcast %parallel_loop3A_63 : i32 to vector<16xi32>
        %parallel_loop3A_65 = arith.addi %iota3A_13, %parallel_loop3A_64 : vector<16xi32>
        %parallel_loop3A_66 = arith.constant 10 : i32
        %parallel_loop3A_67 = vector.broadcast %parallel_loop3A_66 : i32 to vector<16xi32>
        %parallel_loop3A_68 = arith.shrui %parallel_loop3A_59, %parallel_loop3A_67 : vector<16xi32>
        %parallel_loop3A_69 = arith.cmpi eq, %parallel_loop3A_68, %get3A_1 : vector<16xi32>
        %parallel_loop3A_70 = arith.cmpi slt, %parallel_loop3A_65, %get3A_3 : vector<16xi32>
        %parallel_loop3A_71 = arith.andi %parallel_loop3A_69, %parallel_loop3A_70 : vector<16xi1>
        %parallel_loop3A_72 = arith.constant 2047 : i32
        %parallel_loop3A_73 = vector.broadcast %parallel_loop3A_72 : i32 to vector<16xi32>
        %parallel_loop3A_74 = arith.andi %parallel_loop3A_59, %parallel_loop3A_73 : vector<16xi32>
        %parallel_loop3A_75 = arith.addi %parallel_loop3A_74, %mul3A_12 : vector<16xi32>
        tpu.vector_store_idx %arg9[%parallel_loop3A_75], %broadcast_in_dim3A_15 masked %parallel_loop3A_71 {add = true} : memref<32768xi32, #tpu.memory_space<vmem>>[vector<16xi32>], vector<16xi32>, vector<16xi1>
      } {sc.loop_unroll_factor = 8 : i64, sc.parallel_access}
      %mul3A_48 = arith.constant 32768 : i32
      %mul3A_49 = arith.muli %add3A, %mul3A_48 : i32
      %add3A_50 = arith.constant 24576 : i32
      %add3A_51 = arith.addi %mul3A_49, %add3A_50 : i32
      "tpu.region"() ({
        %run_scoped3A = tpu.sem_alloc : memref<!tpu.dma_semaphore, #tpu.memory_space<semaphore_mem>>
        %dma_start3A = tpu.memref_slice %arg2[%add3A_51] : memref<1048576xi32, #tpu.memory_space<hbm>> -> memref<8192xi32, #tpu.memory_space<hbm>>
        %dma_start3A_55 = tpu.memref_slice %arg2[%add3A_51] : memref<1048576xi32, #tpu.memory_space<hbm>> -> memref<8192xi32, #tpu.memory_space<hbm>>
        tpu.enqueue_dma source(%dma_start3A_55 : memref<8192xi32, #tpu.memory_space<hbm>>) target(%arg7 : memref<8192xi32, #tpu.memory_space<vmem>>) target_semaphore(%run_scoped3A : memref<!tpu.dma_semaphore, #tpu.memory_space<semaphore_mem>>)
        %dma_wait3A = tpu.memref_slice %arg2[%add3A_51] : memref<1048576xi32, #tpu.memory_space<hbm>> -> memref<8192xi32, #tpu.memory_space<hbm>>
        %dma_wait3A_56 = tpu.memref_slice %arg2[%add3A_51] : memref<1048576xi32, #tpu.memory_space<hbm>> -> memref<8192xi32, #tpu.memory_space<hbm>>
        tpu.wait_dma2 semaphore(%run_scoped3A : memref<!tpu.dma_semaphore, #tpu.memory_space<semaphore_mem>>) src(%dma_wait3A_56 : memref<8192xi32, #tpu.memory_space<hbm>>) dst(%arg7 : memref<8192xi32, #tpu.memory_space<vmem>>)
        tpu.yield
      }) : () -> ()
      %parallel_loop3A_52 = arith.constant 0 : i32
      %parallel_loop3A_53 = arith.constant 512 : i32
      %parallel_loop3A_54 = arith.constant 1 : i32
      scf.for %parallel_loop3A_55 = %parallel_loop3A_52 to %parallel_loop3A_53 step %parallel_loop3A_54  : i32 {
        %parallel_loop3A_56 = arith.constant 16 : i32
        %parallel_loop3A_57 = arith.muli %parallel_loop3A_55, %parallel_loop3A_56 : i32
        %parallel_loop3A_58 = arith.index_cast %parallel_loop3A_57 : i32 to index
        %parallel_loop3A_59 = tpu.vector_load %arg7[%parallel_loop3A_58] {strides = array<i32>} : memref<8192xi32, #tpu.memory_space<vmem>>, vector<16xi32>,
        %parallel_loop3A_60 = arith.constant 16 : i32
        %parallel_loop3A_61 = arith.muli %parallel_loop3A_55, %parallel_loop3A_60 : i32
        %parallel_loop3A_62 = arith.constant 24576 : i32
        %parallel_loop3A_63 = arith.addi %parallel_loop3A_61, %parallel_loop3A_62 : i32
        %parallel_loop3A_64 = vector.broadcast %parallel_loop3A_63 : i32 to vector<16xi32>
        %parallel_loop3A_65 = arith.addi %iota3A_13, %parallel_loop3A_64 : vector<16xi32>
        %parallel_loop3A_66 = arith.constant 10 : i32
        %parallel_loop3A_67 = vector.broadcast %parallel_loop3A_66 : i32 to vector<16xi32>
        %parallel_loop3A_68 = arith.shrui %parallel_loop3A_59, %parallel_loop3A_67 : vector<16xi32>
        %parallel_loop3A_69 = arith.cmpi eq, %parallel_loop3A_68, %get3A_1 : vector<16xi32>
        %parallel_loop3A_70 = arith.cmpi slt, %parallel_loop3A_65, %get3A_3 : vector<16xi32>
        %parallel_loop3A_71 = arith.andi %parallel_loop3A_69, %parallel_loop3A_70 : vector<16xi1>
        %parallel_loop3A_72 = arith.constant 2047 : i32
        %parallel_loop3A_73 = vector.broadcast %parallel_loop3A_72 : i32 to vector<16xi32>
        %parallel_loop3A_74 = arith.andi %parallel_loop3A_59, %parallel_loop3A_73 : vector<16xi32>
        %parallel_loop3A_75 = arith.addi %parallel_loop3A_74, %mul3A_12 : vector<16xi32>
        tpu.vector_store_idx %arg9[%parallel_loop3A_75], %broadcast_in_dim3A_15 masked %parallel_loop3A_71 {add = true} : memref<32768xi32, #tpu.memory_space<vmem>>[vector<16xi32>], vector<16xi32>, vector<16xi1>
      } {sc.loop_unroll_factor = 8 : i64, sc.parallel_access}
    } else {
    }
    %gt3A = arith.constant 32752 : i32
    %gt3A_18 = arith.cmpi sgt, %squeeze3A, %gt3A : i32
    %convert_element_type3A_19 = arith.extui %gt3A_18 : i1 to i32
    %cond3A_20 = arith.constant 0 : i32
    %cond3A_21 = arith.cmpi ne, %convert_element_type3A_19, %cond3A_20 : i32
    scf.if %cond3A_21 {
      %mul3A_28 = arith.constant 256 : i32
      %mul3A_29 = arith.muli %add3A, %mul3A_28 : i32
      %scan3A_30 = arith.constant 0 : i32
      %scan3A_31 = arith.constant 0 : i32
      %scan3A_32 = arith.constant 64 : i32
      %scan3A_33 = arith.addi %scan3A_31, %scan3A_32 : i32
      %scan3A_34 = arith.constant 1 : i32
      scf.for %scan3A_36 = %scan3A_31 to %scan3A_33 step %scan3A_34  : i32 {
        %mul3A_37 = arith.constant 4 : i32
        %mul3A_38 = arith.muli %scan3A_36, %mul3A_37 : i32
        %add3A_39 = arith.addi %mul3A_29, %mul3A_38 : i32
        "tpu.region"() ({
          %run_scoped3A = tpu.sem_alloc : memref<!tpu.dma_semaphore, #tpu.memory_space<semaphore_mem>>
          %dma_start3A = arith.constant 0 : i32
          %dma_start3A_42 = tpu.memref_slice %arg4[%add3A_39, %dma_start3A] : memref<8192x2048xf32, #tpu.memory_space<hbm>> -> memref<4x2048xf32, #tpu.memory_space<hbm>>
          %dma_start3A_43 = arith.constant 0 : i32
          %dma_start3A_44 = tpu.memref_slice %arg4[%add3A_39, %dma_start3A_43] : memref<8192x2048xf32, #tpu.memory_space<hbm>> -> memref<4x2048xf32, #tpu.memory_space<hbm>>
          tpu.enqueue_dma source(%dma_start3A_44 : memref<4x2048xf32, #tpu.memory_space<hbm>>) target(%arg8 : memref<4x2048xf32, #tpu.memory_space<vmem>>) target_semaphore(%run_scoped3A : memref<!tpu.dma_semaphore, #tpu.memory_space<semaphore_mem>>)
          %dma_wait3A = arith.constant 0 : i32
          %dma_wait3A_45 = tpu.memref_slice %arg4[%add3A_39, %dma_wait3A] : memref<8192x2048xf32, #tpu.memory_space<hbm>> -> memref<4x2048xf32, #tpu.memory_space<hbm>>
          %dma_wait3A_46 = arith.constant 0 : i32
          %dma_wait3A_47 = tpu.memref_slice %arg4[%add3A_39, %dma_wait3A_46] : memref<8192x2048xf32, #tpu.memory_space<hbm>> -> memref<4x2048xf32, #tpu.memory_space<hbm>>
          tpu.wait_dma2 semaphore(%run_scoped3A : memref<!tpu.dma_semaphore, #tpu.memory_space<semaphore_mem>>) src(%dma_wait3A_47 : memref<4x2048xf32, #tpu.memory_space<hbm>>) dst(%arg8 : memref<4x2048xf32, #tpu.memory_space<vmem>>)
          tpu.yield
        }) : () -> ()
        %parallel_loop3A = arith.constant 0 : i32
        %parallel_loop3A_40 = arith.constant 128 : i32
        %parallel_loop3A_41 = arith.constant 1 : i32
        scf.for %parallel_loop3A_42 = %parallel_loop3A to %parallel_loop3A_40 step %parallel_loop3A_41  : i32 {
          %parallel_loop3A_43 = arith.constant 16 : i32
          %parallel_loop3A_44 = arith.muli %parallel_loop3A_42, %parallel_loop3A_43 : i32
          %parallel_loop3A_45 = arith.constant 0 : i32
          %parallel_loop3A_46 = arith.index_cast %parallel_loop3A_45 : i32 to index
          %parallel_loop3A_47 = arith.index_cast %parallel_loop3A_44 : i32 to index
          %parallel_loop3A_48 = tpu.vector_load %arg8[%parallel_loop3A_46, %parallel_loop3A_47] {strides = array<i32>} : memref<4x2048xf32, #tpu.memory_space<vmem>>, vector<16xf32>,
          %parallel_loop3A_49 = vector.bitcast %parallel_loop3A_48 : vector<16xf32> to vector<16xi32>
          %parallel_loop3A_50 = arith.constant 31 : i32
          %parallel_loop3A_51 = vector.broadcast %parallel_loop3A_50 : i32 to vector<16xi32>
          %parallel_loop3A_52 = arith.shrsi %parallel_loop3A_49, %parallel_loop3A_51 : vector<16xi32>
          %parallel_loop3A_53 = arith.constant -2147483648 : i32
          %parallel_loop3A_54 = vector.broadcast %parallel_loop3A_53 : i32 to vector<16xi32>
          %parallel_loop3A_55 = arith.ori %parallel_loop3A_52, %parallel_loop3A_54 : vector<16xi32>
          %parallel_loop3A_56 = arith.xori %parallel_loop3A_49, %parallel_loop3A_55 : vector<16xi32>
          %parallel_loop3A_57 = arith.constant 10 : i32
          %parallel_loop3A_58 = vector.broadcast %parallel_loop3A_57 : i32 to vector<16xi32>
          %parallel_loop3A_59 = arith.shrui %parallel_loop3A_56, %parallel_loop3A_58 : vector<16xi32>
          %parallel_loop3A_60 = arith.cmpi eq, %parallel_loop3A_59, %get3A_1 : vector<16xi32>
          %parallel_loop3A_61 = arith.constant 2047 : i32
          %parallel_loop3A_62 = vector.broadcast %parallel_loop3A_61 : i32 to vector<16xi32>
          %parallel_loop3A_63 = arith.andi %parallel_loop3A_56, %parallel_loop3A_62 : vector<16xi32>
          %parallel_loop3A_64 = arith.addi %parallel_loop3A_63, %mul3A_12 : vector<16xi32>
          tpu.vector_store_idx %arg9[%parallel_loop3A_64], %broadcast_in_dim3A_15 masked %parallel_loop3A_60 {add = true} : memref<32768xi32, #tpu.memory_space<vmem>>[vector<16xi32>], vector<16xi32>, vector<16xi1>
          %parallel_loop3A_65 = arith.constant 16 : i32
          %parallel_loop3A_66 = arith.muli %parallel_loop3A_42, %parallel_loop3A_65 : i32
          %parallel_loop3A_67 = arith.constant 1 : i32
          %parallel_loop3A_68 = arith.index_cast %parallel_loop3A_67 : i32 to index
          %parallel_loop3A_69 = arith.index_cast %parallel_loop3A_66 : i32 to index
          %parallel_loop3A_70 = tpu.vector_load %arg8[%parallel_loop3A_68, %parallel_loop3A_69] {strides = array<i32>} : memref<4x2048xf32, #tpu.memory_space<vmem>>, vector<16xf32>,
          %parallel_loop3A_71 = vector.bitcast %parallel_loop3A_70 : vector<16xf32> to vector<16xi32>
          %parallel_loop3A_72 = arith.constant 31 : i32
          %parallel_loop3A_73 = vector.broadcast %parallel_loop3A_72 : i32 to vector<16xi32>
          %parallel_loop3A_74 = arith.shrsi %parallel_loop3A_71, %parallel_loop3A_73 : vector<16xi32>
          %parallel_loop3A_75 = arith.constant -2147483648 : i32
          %parallel_loop3A_76 = vector.broadcast %parallel_loop3A_75 : i32 to vector<16xi32>
          %parallel_loop3A_77 = arith.ori %parallel_loop3A_74, %parallel_loop3A_76 : vector<16xi32>
          %parallel_loop3A_78 = arith.xori %parallel_loop3A_71, %parallel_loop3A_77 : vector<16xi32>
          %parallel_loop3A_79 = arith.constant 10 : i32
          %parallel_loop3A_80 = vector.broadcast %parallel_loop3A_79 : i32 to vector<16xi32>
          %parallel_loop3A_81 = arith.shrui %parallel_loop3A_78, %parallel_loop3A_80 : vector<16xi32>
          %parallel_loop3A_82 = arith.cmpi eq, %parallel_loop3A_81, %get3A_1 : vector<16xi32>
          %parallel_loop3A_83 = arith.constant 2047 : i32
          %parallel_loop3A_84 = vector.broadcast %parallel_loop3A_83 : i32 to vector<16xi32>
          %parallel_loop3A_85 = arith.andi %parallel_loop3A_78, %parallel_loop3A_84 : vector<16xi32>
          %parallel_loop3A_86 = arith.addi %parallel_loop3A_85, %mul3A_12 : vector<16xi32>
          tpu.vector_store_idx %arg9[%parallel_loop3A_86], %broadcast_in_dim3A_15 masked %parallel_loop3A_82 {add = true} : memref<32768xi32, #tpu.memory_space<vmem>>[vector<16xi32>], vector<16xi32>, vector<16xi1>
          %parallel_loop3A_87 = arith.constant 16 : i32
          %parallel_loop3A_88 = arith.muli %parallel_loop3A_42, %parallel_loop3A_87 : i32
          %parallel_loop3A_89 = arith.constant 2 : i32
          %parallel_loop3A_90 = arith.index_cast %parallel_loop3A_89 : i32 to index
          %parallel_loop3A_91 = arith.index_cast %parallel_loop3A_88 : i32 to index
          %parallel_loop3A_92 = tpu.vector_load %arg8[%parallel_loop3A_90, %parallel_loop3A_91] {strides = array<i32>} : memref<4x2048xf32, #tpu.memory_space<vmem>>, vector<16xf32>,
          %parallel_loop3A_93 = vector.bitcast %parallel_loop3A_92 : vector<16xf32> to vector<16xi32>
          %parallel_loop3A_94 = arith.constant 31 : i32
          %parallel_loop3A_95 = vector.broadcast %parallel_loop3A_94 : i32 to vector<16xi32>
          %parallel_loop3A_96 = arith.shrsi %parallel_loop3A_93, %parallel_loop3A_95 : vector<16xi32>
          %parallel_loop3A_97 = arith.constant -2147483648 : i32
          %parallel_loop3A_98 = vector.broadcast %parallel_loop3A_97 : i32 to vector<16xi32>
          %parallel_loop3A_99 = arith.ori %parallel_loop3A_96, %parallel_loop3A_98 : vector<16xi32>
          %parallel_loop3A_100 = arith.xori %parallel_loop3A_93, %parallel_loop3A_99 : vector<16xi32>
          %parallel_loop3A_101 = arith.constant 10 : i32
          %parallel_loop3A_102 = vector.broadcast %parallel_loop3A_101 : i32 to vector<16xi32>
          %parallel_loop3A_103 = arith.shrui %parallel_loop3A_100, %parallel_loop3A_102 : vector<16xi32>
          %parallel_loop3A_104 = arith.cmpi eq, %parallel_loop3A_103, %get3A_1 : vector<16xi32>
          %parallel_loop3A_105 = arith.constant 2047 : i32
          %parallel_loop3A_106 = vector.broadcast %parallel_loop3A_105 : i32 to vector<16xi32>
          %parallel_loop3A_107 = arith.andi %parallel_loop3A_100, %parallel_loop3A_106 : vector<16xi32>
          %parallel_loop3A_108 = arith.addi %parallel_loop3A_107, %mul3A_12 : vector<16xi32>
          tpu.vector_store_idx %arg9[%parallel_loop3A_108], %broadcast_in_dim3A_15 masked %parallel_loop3A_104 {add = true} : memref<32768xi32, #tpu.memory_space<vmem>>[vector<16xi32>], vector<16xi32>, vector<16xi1>
          %parallel_loop3A_109 = arith.constant 16 : i32
          %parallel_loop3A_110 = arith.muli %parallel_loop3A_42, %parallel_loop3A_109 : i32
          %parallel_loop3A_111 = arith.constant 3 : i32
          %parallel_loop3A_112 = arith.index_cast %parallel_loop3A_111 : i32 to index
          %parallel_loop3A_113 = arith.index_cast %parallel_loop3A_110 : i32 to index
          %parallel_loop3A_114 = tpu.vector_load %arg8[%parallel_loop3A_112, %parallel_loop3A_113] {strides = array<i32>} : memref<4x2048xf32, #tpu.memory_space<vmem>>, vector<16xf32>,
          %parallel_loop3A_115 = vector.bitcast %parallel_loop3A_114 : vector<16xf32> to vector<16xi32>
          %parallel_loop3A_116 = arith.constant 31 : i32
          %parallel_loop3A_117 = vector.broadcast %parallel_loop3A_116 : i32 to vector<16xi32>
          %parallel_loop3A_118 = arith.shrsi %parallel_loop3A_115, %parallel_loop3A_117 : vector<16xi32>
          %parallel_loop3A_119 = arith.constant -2147483648 : i32
          %parallel_loop3A_120 = vector.broadcast %parallel_loop3A_119 : i32 to vector<16xi32>
          %parallel_loop3A_121 = arith.ori %parallel_loop3A_118, %parallel_loop3A_120 : vector<16xi32>
          %parallel_loop3A_122 = arith.xori %parallel_loop3A_115, %parallel_loop3A_121 : vector<16xi32>
          %parallel_loop3A_123 = arith.constant 10 : i32
          %parallel_loop3A_124 = vector.broadcast %parallel_loop3A_123 : i32 to vector<16xi32>
          %parallel_loop3A_125 = arith.shrui %parallel_loop3A_122, %parallel_loop3A_124 : vector<16xi32>
          %parallel_loop3A_126 = arith.cmpi eq, %parallel_loop3A_125, %get3A_1 : vector<16xi32>
          %parallel_loop3A_127 = arith.constant 2047 : i32
          %parallel_loop3A_128 = vector.broadcast %parallel_loop3A_127 : i32 to vector<16xi32>
          %parallel_loop3A_129 = arith.andi %parallel_loop3A_122, %parallel_loop3A_128 : vector<16xi32>
          %parallel_loop3A_130 = arith.addi %parallel_loop3A_129, %mul3A_12 : vector<16xi32>
          tpu.vector_store_idx %arg9[%parallel_loop3A_130], %broadcast_in_dim3A_15 masked %parallel_loop3A_126 {add = true} : memref<32768xi32, #tpu.memory_space<vmem>>[vector<16xi32>], vector<16xi32>, vector<16xi1>
        } {sc.loop_unroll_factor = 8 : i64, sc.parallel_access}
      }
      %scan3A_35 = arith.constant 64 : i32
    } else {
    }
    %scan3A_22 = arith.constant 0 : i32
    %scan3A_23 = arith.constant 0 : i32
    %scan3A_24 = arith.constant 128 : i32
    %scan3A_25 = arith.addi %scan3A_23, %scan3A_24 : i32
    %scan3A_26 = arith.constant 1 : i32
    scf.for %scan3A_28 = %scan3A_23 to %scan3A_25 step %scan3A_26  : i32 {
      %mul3A_29 = arith.constant 16 : i32
      %mul3A_30 = arith.muli %scan3A_28, %mul3A_29 : i32
      %get3A_31 = arith.index_cast %mul3A_30 : i32 to index
      %get3A_32 = tpu.vector_load %arg9[%get3A_31] {strides = array<i32>} : memref<32768xi32, #tpu.memory_space<vmem>>, vector<16xi32>,
      %mul3A_33 = arith.constant 16 : i32
      %mul3A_34 = arith.muli %scan3A_28, %mul3A_33 : i32
      %add3A_35 = arith.constant 2048 : i32
      %add3A_36 = arith.addi %add3A_35, %mul3A_34 : i32
      %get3A_37 = arith.index_cast %add3A_36 : i32 to index
      %get3A_38 = tpu.vector_load %arg9[%get3A_37] {strides = array<i32>} : memref<32768xi32, #tpu.memory_space<vmem>>, vector<16xi32>,
      %add3A_39 = arith.addi %get3A_32, %get3A_38 : vector<16xi32>
      %mul3A_40 = arith.constant 16 : i32
      %mul3A_41 = arith.muli %scan3A_28, %mul3A_40 : i32
      %add3A_42 = arith.constant 4096 : i32
      %add3A_43 = arith.addi %add3A_42, %mul3A_41 : i32
      %get3A_44 = arith.index_cast %add3A_43 : i32 to index
      %get3A_45 = tpu.vector_load %arg9[%get3A_44] {strides = array<i32>} : memref<32768xi32, #tpu.memory_space<vmem>>, vector<16xi32>,
      %add3A_46 = arith.addi %add3A_39, %get3A_45 : vector<16xi32>
      %mul3A_47 = arith.constant 16 : i32
      %mul3A_48 = arith.muli %scan3A_28, %mul3A_47 : i32
      %add3A_49 = arith.constant 6144 : i32
      %add3A_50 = arith.addi %add3A_49, %mul3A_48 : i32
      %get3A_51 = arith.index_cast %add3A_50 : i32 to index
      %get3A_52 = tpu.vector_load %arg9[%get3A_51] {strides = array<i32>} : memref<32768xi32, #tpu.memory_space<vmem>>, vector<16xi32>,
      %add3A_53 = arith.addi %add3A_46, %get3A_52 : vector<16xi32>
      %mul3A_54 = arith.constant 16 : i32
      %mul3A_55 = arith.muli %scan3A_28, %mul3A_54 : i32
      %add3A_56 = arith.constant 8192 : i32
      %add3A_57 = arith.addi %add3A_56, %mul3A_55 : i32
      %get3A_58 = arith.index_cast %add3A_57 : i32 to index
      %get3A_59 = tpu.vector_load %arg9[%get3A_58] {strides = array<i32>} : memref<32768xi32, #tpu.memory_space<vmem>>, vector<16xi32>,
      %add3A_60 = arith.addi %add3A_53, %get3A_59 : vector<16xi32>
      %mul3A_61 = arith.constant 16 : i32
      %mul3A_62 = arith.muli %scan3A_28, %mul3A_61 : i32
      %add3A_63 = arith.constant 10240 : i32
      %add3A_64 = arith.addi %add3A_63, %mul3A_62 : i32
      %get3A_65 = arith.index_cast %add3A_64 : i32 to index
      %get3A_66 = tpu.vector_load %arg9[%get3A_65] {strides = array<i32>} : memref<32768xi32, #tpu.memory_space<vmem>>, vector<16xi32>,
      %add3A_67 = arith.addi %add3A_60, %get3A_66 : vector<16xi32>
      %mul3A_68 = arith.constant 16 : i32
      %mul3A_69 = arith.muli %scan3A_28, %mul3A_68 : i32
      %add3A_70 = arith.constant 12288 : i32
      %add3A_71 = arith.addi %add3A_70, %mul3A_69 : i32
      %get3A_72 = arith.index_cast %add3A_71 : i32 to index
      %get3A_73 = tpu.vector_load %arg9[%get3A_72] {strides = array<i32>} : memref<32768xi32, #tpu.memory_space<vmem>>, vector<16xi32>,
      %add3A_74 = arith.addi %add3A_67, %get3A_73 : vector<16xi32>
      %mul3A_75 = arith.constant 16 : i32
      %mul3A_76 = arith.muli %scan3A_28, %mul3A_75 : i32
      %add3A_77 = arith.constant 14336 : i32
      %add3A_78 = arith.addi %add3A_77, %mul3A_76 : i32
      %get3A_79 = arith.index_cast %add3A_78 : i32 to index
      %get3A_80 = tpu.vector_load %arg9[%get3A_79] {strides = array<i32>} : memref<32768xi32, #tpu.memory_space<vmem>>, vector<16xi32>,
      %add3A_81 = arith.addi %add3A_74, %get3A_80 : vector<16xi32>
      %mul3A_82 = arith.constant 16 : i32
      %mul3A_83 = arith.muli %scan3A_28, %mul3A_82 : i32
      %add3A_84 = arith.constant 16384 : i32
      %add3A_85 = arith.addi %add3A_84, %mul3A_83 : i32
      %get3A_86 = arith.index_cast %add3A_85 : i32 to index
      %get3A_87 = tpu.vector_load %arg9[%get3A_86] {strides = array<i32>} : memref<32768xi32, #tpu.memory_space<vmem>>, vector<16xi32>,
      %add3A_88 = arith.addi %add3A_81, %get3A_87 : vector<16xi32>
      %mul3A_89 = arith.constant 16 : i32
      %mul3A_90 = arith.muli %scan3A_28, %mul3A_89 : i32
      %add3A_91 = arith.constant 18432 : i32
      %add3A_92 = arith.addi %add3A_91, %mul3A_90 : i32
      %get3A_93 = arith.index_cast %add3A_92 : i32 to index
      %get3A_94 = tpu.vector_load %arg9[%get3A_93] {strides = array<i32>} : memref<32768xi32, #tpu.memory_space<vmem>>, vector<16xi32>,
      %add3A_95 = arith.addi %add3A_88, %get3A_94 : vector<16xi32>
      %mul3A_96 = arith.constant 16 : i32
      %mul3A_97 = arith.muli %scan3A_28, %mul3A_96 : i32
      %add3A_98 = arith.constant 20480 : i32
      %add3A_99 = arith.addi %add3A_98, %mul3A_97 : i32
      %get3A_100 = arith.index_cast %add3A_99 : i32 to index
      %get3A_101 = tpu.vector_load %arg9[%get3A_100] {strides = array<i32>} : memref<32768xi32, #tpu.memory_space<vmem>>, vector<16xi32>,
      %add3A_102 = arith.addi %add3A_95, %get3A_101 : vector<16xi32>
      %mul3A_103 = arith.constant 16 : i32
      %mul3A_104 = arith.muli %scan3A_28, %mul3A_103 : i32
      %add3A_105 = arith.constant 22528 : i32
      %add3A_106 = arith.addi %add3A_105, %mul3A_104 : i32
      %get3A_107 = arith.index_cast %add3A_106 : i32 to index
      %get3A_108 = tpu.vector_load %arg9[%get3A_107] {strides = array<i32>} : memref<32768xi32, #tpu.memory_space<vmem>>, vector<16xi32>,
      %add3A_109 = arith.addi %add3A_102, %get3A_108 : vector<16xi32>
      %mul3A_110 = arith.constant 16 : i32
      %mul3A_111 = arith.muli %scan3A_28, %mul3A_110 : i32
      %add3A_112 = arith.constant 24576 : i32
      %add3A_113 = arith.addi %add3A_112, %mul3A_111 : i32
      %get3A_114 = arith.index_cast %add3A_113 : i32 to index
      %get3A_115 = tpu.vector_load %arg9[%get3A_114] {strides = array<i32>} : memref<32768xi32, #tpu.memory_space<vmem>>, vector<16xi32>,
      %add3A_116 = arith.addi %add3A_109, %get3A_115 : vector<16xi32>
      %mul3A_117 = arith.constant 16 : i32
      %mul3A_118 = arith.muli %scan3A_28, %mul3A_117 : i32
      %add3A_119 = arith.constant 26624 : i32
      %add3A_120 = arith.addi %add3A_119, %mul3A_118 : i32
      %get3A_121 = arith.index_cast %add3A_120 : i32 to index
      %get3A_122 = tpu.vector_load %arg9[%get3A_121] {strides = array<i32>} : memref<32768xi32, #tpu.memory_space<vmem>>, vector<16xi32>,
      %add3A_123 = arith.addi %add3A_116, %get3A_122 : vector<16xi32>
      %mul3A_124 = arith.constant 16 : i32
      %mul3A_125 = arith.muli %scan3A_28, %mul3A_124 : i32
      %add3A_126 = arith.constant 28672 : i32
      %add3A_127 = arith.addi %add3A_126, %mul3A_125 : i32
      %get3A_128 = arith.index_cast %add3A_127 : i32 to index
      %get3A_129 = tpu.vector_load %arg9[%get3A_128] {strides = array<i32>} : memref<32768xi32, #tpu.memory_space<vmem>>, vector<16xi32>,
      %add3A_130 = arith.addi %add3A_123, %get3A_129 : vector<16xi32>
      %mul3A_131 = arith.constant 16 : i32
      %mul3A_132 = arith.muli %scan3A_28, %mul3A_131 : i32
      %add3A_133 = arith.constant 30720 : i32
      %add3A_134 = arith.addi %add3A_133, %mul3A_132 : i32
      %get3A_135 = arith.index_cast %add3A_134 : i32 to index
      %get3A_136 = tpu.vector_load %arg9[%get3A_135] {strides = array<i32>} : memref<32768xi32, #tpu.memory_space<vmem>>, vector<16xi32>,
      %add3A_137 = arith.addi %add3A_130, %get3A_136 : vector<16xi32>
      %mul3A_138 = arith.constant 16 : i32
      %mul3A_139 = arith.muli %scan3A_28, %mul3A_138 : i32
      %swap3A = arith.index_cast %mul3A_139 : i32 to index
      %swap3A_140 = tpu.vector_load %arg10[%swap3A] {strides = array<i32>} : memref<2048xi32, #tpu.memory_space<vmem>>, vector<16xi32>,
      tpu.vector_store %arg10[%swap3A], %add3A_137 {strides = array<i32>} : memref<2048xi32, #tpu.memory_space<vmem>>, vector<16xi32>,
    }
    %scan3A_27 = arith.constant 128 : i32
    "tpu.region"() ({
      %run_scoped3A = tpu.sem_alloc : memref<!tpu.dma_semaphore, #tpu.memory_space<semaphore_mem>>
      %dma_start3A = arith.constant 0 : i32
      %dma_start3A_28 = tpu.memref_slice %arg6[%add3A, %dma_start3A] : memref<32x2048xi32, #tpu.memory_space<hbm>> -> memref<1x2048xi32, #tpu.memory_space<hbm>>
      %dma_start3A_29 = tpu.memref_squeeze %dma_start3A_28 : memref<1x2048xi32, #tpu.memory_space<hbm>> -> memref<2048xi32, #tpu.memory_space<hbm>>
      %dma_start3A_30 = arith.constant 0 : i32
      %dma_start3A_31 = tpu.memref_slice %arg6[%add3A, %dma_start3A_30] : memref<32x2048xi32, #tpu.memory_space<hbm>> -> memref<1x2048xi32, #tpu.memory_space<hbm>>
      %dma_start3A_32 = tpu.memref_squeeze %dma_start3A_31 : memref<1x2048xi32, #tpu.memory_space<hbm>> -> memref<2048xi32, #tpu.memory_space<hbm>>
      tpu.enqueue_dma source(%arg10 : memref<2048xi32, #tpu.memory_space<vmem>>) target(%dma_start3A_32 : memref<2048xi32, #tpu.memory_space<hbm>>) target_semaphore(%run_scoped3A : memref<!tpu.dma_semaphore, #tpu.memory_space<semaphore_mem>>)
      %dma_wait3A = arith.constant 0 : i32
      %dma_wait3A_33 = tpu.memref_slice %arg6[%add3A, %dma_wait3A] : memref<32x2048xi32, #tpu.memory_space<hbm>> -> memref<1x2048xi32, #tpu.memory_space<hbm>>
      %dma_wait3A_34 = tpu.memref_squeeze %dma_wait3A_33 : memref<1x2048xi32, #tpu.memory_space<hbm>> -> memref<2048xi32, #tpu.memory_space<hbm>>
      %dma_wait3A_35 = arith.constant 0 : i32
      %dma_wait3A_36 = tpu.memref_slice %arg6[%add3A, %dma_wait3A_35] : memref<32x2048xi32, #tpu.memory_space<hbm>> -> memref<1x2048xi32, #tpu.memory_space<hbm>>
      %dma_wait3A_37 = tpu.memref_squeeze %dma_wait3A_36 : memref<1x2048xi32, #tpu.memory_space<hbm>> -> memref<2048xi32, #tpu.memory_space<hbm>>
      tpu.wait_dma2 semaphore(%run_scoped3A : memref<!tpu.dma_semaphore, #tpu.memory_space<semaphore_mem>>) src(%arg10 : memref<2048xi32, #tpu.memory_space<vmem>>) dst(%dma_wait3A_37 : memref<2048xi32, #tpu.memory_space<hbm>>)
      tpu.yield
    }) : () -> ()
    return
  }
}

module attributes {stable_mosaic.version = 14 : i64} {
  func.func @_thr_body(%arg0: i32, %arg1: memref<1x1xf32, #tpu.memory_space<vmem>>, %arg2: memref<512x2048xf32, #tpu.memory_space<vmem>>, %arg3: memref<512x2048xf32, #tpu.memory_space<vmem>>) attributes {dimension_semantics = [#tpu.dimension_semantics<arbitrary>], iteration_bounds = array<i64: 16>, scalar_prefetch = 0 : i64, scratch_operands = 0 : i64, tpu.core_type = #tpu.core_type<tc>, window_params = [{pipeline_mode = #tpu.pipeline_mode<synchronous>, transform_indices = @transform_0, window_bounds = array<i64: 1, 1>}, {transform_indices = @transform_1, window_bounds = array<i64: 512, 2048>}, {transform_indices = @transform_2, window_bounds = array<i64: 512, 2048>}]} {
    %get3A = arith.constant 0 : index
    %get3A_0 = arith.constant 0 : index
    %get3A_1 = vector.load %arg2[%get3A, %get3A_0] : memref<512x2048xf32, #tpu.memory_space<vmem>>, vector<512x2048xf32>
    %get3A_2 = arith.constant 0 : index
    %get3A_3 = arith.constant 0 : index
    %get3A_4 = vector.load %arg1[%get3A_2, %get3A_3] : memref<1x1xf32, #tpu.memory_space<vmem>>, vector<1x1xf32>
    %get3A_5 = vector.extract %get3A_4[0, 0] : f32 from vector<1x1xf32>
    %gt3A = vector.broadcast %get3A_5 : f32 to vector<512x2048xf32>
    %gt3A_6 = arith.cmpf ogt, %get3A_1, %gt3A : vector<512x2048xf32>
    %convert_element_type3A = arith.extui %gt3A_6 : vector<512x2048xi1> to vector<512x2048xi32>
    %convert_element_type3A_7 = arith.sitofp %convert_element_type3A : vector<512x2048xi32> to vector<512x2048xf32>
    %swap3A = arith.constant 0 : index
    %swap3A_8 = arith.constant 0 : index
    %swap3A_9 = vector.load %arg3[%swap3A, %swap3A_8] : memref<512x2048xf32, #tpu.memory_space<vmem>>, vector<512x2048xf32>
    tpu.vector_store %arg3[%swap3A, %swap3A_8], %convert_element_type3A_7 {strides = array<i32>} : memref<512x2048xf32, #tpu.memory_space<vmem>>, vector<512x2048xf32>,
    return
  }
  func.func @transform_0(%arg0: i32) -> (i32, i32) {
    %c0_i32 = arith.constant 0 : i32
    %c0_i32_0 = arith.constant 0 : i32
    %c0_i32_1 = arith.constant 0 : i32
    return %c0_i32, %c0_i32_0 : i32, i32
  }
  func.func @transform_1(%arg0: i32) -> (i32, i32) {
    %c0_i32 = arith.constant 0 : i32
    %c0_i32_0 = arith.constant 0 : i32
    return %arg0, %c0_i32 : i32, i32
  }
  func.func @transform_2(%arg0: i32) -> (i32, i32) {
    %c0_i32 = arith.constant 0 : i32
    %c0_i32_0 = arith.constant 0 : i32
    return %arg0, %c0_i32 : i32, i32
  }
}

</mosaic_0001>

<sc_bundles>
// kernel: kernel.12.cloned.1.call-start
scs
__scs_entry_jumppad:
0x0: {  	(pc) =	sbr.rel $0x88, $3  }
0x1: {  	(tag) =	ssettag $0x0;
	lr =	simm.s32 $0x1  }
0x2: {  	[smem:$0x3FA0] =	sst lr;
	_ =	strace $0xD0000000  }
0x3: {  	_ = 	snop  }
0x4: {  	_ = 	snop  }
0x5: {  	_ = 	snop  }
0x6: {  	_ = 	snop  }
0x7: {  	_ = 	snop  }
__scs_overlays_trampoline_lowered:
0x8: {  	[smem:$0x3FAF] =	sst s0  }
0x9: {  	[smem:$0x3FB0] =	sst s1  }
0xa: {  	[smem:$0x3FB1] =	sst s2  }
0xb: {  	[smem:$0x3FB2] =	sst s3  }
0xc: {  	[smem:$0x3FB3] =	sst s4  }
0xd: {  	[smem:$0x3FB4] =	sst s5  }
0xe: {  	[smem:$0x3FB5] =	sst s6  }
0xf: {  	[smem:$0x3FB6] =	sst s7  }
0x10: {  	[smem:$0x3FB7] =	sst s8  }
0x11: {  	[smem:$0x3FB8] =	sst s9;
	s0 =	simm.s32 @!p0 $0x0  }
0x12: {  	s1 =	sld [smem:$0x3F9E];
	s0 =	simm.s32 @p0 $0x1  }
0x13: {  	[smem:$0x3FB9] =	sst s0;
	s0 =	simm.s32 @!p1 $0x0  }
0x14: {  	s2 =	sld [smem:$0x3F9D];
	s0 =	simm.s32 @p1 $0x1  }
0x15: {  	[smem:$0x3FBA] =	sst s0;
	s0 =	simm.s32 @!p2 $0x0  }
0x16: {  	s3 =	sld [smem:$0x3FDB];
	s0 =	simm.s32 @p2 $0x1  }
0x17: {  	s4 =	simm.s32 $0x1BF5;
	[smem:$0x3FBC] =	sst s0  }
0x18: {  	s0 =	sld [smem:$0x3F9F];
	_ =	swait.ge [sflag:s4], $0x0  }
0x19: {  	s7 =	sld [smem:$0x3FA0]  }
0x1a: {  	s8 =	sadd.s32 $0xFFFFE003, lr  }
0x1b: {  	s9 =	sadd.s32 $0xFFFFFEF7, lr;
	s5 =	simm.s32 $0xFFFFFFFF;
	p2 =	slt.u32 s8, $0xFFFFF086  }
0x1c: {  	p1 =	slt.u32 s9, $0xF7A;
	s5 =	simm.s32 @!p2 $0x0  }
0x1d: {  	s5 =	simm.s32 @p1 $0x1;
	p0 =	seq.s32 s7, s2  }
0x1e: {  	s7 =	smul.u32 @!p0 $0xF7A, s2;
	p2 =	seq.s32 @!p0 s5, $0x0  }
0x1f: {  	s9 =	smul.u32 $0xF7A, s1;
	s8 =	simm.s32 @!p0 $0x1BF5;
	p2 =	por !p2, p0  }
0x20: {  	[sflag:s8] =	ssyncset.s32 @!p0 $0xFFFFF086;
	s6 =	sadd.s32 @!p0 s3, s7;
	s7 =	simm.s32 @!p0 $0x108  }
0x21: {  	s3 =	sadd.s32 s3, s9;
	s6 =	sadd.s32 @!p0 $0x88, s6;
	s7 =	simm.s32 @p2 $0x1082  }
0x22: {  	[simem:s7], [sflag:s8] =	dma.local @!p0 [hbm:s6], $0xF7A  }
0x23: {  	s9 =	sor.u32 $0xD0000000, s2;
	s6 =	simm.s32 $0x108;
	_ =	swait.ge @!p0 [sflag:s8], $0x0  }
0x24: {  	s3 =	sadd.s32 $0x88, s3;
	s6 =	simm.s32 @!p1 $0x1082;
	[sflag:s4] =	ssyncset.s32 $0xFFFFF086  }
0x25: {  	[simem:s6], [sflag:s4] =	dma.local [hbm:s3], $0xF7A  }
0x26: {  	[smem:$0x3FA0] =	sst s1;
	(tag) =	ssettag s2;
	_ =	strace s9  }
0x27: {  	s1 =	sld [smem:$0x3FB0]  }
0x28: {  	s2 =	sld [smem:$0x3FB1]  }
0x29: {  	s4 =	sld [smem:$0x3FB3]  }
0x2a: {  	p0 =	seq.s32 s5, $0x0;
	s5 =	sld [smem:$0x3FB4]  }
0x2b: {  	s6 =	sld [smem:$0x3FB5]  }
0x2c: {  	s7 =	sld [smem:$0x3FB6]  }
0x2d: {  	s3 =	simm.s32 $0x108;
	s8 =	sld [smem:$0x3FB7]  }
0x2e: {  	s3 =	simm.s32 @!p0 $0x1082;
	s9 =	sld [smem:$0x3FB8]  }
0x2f: {  	lr =	sadd.s32 s0, s3;
	s0 =	sld [smem:$0x3FAF]  }
0x30: {  	s3 =	sld [smem:$0x3FB2]  }
0x31: {  	[smem:$0x3FBB] =	sst s10  }
0x32: {  	s10 =	sld [smem:$0x3FB9];
	_ =	sdelay $0x3  }
0x33: {  	p0 =	seq.s32 s10, $0x1;
	s10 =	sld [smem:$0x3FBB];
	_ =	sdelay $0x3  }
0x34: {  	[smem:$0x3FBB] =	sst s10  }
0x35: {  	s10 =	sld [smem:$0x3FBA];
	_ =	sdelay $0x3  }
0x36: {  	p1 =	seq.s32 s10, $0x1;
	s10 =	sld [smem:$0x3FBB];
	_ =	sdelay $0x3  }
0x37: {  	[smem:$0x3FBB] =	sst s10  }
0x38: {  	s10 =	sld [smem:$0x3FBC]  }
0x39: {  	_ = 	snop;
	(pc) =	sbr.ind lr, $3  }
0x3a: {  	_ = 	snop  }
0x3b: {  	_ = 	snop  }
0x3c: {  	p2 =	seq.s32 s10, $0x1;
	s10 =	sld [smem:$0x3FBB]  }
0x3d: {  	_ =	shalt  }
0x3e: {  	_ =	shalt  }
0x3f: {  	_ =	shalt  }
0x40: {  	_ =	shalt  }
0x41: {  	_ =	shalt  }
0x42: {  	_ =	shalt  }
0x43: {  	_ =	shalt  }
0x44: {  	_ =	shalt  }
0x45: {  	_ =	shalt  }
0x46: {  	_ =	shalt  }
0x47: {  	_ =	shalt  }
0x48: {  	_ =	shalt  }
0x49: {  	_ =	shalt  }
0x4a: {  	_ =	shalt  }
0x4b: {  	_ =	shalt  }
0x4c: {  	_ =	shalt  }
0x4d: {  	_ =	shalt  }
0x4e: {  	_ =	shalt  }
0x4f: {  	_ =	shalt  }
0x50: {  	_ =	shalt  }
0x51: {  	_ =	shalt  }
0x52: {  	_ =	shalt  }
0x53: {  	_ =	shalt  }
0x54: {  	_ =	shalt  }
0x55: {  	_ =	shalt  }
0x56: {  	_ =	shalt  }
0x57: {  	_ =	shalt  }
0x58: {  	_ =	shalt  }
0x59: {  	_ =	shalt  }
0x5a: {  	_ =	shalt  }
0x5b: {  	_ =	shalt  }
0x5c: {  	_ =	shalt  }
0x5d: {  	_ =	shalt  }
0x5e: {  	_ =	shalt  }
0x5f: {  	_ =	shalt  }
0x60: {  	_ =	shalt  }
0x61: {  	_ =	shalt  }
0x62: {  	_ =	shalt  }
0x63: {  	_ =	shalt  }
0x64: {  	_ =	shalt  }
0x65: {  	_ =	shalt  }
0x66: {  	_ =	shalt  }
0x67: {  	_ =	shalt  }
0x68: {  	_ =	shalt  }
0x69: {  	_ =	shalt  }
0x6a: {  	_ =	shalt  }
0x6b: {  	_ =	shalt  }
0x6c: {  	_ =	shalt  }
0x6d: {  	_ =	shalt  }
0x6e: {  	_ =	shalt  }
0x6f: {  	_ =	shalt  }
0x70: {  	_ =	shalt  }
0x71: {  	_ =	shalt  }
0x72: {  	_ =	shalt  }
0x73: {  	_ =	shalt  }
0x74: {  	_ =	shalt  }
0x75: {  	_ =	shalt  }
0x76: {  	_ =	shalt  }
0x77: {  	_ =	shalt  }
0x78: {  	_ =	shalt  }
0x79: {  	_ =	shalt  }
0x7a: {  	_ =	shalt  }
0x7b: {  	_ =	shalt  }
0x7c: {  	_ =	shalt  }
0x7d: {  	_ =	shalt  }
0x7e: {  	_ =	shalt  }
0x7f: {  	_ =	shalt  }
0x80: {  	_ =	shalt  }
0x81: {  	_ =	shalt  }
0x82: {  	_ =	shalt  }
0x83: {  	_ =	shalt  }
0x84: {  	_ =	shalt  }
0x85: {  	_ =	shalt  }
0x86: {  	_ =	shalt  }
0x87: {  	_ =	shalt  }
.Lfunc_end0:
.L_simem_size_0:
called_computation.2_lowered:
.L_overlay_start_0:
0x88: {  	s2 =	sld [smem:$0x3FD9]  }
0x89: {  	s3 =	sld [smem:$0x3FFE];
	_ =	sdelay $0x1  }
0x8a: {  	s1 =	srdreg.scid  }
0x8b: {  	s0 =	sand.u32 $0x1, s1  }
0x8c: {  	s17 =	sshll.u32 s0, $0xA;
	s2 =	sadd.s32 s3, s2  }
0x8d: {  	s2 =	sadd.s32 s2, s17  }
0x8e: {  	[smem:$0x3FC7] =	sst s2  }
0x8f: {  	_ = 	snop  }
0x90: {  	s2 =	sld [smem:$0x3FC9]  }
0x91: {  	s18 =	sld [smem:$0x3FD0];
	(tm) =	ssettm $0x1  }
0x92: {  	s4 =	sld [smem:$0x3FFB];
	_ =	sdelay $0x3  }
0x93: {  	_ =	strace s4  }
0x94: {  	s4 =	sld [smem:$0x3FFC];
	_ =	sdelay $0x3  }
0x95: {  	_ =	strace s4  }
0x96: {  	s4 =	sld [smem:$0x3FFD];
	_ =	sdelay $0x3  }
0x97: {  	_ =	strace s4  }
0x98: {  	_ =	strace $0x8FFFFFFF  }
0x99: {  	s19 =	sld [smem:$0x3FDB];
	_ =	sdelay $0x1  }
0x9a: {  	s5 =	simm.s32 $_scs_section_size  }
0x9b: {  	s6 =	simm.s32 $_size__tile_overlayer_lowered;
	s7 =	simm.s32 $_tile_overlayer_lowered  }
0x9c: {  	s22 =	simm.s32 $0x1BFF;
	s21 =	sshll.u32 s7, $0x1;
	s4 =	sadd.s32 s5, s19  }
0x9d: {  	s8 =	simm.s32 $0x0;
	s20 =	sshll.u32 s6, $0x1;
	s6 =	sadd.s32 s21, s4  }
0x9e: {  	[timem:s8], [sflag:s22] =	dma.local [hbm:s6], s20  }
0x9f: {  	_ =	swait.ge [sflag:s22], s20  }
0xa0: {  	s5 =	ssub.s32 $0x0, s20;
	[sflag:s22] =	ssyncset.done $0x0  }
0xa1: {  	[sflag:s22] =	ssyncadd.s32 s5;
	_ =	sdelay $0x1  }
0xa2: {  	s23 =	simm.s32 $0x1B8B  }
0xa3: {  	_ =	swait.ge [sflag:s23], $0x1  }
0xa4: {  	[sflag:s23] =	ssyncset.done $0x0  }
0xa5: {  	s25 =	simm.s32 $0x1B8E;
	s24 =	sld [smem:$0x3FFE];
	[sflag:s23] =	ssyncadd.s32 $0xFFFFFFFF  }
0xa6: {  	s26 =	simm.s32 $execute0_lowered;
	[smem:$0x3FD2] =	sst s25  }
0xa7: {  	s6 =	sshll.u32 s26, $0x1;
	_ =	strace $0x8000004C;
	[dreg:$0x1] =	wrdreg $0xFFFFFFFF  }
0xa8: {  	s28 =	simm.s32 $_size_execute0_lowered;
	s4 =	sadd.s32 s4, s6;
	[dreg:$0x0] =	wrdreg $0x0  }
0xa9: {  	s6 =	sshll.u32 s28, $0x1;
	[dreg:$0x2] =	wrdreg s4  }
0xaa: {  	[dreg:$0x3] =	wrdreg s6  }
0xab: {  	[dreg:$0x4] =	wrdreg $0xC0  }
0xac: {  	_ =	task [dreg:s8], $0x5FFFF  }
0xad: {  	[dreg:$0x1] =	wrdreg $0xFFFFFFFF  }
0xae: {  	[dreg:$0x0] =	wrdreg $0x60  }
0xaf: {  	[dreg:$0x2] =	wrdreg s18  }
0xb0: {  	[dreg:$0x3] =	wrdreg s24  }
0xb1: {  	[dreg:$0x4] =	wrdreg s2  }
0xb2: {  	[dreg:$0x5] =	wrdreg $0x9  }
0xb3: {  	_ =	task.clear_ibuf [dreg:s8], $0x6FFFF;
	_ =	strace $0x9000004C  }
0xb4: {  	s29 =	simm.s32 $0x9;
	_ =	strace $0x8000004E  }
0xb5: {  	_ =	swait.ge [sflag:s29], $0x1  }
0xb6: {  	[sflag:s29] =	ssyncadd.s32 $0xFFFFFFFF  }
0xb7: {  	_ =	strace $0x9000004E  }
0xb8: {  	_ =	sfence  }
0xb9: {  	s30 =	sld [smem:$0x0];
	_ =	sdelay $0x2  }
0xba: {  	s31 =	sshll.u32 s1, $0xD;
	s1 =	sshrl.u32 s1, $0x2  }
0xbb: {  	s3 =	sand.u32 $0x4000, s31;
	s1 =	sadd.s32 s1, s30  }
0xbc: {  	s0 =	sor.u32 s3, s0;
	s1 =	sshll.u32 s1, $0x11  }
0xbd: {  	s0 =	sor.u32 s1, s0  }
0xbe: {  	s0 =	sadd.s32 $0x8F2B, s0  }
0xbf: {  	[sflag:s0] =	ssyncadd.remote.s32 $0x1  }
0xc0: {  	_ =	sfence.sel $0xFFFF  }
0xc1: {  	[dreg:$0x0] =	wrdreg $0xFFFFFFFF;
	(pc) =	sbr.abs _section_cstart, $3  }
0xc2: {  	[dreg:$0x1] =	wrdreg $0xFFFFFFFF  }
0xc3: {  	_ =	task.clear_ibuf [dreg:s8], $0x2FFFF;
	_ =	strace $0x9FFFFFFF  }
0xc4: {  	(tm) =	ssettm $0x7FFFFFFF  }
0xc5: {  	_ =	shalt  }
tec
execute0_lowered:
.L_overlay_start_1:
0x0: {  	(tag) =	ssettag $0x1  }
0x1: {  	s1 =	srdreg.scid;
	s5 =	rddreg [dreg:$0x0]  }
0x2: {  	s0 =	stileid.u32;
	s6 =	rddreg [dreg:$0x1]  }
0x3: {  	s9 =	rddreg [dreg:$0x2];
	s2 =	simm.s32 $0x0;
	s14 =	simm.s32 $0xC880  }
0x4: {  	s15 =	simm.s32 $0x4000;
	s16 =	simm.s32 $0x80;
	s17 =	simm.s32 $0x400  }
0x5: {  	s18 =	simm.s32 $0xC000;
	s19 =	simm.s32 $0x200;
	s20 =	simm.s32 $0x2000  }
0x6: {  	s21 =	simm.s32 $0x0;
	s4 =	sand.u32 $0x1, s1;
	s29 =	sshll.u32 s0, $0x1  }
0x7: {  	s3 =	sshrl.u32 s0, $0x2;
	[smem:$0x7FF] =	sst s2;
	s7 =	sor.u32 s4, s29  }
0x8: {  	s10 =	sshll.u32 s3, $0xA;
	_ =	strace $0x8000004D;
	s11 =	sshll.u32 s3, $0xE  }
0x9: {  	s3 =	sadd.s32 $0x400, s6;
	s4 =	ssub.s32 $0x2, s4;
	s1 =	sshll.u32 s7, $0x7  }
0xa: {  	s30 =	sshrl.u32 s4, $0x1;
	s31 =	sshll.u32 s7, $0x10;
	s8 =	sand.u32 $0x380, s1  }
0xb: {  	s12 =	sshll.u32 s7, $0xC;
	s9 =	sadd.s32 s9, s31;
	s10 =	sor.u32 s10, s8  }
0xc: {  	s8 =	sor.u32 s11, s8;
	s11 =	ssub.s32 s4, s30;
	s4 =	sadd.s32 s5, s12  }
0xd: {  	s12 =	simm.s32 $0xC800;
	s10 =	sshrl.u32 s10, $0x3;
	s8 =	sshrl.u32 s8, $0x3  }
0xe: {  	v0 =	vlaneseq.u32;
	s7 =	sadd.s32 $0x800, s4;
	s11 =	smax.u32 s11, $0x1;
	s10 =	sadd.s32 s10, s6  }
0xf: {  	v2 =	vmul.u32 $0x800, v0;
	s13 =	sadd.s32 s8, s6;
	s6 =	sadd.s32 $0x400, s4;
	s8 =	sadd.s32 $0xC00, s4  }
0x10: {  	v1 =	vimm.s32 $0x0;
	v3 =	vimm.s32 $0x1;
	s5 =	sadd.s32 $0x2400, s10;
	s10 =	sadd.s32 $0x2600, s13;
	s13 =	simm.s32 $0x1  }
.LBB2_1:
0x11: {  	[tilespmem:s12], [sflag:$0x1] =	stream.linear.gather [hbm4b:s3+s2], $0x80, $0x38;
	[tilespmem:$0xC900] =	vst v63  }
0x12: {  	_ =	swait.ge [sflag:s13], $0x80  }
0x13: {  	[sflag:s13] =	ssyncset.done $0x0  }
0x14: {  	[sflag:s13] =	ssyncadd.s32 $0xFFFFFF80  }
0x15: {  	[tilespmem:s14], [sflag:$0x1] =	stream.linear.gather [hbm4b:s5+s2], $0x80, $0x38;
	[tilespmem:$0xC900] =	vst v63  }
0x16: {  	_ =	swait.ge [sflag:s13], $0x80  }
0x17: {  	[sflag:s13] =	ssyncset.done $0x0  }
0x18: {  	[sflag:s13] =	ssyncadd.s32 $0xFFFFFF80  }
0x19: {  	v5 =	vld [tilespmem:$0xC880];
	_ =	sdelay $0x3  }
0x1a: {  	s22 =	simm.s32 $0x40;
	s23 =	simm.s32 $0x0;
	v4 =	vld [tilespmem:$0xC800]  }
.LBB2_2:
0x1b: {  	p0 =	sne.s32 s22, $0x1FFC0;
	[tilespmem:s23+$0x4000] =	vst v1;
	s23 =	smov.u32 s22;
	s22 =	sadd.s32 $0x40, s22  }
.Ltmp0:
0x1c: {  	(pc) =	sbr.rel @p0 .LBB2_2-.Ltmp0, $2  }
0x1d: {  	_ =	sdelay $0x2  }
0x1e: {  	s23 =	sshra.s32 s23, $0x2  }
0x1f: {  	(v2sf) =	vpush v5, $0x0;
	_ =	sdelay $0xe  }
0x20: {  	s22 =	spop (v2sf)  }
0x21: {  	p0 =	sgt.s32 s22, $0x7FF0  }
.Ltmp1:
0x22: {  	_ = 	snop;
	(pc) =	sbr.rel @p0 .LBB2_13-.Ltmp1, $2  }
0x23: {  	_ =	sdelay $0x2  }
0x24: {  	[tilespmem:s23+$0x4000] =	vst v1;
	s22 =	simm.s32 $0x0  }
0x25: {  	[tilespmem:s2], [sflag:$0x1] =	stream.linear.gather [hbm4b:s4+s2], $0x2000, $0x38;
	[tilespmem:$0xC900] =	vst v63  }
0x26: {  	_ =	swait.ge [sflag:s13], $0x2000  }
0x27: {  	[sflag:s13] =	ssyncset.done $0x0  }
0x28: {  	s23 =	simm.s32 $0x40;
	[sflag:s13] =	ssyncadd.s32 $0xFFFFE000  }
0x29: {  	v6 =	vld [tilespmem:s23+$0x30]  }
0x2a: {  	v7 =	vld [tilespmem:s23+$0xFFFFFFC0]  }
0x2b: {  	v8 =	vld [tilespmem:s23+$0xFFFFFFD0]  }
0x2c: {  	s22 =	simm.s32 $0x70;
	s24 =	simm.s32 $0x0;
	v10 =	vld [tilespmem:s23+$0xFFFFFFF0]  }
0x2d: {  	s28 =	simm.s32 $0x10;
	s25 =	simm.s32 $0x20;
	s29 =	simm.s32 $0x30;
	v11 =	vor.u32 s22, v0;
	v17 =	vor.u32 s24, v0;
	v14 =	vld [tilespmem:s23+$0x0]  }
0x2e: {  	s26 =	simm.s32 $0x40;
	s30 =	simm.s32 $0x50;
	v19 =	vor.u32 s28, v0;
	v20 =	vor.u32 s25, v0;
	v22 =	vor.u32 s29, v0;
	v15 =	vld [tilespmem:s23+$0x10]  }
0x2f: {  	v23 =	vor.u32 s26, v0;
	v25 =	vor.u32 s30, v0;
	vm1 =	vlt.s32 v11, v5;
	v9 =	vld [tilespmem:s23+$0xFFFFFFE0]  }
0x30: {  	vm9 =	vlt.s32 v17, v5;
	vm12 =	vlt.s32 v19, v5;
	vm11 =	vlt.s32 v22, v5  }
0x31: {  	vm10 =	vlt.s32 v23, v5;
	v16 =	vld [tilespmem:s23+$0x20];
	v12 =	vshrl.u32 v6, $0xA;
	v13 =	vshrl.u32 v7, $0xA  }
0x32: {  	v11 =	vshrl.u32 v8, $0xA;
	v6 =	vand.u32 $0x7FF, v6;
	v21 =	vshrl.u32 v10, $0xA  }
0x33: {  	v24 =	vshrl.u32 v14, $0xA;
	v26 =	vshrl.u32 v15, $0xA;
	vm0 =	veq.s32 v12, v4  }
0x34: {  	s31 =	simm.s32 $0x60;
	v7 =	vand.u32 $0x7FF, v7;
	v12 =	vshrl.u32 v9, $0xA;
	vm0 =	vmand vm1, vm0  }
0x35: {  	v18 =	vor.u32 v2, v6;
	v6 =	vor.u32 s31, v0;
	vm4 =	veq.s32 v13, v4  }
0x36: {  	vm5 =	veq.s32 v11, v4;
	v11 =	vshrl.u32 v16, $0xA;
	vm6 =	veq.s32 v21, v4  }
0x37: {  	vm8 =	veq.s32 v24, v4;
	vm3 =	veq.s32 v26, v4;
	v13 =	vand.u32 $0x7FF, v8  }
0x38: {  	v8 =	vand.u32 $0x7FF, v16;
	vm7 =	veq.s32 v12, v4;
	vm2 =	veq.s32 v11, v4  }
0x39: {  	v12 =	vand.u32 $0x7FF, v9;
	v11 =	vand.u32 $0x7FF, v10;
	v10 =	vand.u32 $0x7FF, v14  }
0x3a: {  	s24 =	simm.s32 $0xC0;
	s23 =	simm.s32 $0x0;
	v9 =	vand.u32 $0x7FF, v15;
	vm1 =	vlt.s32 v20, v5;
	[tilespmem:v18+s15+$0x0] =	vst.idx.add.s32.msk vm0, v3;
	vm0 =	vlt.s32 v25, v5  }
.LBB2_5:
0x3b: {  	v14 =	vld [tilespmem:s24+$0x30];
	s23 =	sadd.s32 $0x8, s23;
	vm9 =	vmand vm9, vm4;
	vm5 =	vmand vm12, vm5;
	vm12 =	vlt.s32 v6, v5  }
0x3c: {  	vm7 =	vmand vm1, vm7;
	vm4 =	vmand vm11, vm6;
	vm6 =	vmand vm10, vm8;
	v15 =	vld [tilespmem:s24+$0xFFFFFFC0];
	p0 =	slt.u32 s23, $0x1F8  }
0x3d: {  	v6 =	vor.u32 v2, v7;
	vm1 =	vmand vm0, vm3;
	vm0 =	vmand vm12, vm2;
	v16 =	vld [tilespmem:s24+$0xFFFFFFD0]  }
0x3e: {  	v7 =	vor.u32 v2, v13;
	v12 =	vor.u32 v2, v12;
	v11 =	vor.u32 v2, v11;
	v17 =	vld [tilespmem:s24+$0xFFFFFFE0]  }
0x3f: {  	v10 =	vor.u32 v2, v10;
	v9 =	vor.u32 v2, v9;
	v19 =	vor.u32 v2, v8;
	s22 =	sadd.s32 $0x80, s22;
	v18 =	vld [tilespmem:s24+$0xFFFFFFF0]  }
0x40: {  	s25 =	sadd.s32 $0xFFFFFFA0, s22;
	s26 =	sadd.s32 $0xFFFFFFB0, s22;
	s28 =	sadd.s32 $0xFFFFFFC0, s22;
	v13 =	vor.u32 s22, v0;
	v8 =	vld [tilespmem:s24+$0x0];
	v20 =	vshrl.u32 v14, $0xA  }
0x41: {  	s29 =	sadd.s32 $0xFFFFFFD0, s22;
	s30 =	sadd.s32 $0xFFFFFFE0, s22;
	s31 =	sadd.s32 $0xFFFFFFF0, s22;
	vm3 =	vlt.s32 v13, v5;
	v21 =	vshrl.u32 v15, $0xA;
	v22 =	vld [tilespmem:s24+$0x10];
	vm2 =	veq.s32 v20, v4  }
0x42: {  	s1 =	sadd.s32 $0xFFFFFF90, s22;
	v14 =	vand.u32 $0x7FF, v14;
	v13 =	vshrl.u32 v16, $0xA;
	v20 =	vld [tilespmem:s24+$0x20];
	vm2 =	vmand vm3, vm2  }
0x43: {  	v23 =	vor.u32 s1, v0;
	v14 =	vor.u32 v2, v14;
	v24 =	vshrl.u32 v17, $0xA;
	[tilespmem:v6+s15+$0x0] =	vst.idx.add.s32.msk vm9, v3  }
0x44: {  	v25 =	vor.u32 s25, v0;
	v26 =	vor.u32 s26, v0;
	v27 =	vshrl.u32 v18, $0xA;
	[tilespmem:v7+s15+$0x0] =	vst.idx.add.s32.msk vm5, v3  }
0x45: {  	v28 =	vor.u32 s28, v0;
	v29 =	vor.u32 s29, v0;
	v30 =	vshrl.u32 v8, $0xA;
	[tilespmem:v12+s15+$0x0] =	vst.idx.add.s32.msk vm7, v3  }
0x46: {  	v31 =	vor.u32 s30, v0;
	v6 =	vor.u32 s31, v0;
	v12 =	vshrl.u32 v22, $0xA;
	[tilespmem:v11+s15+$0x0] =	vst.idx.add.s32.msk vm4, v3  }
0x47: {  	vm5 =	veq.s32 v13, v4;
	vm4 =	veq.s32 v21, v4;
	v11 =	vshrl.u32 v20, $0xA;
	[tilespmem:v10+s15+$0x0] =	vst.idx.add.s32.msk vm6, v3  }
0x48: {  	v7 =	vand.u32 $0x7FF, v15;
	vm7 =	veq.s32 v24, v4;
	vm6 =	veq.s32 v27, v4;
	[tilespmem:v14+s15+$0x0] =	vst.idx.add.s32.msk vm2, v3  }
.Ltmp2:
0x49: {  	vm8 =	veq.s32 v30, v4;
	vm3 =	veq.s32 v12, v4;
	vm2 =	veq.s32 v11, v4;
	(pc) =	sbr.rel @p0 .LBB2_5-.Ltmp2, $4  }
0x4a: {  	v13 =	vand.u32 $0x7FF, v16;
	v12 =	vand.u32 $0x7FF, v17;
	v11 =	vand.u32 $0x7FF, v18;
	[tilespmem:v9+s15+$0x0] =	vst.idx.add.s32.msk vm1, v3  }
0x4b: {  	v10 =	vand.u32 $0x7FF, v8;
	v8 =	vand.u32 $0x7FF, v20;
	v9 =	vand.u32 $0x7FF, v22;
	[tilespmem:v19+s15+$0x0] =	vst.idx.add.s32.msk vm0, v3  }
0x4c: {  	vm12 =	vlt.s32 v25, v5;
	vm9 =	vlt.s32 v23, v5;
	vm1 =	vlt.s32 v26, v5  }
0x4d: {  	vm11 =	vlt.s32 v28, v5;
	vm10 =	vlt.s32 v29, v5;
	s24 =	sadd.s32 $0x80, s24;
	vm0 =	vlt.s32 v31, v5  }
0x4e: {  	vm4 =	vmand vm9, vm4  }
0x4f: {  	vm5 =	vmand vm12, vm5;
	v7 =	vor.u32 v2, v7  }
0x50: {  	vm1 =	vmand vm1, vm7;
	v13 =	vor.u32 v2, v13  }
0x51: {  	vm6 =	vmand vm11, vm6;
	v12 =	vor.u32 v2, v12  }
0x52: {  	vm7 =	vmand vm10, vm8;
	v11 =	vor.u32 v2, v11  }
0x53: {  	vm8 =	vlt.s32 v6, v5;
	vm0 =	vmand vm0, vm3;
	v6 =	vor.u32 v2, v10  }
0x54: {  	v9 =	vor.u32 v2, v9;
	vm2 =	vmand vm8, vm2;
	[tilespmem:v7+s15+$0x0] =	vst.idx.add.s32.msk vm4, v3  }
0x55: {  	v7 =	vor.u32 v2, v8;
	[tilespmem:v13+s15+$0x0] =	vst.idx.add.s32.msk vm5, v3  }
0x56: {  	[tilespmem:v12+s15+$0x0] =	vst.idx.add.s32.msk vm1, v3  }
0x57: {  	[tilespmem:v11+s15+$0x0] =	vst.idx.add.s32.msk vm6, v3  }
0x58: {  	[tilespmem:v6+s15+$0x0] =	vst.idx.add.s32.msk vm7, v3  }
0x59: {  	[tilespmem:v9+s15+$0x0] =	vst.idx.add.s32.msk vm0, v3  }
0x5a: {  	[tilespmem:v7+s15+$0x0] =	vst.idx.add.s32.msk vm2, v3  }
0x5b: {  	[tilespmem:s2], [sflag:$0x1] =	stream.linear.gather [hbm4b:s6+s2], $0x2000, $0x38;
	[tilespmem:$0xC900] =	vst v63  }
0x5c: {  	_ =	swait.ge [sflag:s13], $0x2000  }
0x5d: {  	[sflag:s13] =	ssyncset.done $0x0  }
0x5e: {  	s1 =	simm.s32 $0x40;
	[sflag:s13] =	ssyncadd.s32 $0xFFFFE000  }
0x5f: {  	v6 =	vld [tilespmem:s1+$0x30]  }
0x60: {  	v8 =	vld [tilespmem:s1+$0xFFFFFFD0]  }
0x61: {  	v10 =	vld [tilespmem:s1+$0xFFFFFFF0]  }
0x62: {  	s23 =	simm.s32 $0x2000;
	s28 =	simm.s32 $0x2010;
	v14 =	vld [tilespmem:s1+$0x0]  }
0x63: {  	s22 =	simm.s32 $0x2070;
	s24 =	simm.s32 $0x2020;
	s29 =	simm.s32 $0x2030;
	v17 =	vor.u32 s23, v0;
	v19 =	vor.u32 s28, v0;
	v15 =	vld [tilespmem:s1+$0x10]  }
0x64: {  	s25 =	simm.s32 $0x2040;
	s30 =	simm.s32 $0x2050;
	v20 =	vor.u32 s24, v0;
	v22 =	vor.u32 s29, v0;
	v7 =	vor.u32 s22, v0;
	v16 =	vld [tilespmem:s1+$0x20]  }
0x65: {  	v23 =	vor.u32 s25, v0;
	v25 =	vor.u32 s30, v0;
	vm1 =	vlt.s32 v7, v5;
	v7 =	vld [tilespmem:s1+$0xFFFFFFC0]  }
0x66: {  	vm9 =	vlt.s32 v17, v5;
	vm12 =	vlt.s32 v19, v5;
	vm11 =	vlt.s32 v22, v5;
	v9 =	vld [tilespmem:s1+$0xFFFFFFE0]  }
0x67: {  	vm10 =	vlt.s32 v23, v5;
	v11 =	vshrl.u32 v6, $0xA;
	v12 =	vshrl.u32 v8, $0xA  }
0x68: {  	v6 =	vand.u32 $0x7FF, v6;
	v13 =	vshrl.u32 v10, $0xA;
	v21 =	vshrl.u32 v14, $0xA  }
0x69: {  	v24 =	vshrl.u32 v15, $0xA;
	v26 =	vshrl.u32 v16, $0xA;
	vm0 =	veq.s32 v11, v4  }
0x6a: {  	s31 =	simm.s32 $0x2060;
	v27 =	vshrl.u32 v7, $0xA;
	v7 =	vand.u32 $0x7FF, v7;
	vm0 =	vmand vm1, vm0  }
0x6b: {  	v11 =	vshrl.u32 v9, $0xA;
	v18 =	vor.u32 v2, v6;
	v6 =	vor.u32 s31, v0  }
0x6c: {  	vm5 =	veq.s32 v12, v4;
	vm8 =	veq.s32 v27, v4;
	vm6 =	veq.s32 v13, v4  }
0x6d: {  	vm7 =	veq.s32 v21, v4;
	vm4 =	veq.s32 v24, v4;
	vm3 =	veq.s32 v26, v4  }
0x6e: {  	v13 =	vand.u32 $0x7FF, v8;
	v12 =	vand.u32 $0x7FF, v9;
	v9 =	vand.u32 $0x7FF, v15  }
0x6f: {  	v8 =	vand.u32 $0x7FF, v16;
	vm2 =	veq.s32 v11, v4;
	v11 =	vand.u32 $0x7FF, v10  }
0x70: {  	s23 =	simm.s32 $0x0;
	s24 =	simm.s32 $0xC0;
	v10 =	vand.u32 $0x7FF, v14;
	vm1 =	vlt.s32 v20, v5;
	[tilespmem:v18+s15+$0x0] =	vst.idx.add.s32.msk vm0, v3;
	vm0 =	vlt.s32 v25, v5  }
.LBB2_7:
0x71: {  	v14 =	vld [tilespmem:s24+$0x30];
	s23 =	sadd.s32 $0x8, s23;
	vm9 =	vmand vm9, vm8;
	vm5 =	vmand vm12, vm5;
	vm12 =	vlt.s32 v6, v5  }
0x72: {  	vm8 =	vmand vm1, vm2;
	vm2 =	vmand vm11, vm6;
	vm6 =	vmand vm10, vm7;
	v15 =	vld [tilespmem:s24+$0xFFFFFFD0];
	p0 =	slt.u32 s23, $0x1F8  }
0x73: {  	v6 =	vor.u32 v2, v7;
	vm1 =	vmand vm0, vm4;
	vm0 =	vmand vm12, vm3;
	v16 =	vld [tilespmem:s24+$0xFFFFFFE0]  }
0x74: {  	v7 =	vor.u32 v2, v13;
	v12 =	vor.u32 v2, v12;
	v11 =	vor.u32 v2, v11;
	v17 =	vld [tilespmem:s24+$0xFFFFFFF0]  }
0x75: {  	v10 =	vor.u32 v2, v10;
	v9 =	vor.u32 v2, v9;
	v19 =	vor.u32 v2, v8;
	s22 =	sadd.s32 $0x80, s22;
	v18 =	vld [tilespmem:s24+$0x0]  }
0x76: {  	s1 =	sadd.s32 $0xFFFFFF90, s22;
	s25 =	sadd.s32 $0xFFFFFFA0, s22;
	s26 =	sadd.s32 $0xFFFFFFB0, s22;
	v13 =	vor.u32 s22, v0;
	v8 =	vld [tilespmem:s24+$0x10];
	v20 =	vshrl.u32 v14, $0xA  }
0x77: {  	s28 =	sadd.s32 $0xFFFFFFC0, s22;
	s29 =	sadd.s32 $0xFFFFFFD0, s22;
	s30 =	sadd.s32 $0xFFFFFFE0, s22;
	vm4 =	vlt.s32 v13, v5;
	v21 =	vshrl.u32 v15, $0xA;
	v22 =	vld [tilespmem:s24+$0x20];
	vm3 =	veq.s32 v20, v4  }
0x78: {  	s31 =	sadd.s32 $0xFFFFFFF0, s22;
	v14 =	vand.u32 $0x7FF, v14;
	v13 =	vld [tilespmem:s24+$0xFFFFFFC0];
	v20 =	vshrl.u32 v16, $0xA;
	vm3 =	vmand vm4, vm3  }
0x79: {  	v23 =	vor.u32 s1, v0;
	v14 =	vor.u32 v2, v14;
	v24 =	vshrl.u32 v17, $0xA;
	[tilespmem:v6+s15+$0x0] =	vst.idx.add.s32.msk vm9, v3  }
0x7a: {  	v25 =	vor.u32 s25, v0;
	v26 =	vor.u32 s26, v0;
	v27 =	vshrl.u32 v18, $0xA;
	[tilespmem:v7+s15+$0x0] =	vst.idx.add.s32.msk vm5, v3  }
0x7b: {  	v28 =	vor.u32 s28, v0;
	v29 =	vor.u32 s29, v0;
	v30 =	vshrl.u32 v8, $0xA;
	[tilespmem:v12+s15+$0x0] =	vst.idx.add.s32.msk vm8, v3  }
0x7c: {  	v31 =	vor.u32 s30, v0;
	v6 =	vor.u32 s31, v0;
	v12 =	vshrl.u32 v22, $0xA;
	[tilespmem:v11+s15+$0x0] =	vst.idx.add.s32.msk vm2, v3  }
0x7d: {  	vm5 =	veq.s32 v21, v4;
	vm2 =	veq.s32 v20, v4;
	v7 =	vshrl.u32 v13, $0xA;
	[tilespmem:v10+s15+$0x0] =	vst.idx.add.s32.msk vm6, v3  }
0x7e: {  	vm6 =	veq.s32 v24, v4;
	vm8 =	veq.s32 v7, v4;
	v7 =	vand.u32 $0x7FF, v13;
	[tilespmem:v14+s15+$0x0] =	vst.idx.add.s32.msk vm3, v3  }
.Ltmp3:
0x7f: {  	vm7 =	veq.s32 v27, v4;
	vm4 =	veq.s32 v30, v4;
	vm3 =	veq.s32 v12, v4;
	(pc) =	sbr.rel @p0 .LBB2_7-.Ltmp3, $4  }
0x80: {  	v11 =	vand.u32 $0x7FF, v17;
	v13 =	vand.u32 $0x7FF, v15;
	v12 =	vand.u32 $0x7FF, v16;
	[tilespmem:v9+s15+$0x0] =	vst.idx.add.s32.msk vm1, v3  }
0x81: {  	v10 =	vand.u32 $0x7FF, v18;
	v9 =	vand.u32 $0x7FF, v8;
	v8 =	vand.u32 $0x7FF, v22;
	[tilespmem:v19+s15+$0x0] =	vst.idx.add.s32.msk vm0, v3  }
0x82: {  	vm12 =	vlt.s32 v25, v5;
	vm9 =	vlt.s32 v23, v5;
	vm1 =	vlt.s32 v26, v5  }
0x83: {  	vm11 =	vlt.s32 v28, v5;
	vm10 =	vlt.s32 v29, v5;
	s24 =	sadd.s32 $0x80, s24;
	vm0 =	vlt.s32 v31, v5  }
0x84: {  	vm8 =	vmand vm9, vm8  }
0x85: {  	vm5 =	vmand vm12, vm5;
	v7 =	vor.u32 v2, v7  }
0x86: {  	vm1 =	vmand vm1, vm2;
	v13 =	vor.u32 v2, v13  }
0x87: {  	vm2 =	vmand vm11, vm6;
	v12 =	vor.u32 v2, v12  }
0x88: {  	vm6 =	vmand vm10, vm7;
	v11 =	vor.u32 v2, v11  }
0x89: {  	vm7 =	vlt.s32 v6, v5;
	vm0 =	vmand vm0, vm4;
	v6 =	vor.u32 v2, v10  }
0x8a: {  	v9 =	vor.u32 v2, v9;
	vm3 =	vmand vm7, vm3;
	[tilespmem:v7+s15+$0x0] =	vst.idx.add.s32.msk vm8, v3  }
0x8b: {  	v7 =	vor.u32 v2, v8;
	[tilespmem:v13+s15+$0x0] =	vst.idx.add.s32.msk vm5, v3  }
0x8c: {  	[tilespmem:v12+s15+$0x0] =	vst.idx.add.s32.msk vm1, v3  }
0x8d: {  	[tilespmem:v11+s15+$0x0] =	vst.idx.add.s32.msk vm2, v3  }
0x8e: {  	[tilespmem:v6+s15+$0x0] =	vst.idx.add.s32.msk vm6, v3  }
0x8f: {  	[tilespmem:v9+s15+$0x0] =	vst.idx.add.s32.msk vm0, v3  }
0x90: {  	[tilespmem:v7+s15+$0x0] =	vst.idx.add.s32.msk vm3, v3  }
0x91: {  	[tilespmem:s2], [sflag:$0x1] =	stream.linear.gather [hbm4b:s7+s2], $0x2000, $0x38;
	[tilespmem:$0xC900] =	vst v63  }
0x92: {  	_ =	swait.ge [sflag:s13], $0x2000  }
0x93: {  	[sflag:s13] =	ssyncset.done $0x0  }
0x94: {  	s1 =	simm.s32 $0x40;
	[sflag:s13] =	ssyncadd.s32 $0xFFFFE000  }
0x95: {  	v6 =	vld [tilespmem:s1+$0x30]  }
0x96: {  	v8 =	vld [tilespmem:s1+$0xFFFFFFD0]  }
0x97: {  	v10 =	vld [tilespmem:s1+$0xFFFFFFF0]  }
0x98: {  	s23 =	simm.s32 $0x4000;
	s28 =	simm.s32 $0x4010;
	v14 =	vld [tilespmem:s1+$0x0]  }
0x99: {  	s22 =	simm.s32 $0x4070;
	s24 =	simm.s32 $0x4020;
	s29 =	simm.s32 $0x4030;
	v17 =	vor.u32 s23, v0;
	v19 =	vor.u32 s28, v0;
	v15 =	vld [tilespmem:s1+$0x10]  }
0x9a: {  	s25 =	simm.s32 $0x4040;
	s30 =	simm.s32 $0x4050;
	v20 =	vor.u32 s24, v0;
	v22 =	vor.u32 s29, v0;
	v7 =	vor.u32 s22, v0;
	v16 =	vld [tilespmem:s1+$0x20]  }
0x9b: {  	v23 =	vor.u32 s25, v0;
	v25 =	vor.u32 s30, v0;
	vm1 =	vlt.s32 v7, v5;
	v7 =	vld [tilespmem:s1+$0xFFFFFFC0]  }
0x9c: {  	vm9 =	vlt.s32 v17, v5;
	vm12 =	vlt.s32 v19, v5;
	vm11 =	vlt.s32 v22, v5;
	v9 =	vld [tilespmem:s1+$0xFFFFFFE0]  }
0x9d: {  	vm10 =	vlt.s32 v23, v5;
	v11 =	vshrl.u32 v6, $0xA;
	v12 =	vshrl.u32 v8, $0xA  }
0x9e: {  	v6 =	vand.u32 $0x7FF, v6;
	v13 =	vshrl.u32 v10, $0xA;
	v21 =	vshrl.u32 v14, $0xA  }
0x9f: {  	v24 =	vshrl.u32 v15, $0xA;
	v26 =	vshrl.u32 v16, $0xA;
	vm0 =	veq.s32 v11, v4  }
0xa0: {  	s31 =	simm.s32 $0x4060;
	v27 =	vshrl.u32 v7, $0xA;
	v7 =	vand.u32 $0x7FF, v7;
	vm0 =	vmand vm1, vm0  }
0xa1: {  	v11 =	vshrl.u32 v9, $0xA;
	v18 =	vor.u32 v2, v6;
	v6 =	vor.u32 s31, v0  }
0xa2: {  	vm5 =	veq.s32 v12, v4;
	vm8 =	veq.s32 v27, v4;
	vm6 =	veq.s32 v13, v4  }
0xa3: {  	vm7 =	veq.s32 v21, v4;
	vm4 =	veq.s32 v24, v4;
	vm3 =	veq.s32 v26, v4  }
0xa4: {  	v13 =	vand.u32 $0x7FF, v8;
	v12 =	vand.u32 $0x7FF, v9;
	v9 =	vand.u32 $0x7FF, v15  }
0xa5: {  	v8 =	vand.u32 $0x7FF, v16;
	vm2 =	veq.s32 v11, v4;
	v11 =	vand.u32 $0x7FF, v10  }
0xa6: {  	s23 =	simm.s32 $0x0;
	s24 =	simm.s32 $0xC0;
	v10 =	vand.u32 $0x7FF, v14;
	vm1 =	vlt.s32 v20, v5;
	[tilespmem:v18+s15+$0x0] =	vst.idx.add.s32.msk vm0, v3;
	vm0 =	vlt.s32 v25, v5  }
.LBB2_9:
0xa7: {  	v14 =	vld [tilespmem:s24+$0x30];
	s23 =	sadd.s32 $0x8, s23;
	vm9 =	vmand vm9, vm8;
	vm5 =	vmand vm12, vm5;
	vm12 =	vlt.s32 v6, v5  }
0xa8: {  	vm8 =	vmand vm1, vm2;
	vm2 =	vmand vm11, vm6;
	vm6 =	vmand vm10, vm7;
	v15 =	vld [tilespmem:s24+$0xFFFFFFD0];
	p0 =	slt.u32 s23, $0x1F8  }
0xa9: {  	v6 =	vor.u32 v2, v7;
	vm1 =	vmand vm0, vm4;
	vm0 =	vmand vm12, vm3;
	v16 =	vld [tilespmem:s24+$0xFFFFFFE0]  }
0xaa: {  	v7 =	vor.u32 v2, v13;
	v12 =	vor.u32 v2, v12;
	v11 =	vor.u32 v2, v11;
	v17 =	vld [tilespmem:s24+$0xFFFFFFF0]  }
0xab: {  	v10 =	vor.u32 v2, v10;
	v9 =	vor.u32 v2, v9;
	v19 =	vor.u32 v2, v8;
	s22 =	sadd.s32 $0x80, s22;
	v18 =	vld [tilespmem:s24+$0x0]  }
0xac: {  	s1 =	sadd.s32 $0xFFFFFF90, s22;
	s25 =	sadd.s32 $0xFFFFFFA0, s22;
	s26 =	sadd.s32 $0xFFFFFFB0, s22;
	v13 =	vor.u32 s22, v0;
	v8 =	vld [tilespmem:s24+$0x10];
	v20 =	vshrl.u32 v14, $0xA  }
0xad: {  	s28 =	sadd.s32 $0xFFFFFFC0, s22;
	s29 =	sadd.s32 $0xFFFFFFD0, s22;
	s30 =	sadd.s32 $0xFFFFFFE0, s22;
	vm4 =	vlt.s32 v13, v5;
	v21 =	vshrl.u32 v15, $0xA;
	v22 =	vld [tilespmem:s24+$0x20];
	vm3 =	veq.s32 v20, v4  }
0xae: {  	s31 =	sadd.s32 $0xFFFFFFF0, s22;
	v14 =	vand.u32 $0x7FF, v14;
	v13 =	vld [tilespmem:s24+$0xFFFFFFC0];
	v20 =	vshrl.u32 v16, $0xA;
	vm3 =	vmand vm4, vm3  }
0xaf: {  	v23 =	vor.u32 s1, v0;
	v14 =	vor.u32 v2, v14;
	v24 =	vshrl.u32 v17, $0xA;
	[tilespmem:v6+s15+$0x0] =	vst.idx.add.s32.msk vm9, v3  }
0xb0: {  	v25 =	vor.u32 s25, v0;
	v26 =	vor.u32 s26, v0;
	v27 =	vshrl.u32 v18, $0xA;
	[tilespmem:v7+s15+$0x0] =	vst.idx.add.s32.msk vm5, v3  }
0xb1: {  	v28 =	vor.u32 s28, v0;
	v29 =	vor.u32 s29, v0;
	v30 =	vshrl.u32 v8, $0xA;
	[tilespmem:v12+s15+$0x0] =	vst.idx.add.s32.msk vm8, v3  }
0xb2: {  	v31 =	vor.u32 s30, v0;
	v6 =	vor.u32 s31, v0;
	v12 =	vshrl.u32 v22, $0xA;
	[tilespmem:v11+s15+$0x0] =	vst.idx.add.s32.msk vm2, v3  }
0xb3: {  	vm5 =	veq.s32 v21, v4;
	vm2 =	veq.s32 v20, v4;
	v7 =	vshrl.u32 v13, $0xA;
	[tilespmem:v10+s15+$0x0] =	vst.idx.add.s32.msk vm6, v3  }
0xb4: {  	vm6 =	veq.s32 v24, v4;
	vm8 =	veq.s32 v7, v4;
	v7 =	vand.u32 $0x7FF, v13;
	[tilespmem:v14+s15+$0x0] =	vst.idx.add.s32.msk vm3, v3  }
.Ltmp4:
0xb5: {  	vm7 =	veq.s32 v27, v4;
	vm4 =	veq.s32 v30, v4;
	vm3 =	veq.s32 v12, v4;
	(pc) =	sbr.rel @p0 .LBB2_9-.Ltmp4, $4  }
0xb6: {  	v11 =	vand.u32 $0x7FF, v17;
	v13 =	vand.u32 $0x7FF, v15;
	v12 =	vand.u32 $0x7FF, v16;
	[tilespmem:v9+s15+$0x0] =	vst.idx.add.s32.msk vm1, v3  }
0xb7: {  	v10 =	vand.u32 $0x7FF, v18;
	v9 =	vand.u32 $0x7FF, v8;
	v8 =	vand.u32 $0x7FF, v22;
	[tilespmem:v19+s15+$0x0] =	vst.idx.add.s32.msk vm0, v3  }
0xb8: {  	vm12 =	vlt.s32 v25, v5;
	vm9 =	vlt.s32 v23, v5;
	vm1 =	vlt.s32 v26, v5  }
0xb9: {  	vm11 =	vlt.s32 v28, v5;
	vm10 =	vlt.s32 v29, v5;
	s24 =	sadd.s32 $0x80, s24;
	vm0 =	vlt.s32 v31, v5  }
0xba: {  	vm8 =	vmand vm9, vm8  }
0xbb: {  	vm5 =	vmand vm12, vm5;
	v7 =	vor.u32 v2, v7  }
0xbc: {  	vm1 =	vmand vm1, vm2;
	v13 =	vor.u32 v2, v13  }
0xbd: {  	vm2 =	vmand vm11, vm6;
	v12 =	vor.u32 v2, v12  }
0xbe: {  	vm6 =	vmand vm10, vm7;
	v11 =	vor.u32 v2, v11  }
0xbf: {  	vm7 =	vlt.s32 v6, v5;
	vm0 =	vmand vm0, vm4;
	v6 =	vor.u32 v2, v10  }
0xc0: {  	v9 =	vor.u32 v2, v9;
	vm3 =	vmand vm7, vm3;
	[tilespmem:v7+s15+$0x0] =	vst.idx.add.s32.msk vm8, v3  }
0xc1: {  	v7 =	vor.u32 v2, v8;
	[tilespmem:v13+s15+$0x0] =	vst.idx.add.s32.msk vm5, v3  }
0xc2: {  	[tilespmem:v12+s15+$0x0] =	vst.idx.add.s32.msk vm1, v3  }
0xc3: {  	[tilespmem:v11+s15+$0x0] =	vst.idx.add.s32.msk vm2, v3  }
0xc4: {  	[tilespmem:v6+s15+$0x0] =	vst.idx.add.s32.msk vm6, v3  }
0xc5: {  	[tilespmem:v9+s15+$0x0] =	vst.idx.add.s32.msk vm0, v3  }
0xc6: {  	[tilespmem:v7+s15+$0x0] =	vst.idx.add.s32.msk vm3, v3  }
0xc7: {  	[tilespmem:s2], [sflag:$0x1] =	stream.linear.gather [hbm4b:s8+s2], $0x2000, $0x38;
	[tilespmem:$0xC900] =	vst v63  }
0xc8: {  	_ =	swait.ge [sflag:s13], $0x2000  }
0xc9: {  	[sflag:s13] =	ssyncset.done $0x0  }
0xca: {  	s1 =	simm.s32 $0x40;
	[sflag:s13] =	ssyncadd.s32 $0xFFFFE000  }
0xcb: {  	v6 =	vld [tilespmem:s1+$0x30]  }
0xcc: {  	v8 =	vld [tilespmem:s1+$0xFFFFFFD0]  }
0xcd: {  	v10 =	vld [tilespmem:s1+$0xFFFFFFF0]  }
0xce: {  	s23 =	simm.s32 $0x6000;
	s28 =	simm.s32 $0x6010;
	v14 =	vld [tilespmem:s1+$0x0]  }
0xcf: {  	s22 =	simm.s32 $0x6070;
	s24 =	simm.s32 $0x6020;
	s29 =	simm.s32 $0x6030;
	v17 =	vor.u32 s23, v0;
	v19 =	vor.u32 s28, v0;
	v15 =	vld [tilespmem:s1+$0x10]  }
0xd0: {  	s25 =	simm.s32 $0x6040;
	s30 =	simm.s32 $0x6050;
	v20 =	vor.u32 s24, v0;
	v22 =	vor.u32 s29, v0;
	v7 =	vor.u32 s22, v0;
	v16 =	vld [tilespmem:s1+$0x20]  }
0xd1: {  	v23 =	vor.u32 s25, v0;
	v25 =	vor.u32 s30, v0;
	vm1 =	vlt.s32 v7, v5;
	v7 =	vld [tilespmem:s1+$0xFFFFFFC0]  }
0xd2: {  	vm9 =	vlt.s32 v17, v5;
	vm12 =	vlt.s32 v19, v5;
	vm11 =	vlt.s32 v22, v5;
	v9 =	vld [tilespmem:s1+$0xFFFFFFE0]  }
0xd3: {  	vm10 =	vlt.s32 v23, v5;
	v11 =	vshrl.u32 v6, $0xA;
	v12 =	vshrl.u32 v8, $0xA  }
0xd4: {  	v6 =	vand.u32 $0x7FF, v6;
	v13 =	vshrl.u32 v10, $0xA;
	v21 =	vshrl.u32 v14, $0xA  }
0xd5: {  	v24 =	vshrl.u32 v15, $0xA;
	v26 =	vshrl.u32 v16, $0xA;
	vm0 =	veq.s32 v11, v4  }
0xd6: {  	s31 =	simm.s32 $0x6060;
	v27 =	vshrl.u32 v7, $0xA;
	v7 =	vand.u32 $0x7FF, v7;
	vm0 =	vmand vm1, vm0  }
0xd7: {  	v11 =	vshrl.u32 v9, $0xA;
	v18 =	vor.u32 v2, v6;
	v6 =	vor.u32 s31, v0  }
0xd8: {  	vm5 =	veq.s32 v12, v4;
	vm8 =	veq.s32 v27, v4;
	vm6 =	veq.s32 v13, v4  }
0xd9: {  	vm7 =	veq.s32 v21, v4;
	vm4 =	veq.s32 v24, v4;
	vm3 =	veq.s32 v26, v4  }
0xda: {  	v13 =	vand.u32 $0x7FF, v8;
	v12 =	vand.u32 $0x7FF, v9;
	v9 =	vand.u32 $0x7FF, v15  }
0xdb: {  	v8 =	vand.u32 $0x7FF, v16;
	vm2 =	veq.s32 v11, v4;
	v11 =	vand.u32 $0x7FF, v10  }
0xdc: {  	s23 =	simm.s32 $0x0;
	s24 =	simm.s32 $0xC0;
	v10 =	vand.u32 $0x7FF, v14;
	vm1 =	vlt.s32 v20, v5;
	[tilespmem:v18+s15+$0x0] =	vst.idx.add.s32.msk vm0, v3;
	vm0 =	vlt.s32 v25, v5  }
.LBB2_11:
0xdd: {  	v14 =	vld [tilespmem:s24+$0x30];
	s23 =	sadd.s32 $0x8, s23;
	vm9 =	vmand vm9, vm8;
	vm5 =	vmand vm12, vm5;
	vm12 =	vlt.s32 v6, v5  }
0xde: {  	vm8 =	vmand vm1, vm2;
	vm2 =	vmand vm11, vm6;
	vm6 =	vmand vm10, vm7;
	v15 =	vld [tilespmem:s24+$0xFFFFFFD0];
	p0 =	slt.u32 s23, $0x1F8  }
0xdf: {  	v6 =	vor.u32 v2, v7;
	vm1 =	vmand vm0, vm4;
	vm0 =	vmand vm12, vm3;
	v16 =	vld [tilespmem:s24+$0xFFFFFFE0]  }
0xe0: {  	v7 =	vor.u32 v2, v13;
	v12 =	vor.u32 v2, v12;
	v11 =	vor.u32 v2, v11;
	v17 =	vld [tilespmem:s24+$0xFFFFFFF0]  }
0xe1: {  	v10 =	vor.u32 v2, v10;
	v9 =	vor.u32 v2, v9;
	v19 =	vor.u32 v2, v8;
	s22 =	sadd.s32 $0x80, s22;
	v18 =	vld [tilespmem:s24+$0x0]  }
0xe2: {  	s1 =	sadd.s32 $0xFFFFFF90, s22;
	s25 =	sadd.s32 $0xFFFFFFA0, s22;
	s26 =	sadd.s32 $0xFFFFFFB0, s22;
	v13 =	vor.u32 s22, v0;
	v8 =	vld [tilespmem:s24+$0x10];
	v20 =	vshrl.u32 v14, $0xA  }
0xe3: {  	s28 =	sadd.s32 $0xFFFFFFC0, s22;
	s29 =	sadd.s32 $0xFFFFFFD0, s22;
	s30 =	sadd.s32 $0xFFFFFFE0, s22;
	vm4 =	vlt.s32 v13, v5;
	v21 =	vshrl.u32 v15, $0xA;
	v22 =	vld [tilespmem:s24+$0x20];
	vm3 =	veq.s32 v20, v4  }
0xe4: {  	s31 =	sadd.s32 $0xFFFFFFF0, s22;
	v14 =	vand.u32 $0x7FF, v14;
	v13 =	vld [tilespmem:s24+$0xFFFFFFC0];
	v20 =	vshrl.u32 v16, $0xA;
	vm3 =	vmand vm4, vm3  }
0xe5: {  	v23 =	vor.u32 s1, v0;
	v14 =	vor.u32 v2, v14;
	v24 =	vshrl.u32 v17, $0xA;
	[tilespmem:v6+s15+$0x0] =	vst.idx.add.s32.msk vm9, v3  }
0xe6: {  	v25 =	vor.u32 s25, v0;
	v26 =	vor.u32 s26, v0;
	v27 =	vshrl.u32 v18, $0xA;
	[tilespmem:v7+s15+$0x0] =	vst.idx.add.s32.msk vm5, v3  }
0xe7: {  	v28 =	vor.u32 s28, v0;
	v29 =	vor.u32 s29, v0;
	v30 =	vshrl.u32 v8, $0xA;
	[tilespmem:v12+s15+$0x0] =	vst.idx.add.s32.msk vm8, v3  }
0xe8: {  	v31 =	vor.u32 s30, v0;
	v6 =	vor.u32 s31, v0;
	v12 =	vshrl.u32 v22, $0xA;
	[tilespmem:v11+s15+$0x0] =	vst.idx.add.s32.msk vm2, v3  }
0xe9: {  	vm5 =	veq.s32 v21, v4;
	vm2 =	veq.s32 v20, v4;
	v7 =	vshrl.u32 v13, $0xA;
	[tilespmem:v10+s15+$0x0] =	vst.idx.add.s32.msk vm6, v3  }
0xea: {  	vm6 =	veq.s32 v24, v4;
	vm8 =	veq.s32 v7, v4;
	v7 =	vand.u32 $0x7FF, v13;
	[tilespmem:v14+s15+$0x0] =	vst.idx.add.s32.msk vm3, v3  }
.Ltmp5:
0xeb: {  	vm7 =	veq.s32 v27, v4;
	vm4 =	veq.s32 v30, v4;
	vm3 =	veq.s32 v12, v4;
	(pc) =	sbr.rel @p0 .LBB2_11-.Ltmp5, $4  }
0xec: {  	v11 =	vand.u32 $0x7FF, v17;
	v13 =	vand.u32 $0x7FF, v15;
	v12 =	vand.u32 $0x7FF, v16;
	[tilespmem:v9+s15+$0x0] =	vst.idx.add.s32.msk vm1, v3  }
0xed: {  	v10 =	vand.u32 $0x7FF, v18;
	v9 =	vand.u32 $0x7FF, v8;
	v8 =	vand.u32 $0x7FF, v22;
	[tilespmem:v19+s15+$0x0] =	vst.idx.add.s32.msk vm0, v3  }
0xee: {  	vm12 =	vlt.s32 v25, v5;
	vm9 =	vlt.s32 v23, v5;
	vm1 =	vlt.s32 v26, v5  }
0xef: {  	vm11 =	vlt.s32 v28, v5;
	vm10 =	vlt.s32 v29, v5;
	s24 =	sadd.s32 $0x80, s24;
	vm0 =	vlt.s32 v31, v5  }
0xf0: {  	vm8 =	vmand vm9, vm8  }
0xf1: {  	vm5 =	vmand vm12, vm5;
	v4 =	vor.u32 v2, v7  }
0xf2: {  	vm1 =	vmand vm1, vm2;
	v62 =	vor.u32 v2, v13  }
0xf3: {  	vm13 =	vmand vm11, vm6;
	v12 =	vor.u32 v2, v12  }
0xf4: {  	vm14 =	vmand vm10, vm7;
	v11 =	vor.u32 v2, v11  }
0xf5: {  	vm15 =	vlt.s32 v6, v5;
	vm0 =	vmand vm0, vm4;
	v5 =	vor.u32 v2, v10  }
0xf6: {  	v63 =	vor.u32 v2, v9;
	vm3 =	vmand vm15, vm3;
	[tilespmem:v4+s15+$0x0] =	vst.idx.add.s32.msk vm8, v3  }
0xf7: {  	v4 =	vor.u32 v2, v8;
	[tilespmem:v62+s15+$0x0] =	vst.idx.add.s32.msk vm5, v3  }
.Ltmp6:
0xf8: {  	[tilespmem:v12+s15+$0x0] =	vst.idx.add.s32.msk vm1, v3;
	(pc) =	sbr.rel .LBB2_16-.Ltmp6, $4  }
0xf9: {  	[tilespmem:v11+s15+$0x0] =	vst.idx.add.s32.msk vm13, v3  }
0xfa: {  	[tilespmem:v5+s15+$0x0] =	vst.idx.add.s32.msk vm14, v3  }
0xfb: {  	[tilespmem:v63+s15+$0x0] =	vst.idx.add.s32.msk vm0, v3  }
0xfc: {  	[tilespmem:v4+s15+$0x0] =	vst.idx.add.s32.msk vm3, v3  }
.LBB2_13:
0xfd: {  	s1 =	sshll.u32 s22, $0xA  }
0xfe: {  	s23 =	sshll.u32 s22, $0x6;
	s1 =	sand.u32 $0xF800, s1  }
0xff: {  	s23 =	sand.u32 $0x40, s23;
	s1 =	sadd.s32 s1, s9  }
0x100: {  	s1 =	sadd.s32 s23, s1  }
0x101: {  	[tilespmem:s20], [sflag:$0x1] =	stream.strided.gather [hbm4b:s1+s19], $0x2000, s17, s19, $0x38;
	[tilespmem:$0xC900] =	vst v63  }
0x102: {  	_ =	swait.ge [sflag:s13], $0x2000  }
0x103: {  	[sflag:s13] =	ssyncset.done $0x0  }
0x104: {  	s31 =	simm.s32 $0x2100;
	[sflag:s13] =	ssyncadd.s32 $0xFFFFE000  }
0x105: {  	v5 =	vld [tilespmem:s31+$0xFFFFFF70];
	_ =	sdelay $0x4  }
0x106: {  	v6 =	vshra.s32 v5, $0x1F  }
0x107: {  	v6 =	vor.u32 $0x80000000, v6  }
0x108: {  	v5 =	vxor.u32 v5, v6  }
0x109: {  	v7 =	vld [tilespmem:s31+$0xFFFFFF10];
	v6 =	vshrl.u32 v5, $0xA  }
0x10a: {  	v8 =	vld [tilespmem:s31+$0xFFFFFF30];
	v5 =	vand.u32 $0x7FF, v5;
	vm0 =	veq.s32 v6, v4  }
0x10b: {  	v9 =	vld [tilespmem:s31+$0xFFFFFF40];
	v5 =	vor.u32 v2, v5  }
0x10c: {  	v10 =	vld [tilespmem:s31+$0xFFFFFF00]  }
0x10d: {  	v6 =	vld [tilespmem:s31+$0xFFFFFF20];
	_ =	sdelay $0x2  }
0x10e: {  	v13 =	vshra.s32 v8, $0x1F;
	[tilespmem:v5+s15+$0x0] =	vst.idx.add.s32.msk vm0, v3  }
0x10f: {  	v14 =	vshra.s32 v9, $0x1F;
	v15 =	vshra.s32 v10, $0x1F;
	v5 =	vshra.s32 v7, $0x1F;
	v12 =	vld [tilespmem:s31+$0xFFFFFFF0]  }
0x110: {  	v13 =	vor.u32 $0x80000000, v13;
	v11 =	vshra.s32 v6, $0x1F;
	v5 =	vor.u32 $0x80000000, v5  }
0x111: {  	v11 =	vor.u32 $0x80000000, v11;
	v5 =	vxor.u32 v7, v5;
	v7 =	vor.u32 $0x80000000, v15  }
0x112: {  	v8 =	vxor.u32 v8, v13;
	v6 =	vxor.u32 v6, v11;
	v7 =	vxor.u32 v10, v7  }
0x113: {  	v13 =	vshrl.u32 v5, $0xA;
	v5 =	vand.u32 $0x7FF, v5;
	v10 =	vshrl.u32 v7, $0xA  }
0x114: {  	v7 =	vand.u32 $0x7FF, v7;
	vm1 =	veq.s32 v13, v4;
	v11 =	vshra.s32 v12, $0x1F  }
0x115: {  	v5 =	vor.u32 v2, v5;
	vm0 =	veq.s32 v10, v4;
	v11 =	vor.u32 $0x80000000, v11  }
0x116: {  	v7 =	vor.u32 v2, v7;
	v10 =	vxor.u32 v12, v11;
	v12 =	vshrl.u32 v8, $0xA  }
0x117: {  	v8 =	vand.u32 $0x7FF, v8;
	v11 =	vshrl.u32 v10, $0xA;
	vm4 =	veq.s32 v12, v4  }
0x118: {  	v10 =	vand.u32 $0x7FF, v10;
	v8 =	vor.u32 v2, v8;
	vm2 =	veq.s32 v11, v4  }
0x119: {  	v14 =	vor.u32 $0x80000000, v14;
	v13 =	vld [tilespmem:s31+$0xFFFFFF50];
	v10 =	vor.u32 v2, v10  }
0x11a: {  	v9 =	vxor.u32 v9, v14;
	v11 =	vshrl.u32 v6, $0xA;
	[tilespmem:v5+s15+$0x0] =	vst.idx.add.s32.msk vm1, v3  }
0x11b: {  	v14 =	vshrl.u32 v9, $0xA;
	v6 =	vand.u32 $0x7FF, v6;
	vm3 =	veq.s32 v11, v4;
	v11 =	vld [tilespmem:s31+$0xFFFFFF60]  }
0x11c: {  	v9 =	vand.u32 $0x7FF, v9;
	vm5 =	veq.s32 v14, v4;
	v6 =	vor.u32 v2, v6;
	[tilespmem:v7+s15+$0x0] =	vst.idx.add.s32.msk vm0, v3  }
0x11d: {  	v7 =	vor.u32 v2, v9;
	[tilespmem:v8+s15+$0x0] =	vst.idx.add.s32.msk vm4, v3  }
0x11e: {  	[tilespmem:v10+s15+$0x0] =	vst.idx.add.s32.msk vm2, v3  }
0x11f: {  	v10 =	vld [tilespmem:s31+$0xFFFFFF90]  }
0x120: {  	v5 =	vld [tilespmem:s31+$0x70]  }
0x121: {  	v8 =	vshra.s32 v11, $0x1F;
	[tilespmem:v6+s15+$0x0] =	vst.idx.add.s32.msk vm3, v3;
	v6 =	vshra.s32 v13, $0x1F  }
0x122: {  	[tilespmem:v7+s15+$0x0] =	vst.idx.add.s32.msk vm5, v3;
	v7 =	vor.u32 $0x80000000, v8;
	v6 =	vor.u32 $0x80000000, v6  }
0x123: {  	v7 =	vxor.u32 v11, v7;
	v6 =	vxor.u32 v13, v6  }
0x124: {  	v8 =	vld [tilespmem:s31+$0xFFFFFF80];
	v12 =	vshrl.u32 v7, $0xA;
	v7 =	vand.u32 $0x7FF, v7;
	v11 =	vshrl.u32 v6, $0xA  }
0x125: {  	v6 =	vand.u32 $0x7FF, v6;
	vm2 =	veq.s32 v12, v4;
	v12 =	vld [tilespmem:s31+$0xFFFFFFC0];
	v9 =	vshra.s32 v5, $0x1F  }
0x126: {  	v13 =	vld [tilespmem:s31+$0xFFFFFFA0];
	v7 =	vor.u32 v2, v7;
	v14 =	vshra.s32 v10, $0x1F;
	v9 =	vor.u32 $0x80000000, v9  }
0x127: {  	vm1 =	veq.s32 v11, v4;
	v14 =	vor.u32 $0x80000000, v14;
	v5 =	vxor.u32 v5, v9;
	v9 =	vld [tilespmem:s31+$0xFFFFFFB0]  }
0x128: {  	v6 =	vor.u32 v2, v6;
	v10 =	vxor.u32 v10, v14;
	v11 =	vshrl.u32 v5, $0xA  }
0x129: {  	s24 =	simm.s32 $0x2300;
	v5 =	vand.u32 $0x7FF, v5;
	vm0 =	veq.s32 v11, v4;
	v11 =	vshra.s32 v8, $0x1F  }
0x12a: {  	v17 =	vld [tilespmem:s24+$0xFFFFFF20];
	v15 =	vshra.s32 v12, $0x1F;
	v5 =	vor.u32 v2, v5;
	v11 =	vor.u32 $0x80000000, v11  }
0x12b: {  	[tilespmem:v7+s15+$0x0] =	vst.idx.add.s32.msk vm2, v3;
	v7 =	vand.u32 $0x7FF, v10;
	v8 =	vxor.u32 v8, v11;
	v11 =	vshra.s32 v13, $0x1F  }
0x12c: {  	v18 =	vld [tilespmem:s24+$0xFFFFFF30];
	v7 =	vor.u32 v2, v7;
	v11 =	vor.u32 $0x80000000, v11;
	v14 =	vshra.s32 v9, $0x1F  }
0x12d: {  	v20 =	vld [tilespmem:s24+$0xFFFFFF40];
	v11 =	vxor.u32 v13, v11;
	v13 =	vor.u32 $0x80000000, v14;
	v14 =	vor.u32 $0x80000000, v15  }
0x12e: {  	v22 =	vld [tilespmem:s24+$0xFFFFFF00];
	v9 =	vxor.u32 v9, v13;
	v12 =	vxor.u32 v12, v14;
	v13 =	vshrl.u32 v8, $0xA  }
0x12f: {  	[tilespmem:v6+s15+$0x0] =	vst.idx.add.s32.msk vm1, v3;
	v14 =	vshrl.u32 v10, $0xA;
	v8 =	vand.u32 $0x7FF, v8;
	vm1 =	veq.s32 v13, v4  }
0x130: {  	v10 =	vld [tilespmem:s31+$0xFFFFFFD0];
	v16 =	vshrl.u32 v9, $0xA;
	vm2 =	veq.s32 v14, v4;
	v8 =	vor.u32 v2, v8  }
0x131: {  	v6 =	vshrl.u32 v12, $0xA;
	v13 =	vld [tilespmem:s31+$0xFFFFFFE0];
	v9 =	vand.u32 $0x7FF, v9;
	vm4 =	veq.s32 v16, v4  }
0x132: {  	[tilespmem:v5+s15+$0x0] =	vst.idx.add.s32.msk vm0, v3;
	v5 =	vand.u32 $0x7FF, v12;
	vm0 =	veq.s32 v6, v4;
	v6 =	vor.u32 v2, v9  }
0x133: {  	v14 =	vld [tilespmem:s24+$0xFFFFFF70];
	v5 =	vor.u32 v2, v5  }
0x134: {  	v15 =	vshrl.u32 v11, $0xA;
	v9 =	vld [tilespmem:s31+$0xF0]  }
0x135: {  	v11 =	vand.u32 $0x7FF, v11;
	vm3 =	veq.s32 v15, v4;
	[tilespmem:v8+s15+$0x0] =	vst.idx.add.s32.msk vm1, v3  }
0x136: {  	v11 =	vor.u32 v2, v11;
	[tilespmem:v7+s15+$0x0] =	vst.idx.add.s32.msk vm2, v3  }
0x137: {  	v23 =	vshra.s32 v17, $0x1F;
	v34 =	vshra.s32 v18, $0x1F;
	v24 =	vshra.s32 v20, $0x1F;
	[tilespmem:v6+s15+$0x0] =	vst.idx.add.s32.msk vm4, v3  }
0x138: {  	v27 =	vshra.s32 v22, $0x1F;
	v33 =	vor.u32 $0x80000000, v23;
	v6 =	vshra.s32 v10, $0x1F;
	[tilespmem:v5+s15+$0x0] =	vst.idx.add.s32.msk vm0, v3  }
0x139: {  	v23 =	vor.u32 $0x80000000, v34;
	v7 =	vshra.s32 v13, $0x1F;
	v8 =	vld [tilespmem:s31+$0x0];
	v5 =	vor.u32 $0x80000000, v6  }
0x13a: {  	v6 =	vor.u32 $0x80000000, v7;
	v7 =	vshra.s32 v9, $0x1F;
	v5 =	vxor.u32 v10, v5;
	v10 =	vld [tilespmem:s31+$0x10]  }
0x13b: {  	v24 =	vor.u32 $0x80000000, v24;
	[tilespmem:v11+s15+$0x0] =	vst.idx.add.s32.msk vm3, v3;
	v6 =	vxor.u32 v13, v6;
	v7 =	vor.u32 $0x80000000, v7  }
0x13c: {  	v11 =	vshrl.u32 v5, $0xA;
	v12 =	vshrl.u32 v6, $0xA;
	v7 =	vxor.u32 v9, v7;
	v9 =	vld [tilespmem:s31+$0x20]  }
0x13d: {  	v13 =	vand.u32 $0x7FF, v5;
	v5 =	vshrl.u32 v7, $0xA;
	vm1 =	veq.s32 v12, v4  }
0x13e: {  	vm0 =	veq.s32 v5, v4;
	v5 =	vand.u32 $0x7FF, v7;
	v7 =	vld [tilespmem:s31+$0x30];
	v12 =	vshra.s32 v8, $0x1F  }
0x13f: {  	vm2 =	veq.s32 v11, v4;
	v11 =	vld [tilespmem:s31+$0x40];
	v12 =	vor.u32 $0x80000000, v12;
	v16 =	vshra.s32 v10, $0x1F  }
0x140: {  	v35 =	vor.u32 $0x80000000, v27;
	v8 =	vxor.u32 v8, v12;
	v12 =	vor.u32 $0x80000000, v16  }
0x141: {  	v15 =	vld [tilespmem:s24+$0xFFFFFF10];
	v16 =	vshra.s32 v9, $0x1F;
	v10 =	vxor.u32 v10, v12;
	v12 =	vshra.s32 v14, $0x1F  }
0x142: {  	v17 =	vxor.u32 v17, v33;
	v16 =	vor.u32 $0x80000000, v16;
	v12 =	vor.u32 $0x80000000, v12  }
0x143: {  	v19 =	vshra.s32 v7, $0x1F;
	v9 =	vxor.u32 v9, v16;
	v12 =	vxor.u32 v14, v12  }
0x144: {  	v16 =	vor.u32 $0x80000000, v19;
	v19 =	vld [tilespmem:s24+$0xFFFFFF50];
	v14 =	vshra.s32 v11, $0x1F;
	v21 =	vshrl.u32 v12, $0xA  }
0x145: {  	v7 =	vxor.u32 v7, v16;
	v16 =	vld [tilespmem:s24+$0xFFFFFF60];
	v12 =	vand.u32 $0x7FF, v12;
	vm3 =	veq.s32 v21, v4  }
0x146: {  	v32 =	vshra.s32 v15, $0x1F;
	v14 =	vor.u32 $0x80000000, v14;
	v12 =	vor.u32 v2, v12  }
0x147: {  	v20 =	vxor.u32 v20, v24;
	v11 =	vxor.u32 v11, v14;
	v14 =	vor.u32 $0x80000000, v32  }
0x148: {  	v6 =	vand.u32 $0x7FF, v6;
	v13 =	vor.u32 v2, v13;
	v14 =	vxor.u32 v15, v14  }
0x149: {  	v6 =	vor.u32 v2, v6;
	v37 =	vshrl.u32 v14, $0xA;
	v14 =	vand.u32 $0x7FF, v14  }
0x14a: {  	v25 =	vshra.s32 v19, $0x1F;
	vm4 =	veq.s32 v37, v4;
	v26 =	vshra.s32 v16, $0x1F  }
0x14b: {  	v14 =	vor.u32 v2, v14;
	v25 =	vor.u32 $0x80000000, v25;
	v15 =	vor.u32 $0x80000000, v26;
	[tilespmem:v12+s15+$0x0] =	vst.idx.add.s32.msk vm3, v3  }
0x14c: {  	v19 =	vxor.u32 v19, v25;
	v12 =	vxor.u32 v18, v23;
	v18 =	vxor.u32 v22, v35;
	v36 =	vld [tilespmem:s24+$0xFFFFFFF0]  }
0x14d: {  	v15 =	vxor.u32 v16, v15;
	v16 =	vshrl.u32 v17, $0xA;
	v40 =	vshrl.u32 v19, $0xA  }
0x14e: {  	[tilespmem:v6+s15+$0x0] =	vst.idx.add.s32.msk vm1, v3;
	v17 =	vand.u32 $0x7FF, v17;
	v6 =	vand.u32 $0x7FF, v19;
	v22 =	vshrl.u32 v18, $0xA  }
0x14f: {  	v38 =	vshrl.u32 v12, $0xA;
	v18 =	vand.u32 $0x7FF, v18;
	v41 =	vshrl.u32 v15, $0xA  }
0x150: {  	v12 =	vand.u32 $0x7FF, v12;
	vm5 =	veq.s32 v16, v4;
	v17 =	vor.u32 v2, v17  }
0x151: {  	[tilespmem:v13+s15+$0x0] =	vst.idx.add.s32.msk vm2, v3;
	vm2 =	veq.s32 v40, v4;
	v15 =	vand.u32 $0x7FF, v15;
	v42 =	vshra.s32 v36, $0x1F  }
0x152: {  	v6 =	vor.u32 v2, v6;
	vm3 =	veq.s32 v22, v4;
	v19 =	vor.u32 $0x80000000, v42  }
0x153: {  	v43 =	vld [tilespmem:s31+$0x50];
	v18 =	vor.u32 v2, v18;
	vm7 =	veq.s32 v38, v4;
	v19 =	vxor.u32 v36, v19  }
0x154: {  	v44 =	vld [tilespmem:s31+$0x60];
	vm1 =	veq.s32 v41, v4;
	v12 =	vor.u32 v2, v12;
	v16 =	vshrl.u32 v19, $0xA  }
0x155: {  	v15 =	vor.u32 v2, v15;
	[tilespmem:v14+s15+$0x0] =	vst.idx.add.s32.msk vm4, v3;
	vm6 =	veq.s32 v16, v4;
	v16 =	vand.u32 $0x7FF, v19  }
0x156: {  	v39 =	vshrl.u32 v20, $0xA;
	[tilespmem:v17+s15+$0x0] =	vst.idx.add.s32.msk vm5, v3;
	v16 =	vor.u32 v2, v16  }
0x157: {  	vm8 =	veq.s32 v39, v4;
	v5 =	vor.u32 v2, v5;
	v13 =	vand.u32 $0x7FF, v20;
	[tilespmem:v6+s15+$0x0] =	vst.idx.add.s32.msk vm2, v3  }
0x158: {  	v45 =	vshrl.u32 v10, $0xA;
	v10 =	vand.u32 $0x7FF, v10;
	v13 =	vor.u32 v2, v13;
	[tilespmem:v18+s15+$0x0] =	vst.idx.add.s32.msk vm3, v3  }
0x159: {  	v10 =	vor.u32 v2, v10;
	v14 =	vshra.s32 v44, $0x1F;
	[tilespmem:v12+s15+$0x0] =	vst.idx.add.s32.msk vm7, v3;
	vm7 =	veq.s32 v45, v4  }
0x15a: {  	v46 =	vshrl.u32 v11, $0xA;
	v11 =	vand.u32 $0x7FF, v11;
	v14 =	vor.u32 $0x80000000, v14;
	[tilespmem:v15+s15+$0x0] =	vst.idx.add.s32.msk vm1, v3  }
0x15b: {  	v11 =	vor.u32 v2, v11;
	v14 =	vxor.u32 v44, v14;
	v17 =	vshrl.u32 v9, $0xA;
	[tilespmem:v16+s15+$0x0] =	vst.idx.add.s32.msk vm6, v3  }
0x15c: {  	v9 =	vand.u32 $0x7FF, v9;
	v6 =	vand.u32 $0x7FF, v14;
	v18 =	vshrl.u32 v8, $0xA;
	v47 =	vld [tilespmem:s24+$0x70]  }
0x15d: {  	v12 =	vshrl.u32 v14, $0xA;
	vm5 =	veq.s32 v17, v4;
	v14 =	vld [tilespmem:s24+$0xFFFFFF80];
	v19 =	vshra.s32 v43, $0x1F  }
0x15e: {  	vm3 =	veq.s32 v46, v4;
	vm1 =	veq.s32 v12, v4;
	v12 =	vld [tilespmem:s24+$0xFFFFFF90];
	v19 =	vor.u32 $0x80000000, v19  }
0x15f: {  	v8 =	vand.u32 $0x7FF, v8;
	v9 =	vor.u32 v2, v9;
	v19 =	vxor.u32 v43, v19;
	[tilespmem:v10+s15+$0x0] =	vst.idx.add.s32.msk vm7, v3  }
0x160: {  	v6 =	vor.u32 v2, v6;
	v8 =	vor.u32 v2, v8;
	v48 =	vshrl.u32 v19, $0xA;
	v56 =	vld [tilespmem:s31+$0x90]  }
0x161: {  	[tilespmem:v13+s15+$0x0] =	vst.idx.add.s32.msk vm8, v3;
	v13 =	vand.u32 $0x7FF, v19;
	vm2 =	veq.s32 v48, v4;
	v15 =	vshra.s32 v47, $0x1F  }
0x162: {  	v16 =	vshrl.u32 v7, $0xA;
	vm6 =	veq.s32 v18, v4;
	v15 =	vor.u32 $0x80000000, v15  }
0x163: {  	v13 =	vor.u32 v2, v13;
	vm4 =	veq.s32 v16, v4;
	v16 =	vld [tilespmem:s24+$0xFFFFFFA0];
	v15 =	vxor.u32 v47, v15  }
0x164: {  	s23 =	simm.s32 $0x2500;
	v17 =	vld [tilespmem:s24+$0xFFFFFFB0];
	v50 =	vshra.s32 v12, $0x1F;
	v7 =	vand.u32 $0x7FF, v7;
	v18 =	vshrl.u32 v15, $0xA  }
0x165: {  	v43 =	vld [tilespmem:s23+$0xFFFFFF30];
	v57 =	vshra.s32 v56, $0x1F;
	vm8 =	veq.s32 v18, v4;
	v18 =	vshra.s32 v14, $0x1F  }
0x166: {  	v19 =	vld [tilespmem:s24+$0xFFFFFFC0];
	v7 =	vor.u32 v2, v7;
	v20 =	vor.u32 $0x80000000, v57;
	v18 =	vor.u32 $0x80000000, v18  }
0x167: {  	v49 =	vld [tilespmem:s24+$0xFFFFFFD0];
	v15 =	vand.u32 $0x7FF, v15;
	v14 =	vxor.u32 v14, v18;
	v18 =	vor.u32 $0x80000000, v50  }
0x168: {  	v52 =	vshra.s32 v16, $0x1F;
	[tilespmem:v8+s15+$0x0] =	vst.idx.add.s32.msk vm6, v3;
	v15 =	vor.u32 v2, v15;
	v8 =	vxor.u32 v12, v18  }
0x169: {  	[tilespmem:v13+s15+$0x0] =	vst.idx.add.s32.msk vm2, v3;
	v12 =	vor.u32 $0x80000000, v52;
	v18 =	vshra.s32 v17, $0x1F;
	v13 =	vand.u32 $0x7FF, v14  }
0x16a: {  	v51 =	vld [tilespmem:s24+$0xFFFFFFE0];
	v52 =	vshra.s32 v43, $0x1F;
	v10 =	vxor.u32 v16, v12;
	v12 =	vor.u32 $0x80000000, v18  }
0x16b: {  	[tilespmem:v7+s15+$0x0] =	vst.idx.add.s32.msk vm4, v3;
	v16 =	vshra.s32 v19, $0x1F;
	v18 =	vshrl.u32 v14, $0xA;
	v7 =	vshrl.u32 v8, $0xA  }
0x16c: {  	[tilespmem:v9+s15+$0x0] =	vst.idx.add.s32.msk vm5, v3;
	v8 =	vand.u32 $0x7FF, v8;
	v13 =	vor.u32 v2, v13;
	v26 =	vor.u32 $0x80000000, v52  }
0x16d: {  	[tilespmem:v6+s15+$0x0] =	vst.idx.add.s32.msk vm1, v3;
	v9 =	vxor.u32 v17, v12;
	v12 =	vor.u32 $0x80000000, v16;
	v16 =	vshra.s32 v49, $0x1F  }
0x16e: {  	v55 =	vld [tilespmem:s31+$0x80];
	v6 =	vand.u32 $0x7FF, v10;
	vm7 =	veq.s32 v18, v4;
	v8 =	vor.u32 v2, v8  }
0x16f: {  	v23 =	vxor.u32 v43, v26;
	[tilespmem:v15+s15+$0x0] =	vst.idx.add.s32.msk vm8, v3;
	v12 =	vxor.u32 v19, v12;
	v15 =	vor.u32 $0x80000000, v16  }
0x170: {  	[tilespmem:v11+s15+$0x0] =	vst.idx.add.s32.msk vm3, v3;
	v16 =	vshra.s32 v51, $0x1F;
	v19 =	vshrl.u32 v10, $0xA;
	v11 =	vshrl.u32 v9, $0xA  }
0x171: {  	v40 =	vld [tilespmem:s23+$0xFFFFFF20];
	v9 =	vand.u32 $0x7FF, v9;
	vm8 =	veq.s32 v7, v4;
	v6 =	vor.u32 v2, v6  }
0x172: {  	v48 =	vld [tilespmem:s23+$0xFFFFFF00];
	v15 =	vxor.u32 v49, v15;
	v16 =	vor.u32 $0x80000000, v16;
	v53 =	vshrl.u32 v12, $0xA  }
0x173: {  	v18 =	vld [tilespmem:s31+$0xB0];
	v12 =	vand.u32 $0x7FF, v12;
	vm3 =	veq.s32 v19, v4;
	vm1 =	veq.s32 v11, v4  }
0x174: {  	v9 =	vor.u32 v2, v9;
	v19 =	vshra.s32 v55, $0x1F;
	v16 =	vxor.u32 v51, v16  }
0x175: {  	v17 =	vld [tilespmem:s24+$0xF0];
	v54 =	vshrl.u32 v15, $0xA;
	v15 =	vand.u32 $0x7FF, v15;
	vm2 =	veq.s32 v53, v4  }
0x176: {  	v12 =	vor.u32 v2, v12;
	v19 =	vor.u32 $0x80000000, v19;
	v51 =	vshra.s32 v40, $0x1F  }
0x177: {  	v49 =	vld [tilespmem:s23+$0xFFFFFF50];
	v53 =	vshra.s32 v48, $0x1F;
	v14 =	vshrl.u32 v16, $0xA;
	v16 =	vand.u32 $0x7FF, v16  }
0x178: {  	[tilespmem:v5+s15+$0x0] =	vst.idx.add.s32.msk vm0, v3;
	vm5 =	veq.s32 v54, v4;
	v15 =	vor.u32 v2, v15;
	v59 =	vshra.s32 v18, $0x1F  }
0x179: {  	vm6 =	veq.s32 v14, v4;
	v16 =	vor.u32 v2, v16;
	[tilespmem:v13+s15+$0x0] =	vst.idx.add.s32.msk vm7, v3;
	v13 =	vor.u32 $0x80000000, v59  }
0x17a: {  	v59 =	vshrl.u32 v23, $0xA;
	v23 =	vand.u32 $0x7FF, v23;
	v10 =	vshra.s32 v17, $0x1F;
	[tilespmem:v8+s15+$0x0] =	vst.idx.add.s32.msk vm8, v3  }
0x17b: {  	v14 =	vld [tilespmem:s31+$0xE0];
	v8 =	vxor.u32 v55, v19;
	v19 =	vxor.u32 v56, v20;
	v13 =	vxor.u32 v18, v13  }
0x17c: {  	v37 =	vld [tilespmem:s23+$0xFFFFFF10];
	v55 =	vshra.s32 v49, $0x1F;
	vm0 =	veq.s32 v59, v4;
	v10 =	vor.u32 $0x80000000, v10  }
0x17d: {  	v22 =	vshrl.u32 v8, $0xA;
	[tilespmem:v9+s15+$0x0] =	vst.idx.add.s32.msk vm1, v3;
	v9 =	vshrl.u32 v19, $0xA;
	v33 =	vand.u32 $0x7FF, v8  }
0x17e: {  	v19 =	vand.u32 $0x7FF, v19;
	v35 =	vld [tilespmem:s24+$0x10];
	v5 =	vor.u32 $0x80000000, v55;
	v10 =	vxor.u32 v17, v10  }
0x17f: {  	v17 =	vld [tilespmem:s31+$0xA0];
	vm10 =	veq.s32 v22, v4;
	vm9 =	veq.s32 v9, v4;
	v19 =	vor.u32 v2, v19  }
0x180: {  	v5 =	vxor.u32 v49, v5;
	v7 =	vshrl.u32 v10, $0xA;
	v62 =	vshra.s32 v14, $0x1F  }
0x181: {  	v9 =	vld [tilespmem:s24+$0x30];
	vm4 =	veq.s32 v7, v4;
	v7 =	vand.u32 $0x7FF, v10;
	v29 =	vor.u32 $0x80000000, v62  }
0x182: {  	[tilespmem:v6+s15+$0x0] =	vst.idx.add.s32.msk vm3, v3;
	v11 =	vor.u32 v2, v7;
	v14 =	vxor.u32 v14, v29;
	v29 =	vshra.s32 v37, $0x1F  }
0x183: {  	v10 =	vld [tilespmem:s31+$0xC0];
	v31 =	vshrl.u32 v14, $0xA;
	v38 =	vshra.s32 v35, $0x1F;
	v50 =	vor.u32 $0x80000000, v29  }
0x184: {  	v7 =	vld [tilespmem:s31+$0xD0];
	v29 =	vor.u32 $0x80000000, v51;
	v58 =	vshra.s32 v17, $0x1F;
	vm3 =	veq.s32 v31, v4  }
0x185: {  	v22 =	vor.u32 $0x80000000, v38;
	v25 =	vxor.u32 v40, v29;
	v29 =	vor.u32 $0x80000000, v53  }
0x186: {  	v42 =	vshra.s32 v9, $0x1F;
	v21 =	vor.u32 $0x80000000, v58;
	v27 =	vxor.u32 v48, v29  }
0x187: {  	v62 =	vand.u32 $0x7FF, v25;
	v6 =	vxor.u32 v17, v21;
	v17 =	vshrl.u32 v13, $0xA  }
0x188: {  	v60 =	vshra.s32 v10, $0x1F;
	v13 =	vand.u32 $0x7FF, v13;
	vm7 =	veq.s32 v17, v4;
	v17 =	vld [tilespmem:s23+$0xFFFFFF70]  }
0x189: {  	[tilespmem:v15+s15+$0x0] =	vst.idx.add.s32.msk vm5, v3;
	v21 =	vxor.u32 v37, v50;
	v15 =	vand.u32 $0x7FF, v27;
	v61 =	vshra.s32 v7, $0x1F  }
0x18a: {  	[tilespmem:v12+s15+$0x0] =	vst.idx.add.s32.msk vm2, v3;
	v63 =	vor.u32 $0x80000000, v60;
	v12 =	vshrl.u32 v6, $0xA;
	v34 =	vand.u32 $0x7FF, v6  }
0x18b: {  	v13 =	vor.u32 v2, v13;
	v57 =	vshrl.u32 v21, $0xA;
	[tilespmem:v11+s15+$0x0] =	vst.idx.add.s32.msk vm4, v3;
	v11 =	vshrl.u32 v25, $0xA  }
0x18c: {  	[tilespmem:v16+s15+$0x0] =	vst.idx.add.s32.msk vm6, v3;
	v16 =	vand.u32 $0x7FF, v21;
	v15 =	vor.u32 v2, v15;
	v28 =	vor.u32 $0x80000000, v61  }
0x18d: {  	v10 =	vxor.u32 v10, v63;
	vm8 =	veq.s32 v12, v4;
	v45 =	vshra.s32 v17, $0x1F  }
0x18e: {  	v31 =	vld [tilespmem:s23+$0xFFFFFF60];
	v36 =	vor.u32 v2, v34;
	v7 =	vxor.u32 v7, v28;
	v47 =	vor.u32 $0x80000000, v45  }
0x18f: {  	v61 =	vshrl.u32 v5, $0xA;
	v30 =	vshrl.u32 v7, $0xA;
	v17 =	vxor.u32 v17, v47  }
0x190: {  	v32 =	vld [tilespmem:s24+$0x0];
	v5 =	vand.u32 $0x7FF, v5;
	vm2 =	veq.s32 v30, v4;
	v30 =	vshrl.u32 v17, $0xA  }
0x191: {  	vm13 =	veq.s32 v57, v4;
	v28 =	vld [tilespmem:s23+$0xFFFFFF40];
	v17 =	vand.u32 $0x7FF, v17;
	vm11 =	veq.s32 v30, v4  }
0x192: {  	vm14 =	veq.s32 v11, v4;
	v16 =	vor.u32 v2, v16;
	v17 =	vor.u32 v2, v17  }
0x193: {  	[tilespmem:v19+s15+$0x0] =	vst.idx.add.s32.msk vm9, v3;
	v18 =	vshrl.u32 v10, $0xA;
	v8 =	vand.u32 $0x7FF, v10;
	v56 =	vshra.s32 v31, $0x1F  }
0x194: {  	v12 =	vld [tilespmem:s24+$0x40];
	vm5 =	veq.s32 v61, v4;
	v6 =	vand.u32 $0x7FF, v7;
	v7 =	vand.u32 $0x7FF, v14  }
0x195: {  	v10 =	vld [tilespmem:s24+$0x20];
	vm1 =	veq.s32 v18, v4;
	v14 =	vor.u32 v2, v33;
	v18 =	vshra.s32 v32, $0x1F  }
0x196: {  	v5 =	vor.u32 v2, v5;
	v18 =	vor.u32 $0x80000000, v18;
	[tilespmem:v13+s15+$0x0] =	vst.idx.add.s32.msk vm7, v3;
	v54 =	vshra.s32 v28, $0x1F  }
0x197: {  	v18 =	vxor.u32 v32, v18;
	v13 =	vor.u32 v2, v62;
	v26 =	vor.u32 $0x80000000, v54;
	[tilespmem:v17+s15+$0x0] =	vst.idx.add.s32.msk vm11, v3  }
0x198: {  	v26 =	vxor.u32 v28, v26;
	v28 =	vor.u32 $0x80000000, v56;
	v17 =	vshrl.u32 v27, $0xA;
	v58 =	vld [tilespmem:s23+$0xFFFFFFF0]  }
0x199: {  	[tilespmem:v36+s15+$0x0] =	vst.idx.add.s32.msk vm8, v3;
	v28 =	vxor.u32 v31, v28;
	v60 =	vshrl.u32 v26, $0xA;
	vm6 =	veq.s32 v17, v4  }
0x19a: {  	[tilespmem:v14+s15+$0x0] =	vst.idx.add.s32.msk vm10, v3;
	v14 =	vand.u32 $0x7FF, v26;
	v32 =	vshrl.u32 v28, $0xA;
	vm4 =	veq.s32 v60, v4  }
0x19b: {  	[tilespmem:v16+s15+$0x0] =	vst.idx.add.s32.msk vm13, v3;
	v63 =	vand.u32 $0x7FF, v28;
	v14 =	vor.u32 v2, v14;
	vm15 =	veq.s32 v32, v4  }
0x19c: {  	v22 =	vxor.u32 v35, v22;
	v24 =	vor.u32 $0x80000000, v42;
	[tilespmem:v5+s15+$0x0] =	vst.idx.add.s32.msk vm5, v3;
	v32 =	vor.u32 v2, v63  }
0x19d: {  	v9 =	vxor.u32 v9, v24;
	v8 =	vor.u32 v2, v8;
	v28 =	vld [tilespmem:s24+$0x50];
	v17 =	vshra.s32 v58, $0x1F  }
0x19e: {  	v6 =	vor.u32 v2, v6;
	[tilespmem:v13+s15+$0x0] =	vst.idx.add.s32.msk vm14, v3;
	v13 =	vshrl.u32 v9, $0xA;
	v11 =	vor.u32 $0x80000000, v17  }
0x19f: {  	v9 =	vand.u32 $0x7FF, v9;
	[tilespmem:v15+s15+$0x0] =	vst.idx.add.s32.msk vm6, v3;
	vm6 =	veq.s32 v13, v4;
	v11 =	vxor.u32 v58, v11  }
0x1a0: {  	v44 =	vshra.s32 v12, $0x1F;
	v9 =	vor.u32 v2, v9;
	[tilespmem:v14+s15+$0x0] =	vst.idx.add.s32.msk vm4, v3;
	v19 =	vshrl.u32 v11, $0xA  }
0x1a1: {  	v39 =	vshra.s32 v10, $0x1F;
	[tilespmem:v32+s15+$0x0] =	vst.idx.add.s32.msk vm15, v3;
	v11 =	vand.u32 $0x7FF, v11;
	vm7 =	veq.s32 v19, v4  }
0x1a2: {  	v46 =	vor.u32 $0x80000000, v44;
	v41 =	vor.u32 $0x80000000, v39;
	v17 =	vld [tilespmem:s24+$0x60];
	v11 =	vor.u32 v2, v11  }
0x1a3: {  	v33 =	vshrl.u32 v18, $0xA;
	v12 =	vxor.u32 v12, v46;
	v10 =	vxor.u32 v10, v41;
	v41 =	vld [tilespmem:s23+$0xFFFFFFC0]  }
0x1a4: {  	vm12 =	veq.s32 v33, v4;
	v36 =	vshrl.u32 v12, $0xA;
	v13 =	vld [tilespmem:s23+$0xFFFFFF80];
	v19 =	vor.u32 v2, v23  }
0x1a5: {  	v12 =	vand.u32 $0x7FF, v12;
	v16 =	vshrl.u32 v10, $0xA;
	v10 =	vand.u32 $0x7FF, v10;
	[tilespmem:v9+s15+$0x0] =	vst.idx.add.s32.msk vm6, v3  }
0x1a6: {  	vm5 =	veq.s32 v36, v4;
	v34 =	vshra.s32 v28, $0x1F;
	v15 =	vshrl.u32 v22, $0xA;
	v54 =	vld [tilespmem:s24+$0xB0]  }
0x1a7: {  	vm8 =	veq.s32 v15, v4;
	v35 =	vshra.s32 v17, $0x1F;
	[tilespmem:v11+s15+$0x0] =	vst.idx.add.s32.msk vm7, v3;
	v11 =	vand.u32 $0x7FF, v18  }
0x1a8: {  	v24 =	vor.u32 $0x80000000, v35;
	v18 =	vand.u32 $0x7FF, v22;
	v39 =	vld [tilespmem:s23+$0x70];
	v11 =	vor.u32 v2, v11  }
0x1a9: {  	v23 =	vor.u32 $0x80000000, v34;
	v17 =	vxor.u32 v17, v24;
	[tilespmem:v19+s15+$0x0] =	vst.idx.add.s32.msk vm0, v3;
	v15 =	vor.u32 v2, v18  }
0x1aa: {  	v23 =	vxor.u32 v28, v23;
	v38 =	vshrl.u32 v17, $0xA;
	v14 =	vand.u32 $0x7FF, v17;
	v17 =	vld [tilespmem:s23+$0xFFFFFFA0]  }
0x1ab: {  	v12 =	vor.u32 v2, v12;
	v19 =	vand.u32 $0x7FF, v23;
	vm7 =	veq.s32 v16, v4;
	v16 =	vld [tilespmem:s23+$0xFFFFFF90]  }
0x1ac: {  	v10 =	vor.u32 v2, v10;
	v37 =	vshrl.u32 v23, $0xA;
	v18 =	vor.u32 v2, v19;
	v19 =	vld [tilespmem:s23+$0xFFFFFFB0]  }
0x1ad: {  	vm4 =	veq.s32 v37, v4;
	v42 =	vshra.s32 v13, $0x1F;
	v5 =	vshra.s32 v39, $0x1F;
	[tilespmem:v11+s15+$0x0] =	vst.idx.add.s32.msk vm12, v3  }
0x1ae: {  	vm0 =	vmmov vm3;
	vm3 =	veq.s32 v38, v4;
	[tilespmem:v15+s15+$0x0] =	vst.idx.add.s32.msk vm8, v3;
	v5 =	vor.u32 $0x80000000, v5  }
0x1af: {  	v14 =	vor.u32 v2, v14;
	v57 =	vshra.s32 v54, $0x1F;
	v52 =	vld [tilespmem:s24+$0x80];
	v5 =	vxor.u32 v39, v5  }
0x1b0: {  	v45 =	vshra.s32 v16, $0x1F;
	v53 =	vld [tilespmem:s24+$0x90];
	v40 =	vshrl.u32 v5, $0xA;
	v5 =	vand.u32 $0x7FF, v5  }
0x1b1: {  	v46 =	vld [tilespmem:s23+$0xFFFFFFE0];
	v44 =	vor.u32 v2, v5;
	v5 =	vor.u32 v2, v7;
	v7 =	vor.u32 $0x80000000, v42  }
0x1b2: {  	v47 =	vshra.s32 v17, $0x1F;
	v7 =	vxor.u32 v13, v7;
	v13 =	vor.u32 $0x80000000, v45  }
0x1b3: {  	vm13 =	veq.s32 v40, v4;
	v11 =	vxor.u32 v16, v13;
	v13 =	vor.u32 $0x80000000, v47  }
0x1b4: {  	v43 =	vld [tilespmem:s23+$0xFFFFFFD0];
	v16 =	vshra.s32 v19, $0x1F;
	v48 =	vshrl.u32 v7, $0xA;
	v7 =	vand.u32 $0x7FF, v7  }
0x1b5: {  	[tilespmem:v8+s15+$0x0] =	vst.idx.add.s32.msk vm1, v3;
	v55 =	vshra.s32 v52, $0x1F;
	v8 =	vshra.s32 v53, $0x1F;
	v13 =	vxor.u32 v17, v13  }
0x1b6: {  	v15 =	vor.u32 $0x80000000, v16;
	v16 =	vshra.s32 v41, $0x1F;
	v17 =	vshra.s32 v46, $0x1F  }
0x1b7: {  	[tilespmem:v6+s15+$0x0] =	vst.idx.add.s32.msk vm2, v3;
	v9 =	vshrl.u32 v11, $0xA;
	v11 =	vand.u32 $0x7FF, v11;
	vm8 =	veq.s32 v48, v4  }
0x1b8: {  	[tilespmem:v10+s15+$0x0] =	vst.idx.add.s32.msk vm7, v3;
	v7 =	vor.u32 v2, v7;
	v6 =	vor.u32 $0x80000000, v55;
	v10 =	vxor.u32 v19, v15  }
0x1b9: {  	v15 =	vor.u32 $0x80000000, v16;
	v16 =	vshra.s32 v43, $0x1F;
	v17 =	vor.u32 $0x80000000, v17  }
0x1ba: {  	[tilespmem:v12+s15+$0x0] =	vst.idx.add.s32.msk vm5, v3;
	v49 =	vshrl.u32 v13, $0xA;
	v13 =	vand.u32 $0x7FF, v13;
	vm14 =	veq.s32 v9, v4  }
0x1bb: {  	v11 =	vor.u32 v2, v11;
	v6 =	vxor.u32 v52, v6;
	v15 =	vxor.u32 v41, v15  }
0x1bc: {  	v16 =	vor.u32 $0x80000000, v16;
	v17 =	vxor.u32 v46, v17;
	v12 =	vshrl.u32 v10, $0xA;
	[tilespmem:v44+s15+$0x0] =	vst.idx.add.s32.msk vm13, v3  }
0x1bd: {  	v10 =	vand.u32 $0x7FF, v10;
	vm7 =	veq.s32 v49, v4;
	v13 =	vor.u32 v2, v13;
	v19 =	vld [tilespmem:s23+$0xF0]  }
0x1be: {  	[tilespmem:v18+s15+$0x0] =	vst.idx.add.s32.msk vm4, v3;
	v60 =	vshrl.u32 v6, $0xA;
	v24 =	vand.u32 $0x7FF, v6;
	v16 =	vxor.u32 v43, v16  }
0x1bf: {  	[tilespmem:v14+s15+$0x0] =	vst.idx.add.s32.msk vm3, v3;
	v50 =	vshrl.u32 v15, $0xA;
	v18 =	vshrl.u32 v17, $0xA;
	v15 =	vand.u32 $0x7FF, v15  }
0x1c0: {  	v17 =	vand.u32 $0x7FF, v17;
	vm5 =	veq.s32 v12, v4;
	v12 =	vld [tilespmem:s24+$0xC0];
	v10 =	vor.u32 v2, v10  }
0x1c1: {  	v51 =	vshrl.u32 v16, $0xA;
	v16 =	vand.u32 $0x7FF, v16;
	vm4 =	veq.s32 v18, v4;
	v18 =	vld [tilespmem:s24+$0xE0]  }
0x1c2: {  	vm6 =	veq.s32 v50, v4;
	v15 =	vor.u32 v2, v15;
	[tilespmem:v7+s15+$0x0] =	vst.idx.add.s32.msk vm8, v3;
	v14 =	vshra.s32 v19, $0x1F  }
0x1c3: {  	v17 =	vor.u32 v2, v17;
	vm3 =	veq.s32 v51, v4;
	[tilespmem:v11+s15+$0x0] =	vst.idx.add.s32.msk vm14, v3;
	v14 =	vor.u32 $0x80000000, v14  }
0x1c4: {  	v16 =	vor.u32 v2, v16;
	v7 =	vor.u32 $0x80000000, v8;
	v14 =	vxor.u32 v19, v14;
	v19 =	vld [tilespmem:s24+$0xA0]  }
0x1c5: {  	v11 =	vor.u32 $0x80000000, v57;
	v7 =	vxor.u32 v53, v7;
	[tilespmem:v13+s15+$0x0] =	vst.idx.add.s32.msk vm7, v3;
	v9 =	vshrl.u32 v14, $0xA  }
0x1c6: {  	vm7 =	veq.s32 v60, v4;
	vm15 =	veq.s32 v9, v4;
	v9 =	vand.u32 $0x7FF, v14;
	v14 =	vld [tilespmem:s24+$0xD0]  }
0x1c7: {  	v59 =	vshra.s32 v18, $0x1F;
	[tilespmem:v10+s15+$0x0] =	vst.idx.add.s32.msk vm5, v3;
	v10 =	vxor.u32 v54, v11;
	v9 =	vor.u32 v2, v9  }
0x1c8: {  	v11 =	vand.u32 $0x7FF, v7;
	v13 =	vor.u32 $0x80000000, v59;
	v62 =	vshrl.u32 v10, $0xA  }
0x1c9: {  	v10 =	vand.u32 $0x7FF, v10;
	[tilespmem:v16+s15+$0x0] =	vst.idx.add.s32.msk vm3, v3;
	v16 =	vxor.u32 v18, v13;
	v56 =	vshra.s32 v19, $0x1F  }
0x1ca: {  	[tilespmem:v17+s15+$0x0] =	vst.idx.add.s32.msk vm4, v3;
	vm4 =	veq.s32 v62, v4;
	v63 =	vshrl.u32 v16, $0xA;
	v8 =	vor.u32 $0x80000000, v56  }
0x1cb: {  	[tilespmem:v15+s15+$0x0] =	vst.idx.add.s32.msk vm6, v3;
	vm3 =	veq.s32 v63, v4;
	v58 =	vshra.s32 v14, $0x1F;
	v8 =	vxor.u32 v19, v8  }
0x1cc: {  	v19 =	vshrl.u32 v7, $0xA;
	v7 =	vand.u32 $0x7FF, v16;
	[tilespmem:v9+s15+$0x0] =	vst.idx.add.s32.msk vm15, v3;
	v9 =	vshra.s32 v12, $0x1F  }
0x1cd: {  	v13 =	vld [tilespmem:s23+$0x0];
	v21 =	vor.u32 $0x80000000, v58;
	v61 =	vshrl.u32 v8, $0xA;
	vm6 =	veq.s32 v19, v4  }
0x1ce: {  	v9 =	vor.u32 $0x80000000, v9;
	v15 =	vxor.u32 v14, v21;
	v14 =	vld [tilespmem:s23+$0x10];
	vm5 =	veq.s32 v61, v4  }
0x1cf: {  	v9 =	vxor.u32 v12, v9;
	v18 =	vshrl.u32 v15, $0xA;
	v6 =	vand.u32 $0x7FF, v15;
	v15 =	vld [tilespmem:s23+$0x20]  }
0x1d0: {  	v16 =	vld [tilespmem:s23+$0x30];
	v12 =	vand.u32 $0x7FF, v8;
	v17 =	vshrl.u32 v9, $0xA;
	v8 =	vand.u32 $0x7FF, v9  }
0x1d1: {  	s25 =	simm.s32 $0x2700;
	s24 =	simm.s32 $0x10;
	v9 =	vor.u32 v2, v24;
	vm2 =	veq.s32 v18, v4;
	vm1 =	veq.s32 v17, v4;
	v17 =	vld [tilespmem:s23+$0x40]  }
.LBB2_14:
0x1d2: {  	v18 =	vld [tilespmem:s25+$0xFFFFFF70];
	s24 =	sadd.s32 $0x8, s24;
	v19 =	vshra.s32 v13, $0x1F;
	v20 =	vor.u32 v2, v11;
	v21 =	vor.u32 v2, v12  }
0x1d3: {  	v22 =	vld [tilespmem:s25+$0xFFFFFF10];
	p0 =	slt.u32 s24, $0x78;
	v11 =	vor.u32 $0x80000000, v19;
	v12 =	vshra.s32 v14, $0x1F;
	v19 =	vor.u32 v2, v10  }
0x1d4: {  	v23 =	vld [tilespmem:s25+$0xFFFFFF20];
	v10 =	vxor.u32 v13, v11;
	v11 =	vor.u32 $0x80000000, v12;
	v12 =	vshra.s32 v15, $0x1F  }
0x1d5: {  	v13 =	vld [tilespmem:s25+$0xFFFFFF30];
	v11 =	vxor.u32 v14, v11;
	v12 =	vor.u32 $0x80000000, v12;
	v14 =	vshra.s32 v16, $0x1F  }
0x1d6: {  	v24 =	vld [tilespmem:s25+$0xFFFFFF40];
	v12 =	vxor.u32 v15, v12;
	v14 =	vor.u32 $0x80000000, v14;
	v15 =	vshra.s32 v17, $0x1F  }
0x1d7: {  	v25 =	vld [tilespmem:s25+$0xFFFFFF50];
	v26 =	vshra.s32 v18, $0x1F;
	v14 =	vxor.u32 v16, v14;
	v15 =	vor.u32 $0x80000000, v15  }
0x1d8: {  	v16 =	vshra.s32 v22, $0x1F;
	v27 =	vld [tilespmem:s25+$0xFFFFFF60];
	v26 =	vor.u32 $0x80000000, v26;
	v15 =	vxor.u32 v17, v15  }
0x1d9: {  	v17 =	vld [tilespmem:s25+$0xFFFFFF00];
	v16 =	vor.u32 $0x80000000, v16;
	v28 =	vshra.s32 v23, $0x1F;
	v18 =	vxor.u32 v18, v26  }
0x1da: {  	v26 =	vor.u32 $0x80000000, v28;
	v28 =	vshra.s32 v13, $0x1F;
	v29 =	vshrl.u32 v18, $0xA;
	v30 =	vld [tilespmem:s23+$0x50]  }
0x1db: {  	v18 =	vand.u32 $0x7FF, v18;
	v31 =	vshra.s32 v24, $0x1F;
	vm8 =	veq.s32 v29, v4;
	v29 =	vld [tilespmem:s23+$0x60]  }
0x1dc: {  	v28 =	vor.u32 $0x80000000, v28;
	v18 =	vor.u32 v2, v18;
	v32 =	vshra.s32 v25, $0x1F;
	[tilespmem:v9+s15+$0x0] =	vst.idx.add.s32.msk vm7, v3  }
0x1dd: {  	v9 =	vor.u32 $0x80000000, v31;
	v31 =	vor.u32 $0x80000000, v32;
	v32 =	vshra.s32 v27, $0x1F;
	[tilespmem:v20+s15+$0x0] =	vst.idx.add.s32.msk vm6, v3  }
0x1de: {  	v16 =	vxor.u32 v22, v16;
	v20 =	vshra.s32 v17, $0x1F;
	v22 =	vor.u32 $0x80000000, v32;
	[tilespmem:v21+s15+$0x0] =	vst.idx.add.s32.msk vm5, v3  }
0x1df: {  	v13 =	vxor.u32 v13, v28;
	v21 =	vxor.u32 v23, v26;
	v20 =	vor.u32 $0x80000000, v20;
	[tilespmem:v19+s15+$0x0] =	vst.idx.add.s32.msk vm4, v3  }
0x1e0: {  	v9 =	vxor.u32 v24, v9;
	v19 =	vxor.u32 v25, v31;
	v17 =	vxor.u32 v17, v20  }
0x1e1: {  	v23 =	vshrl.u32 v16, $0xA;
	v22 =	vxor.u32 v27, v22;
	v20 =	vshrl.u32 v17, $0xA;
	[tilespmem:v18+s15+$0x0] =	vst.idx.add.s32.msk vm8, v3  }
0x1e2: {  	v24 =	vshrl.u32 v13, $0xA;
	v25 =	vshrl.u32 v9, $0xA;
	v18 =	vshrl.u32 v21, $0xA;
	v26 =	vld [tilespmem:s25+$0xFFFFFFF0]  }
0x1e3: {  	v27 =	vshrl.u32 v19, $0xA;
	v28 =	vshrl.u32 v22, $0xA;
	v17 =	vand.u32 $0x7FF, v17;
	[tilespmem:v5+s15+$0x0] =	vst.idx.add.s32.msk vm0, v3  }
0x1e4: {  	v13 =	vand.u32 $0x7FF, v13;
	v5 =	vand.u32 $0x7FF, v16;
	v16 =	vand.u32 $0x7FF, v21  }
0x1e5: {  	v9 =	vand.u32 $0x7FF, v9;
	v19 =	vand.u32 $0x7FF, v19;
	v21 =	vand.u32 $0x7FF, v22  }
0x1e6: {  	vm8 =	veq.s32 v23, v4;
	vm9 =	veq.s32 v20, v4;
	vm7 =	veq.s32 v18, v4  }
0x1e7: {  	vm6 =	veq.s32 v24, v4;
	vm0 =	veq.s32 v25, v4;
	v18 =	vshra.s32 v26, $0x1F  }
0x1e8: {  	vm5 =	veq.s32 v27, v4;
	vm4 =	veq.s32 v28, v4;
	v18 =	vor.u32 $0x80000000, v18  }
0x1e9: {  	v17 =	vor.u32 v2, v17;
	v5 =	vor.u32 v2, v5;
	v18 =	vxor.u32 v26, v18  }
0x1ea: {  	v13 =	vor.u32 v2, v13;
	v16 =	vor.u32 v2, v16;
	v20 =	vshrl.u32 v18, $0xA  }
0x1eb: {  	v9 =	vor.u32 v2, v9;
	v18 =	vand.u32 $0x7FF, v18;
	vm10 =	veq.s32 v20, v4  }
0x1ec: {  	v19 =	vor.u32 v2, v19;
	v20 =	vor.u32 v2, v21;
	v18 =	vor.u32 v2, v18  }
0x1ed: {  	v23 =	vshra.s32 v29, $0x1F;
	v22 =	vshra.s32 v30, $0x1F;
	v21 =	vshrl.u32 v10, $0xA  }
0x1ee: {  	v23 =	vor.u32 $0x80000000, v23;
	v22 =	vor.u32 $0x80000000, v22;
	[tilespmem:v17+s15+$0x0] =	vst.idx.add.s32.msk vm9, v3;
	v17 =	vshrl.u32 v11, $0xA  }
0x1ef: {  	v23 =	vxor.u32 v29, v23;
	v22 =	vxor.u32 v30, v22;
	[tilespmem:v5+s15+$0x0] =	vst.idx.add.s32.msk vm8, v3;
	v5 =	vshrl.u32 v12, $0xA  }
0x1f0: {  	v24 =	vshrl.u32 v15, $0xA;
	v25 =	vshrl.u32 v22, $0xA;
	[tilespmem:v16+s15+$0x0] =	vst.idx.add.s32.msk vm7, v3;
	v16 =	vshrl.u32 v14, $0xA  }
0x1f1: {  	v10 =	vand.u32 $0x7FF, v10;
	v11 =	vand.u32 $0x7FF, v11;
	[tilespmem:v18+s15+$0x0] =	vst.idx.add.s32.msk vm10, v3;
	v18 =	vshrl.u32 v23, $0xA  }
0x1f2: {  	v15 =	vand.u32 $0x7FF, v15;
	v12 =	vand.u32 $0x7FF, v12;
	v14 =	vand.u32 $0x7FF, v14;
	v26 =	vld [tilespmem:s25+$0x70]  }
0x1f3: {  	vm8 =	veq.s32 v21, v4;
	v21 =	vand.u32 $0x7FF, v23;
	[tilespmem:v13+s15+$0x0] =	vst.idx.add.s32.msk vm6, v3;
	v13 =	vand.u32 $0x7FF, v22  }
0x1f4: {  	vm9 =	veq.s32 v17, v4;
	vm7 =	veq.s32 v5, v4;
	[tilespmem:v9+s15+$0x0] =	vst.idx.add.s32.msk vm0, v3;
	vm0 =	vmmov vm3  }
0x1f5: {  	vm6 =	veq.s32 v16, v4;
	[tilespmem:v19+s15+$0x0] =	vst.idx.add.s32.msk vm5, v3;
	vm5 =	veq.s32 v24, v4  }
0x1f6: {  	vm3 =	veq.s32 v18, v4;
	[tilespmem:v20+s15+$0x0] =	vst.idx.add.s32.msk vm4, v3;
	vm4 =	veq.s32 v25, v4  }
0x1f7: {  	v10 =	vor.u32 v2, v10;
	v11 =	vor.u32 v2, v11;
	v9 =	vld [tilespmem:s25+$0xFFFFFF80];
	v5 =	vshra.s32 v26, $0x1F  }
0x1f8: {  	v12 =	vor.u32 v2, v12;
	v14 =	vor.u32 v2, v14;
	v16 =	vld [tilespmem:s25+$0xFFFFFF90];
	v5 =	vor.u32 $0x80000000, v5  }
0x1f9: {  	v15 =	vor.u32 v2, v15;
	v13 =	vor.u32 v2, v13;
	v17 =	vld [tilespmem:s25+$0xFFFFFFA0];
	v5 =	vxor.u32 v26, v5  }
0x1fa: {  	v8 =	vor.u32 v2, v8;
	v20 =	vor.u32 v2, v21;
	v18 =	vld [tilespmem:s25+$0xFFFFFFB0];
	v19 =	vshrl.u32 v5, $0xA  }
0x1fb: {  	v6 =	vor.u32 v2, v6;
	v5 =	vand.u32 $0x7FF, v5;
	v21 =	vld [tilespmem:s25+$0xFFFFFFC0];
	vm10 =	veq.s32 v19, v4  }
0x1fc: {  	v23 =	vor.u32 v2, v5;
	v5 =	vor.u32 v2, v7;
	v19 =	vshra.s32 v9, $0x1F;
	v22 =	vld [tilespmem:s25+$0xFFFFFFD0]  }
0x1fd: {  	v7 =	vor.u32 $0x80000000, v19;
	v19 =	vshra.s32 v16, $0x1F;
	v24 =	vld [tilespmem:s25+$0xFFFFFFE0]  }
0x1fe: {  	v7 =	vxor.u32 v9, v7;
	v9 =	vor.u32 $0x80000000, v19;
	v19 =	vshra.s32 v17, $0x1F;
	[tilespmem:v10+s15+$0x0] =	vst.idx.add.s32.msk vm8, v3  }
0x1ff: {  	v9 =	vxor.u32 v16, v9;
	v10 =	vor.u32 $0x80000000, v19;
	v16 =	vshra.s32 v18, $0x1F;
	[tilespmem:v11+s15+$0x0] =	vst.idx.add.s32.msk vm9, v3  }
0x200: {  	v10 =	vxor.u32 v17, v10;
	v11 =	vor.u32 $0x80000000, v16;
	v16 =	vshra.s32 v21, $0x1F;
	[tilespmem:v12+s15+$0x0] =	vst.idx.add.s32.msk vm7, v3  }
0x201: {  	v11 =	vxor.u32 v18, v11;
	v12 =	vor.u32 $0x80000000, v16;
	v16 =	vshra.s32 v22, $0x1F;
	[tilespmem:v23+s15+$0x0] =	vst.idx.add.s32.msk vm10, v3  }
0x202: {  	v12 =	vxor.u32 v21, v12;
	v16 =	vor.u32 $0x80000000, v16;
	v17 =	vshra.s32 v24, $0x1F;
	v18 =	vld [tilespmem:s25+$0xF0]  }
0x203: {  	v19 =	vshrl.u32 v7, $0xA;
	v16 =	vxor.u32 v22, v16;
	v17 =	vor.u32 $0x80000000, v17;
	[tilespmem:v14+s15+$0x0] =	vst.idx.add.s32.msk vm6, v3  }
0x204: {  	v21 =	vshrl.u32 v10, $0xA;
	v14 =	vshrl.u32 v9, $0xA;
	v17 =	vxor.u32 v24, v17;
	[tilespmem:v15+s15+$0x0] =	vst.idx.add.s32.msk vm5, v3  }
0x205: {  	v22 =	vshrl.u32 v12, $0xA;
	v15 =	vshrl.u32 v11, $0xA;
	v23 =	vshrl.u32 v16, $0xA;
	[tilespmem:v13+s15+$0x0] =	vst.idx.add.s32.msk vm4, v3  }
0x206: {  	v7 =	vand.u32 $0x7FF, v7;
	v9 =	vand.u32 $0x7FF, v9;
	v13 =	vshrl.u32 v17, $0xA;
	[tilespmem:v20+s15+$0x0] =	vst.idx.add.s32.msk vm3, v3  }
0x207: {  	v10 =	vand.u32 $0x7FF, v10;
	v11 =	vand.u32 $0x7FF, v11;
	v20 =	vshra.s32 v18, $0x1F;
	v24 =	vld [tilespmem:s23+$0x80]  }
0x208: {  	v12 =	vand.u32 $0x7FF, v12;
	v16 =	vand.u32 $0x7FF, v16;
	v20 =	vor.u32 $0x80000000, v20;
	v25 =	vld [tilespmem:s23+$0x90]  }
0x209: {  	vm8 =	veq.s32 v19, v4;
	v17 =	vand.u32 $0x7FF, v17;
	v18 =	vxor.u32 v18, v20;
	v19 =	vld [tilespmem:s23+$0xA0]  }
0x20a: {  	vm7 =	veq.s32 v21, v4;
	vm9 =	veq.s32 v14, v4;
	v14 =	vshrl.u32 v18, $0xA;
	v20 =	vld [tilespmem:s23+$0xB0]  }
0x20b: {  	vm5 =	veq.s32 v15, v4;
	vm10 =	veq.s32 v14, v4;
	v14 =	vand.u32 $0x7FF, v18;
	v15 =	vld [tilespmem:s23+$0xC0]  }
0x20c: {  	vm6 =	veq.s32 v22, v4;
	vm3 =	veq.s32 v23, v4;
	v14 =	vor.u32 v2, v14;
	v18 =	vld [tilespmem:s23+$0xD0]  }
0x20d: {  	v7 =	vor.u32 v2, v7;
	v9 =	vor.u32 v2, v9;
	vm4 =	veq.s32 v13, v4;
	v13 =	vld [tilespmem:s23+$0xE0];
	s23 =	smov.u32 s25  }
0x20e: {  	v10 =	vor.u32 v2, v10;
	v12 =	vor.u32 v2, v12;
	v11 =	vor.u32 v2, v11  }
0x20f: {  	v16 =	vor.u32 v2, v16;
	v17 =	vor.u32 v2, v17;
	v21 =	vshra.s32 v24, $0x1F;
	[tilespmem:v8+s15+$0x0] =	vst.idx.add.s32.msk vm1, v3  }
0x210: {  	v22 =	vshra.s32 v19, $0x1F;
	v8 =	vshra.s32 v25, $0x1F;
	v23 =	vshra.s32 v20, $0x1F;
	[tilespmem:v6+s15+$0x0] =	vst.idx.add.s32.msk vm2, v3  }
0x211: {  	v6 =	vor.u32 $0x80000000, v21;
	[tilespmem:v14+s15+$0x0] =	vst.idx.add.s32.msk vm10, v3;
	v14 =	vshra.s32 v15, $0x1F;
	v21 =	vshra.s32 v18, $0x1F  }
0x212: {  	[tilespmem:v7+s15+$0x0] =	vst.idx.add.s32.msk vm8, v3;
	v7 =	vor.u32 $0x80000000, v8;
	v8 =	vor.u32 $0x80000000, v22;
	v22 =	vshra.s32 v13, $0x1F  }
0x213: {  	v14 =	vor.u32 $0x80000000, v14;
	v21 =	vor.u32 $0x80000000, v21;
	[tilespmem:v9+s15+$0x0] =	vst.idx.add.s32.msk vm9, v3;
	v9 =	vor.u32 $0x80000000, v23  }
0x214: {  	v6 =	vxor.u32 v24, v6;
	v7 =	vxor.u32 v25, v7;
	[tilespmem:v10+s15+$0x0] =	vst.idx.add.s32.msk vm7, v3;
	v10 =	vor.u32 $0x80000000, v22  }
0x215: {  	v8 =	vxor.u32 v19, v8;
	v22 =	vshrl.u32 v6, $0xA;
	v9 =	vxor.u32 v20, v9;
	[tilespmem:v11+s15+$0x0] =	vst.idx.add.s32.msk vm5, v3  }
0x216: {  	v15 =	vxor.u32 v15, v14;
	v18 =	vxor.u32 v18, v21;
	v19 =	vshrl.u32 v7, $0xA;
	[tilespmem:v12+s15+$0x0] =	vst.idx.add.s32.msk vm6, v3  }
0x217: {  	v20 =	vshrl.u32 v8, $0xA;
	v21 =	vshrl.u32 v9, $0xA;
	[tilespmem:v16+s15+$0x0] =	vst.idx.add.s32.msk vm3, v3;
	v16 =	vxor.u32 v13, v10  }
0x218: {  	v23 =	vshrl.u32 v18, $0xA;
	[tilespmem:v17+s15+$0x0] =	vst.idx.add.s32.msk vm4, v3;
	v17 =	vshrl.u32 v15, $0xA;
	v24 =	vshrl.u32 v16, $0xA  }
.Ltmp7:
0x219: {  	v25 =	vand.u32 $0x7FF, v6;
	v11 =	vand.u32 $0x7FF, v7;
	v12 =	vand.u32 $0x7FF, v8;
	v13 =	vld [tilespmem:s25+$0x0];
	(pc) =	sbr.rel @p0 .LBB2_14-.Ltmp7, $4  }
0x21a: {  	v6 =	vand.u32 $0x7FF, v18;
	v8 =	vand.u32 $0x7FF, v15;
	v10 =	vand.u32 $0x7FF, v9;
	v14 =	vld [tilespmem:s25+$0x10]  }
0x21b: {  	vm7 =	veq.s32 v22, v4;
	vm6 =	veq.s32 v19, v4;
	v7 =	vand.u32 $0x7FF, v16;
	v15 =	vld [tilespmem:s25+$0x20]  }
0x21c: {  	vm5 =	veq.s32 v20, v4;
	vm4 =	veq.s32 v21, v4;
	vm1 =	veq.s32 v17, v4;
	v16 =	vld [tilespmem:s25+$0x30]  }
0x21d: {  	vm2 =	veq.s32 v23, v4;
	v9 =	vor.u32 v2, v25;
	vm3 =	veq.s32 v24, v4;
	s25 =	sadd.s32 $0x200, s25;
	v17 =	vld [tilespmem:s23+$0x40]  }
0x21e: {  	_ = 	snop  }
0x21f: {  	v18 =	vshra.s32 v13, $0x1F;
	v20 =	vshra.s32 v14, $0x1F  }
0x220: {  	v18 =	vor.u32 $0x80000000, v18;
	v61 =	vor.u32 $0x80000000, v20;
	v62 =	vshra.s32 v15, $0x1F  }
0x221: {  	v60 =	vxor.u32 v13, v18;
	v63 =	vxor.u32 v14, v61;
	v24 =	vor.u32 $0x80000000, v62  }
0x222: {  	v19 =	vld [tilespmem:s23+$0x50];
	v25 =	vshra.s32 v16, $0x1F;
	v22 =	vshrl.u32 v60, $0xA;
	v13 =	vand.u32 $0x7FF, v60  }
0x223: {  	v21 =	vld [tilespmem:s23+$0x60];
	v26 =	vxor.u32 v15, v24;
	v27 =	vor.u32 $0x80000000, v25;
	v28 =	vshra.s32 v17, $0x1F  }
0x224: {  	v34 =	vshrl.u32 v63, $0xA;
	vm8 =	veq.s32 v22, v4;
	v14 =	vand.u32 $0x7FF, v63  }
0x225: {  	v13 =	vor.u32 v2, v13;
	v29 =	vxor.u32 v16, v27;
	vm9 =	veq.s32 v34, v4  }
0x226: {  	v30 =	vor.u32 $0x80000000, v28;
	v35 =	vshrl.u32 v26, $0xA;
	v14 =	vor.u32 v2, v14  }
0x227: {  	v31 =	vshra.s32 v19, $0x1F;
	v15 =	vand.u32 $0x7FF, v26;
	vm10 =	veq.s32 v35, v4  }
0x228: {  	v33 =	vshra.s32 v21, $0x1F;
	v36 =	vshrl.u32 v29, $0xA;
	v15 =	vor.u32 v2, v15  }
0x229: {  	v32 =	vxor.u32 v17, v30;
	v16 =	vand.u32 $0x7FF, v29;
	vm11 =	veq.s32 v36, v4  }
0x22a: {  	v20 =	vor.u32 $0x80000000, v31;
	v37 =	vshrl.u32 v32, $0xA;
	v16 =	vor.u32 v2, v16;
	[tilespmem:v13+s15+$0x0] =	vst.idx.add.s32.msk vm8, v3  }
0x22b: {  	v19 =	vxor.u32 v19, v20;
	v17 =	vand.u32 $0x7FF, v32;
	vm12 =	veq.s32 v37, v4;
	[tilespmem:v14+s15+$0x0] =	vst.idx.add.s32.msk vm9, v3  }
0x22c: {  	v18 =	vor.u32 $0x80000000, v33;
	v38 =	vshrl.u32 v19, $0xA;
	v17 =	vor.u32 v2, v17;
	v42 =	vld [tilespmem:s23+$0x80]  }
0x22d: {  	v18 =	vxor.u32 v21, v18;
	v19 =	vand.u32 $0x7FF, v19;
	vm13 =	veq.s32 v38, v4;
	[tilespmem:v15+s15+$0x0] =	vst.idx.add.s32.msk vm10, v3  }
0x22e: {  	v39 =	vshrl.u32 v18, $0xA;
	v41 =	vor.u32 v2, v19;
	v14 =	vld [tilespmem:s23+$0x90]  }
0x22f: {  	v40 =	vand.u32 $0x7FF, v18;
	vm14 =	veq.s32 v39, v4;
	[tilespmem:v16+s15+$0x0] =	vst.idx.add.s32.msk vm11, v3  }
0x230: {  	v13 =	vor.u32 v2, v40;
	v15 =	vld [tilespmem:s23+$0xA0]  }
0x231: {  	[tilespmem:v17+s15+$0x0] =	vst.idx.add.s32.msk vm12, v3  }
0x232: {  	v16 =	vld [tilespmem:s23+$0xB0]  }
0x233: {  	v11 =	vor.u32 v2, v11;
	[tilespmem:v41+s15+$0x0] =	vst.idx.add.s32.msk vm13, v3  }
0x234: {  	v12 =	vor.u32 v2, v12;
	v10 =	vor.u32 v2, v10;
	vm3 =	vmmov vm3;
	v17 =	vld [tilespmem:s23+$0xC0]  }
0x235: {  	v8 =	vor.u32 v2, v8;
	v6 =	vor.u32 v2, v6;
	[tilespmem:v13+s15+$0x0] =	vst.idx.add.s32.msk vm14, v3;
	v44 =	vshra.s32 v42, $0x1F  }
0x236: {  	v7 =	vor.u32 v2, v7;
	v18 =	vld [tilespmem:s23+$0xD0];
	v45 =	vshra.s32 v14, $0x1F;
	v20 =	vor.u32 $0x80000000, v44  }
0x237: {  	v43 =	vld [tilespmem:s23+$0xE0];
	v46 =	vshra.s32 v15, $0x1F;
	v13 =	vxor.u32 v42, v20;
	v21 =	vor.u32 $0x80000000, v45  }
0x238: {  	v47 =	vshra.s32 v16, $0x1F;
	v14 =	vxor.u32 v14, v21;
	v22 =	vor.u32 $0x80000000, v46  }
0x239: {  	v51 =	vshrl.u32 v13, $0xA;
	v13 =	vand.u32 $0x7FF, v13;
	v48 =	vshra.s32 v17, $0x1F  }
0x23a: {  	v15 =	vxor.u32 v15, v22;
	v20 =	vor.u32 $0x80000000, v47;
	v52 =	vshrl.u32 v14, $0xA  }
0x23b: {  	vm15 =	veq.s32 v51, v4;
	v56 =	vand.u32 $0x7FF, v14;
	v13 =	vor.u32 v2, v13  }
0x23c: {  	v49 =	vshra.s32 v18, $0x1F;
	v16 =	vxor.u32 v16, v20;
	v50 =	vshra.s32 v43, $0x1F  }
0x23d: {  	[tilespmem:v9+s15+$0x0] =	vst.idx.add.s32.msk vm7, v3;
	v21 =	vor.u32 $0x80000000, v48;
	v53 =	vshrl.u32 v15, $0xA;
	vm9 =	veq.s32 v52, v4  }
0x23e: {  	[tilespmem:v5+s15+$0x0] =	vst.idx.add.s32.msk vm0, v3;
	v57 =	vand.u32 $0x7FF, v15;
	v58 =	vor.u32 v2, v56;
	v22 =	vor.u32 $0x80000000, v49  }
0x23f: {  	[tilespmem:v11+s15+$0x0] =	vst.idx.add.s32.msk vm6, v3;
	v20 =	vor.u32 $0x80000000, v50;
	v17 =	vxor.u32 v17, v21;
	v54 =	vshrl.u32 v16, $0xA  }
0x240: {  	[tilespmem:v10+s15+$0x0] =	vst.idx.add.s32.msk vm4, v3;
	vm10 =	veq.s32 v53, v4;
	v5 =	vand.u32 $0x7FF, v16;
	v10 =	vor.u32 v2, v57  }
0x241: {  	[tilespmem:v12+s15+$0x0] =	vst.idx.add.s32.msk vm5, v3;
	v18 =	vxor.u32 v18, v22;
	v19 =	vxor.u32 v43, v20;
	v55 =	vshrl.u32 v17, $0xA  }
0x242: {  	[tilespmem:v6+s15+$0x0] =	vst.idx.add.s32.msk vm2, v3;
	vm11 =	veq.s32 v54, v4;
	v5 =	vor.u32 v2, v5;
	v6 =	vand.u32 $0x7FF, v17  }
0x243: {  	[tilespmem:v8+s15+$0x0] =	vst.idx.add.s32.msk vm1, v3;
	v59 =	vshrl.u32 v18, $0xA;
	v60 =	vshrl.u32 v19, $0xA;
	vm12 =	veq.s32 v55, v4  }
0x244: {  	[tilespmem:v7+s15+$0x0] =	vst.idx.add.s32.msk vm3, v3;
	v61 =	vand.u32 $0x7FF, v18;
	v6 =	vor.u32 v2, v6;
	vm13 =	veq.s32 v59, v4  }
0x245: {  	s22 =	sadd.s32 $0x1, s22;
	v62 =	vand.u32 $0x7FF, v19;
	vm14 =	veq.s32 v60, v4;
	v8 =	vor.u32 v2, v61;
	[tilespmem:v13+s15+$0x0] =	vst.idx.add.s32.msk vm15, v3  }
0x246: {  	p0 =	sne.s32 s22, $0x40;
	v63 =	vor.u32 v2, v62;
	[tilespmem:v58+s15+$0x0] =	vst.idx.add.s32.msk vm9, v3  }
.Ltmp8:
0x247: {  	[tilespmem:v10+s15+$0x0] =	vst.idx.add.s32.msk vm10, v3;
	(pc) =	sbr.rel @p0 .LBB2_13-.Ltmp8, $4  }
0x248: {  	[tilespmem:v5+s15+$0x0] =	vst.idx.add.s32.msk vm11, v3  }
0x249: {  	[tilespmem:v6+s15+$0x0] =	vst.idx.add.s32.msk vm12, v3  }
0x24a: {  	[tilespmem:v8+s15+$0x0] =	vst.idx.add.s32.msk vm13, v3  }
0x24b: {  	vm15 =	vmmov vm14;
	[tilespmem:v63+s15+$0x0] =	vst.idx.add.s32.msk vm14, v3  }
.LBB2_16:
0x24c: {  	s1 =	simm.s32 $0x0;
	s22 =	simm.s32 $0x4000  }
0x24d: {  	s1 =	sand.u32 $0x7F0, s1;
	v5 =	vld [tilespmem:s22+$0x0]  }
0x24e: {  	v4 =	vld [tilespmem:s1+$0x4800]  }
0x24f: {  	v6 =	vld [tilespmem:s1+$0x5000]  }
0x250: {  	v7 =	vld [tilespmem:s1+$0x5800]  }
0x251: {  	v8 =	vld [tilespmem:s1+$0x6000]  }
0x252: {  	v9 =	vld [tilespmem:s1+$0x6800]  }
0x253: {  	v4 =	vadd.s32 v5, v4;
	v5 =	vld [tilespmem:s1+$0x7000]  }
0x254: {  	v4 =	vadd.s32 v6, v4;
	v6 =	vld [tilespmem:s1+$0x7800]  }
0x255: {  	v4 =	vadd.s32 v7, v4;
	v7 =	vld [tilespmem:s1+$0x8000]  }
0x256: {  	v60 =	vld [tilespmem:s1+$0x8800];
	v4 =	vadd.s32 v8, v4  }
0x257: {  	v61 =	vld [tilespmem:s1+$0x9000];
	v4 =	vadd.s32 v9, v4  }
0x258: {  	v4 =	vadd.s32 v5, v4;
	v5 =	vld [tilespmem:s1+$0x9800]  }
0x259: {  	v4 =	vadd.s32 v6, v4;
	v6 =	vld [tilespmem:s1+$0xA000]  }
0x25a: {  	v4 =	vadd.s32 v7, v4;
	v7 =	vld [tilespmem:s1+$0xA800]  }
0x25b: {  	v62 =	vld [tilespmem:s1+$0xB000];
	v4 =	vadd.s32 v60, v4  }
0x25c: {  	v63 =	vld [tilespmem:s1+$0xB800];
	v4 =	vadd.s32 v61, v4  }
0x25d: {  	v4 =	vadd.s32 v5, v4  }
0x25e: {  	v4 =	vadd.s32 v6, v4  }
0x25f: {  	v4 =	vadd.s32 v7, v4  }
0x260: {  	v4 =	vadd.s32 v62, v4  }
0x261: {  	s31 =	simm.s32 $0x10;
	s22 =	simm.s32 $0xC000;
	v4 =	vadd.s32 v63, v4  }
0x262: {  	s23 =	sand.u32 $0x7F0, s31;
	[tilespmem:s22+$0x0] =	vst v4  }
0x263: {  	s25 =	simm.s32 $0x20;
	s24 =	simm.s32 $0x4010;
	v4 =	vld [tilespmem:s23+$0x4800]  }
.LBB2_17:
0x264: {  	p0 =	sne.s32 s25, $0x7F0;
	v5 =	vld [tilespmem:s24+$0x0]  }
0x265: {  	v6 =	vld [tilespmem:s23+$0x5000]  }
0x266: {  	v7 =	vld [tilespmem:s23+$0x5800]  }
0x267: {  	v8 =	vld [tilespmem:s23+$0x6000]  }
0x268: {  	v9 =	vld [tilespmem:s23+$0x6800]  }
0x269: {  	v4 =	vadd.s32 v5, v4;
	v5 =	vld [tilespmem:s23+$0x7000]  }
0x26a: {  	v4 =	vadd.s32 v6, v4;
	v6 =	vld [tilespmem:s23+$0x7800]  }
0x26b: {  	v4 =	vadd.s32 v7, v4;
	v7 =	vld [tilespmem:s23+$0x8000]  }
0x26c: {  	v4 =	vadd.s32 v8, v4;
	v8 =	vld [tilespmem:s23+$0x8800]  }
0x26d: {  	v4 =	vadd.s32 v9, v4;
	v9 =	vld [tilespmem:s23+$0x9000]  }
0x26e: {  	v4 =	vadd.s32 v5, v4;
	v5 =	vld [tilespmem:s23+$0x9800]  }
0x26f: {  	v4 =	vadd.s32 v6, v4;
	v6 =	vld [tilespmem:s23+$0xA000]  }
0x270: {  	v4 =	vadd.s32 v7, v4;
	v7 =	vld [tilespmem:s23+$0xA800]  }
0x271: {  	v4 =	vadd.s32 v8, v4;
	v8 =	vld [tilespmem:s23+$0xB000]  }
0x272: {  	v4 =	vadd.s32 v9, v4;
	v9 =	vld [tilespmem:s23+$0xB800]  }
0x273: {  	v4 =	vadd.s32 v5, v4  }
0x274: {  	v4 =	vadd.s32 v6, v4  }
.Ltmp9:
0x275: {  	v4 =	vadd.s32 v7, v4;
	(pc) =	sbr.rel @p0 .LBB2_17-.Ltmp9, $4  }
0x276: {  	v4 =	vadd.s32 v8, v4  }
0x277: {  	s22 =	sadd.s32 $0x10, s22;
	v4 =	vadd.s32 v9, v4  }
0x278: {  	s23 =	sand.u32 $0x7F0, s25;
	[tilespmem:s22+$0x0] =	vst v4  }
0x279: {  	s24 =	sadd.s32 $0x10, s24;
	s25 =	sadd.s32 $0x10, s25;
	v4 =	vld [tilespmem:s23+$0x4800]  }
0x27a: {  	v5 =	vld [tilespmem:s24+$0x0]  }
0x27b: {  	v6 =	vld [tilespmem:s23+$0x5000]  }
0x27c: {  	v7 =	vld [tilespmem:s23+$0x5800]  }
0x27d: {  	v8 =	vld [tilespmem:s23+$0x6000]  }
0x27e: {  	v9 =	vld [tilespmem:s23+$0x6800]  }
0x27f: {  	v4 =	vadd.s32 v5, v4;
	v5 =	vld [tilespmem:s23+$0x7000]  }
0x280: {  	v56 =	vld [tilespmem:s23+$0x7800];
	v4 =	vadd.s32 v6, v4  }
0x281: {  	v57 =	vld [tilespmem:s23+$0x8000];
	v4 =	vadd.s32 v7, v4  }
0x282: {  	v58 =	vld [tilespmem:s23+$0x8800];
	v4 =	vadd.s32 v8, v4  }
0x283: {  	v59 =	vld [tilespmem:s23+$0x9000];
	v4 =	vadd.s32 v9, v4  }
0x284: {  	v4 =	vadd.s32 v5, v4;
	v5 =	vld [tilespmem:s23+$0x9800]  }
0x285: {  	v60 =	vld [tilespmem:s23+$0xA000];
	v4 =	vadd.s32 v56, v4  }
0x286: {  	v61 =	vld [tilespmem:s23+$0xA800];
	v4 =	vadd.s32 v57, v4  }
0x287: {  	v62 =	vld [tilespmem:s23+$0xB000];
	v4 =	vadd.s32 v58, v4  }
0x288: {  	v63 =	vld [tilespmem:s23+$0xB800];
	v4 =	vadd.s32 v59, v4  }
0x289: {  	v4 =	vadd.s32 v5, v4  }
0x28a: {  	v4 =	vadd.s32 v60, v4  }
0x28b: {  	v4 =	vadd.s32 v61, v4  }
0x28c: {  	s21 =	sadd.s32 $0x1, s21;
	v4 =	vadd.s32 v62, v4  }
0x28d: {  	s1 =	sadd.s32 $0x10, s22;
	p0 =	sne.s32 s21, s11;
	v4 =	vadd.s32 v63, v4  }
.Ltmp10:
0x28e: {  	[tilespmem:s1+$0x0] =	vst v4;
	(pc) =	sbr.rel @p0 .LBB2_1-.Ltmp10, $4  }
0x28f: {  	[hbm4b:s10+s16] =	stream.strided.scatter [tilespmem:s18], [sflag:$0x1], $0x800, s17, s16, $0x38;
	[tilespmem:$0xC900] =	vst v63  }
0x290: {  	_ =	swait.ge [sflag:s13], $0x800  }
0x291: {  	[sflag:s13] =	ssyncset.done $0x0  }
0x292: {  	[sflag:s13] =	ssyncadd.s32 $0xFFFFF800  }
0x293: {  	_ =	sfence.sel $0x180000  }
0x294: {  	[bflag:$0x0] =	sbarrier.arrive $0xFFFF  }
0x295: {  	_ =	strace $0x9000004D  }
0x296: {  	[bflag:$0x2] =	sbarrier.arrive $0xFFFF  }
0x297: {  	p0 =	sne.s32 s0, $0x0;
	s0 =	rddreg [dreg:$0x3]  }
0x298: {  	s0 =	sadd.s32 @!p0 $0x100000, s0  }
0x299: {  	[sflag:s0] =	ssyncadd.tile.s32 @!p0 $0x1;
	_ =	shalt  }
.Lfunc_end2:
_tile_overlayer_lowered:
.L_overlay_start_2:
0x29a: {  	(tag) =	ssettag $0x2  }
0x29b: {  	s0 =	rddreg [dreg:$0x0];
	s2 =	stileid.u32  }
0x29c: {  	s1 =	rddreg [dreg:$0x1];
	p0 =	sne.s32 s2, $0x0  }
0x29d: {  	s3 =	rddreg [dreg:$0x2];
	[bflag:$0x3] =	sbarrier.arrive $0xFFFF;
	s2 =	simm.s32 @!p0 $0x1C01  }
0x29e: {  	[timem:s3], [sflag:s2] =	dma.local @!p0 [hbm:s0], s1  }
0x29f: {  	s0 =	simm.s32 @!p0 $0x1  }
0x2a0: {  	_ =	swait.ge @!p0 [sflag:s0], s1  }
0x2a1: {  	s1 =	ssub.s32 @!p0 $0x0, s1;
	[sflag:s0] =	ssyncset.done @!p0 $0x0  }
0x2a2: {  	[sflag:s0] =	ssyncadd.s32 @!p0 s1  }
0x2a3: {  	[bflag:$0x3] =	sbarrier.arrive $0xFFFF  }
0x2a4: {  	_ =	shalt  }

// kernel: kernel.6.cloned.1.call-start
scs
__scs_entry_jumppad:
0x0: {  	(pc) =	sbr.rel $0x88, $3  }
0x1: {  	(tag) =	ssettag $0x0;
	lr =	simm.s32 $0x1  }
0x2: {  	[smem:$0x3FA0] =	sst lr;
	_ =	strace $0xD0000000  }
0x3: {  	_ = 	snop  }
0x4: {  	_ = 	snop  }
0x5: {  	_ = 	snop  }
0x6: {  	_ = 	snop  }
0x7: {  	_ = 	snop  }
__scs_overlays_trampoline_lowered:
0x8: {  	[smem:$0x3FAF] =	sst s0  }
0x9: {  	[smem:$0x3FB0] =	sst s1  }
0xa: {  	[smem:$0x3FB1] =	sst s2  }
0xb: {  	[smem:$0x3FB2] =	sst s3  }
0xc: {  	[smem:$0x3FB3] =	sst s4  }
0xd: {  	[smem:$0x3FB4] =	sst s5  }
0xe: {  	[smem:$0x3FB5] =	sst s6  }
0xf: {  	[smem:$0x3FB6] =	sst s7  }
0x10: {  	[smem:$0x3FB7] =	sst s8  }
0x11: {  	[smem:$0x3FB8] =	sst s9;
	s0 =	simm.s32 @!p0 $0x0  }
0x12: {  	s1 =	sld [smem:$0x3F9E];
	s0 =	simm.s32 @p0 $0x1  }
0x13: {  	[smem:$0x3FB9] =	sst s0;
	s0 =	simm.s32 @!p1 $0x0  }
0x14: {  	s2 =	sld [smem:$0x3F9D];
	s0 =	simm.s32 @p1 $0x1  }
0x15: {  	[smem:$0x3FBA] =	sst s0;
	s0 =	simm.s32 @!p2 $0x0  }
0x16: {  	s3 =	sld [smem:$0x3FDB];
	s0 =	simm.s32 @p2 $0x1  }
0x17: {  	s4 =	simm.s32 $0x1BF5;
	[smem:$0x3FBC] =	sst s0  }
0x18: {  	s0 =	sld [smem:$0x3F9F];
	_ =	swait.ge [sflag:s4], $0x0  }
0x19: {  	s7 =	sld [smem:$0x3FA0]  }
0x1a: {  	s8 =	sadd.s32 $0xFFFFE003, lr  }
0x1b: {  	s9 =	sadd.s32 $0xFFFFFEF7, lr;
	s5 =	simm.s32 $0xFFFFFFFF;
	p2 =	slt.u32 s8, $0xFFFFF086  }
0x1c: {  	p1 =	slt.u32 s9, $0xF7A;
	s5 =	simm.s32 @!p2 $0x0  }
0x1d: {  	s5 =	simm.s32 @p1 $0x1;
	p0 =	seq.s32 s7, s2  }
0x1e: {  	s7 =	smul.u32 @!p0 $0xF7A, s2;
	p2 =	seq.s32 @!p0 s5, $0x0  }
0x1f: {  	s9 =	smul.u32 $0xF7A, s1;
	s8 =	simm.s32 @!p0 $0x1BF5;
	p2 =	por !p2, p0  }
0x20: {  	[sflag:s8] =	ssyncset.s32 @!p0 $0xFFFFF086;
	s6 =	sadd.s32 @!p0 s3, s7;
	s7 =	simm.s32 @!p0 $0x108  }
0x21: {  	s3 =	sadd.s32 s3, s9;
	s6 =	sadd.s32 @!p0 $0x88, s6;
	s7 =	simm.s32 @p2 $0x1082  }
0x22: {  	[simem:s7], [sflag:s8] =	dma.local @!p0 [hbm:s6], $0xF7A  }
0x23: {  	s9 =	sor.u32 $0xD0000000, s2;
	s6 =	simm.s32 $0x108;
	_ =	swait.ge @!p0 [sflag:s8], $0x0  }
0x24: {  	s3 =	sadd.s32 $0x88, s3;
	s6 =	simm.s32 @!p1 $0x1082;
	[sflag:s4] =	ssyncset.s32 $0xFFFFF086  }
0x25: {  	[simem:s6], [sflag:s4] =	dma.local [hbm:s3], $0xF7A  }
0x26: {  	[smem:$0x3FA0] =	sst s1;
	(tag) =	ssettag s2;
	_ =	strace s9  }
0x27: {  	s1 =	sld [smem:$0x3FB0]  }
0x28: {  	s2 =	sld [smem:$0x3FB1]  }
0x29: {  	s4 =	sld [smem:$0x3FB3]  }
0x2a: {  	p0 =	seq.s32 s5, $0x0;
	s5 =	sld [smem:$0x3FB4]  }
0x2b: {  	s6 =	sld [smem:$0x3FB5]  }
0x2c: {  	s7 =	sld [smem:$0x3FB6]  }
0x2d: {  	s3 =	simm.s32 $0x108;
	s8 =	sld [smem:$0x3FB7]  }
0x2e: {  	s3 =	simm.s32 @!p0 $0x1082;
	s9 =	sld [smem:$0x3FB8]  }
0x2f: {  	lr =	sadd.s32 s0, s3;
	s0 =	sld [smem:$0x3FAF]  }
0x30: {  	s3 =	sld [smem:$0x3FB2]  }
0x31: {  	[smem:$0x3FBB] =	sst s10  }
0x32: {  	s10 =	sld [smem:$0x3FB9];
	_ =	sdelay $0x3  }
0x33: {  	p0 =	seq.s32 s10, $0x1;
	s10 =	sld [smem:$0x3FBB];
	_ =	sdelay $0x3  }
0x34: {  	[smem:$0x3FBB] =	sst s10  }
0x35: {  	s10 =	sld [smem:$0x3FBA];
	_ =	sdelay $0x3  }
0x36: {  	p1 =	seq.s32 s10, $0x1;
	s10 =	sld [smem:$0x3FBB];
	_ =	sdelay $0x3  }
0x37: {  	[smem:$0x3FBB] =	sst s10  }
0x38: {  	s10 =	sld [smem:$0x3FBC]  }
0x39: {  	_ = 	snop;
	(pc) =	sbr.ind lr, $3  }
0x3a: {  	_ = 	snop  }
0x3b: {  	_ = 	snop  }
0x3c: {  	p2 =	seq.s32 s10, $0x1;
	s10 =	sld [smem:$0x3FBB]  }
0x3d: {  	_ =	shalt  }
0x3e: {  	_ =	shalt  }
0x3f: {  	_ =	shalt  }
0x40: {  	_ =	shalt  }
0x41: {  	_ =	shalt  }
0x42: {  	_ =	shalt  }
0x43: {  	_ =	shalt  }
0x44: {  	_ =	shalt  }
0x45: {  	_ =	shalt  }
0x46: {  	_ =	shalt  }
0x47: {  	_ =	shalt  }
0x48: {  	_ =	shalt  }
0x49: {  	_ =	shalt  }
0x4a: {  	_ =	shalt  }
0x4b: {  	_ =	shalt  }
0x4c: {  	_ =	shalt  }
0x4d: {  	_ =	shalt  }
0x4e: {  	_ =	shalt  }
0x4f: {  	_ =	shalt  }
0x50: {  	_ =	shalt  }
0x51: {  	_ =	shalt  }
0x52: {  	_ =	shalt  }
0x53: {  	_ =	shalt  }
0x54: {  	_ =	shalt  }
0x55: {  	_ =	shalt  }
0x56: {  	_ =	shalt  }
0x57: {  	_ =	shalt  }
0x58: {  	_ =	shalt  }
0x59: {  	_ =	shalt  }
0x5a: {  	_ =	shalt  }
0x5b: {  	_ =	shalt  }
0x5c: {  	_ =	shalt  }
0x5d: {  	_ =	shalt  }
0x5e: {  	_ =	shalt  }
0x5f: {  	_ =	shalt  }
0x60: {  	_ =	shalt  }
0x61: {  	_ =	shalt  }
0x62: {  	_ =	shalt  }
0x63: {  	_ =	shalt  }
0x64: {  	_ =	shalt  }
0x65: {  	_ =	shalt  }
0x66: {  	_ =	shalt  }
0x67: {  	_ =	shalt  }
0x68: {  	_ =	shalt  }
0x69: {  	_ =	shalt  }
0x6a: {  	_ =	shalt  }
0x6b: {  	_ =	shalt  }
0x6c: {  	_ =	shalt  }
0x6d: {  	_ =	shalt  }
0x6e: {  	_ =	shalt  }
0x6f: {  	_ =	shalt  }
0x70: {  	_ =	shalt  }
0x71: {  	_ =	shalt  }
0x72: {  	_ =	shalt  }
0x73: {  	_ =	shalt  }
0x74: {  	_ =	shalt  }
0x75: {  	_ =	shalt  }
0x76: {  	_ =	shalt  }
0x77: {  	_ =	shalt  }
0x78: {  	_ =	shalt  }
0x79: {  	_ =	shalt  }
0x7a: {  	_ =	shalt  }
0x7b: {  	_ =	shalt  }
0x7c: {  	_ =	shalt  }
0x7d: {  	_ =	shalt  }
0x7e: {  	_ =	shalt  }
0x7f: {  	_ =	shalt  }
0x80: {  	_ =	shalt  }
0x81: {  	_ =	shalt  }
0x82: {  	_ =	shalt  }
0x83: {  	_ =	shalt  }
0x84: {  	_ =	shalt  }
0x85: {  	_ =	shalt  }
0x86: {  	_ =	shalt  }
0x87: {  	_ =	shalt  }
.Lfunc_end0:
.L_simem_size_0:
called_computation_lowered:
.L_overlay_start_0:
0x88: {  	s2 =	sld [smem:$0x3FD9]  }
0x89: {  	s3 =	sld [smem:$0x3FFE];
	_ =	sdelay $0x1  }
0x8a: {  	s1 =	srdreg.scid  }
0x8b: {  	s0 =	sand.u32 $0x1, s1  }
0x8c: {  	s17 =	sshll.u32 s0, $0xA;
	s2 =	sadd.s32 s3, s2  }
0x8d: {  	s2 =	sadd.s32 s2, s17  }
0x8e: {  	[smem:$0x3FC7] =	sst s2  }
0x8f: {  	_ = 	snop  }
0x90: {  	s2 =	sld [smem:$0x3FC9]  }
0x91: {  	s18 =	sld [smem:$0x3FD0];
	(tm) =	ssettm $0x1  }
0x92: {  	s4 =	sld [smem:$0x3FFB];
	_ =	sdelay $0x3  }
0x93: {  	_ =	strace s4  }
0x94: {  	s4 =	sld [smem:$0x3FFC];
	_ =	sdelay $0x3  }
0x95: {  	_ =	strace s4  }
0x96: {  	s4 =	sld [smem:$0x3FFD];
	_ =	sdelay $0x3  }
0x97: {  	_ =	strace s4  }
0x98: {  	_ =	strace $0x8FFFFFFF  }
0x99: {  	s19 =	sld [smem:$0x3FDB];
	_ =	sdelay $0x1  }
0x9a: {  	s5 =	simm.s32 $_scs_section_size  }
0x9b: {  	s6 =	simm.s32 $_size__tile_overlayer_lowered;
	s7 =	simm.s32 $_tile_overlayer_lowered  }
0x9c: {  	s22 =	simm.s32 $0x1BFF;
	s21 =	sshll.u32 s7, $0x1;
	s4 =	sadd.s32 s5, s19  }
0x9d: {  	s8 =	simm.s32 $0x0;
	s20 =	sshll.u32 s6, $0x1;
	s6 =	sadd.s32 s21, s4  }
0x9e: {  	[timem:s8], [sflag:s22] =	dma.local [hbm:s6], s20  }
0x9f: {  	_ =	swait.ge [sflag:s22], s20  }
0xa0: {  	s5 =	ssub.s32 $0x0, s20;
	[sflag:s22] =	ssyncset.done $0x0  }
0xa1: {  	[sflag:s22] =	ssyncadd.s32 s5;
	_ =	sdelay $0x1  }
0xa2: {  	s23 =	simm.s32 $0x1B8B  }
0xa3: {  	_ =	swait.ge [sflag:s23], $0x1  }
0xa4: {  	[sflag:s23] =	ssyncset.done $0x0  }
0xa5: {  	s25 =	simm.s32 $0x1B8E;
	s24 =	sld [smem:$0x3FFE];
	[sflag:s23] =	ssyncadd.s32 $0xFFFFFFFF  }
0xa6: {  	s26 =	simm.s32 $execute0_lowered;
	[smem:$0x3FD2] =	sst s25  }
0xa7: {  	s6 =	sshll.u32 s26, $0x1;
	_ =	strace $0x80000046;
	[dreg:$0x1] =	wrdreg $0xFFFFFFFF  }
0xa8: {  	s28 =	simm.s32 $_size_execute0_lowered;
	s4 =	sadd.s32 s4, s6;
	[dreg:$0x0] =	wrdreg $0x0  }
0xa9: {  	s6 =	sshll.u32 s28, $0x1;
	[dreg:$0x2] =	wrdreg s4  }
0xaa: {  	[dreg:$0x3] =	wrdreg s6  }
0xab: {  	[dreg:$0x4] =	wrdreg $0xC0  }
0xac: {  	_ =	task [dreg:s8], $0x5FFFF  }
0xad: {  	[dreg:$0x1] =	wrdreg $0xFFFFFFFF  }
0xae: {  	[dreg:$0x0] =	wrdreg $0x60  }
0xaf: {  	[dreg:$0x2] =	wrdreg s2  }
0xb0: {  	[dreg:$0x3] =	wrdreg s24  }
0xb1: {  	[dreg:$0x4] =	wrdreg s18  }
0xb2: {  	[dreg:$0x5] =	wrdreg $0x9  }
0xb3: {  	_ =	task.clear_ibuf [dreg:s8], $0x6FFFF;
	_ =	strace $0x90000046  }
0xb4: {  	s29 =	simm.s32 $0x9;
	_ =	strace $0x80000048  }
0xb5: {  	_ =	swait.ge [sflag:s29], $0x1  }
0xb6: {  	[sflag:s29] =	ssyncadd.s32 $0xFFFFFFFF  }
0xb7: {  	_ =	strace $0x90000048  }
0xb8: {  	_ =	sfence  }
0xb9: {  	s30 =	sld [smem:$0x0];
	_ =	sdelay $0x2  }
0xba: {  	s31 =	sshll.u32 s1, $0xD;
	s1 =	sshrl.u32 s1, $0x2  }
0xbb: {  	s3 =	sand.u32 $0x4000, s31;
	s1 =	sadd.s32 s1, s30  }
0xbc: {  	s0 =	sor.u32 s3, s0;
	s1 =	sshll.u32 s1, $0x11  }
0xbd: {  	s0 =	sor.u32 s1, s0  }
0xbe: {  	s0 =	sadd.s32 $0x8F2B, s0  }
0xbf: {  	[sflag:s0] =	ssyncadd.remote.s32 $0x1  }
0xc0: {  	_ =	sfence.sel $0xFFFF  }
0xc1: {  	[dreg:$0x0] =	wrdreg $0xFFFFFFFF;
	(pc) =	sbr.abs _section_cstart, $3  }
0xc2: {  	[dreg:$0x1] =	wrdreg $0xFFFFFFFF  }
0xc3: {  	_ =	task.clear_ibuf [dreg:s8], $0x2FFFF;
	_ =	strace $0x9FFFFFFF  }
0xc4: {  	(tm) =	ssettm $0x7FFFFFFF  }
0xc5: {  	_ =	shalt  }
tec
execute0_lowered:
.L_overlay_start_1:
0x0: {  	(tag) =	ssettag $0x1  }
0x1: {  	s0 =	rddreg [dreg:$0x0]  }
0x2: {  	s1 =	rddreg [dreg:$0x2]  }
0x3: {  	s2 =	srdreg.scid;
	s6 =	stileid.u32;
	s4 =	simm.s32 $0x0  }
0x4: {  	s10 =	simm.s32 $0x200;
	s15 =	simm.s32 $0x600;
	s28 =	simm.s32 $0x2600  }
0x5: {  	s29 =	simm.s32 $0x2A00;
	s30 =	simm.s32 $0x2E00;
	s31 =	simm.s32 $0x3200  }
0x6: {  	s2 =	sand.u32 $0x1, s2;
	s3 =	sshll.u32 s6, $0x1;
	[smem:$0x7FF] =	sst s4  }
0x7: {  	s7 =	sshll.u32 s6, $0x9;
	s6 =	sadd.s32 $0x40, s0;
	s5 =	ssub.s32 $0x2, s2  }
0x8: {  	s2 =	sor.u32 s2, s3;
	s18 =	sand.u32 $0x1800, s7;
	s17 =	sshrl.u32 s5, $0x1  }
0x9: {  	s4 =	sshll.u32 s2, $0x10;
	s2 =	sshll.u32 s2, $0x4;
	s3 =	ssub.s32 s5, s17  }
0xa: {  	s5 =	sadd.s32 s0, s4;
	s2 =	sand.u32 $0x70, s2;
	s0 =	sadd.s32 s1, s18  }
0xb: {  	s13 =	simm.s32 $0x1;
	s8 =	simm.s32 $0x4000;
	s0 =	sadd.s32 s2, s0  }
0xc: {  	_ =	strace $0x80000047;
	s19 =	smax.u32 s3, $0x1;
	[dreg:$0x4] =	wrdreg s0  }
0xd: {  	s9 =	simm.s32 $0x2;
	s20 =	sadd.s32 $0x80, s5;
	[dreg:$0x5] =	wrdreg s19  }
0xe: {  	s12 =	simm.s32 $0x0;
	s21 =	sadd.s32 $0x100, s5;
	[dreg:$0x6] =	wrdreg s20  }
0xf: {  	s18 =	simm.s32 $0x3;
	s22 =	sadd.s32 $0x180, s5;
	[dreg:$0x7] =	wrdreg s21  }
0x10: {  	s17 =	simm.s32 $0xE00;
	s23 =	sadd.s32 $0x200, s5;
	[dreg:$0x8] =	wrdreg s22  }
0x11: {  	s1 =	simm.s32 $0x3A00;
	s24 =	sadd.s32 $0x280, s5;
	[dreg:$0x9] =	wrdreg s23  }
0x12: {  	s7 =	sadd.s32 $0x800, s5;
	s25 =	sadd.s32 $0x300, s5;
	[dreg:$0xa] =	wrdreg s24  }
0x13: {  	v0 =	vlaneseq.u32;
	s26 =	sadd.s32 $0x380, s5;
	s3 =	simm.s32 $0xA00;
	[dreg:$0xb] =	wrdreg s25  }
0x14: {  	v0 =	vmul.u32 $0x800, v0;
	s2 =	simm.s32 $0x3E00;
	s20 =	simm.s32 $0x400;
	[dreg:$0xc] =	wrdreg s26  }
0x15: {  	s19 =	simm.s32 $0x1200;
	s21 =	simm.s32 $0x1600;
	s23 =	simm.s32 $0x1A00  }
0x16: {  	v1 =	vimm.s32 $0x0;
	v3 =	vimm.s32 $0x1;
	v2 =	vor.u32 $0x8000, v0;
	s25 =	simm.s32 $0x1E00;
	s26 =	simm.s32 $0x2200;
	s0 =	simm.s32 $0x3600  }
.LBB2_1:
0x17: {  	s11 =	rddreg [dreg:$0x1];
	s14 =	simm.s32 $0x0;
	s16 =	simm.s32 $0x14800  }
0x18: {  	[tilespmem:s16], [sflag:$0x3] =	stream.linear.gather [hbm4b:s11+s14], $0x80, $0x38;
	[tilespmem:$0x14880] =	vst v63  }
0x19: {  	_ =	swait.ge [sflag:s18], $0x80  }
0x1a: {  	[sflag:s18] =	ssyncset.done $0x0  }
0x1b: {  	s14 =	simm.s32 $0x40;
	s16 =	simm.s32 $0x0;
	[sflag:s18] =	ssyncadd.s32 $0xFFFFFF80  }
.LBB2_2:
0x1c: {  	p0 =	sne.s32 s14, $0x3FFC0;
	[tilespmem:s16+$0x4000] =	vst v1;
	s16 =	smov.u32 s14;
	s14 =	sadd.s32 $0x40, s14  }
.Ltmp0:
0x1d: {  	(pc) =	sbr.rel @p0 .LBB2_2-.Ltmp0, $2  }
0x1e: {  	_ =	sdelay $0x2  }
0x1f: {  	s16 =	sshra.s32 s16, $0x2  }
0x20: {  	[tilespmem:s16+$0x4000] =	vst v1;
	s14 =	simm.s32 $0x0  }
0x21: {  	[tilespmem:s14], [sflag:$0x1] =	stream.linear.gather [hbm4b:s5+s14], $0x200, $0x38;
	[tilespmem:$0x14880] =	vst v63  }
0x22: {  	s11 =	rddreg [dreg:$0x6]  }
0x23: {  	[tilespmem:s20], [sflag:$0x1] =	stream.linear.gather [hbm4b:s11+s14], $0x200, $0x38;
	[tilespmem:$0x14880] =	vst v63  }
0x24: {  	s18 =	rddreg [dreg:$0x7];
	s20 =	simm.s32 $0x800  }
0x25: {  	[tilespmem:s20], [sflag:$0x1] =	stream.linear.gather [hbm4b:s18+s14], $0x200, $0x38;
	[tilespmem:$0x14880] =	vst v63  }
0x26: {  	s22 =	rddreg [dreg:$0x8];
	s24 =	simm.s32 $0xC00  }
0x27: {  	[tilespmem:s24], [sflag:$0x1] =	stream.linear.gather [hbm4b:s22+s14], $0x200, $0x38;
	[tilespmem:$0x14880] =	vst v63  }
0x28: {  	s18 =	rddreg [dreg:$0x9];
	s20 =	simm.s32 $0x1000  }
0x29: {  	[tilespmem:s20], [sflag:$0x1] =	stream.linear.gather [hbm4b:s18+s14], $0x200, $0x38;
	[tilespmem:$0x14880] =	vst v63  }
0x2a: {  	s22 =	rddreg [dreg:$0xa];
	s24 =	simm.s32 $0x1400  }
0x2b: {  	[tilespmem:s24], [sflag:$0x1] =	stream.linear.gather [hbm4b:s22+s14], $0x200, $0x38;
	[tilespmem:$0x14880] =	vst v63  }
0x2c: {  	s18 =	rddreg [dreg:$0xb];
	s20 =	simm.s32 $0x1800  }
0x2d: {  	[tilespmem:s20], [sflag:$0x1] =	stream.linear.gather [hbm4b:s18+s14], $0x200, $0x38;
	[tilespmem:$0x14880] =	vst v63  }
0x2e: {  	s22 =	rddreg [dreg:$0xc];
	s24 =	simm.s32 $0x1C00  }
0x2f: {  	[tilespmem:s24], [sflag:$0x1] =	stream.linear.gather [hbm4b:s22+s14], $0x200, $0x38;
	[tilespmem:$0x14880] =	vst v63  }
0x30: {  	s18 =	sadd.s32 $0x400, s5;
	s20 =	simm.s32 $0x2000  }
0x31: {  	[tilespmem:s20], [sflag:$0x1] =	stream.linear.gather [hbm4b:s18+s14], $0x200, $0x38;
	[tilespmem:$0x14880] =	vst v63  }
0x32: {  	s22 =	sadd.s32 $0x480, s5;
	s24 =	simm.s32 $0x2400  }
0x33: {  	[tilespmem:s24], [sflag:$0x1] =	stream.linear.gather [hbm4b:s22+s14], $0x200, $0x38;
	[tilespmem:$0x14880] =	vst v63  }
0x34: {  	s18 =	sadd.s32 $0x500, s5;
	s20 =	simm.s32 $0x2800  }
0x35: {  	[tilespmem:s20], [sflag:$0x1] =	stream.linear.gather [hbm4b:s18+s14], $0x200, $0x38;
	[tilespmem:$0x14880] =	vst v63  }
0x36: {  	s22 =	sadd.s32 $0x580, s5;
	s24 =	simm.s32 $0x2C00  }
0x37: {  	[tilespmem:s24], [sflag:$0x1] =	stream.linear.gather [hbm4b:s22+s14], $0x200, $0x38;
	[tilespmem:$0x14880] =	vst v63  }
0x38: {  	s18 =	sadd.s32 $0x600, s5;
	s20 =	simm.s32 $0x3000  }
0x39: {  	[tilespmem:s20], [sflag:$0x1] =	stream.linear.gather [hbm4b:s18+s14], $0x200, $0x38;
	[tilespmem:$0x14880] =	vst v63  }
0x3a: {  	s22 =	sadd.s32 $0x680, s5;
	s24 =	simm.s32 $0x3400  }
0x3b: {  	[tilespmem:s24], [sflag:$0x1] =	stream.linear.gather [hbm4b:s22+s14], $0x200, $0x38;
	[tilespmem:$0x14880] =	vst v63  }
0x3c: {  	s18 =	sadd.s32 $0x700, s5;
	s20 =	simm.s32 $0x3800  }
0x3d: {  	[tilespmem:s20], [sflag:$0x1] =	stream.linear.gather [hbm4b:s18+s14], $0x200, $0x38;
	[tilespmem:$0x14880] =	vst v63  }
0x3e: {  	s16 =	simm.s32 $0x0;
	s22 =	sadd.s32 $0x780, s5;
	s24 =	simm.s32 $0x3C00  }
0x3f: {  	[tilespmem:s24], [sflag:$0x1] =	stream.linear.gather [hbm4b:s22+s14], $0x200, $0x38;
	[tilespmem:$0x14880] =	vst v63  }
.LBB2_4:
0x40: {  	s18 =	sshll.u32 s16, $0xB  }
0x41: {  	s20 =	sor.u32 s18, s4  }
0x42: {  	s20 =	sadd.s32 s20, s6  }
0x43: {  	[tilespmem:s10], [sflag:$0x2] =	stream.linear.gather [hbm4b:s20+s14], $0x200, $0x38;
	[tilespmem:$0x14880] =	vst v63  }
0x44: {  	s22 =	sadd.s32 $0x80, s20  }
0x45: {  	[tilespmem:s15], [sflag:$0x2] =	stream.linear.gather [hbm4b:s22+s14], $0x200, $0x38;
	[tilespmem:$0x14880] =	vst v63  }
0x46: {  	s24 =	sadd.s32 $0x100, s20  }
0x47: {  	[tilespmem:s3], [sflag:$0x2] =	stream.linear.gather [hbm4b:s24+s14], $0x200, $0x38;
	[tilespmem:$0x14880] =	vst v63  }
0x48: {  	s11 =	sadd.s32 $0x180, s20  }
0x49: {  	[tilespmem:s17], [sflag:$0x2] =	stream.linear.gather [hbm4b:s11+s14], $0x200, $0x38;
	[tilespmem:$0x14880] =	vst v63  }
0x4a: {  	s24 =	sadd.s32 $0x200, s20  }
0x4b: {  	[tilespmem:s19], [sflag:$0x2] =	stream.linear.gather [hbm4b:s24+s14], $0x200, $0x38;
	[tilespmem:$0x14880] =	vst v63  }
0x4c: {  	s11 =	sadd.s32 $0x280, s20  }
0x4d: {  	[tilespmem:s21], [sflag:$0x2] =	stream.linear.gather [hbm4b:s11+s14], $0x200, $0x38;
	[tilespmem:$0x14880] =	vst v63  }
0x4e: {  	s24 =	sadd.s32 $0x300, s20  }
0x4f: {  	[tilespmem:s23], [sflag:$0x2] =	stream.linear.gather [hbm4b:s24+s14], $0x200, $0x38;
	[tilespmem:$0x14880] =	vst v63  }
0x50: {  	s11 =	sadd.s32 $0x380, s20  }
0x51: {  	[tilespmem:s25], [sflag:$0x2] =	stream.linear.gather [hbm4b:s11+s14], $0x200, $0x38;
	[tilespmem:$0x14880] =	vst v63  }
0x52: {  	s24 =	sadd.s32 $0x400, s20  }
0x53: {  	[tilespmem:s26], [sflag:$0x2] =	stream.linear.gather [hbm4b:s24+s14], $0x200, $0x38;
	[tilespmem:$0x14880] =	vst v63  }
0x54: {  	s11 =	sadd.s32 $0x480, s20  }
0x55: {  	[tilespmem:s28], [sflag:$0x2] =	stream.linear.gather [hbm4b:s11+s14], $0x200, $0x38;
	[tilespmem:$0x14880] =	vst v63  }
0x56: {  	s24 =	sadd.s32 $0x500, s20  }
0x57: {  	[tilespmem:s29], [sflag:$0x2] =	stream.linear.gather [hbm4b:s24+s14], $0x200, $0x38;
	[tilespmem:$0x14880] =	vst v63  }
0x58: {  	s11 =	sadd.s32 $0x580, s20  }
0x59: {  	[tilespmem:s30], [sflag:$0x2] =	stream.linear.gather [hbm4b:s11+s14], $0x200, $0x38;
	[tilespmem:$0x14880] =	vst v63  }
0x5a: {  	s24 =	sadd.s32 $0x600, s20  }
0x5b: {  	[tilespmem:s31], [sflag:$0x2] =	stream.linear.gather [hbm4b:s24+s14], $0x200, $0x38;
	[tilespmem:$0x14880] =	vst v63  }
0x5c: {  	s11 =	sadd.s32 $0x680, s20  }
0x5d: {  	[tilespmem:s0], [sflag:$0x2] =	stream.linear.gather [hbm4b:s11+s14], $0x200, $0x38;
	[tilespmem:$0x14880] =	vst v63  }
0x5e: {  	s24 =	sadd.s32 $0x700, s20  }
0x5f: {  	[tilespmem:s1], [sflag:$0x2] =	stream.linear.gather [hbm4b:s24+s14], $0x200, $0x38;
	[tilespmem:$0x14880] =	vst v63  }
0x60: {  	s20 =	sadd.s32 $0x780, s20  }
0x61: {  	[tilespmem:s2], [sflag:$0x2] =	stream.linear.gather [hbm4b:s20+s14], $0x200, $0x38;
	[tilespmem:$0x14880] =	vst v63  }
0x62: {  	s20 =	simm.s32 $0x0;
	_ =	swait.ge [sflag:s13], $0x2000  }
0x63: {  	s24 =	sand.u32 $0x3C00, s14;
	s11 =	sand.u32 $0x180, s20;
	[sflag:s13] =	ssyncset.done $0x0  }
0x64: {  	s22 =	sor.u32 s11, s24;
	[sflag:s13] =	ssyncadd.s32 $0xFFFFE000  }
0x65: {  	v4 =	vld [tilespmem:s22+$0x70]  }
0x66: {  	v5 =	vld [tilespmem:s22+$0x0]  }
0x67: {  	v6 =	vld [tilespmem:s22+$0x10]  }
0x68: {  	v8 =	vld [tilespmem:s22+$0x30]  }
0x69: {  	v9 =	vld [tilespmem:s22+$0x40]  }
0x6a: {  	v12 =	vld [tilespmem:s22+$0x50]  }
0x6b: {  	v14 =	vld [tilespmem:s22+$0x60];
	_ =	sdelay $0x1  }
0x6c: {  	v7 =	vld [tilespmem:s22+$0x20]  }
0x6d: {  	v10 =	vshra.s32 v4, $0x1F;
	v11 =	vshra.s32 v5, $0x1F;
	v13 =	vshra.s32 v6, $0x1F  }
0x6e: {  	v15 =	vshra.s32 v8, $0x1F;
	v17 =	vshra.s32 v9, $0x1F;
	v18 =	vshra.s32 v12, $0x1F  }
0x6f: {  	v63 =	vshra.s32 v14, $0x1F;
	v10 =	vor.u32 $0x80000000, v10;
	v11 =	vor.u32 $0x80000000, v11  }
0x70: {  	v15 =	vor.u32 $0x80000000, v15;
	v62 =	vor.u32 $0x80000000, v18;
	v4 =	vxor.u32 v4, v10  }
0x71: {  	v10 =	vor.u32 $0x80000000, v13;
	v13 =	vshra.s32 v7, $0x1F;
	v4 =	vshrl.u32 v4, $0x15  }
0x72: {  	v5 =	vxor.u32 v5, v11;
	v11 =	vxor.u32 v8, v15;
	v16 =	vand.u32 $0x780, v4  }
0x73: {  	v13 =	vor.u32 $0x80000000, v13;
	v4 =	vand.u32 $0x7F, v4;
	v16 =	vor.u32 v2, v16  }
0x74: {  	v6 =	vxor.u32 v6, v10;
	v7 =	vxor.u32 v7, v13;
	v16 =	vor.u32 v4, v16  }
0x75: {  	v10 =	vor.u32 $0x80000000, v63;
	v8 =	vshrl.u32 v7, $0x15;
	v4 =	vor.u32 $0x80000000, v17  }
0x76: {  	v7 =	vshrl.u32 v11, $0x15;
	v11 =	vand.u32 $0x780, v8;
	v4 =	vxor.u32 v9, v4  }
0x77: {  	v9 =	vshrl.u32 v5, $0x15;
	v5 =	vxor.u32 v12, v62;
	v12 =	vxor.u32 v14, v10  }
0x78: {  	v10 =	vshrl.u32 v6, $0x15;
	v6 =	vshrl.u32 v4, $0x15;
	v5 =	vshrl.u32 v5, $0x15  }
0x79: {  	s22 =	simm.s32 $0x0;
	v4 =	vshrl.u32 v12, $0x15;
	v12 =	vand.u32 $0x780, v9;
	v13 =	vand.u32 $0x780, v10;
	[tilespmem:v16+s8+$0x0] =	vst.idx.add.s32.msk $0xffff, v3  }
.LBB2_5:
0x7a: {  	s20 =	sadd.s32 $0x8, s20;
	v14 =	vand.u32 $0x780, v7;
	v15 =	vand.u32 $0x780, v6;
	v16 =	vand.u32 $0x780, v5;
	s22 =	sadd.s32 $0x400, s22  }
0x7b: {  	v12 =	vor.u32 v0, v12;
	v13 =	vor.u32 v2, v13;
	v17 =	vand.u32 $0x780, v4;
	s24 =	sand.u32 $0x180, s20;
	s11 =	sand.u32 $0x3C00, s22;
	p0 =	slt.u32 s20, $0x1F8  }
0x7c: {  	v11 =	vor.u32 v0, v11;
	v14 =	vor.u32 v2, v14;
	v15 =	vor.u32 v0, v15;
	s11 =	sor.u32 s24, s11  }
0x7d: {  	v9 =	vand.u32 $0x7F, v9;
	v16 =	vor.u32 v2, v16;
	v17 =	vor.u32 v0, v17;
	v18 =	vld [tilespmem:s11+$0x70]  }
0x7e: {  	v10 =	vand.u32 $0x7F, v10;
	v8 =	vand.u32 $0x7F, v8;
	v7 =	vand.u32 $0x7F, v7;
	v19 =	vld [tilespmem:s11+$0x0]  }
0x7f: {  	v6 =	vand.u32 $0x7F, v6;
	v5 =	vand.u32 $0x7F, v5;
	v4 =	vand.u32 $0x7F, v4;
	v20 =	vld [tilespmem:s11+$0x10]  }
0x80: {  	v9 =	vor.u32 v9, v12;
	v10 =	vor.u32 v10, v13;
	v8 =	vor.u32 v8, v11;
	v21 =	vld [tilespmem:s11+$0x20]  }
0x81: {  	v7 =	vor.u32 v7, v14;
	v6 =	vor.u32 v6, v15;
	v5 =	vor.u32 v5, v16;
	v11 =	vld [tilespmem:s11+$0x30]  }
0x82: {  	v4 =	vor.u32 v4, v17;
	v12 =	vld [tilespmem:s11+$0x40];
	v13 =	vshra.s32 v18, $0x1F  }
0x83: {  	v14 =	vshra.s32 v19, $0x1F;
	v15 =	vld [tilespmem:s11+$0x50];
	v13 =	vor.u32 $0x80000000, v13  }
0x84: {  	v14 =	vor.u32 $0x80000000, v14;
	v16 =	vshra.s32 v20, $0x1F;
	v17 =	vld [tilespmem:s11+$0x60];
	v13 =	vxor.u32 v18, v13  }
0x85: {  	v16 =	vor.u32 $0x80000000, v16;
	v18 =	vshra.s32 v21, $0x1F;
	v13 =	vshrl.u32 v13, $0x15;
	[tilespmem:v9+s8+$0x0] =	vst.idx.add.s32.msk $0xffff, v3  }
0x86: {  	v9 =	vor.u32 $0x80000000, v18;
	v18 =	vshra.s32 v11, $0x1F;
	v22 =	vand.u32 $0x780, v13;
	[tilespmem:v10+s8+$0x0] =	vst.idx.add.s32.msk $0xffff, v3  }
0x87: {  	v13 =	vand.u32 $0x7F, v13;
	v10 =	vshra.s32 v12, $0x1F;
	v22 =	vor.u32 v2, v22;
	[tilespmem:v8+s8+$0x0] =	vst.idx.add.s32.msk $0xffff, v3  }
0x88: {  	v8 =	vor.u32 $0x80000000, v18;
	v18 =	vshra.s32 v15, $0x1F;
	v13 =	vor.u32 v13, v22;
	[tilespmem:v7+s8+$0x0] =	vst.idx.add.s32.msk $0xffff, v3  }
0x89: {  	v7 =	vor.u32 $0x80000000, v10;
	v10 =	vor.u32 $0x80000000, v18;
	v18 =	vshra.s32 v17, $0x1F;
	[tilespmem:v6+s8+$0x0] =	vst.idx.add.s32.msk $0xffff, v3  }
0x8a: {  	v6 =	vxor.u32 v19, v14;
	v14 =	vxor.u32 v20, v16;
	v16 =	vor.u32 $0x80000000, v18;
	[tilespmem:v5+s8+$0x0] =	vst.idx.add.s32.msk $0xffff, v3  }
.Ltmp1:
0x8b: {  	v11 =	vxor.u32 v11, v8;
	v12 =	vxor.u32 v12, v7;
	v5 =	vxor.u32 v21, v9;
	(pc) =	sbr.rel @p0 .LBB2_5-.Ltmp1, $4  }
0x8c: {  	v9 =	vshrl.u32 v6, $0x15;
	v15 =	vxor.u32 v15, v10;
	v16 =	vxor.u32 v17, v16;
	[tilespmem:v4+s8+$0x0] =	vst.idx.add.s32.msk $0xffff, v3  }
0x8d: {  	v7 =	vshrl.u32 v11, $0x15;
	v10 =	vshrl.u32 v14, $0x15;
	v8 =	vshrl.u32 v5, $0x15;
	[tilespmem:v13+s8+$0x0] =	vst.idx.add.s32.msk $0xffff, v3  }
0x8e: {  	v6 =	vshrl.u32 v12, $0x15;
	v5 =	vshrl.u32 v15, $0x15;
	v4 =	vshrl.u32 v16, $0x15  }
0x8f: {  	v12 =	vand.u32 $0x780, v9;
	v11 =	vand.u32 $0x780, v8;
	v13 =	vand.u32 $0x780, v10  }
0x90: {  	v14 =	vand.u32 $0x780, v7;
	v15 =	vand.u32 $0x780, v6;
	v16 =	vand.u32 $0x780, v5  }
0x91: {  	v12 =	vor.u32 v0, v12;
	v13 =	vor.u32 v2, v13;
	v9 =	vand.u32 $0x7F, v9  }
0x92: {  	v17 =	vand.u32 $0x780, v4;
	v10 =	vand.u32 $0x7F, v10;
	v9 =	vor.u32 v9, v12  }
0x93: {  	v11 =	vor.u32 v0, v11;
	v8 =	vand.u32 $0x7F, v8;
	v10 =	vor.u32 v10, v13  }
0x94: {  	v7 =	vand.u32 $0x7F, v7;
	v12 =	vor.u32 v2, v14;
	v8 =	vor.u32 v8, v11  }
0x95: {  	v6 =	vand.u32 $0x7F, v6;
	v11 =	vor.u32 v0, v15;
	v7 =	vor.u32 v7, v12  }
0x96: {  	v5 =	vand.u32 $0x7F, v5;
	v12 =	vor.u32 v2, v16;
	v6 =	vor.u32 v6, v11  }
0x97: {  	v4 =	vand.u32 $0x7F, v4;
	v11 =	vor.u32 v0, v17;
	v5 =	vor.u32 v5, v12;
	[tilespmem:v9+s8+$0x0] =	vst.idx.add.s32.msk $0xffff, v3  }
0x98: {  	v4 =	vor.u32 v4, v11;
	[tilespmem:v10+s8+$0x0] =	vst.idx.add.s32.msk $0xffff, v3  }
0x99: {  	[tilespmem:v8+s8+$0x0] =	vst.idx.add.s32.msk $0xffff, v3  }
0x9a: {  	[tilespmem:v7+s8+$0x0] =	vst.idx.add.s32.msk $0xffff, v3  }
0x9b: {  	[tilespmem:v6+s8+$0x0] =	vst.idx.add.s32.msk $0xffff, v3  }
0x9c: {  	p0 =	seq.s32 s16, $0x1F;
	[tilespmem:v5+s8+$0x0] =	vst.idx.add.s32.msk $0xffff, v3  }
0x9d: {  	s11 =	sadd.s32 @!p0 s18, s7;
	s18 =	simm.s32 @!p0 $0x0;
	[tilespmem:v4+s8+$0x0] =	vst.idx.add.s32.msk $0xffff, v3  }
0x9e: {  	[tilespmem:s18], [sflag:$0x1] =	stream.linear.gather @!p0 [hbm4b:s11+s18], $0x200, $0x38;
	[tilespmem:$0x14880] =	vst v63  }
0x9f: {  	s22 =	simm.s32 @!p0 $0x400;
	s20 =	sadd.s32 @!p0 $0x80, s11  }
0xa0: {  	[tilespmem:s22], [sflag:$0x1] =	stream.linear.gather @!p0 [hbm4b:s20+s18], $0x200, $0x38;
	[tilespmem:$0x14880] =	vst v63  }
0xa1: {  	s20 =	sadd.s32 @!p0 $0x100, s11;
	s22 =	simm.s32 @!p0 $0x800  }
0xa2: {  	[tilespmem:s22], [sflag:$0x1] =	stream.linear.gather @!p0 [hbm4b:s20+s18], $0x200, $0x38;
	[tilespmem:$0x14880] =	vst v63  }
0xa3: {  	s20 =	sadd.s32 @!p0 $0x180, s11;
	s22 =	simm.s32 @!p0 $0xC00  }
0xa4: {  	[tilespmem:s22], [sflag:$0x1] =	stream.linear.gather @!p0 [hbm4b:s20+s18], $0x200, $0x38;
	[tilespmem:$0x14880] =	vst v63  }
0xa5: {  	s20 =	sadd.s32 @!p0 $0x200, s11;
	s22 =	simm.s32 @!p0 $0x1000  }
0xa6: {  	[tilespmem:s22], [sflag:$0x1] =	stream.linear.gather @!p0 [hbm4b:s20+s18], $0x200, $0x38;
	[tilespmem:$0x14880] =	vst v63  }
0xa7: {  	s20 =	sadd.s32 @!p0 $0x280, s11;
	s22 =	simm.s32 @!p0 $0x1400  }
0xa8: {  	[tilespmem:s22], [sflag:$0x1] =	stream.linear.gather @!p0 [hbm4b:s20+s18], $0x200, $0x38;
	[tilespmem:$0x14880] =	vst v63  }
0xa9: {  	s20 =	sadd.s32 @!p0 $0x300, s11;
	s22 =	simm.s32 @!p0 $0x1800  }
0xaa: {  	[tilespmem:s22], [sflag:$0x1] =	stream.linear.gather @!p0 [hbm4b:s20+s18], $0x200, $0x38;
	[tilespmem:$0x14880] =	vst v63  }
0xab: {  	s20 =	sadd.s32 @!p0 $0x380, s11;
	s22 =	simm.s32 @!p0 $0x1C00  }
0xac: {  	[tilespmem:s22], [sflag:$0x1] =	stream.linear.gather @!p0 [hbm4b:s20+s18], $0x200, $0x38;
	[tilespmem:$0x14880] =	vst v63  }
0xad: {  	s20 =	sadd.s32 @!p0 $0x400, s11;
	s22 =	simm.s32 @!p0 $0x2000  }
0xae: {  	[tilespmem:s22], [sflag:$0x1] =	stream.linear.gather @!p0 [hbm4b:s20+s18], $0x200, $0x38;
	[tilespmem:$0x14880] =	vst v63  }
0xaf: {  	s20 =	sadd.s32 @!p0 $0x480, s11;
	s22 =	simm.s32 @!p0 $0x2400  }
0xb0: {  	[tilespmem:s22], [sflag:$0x1] =	stream.linear.gather @!p0 [hbm4b:s20+s18], $0x200, $0x38;
	[tilespmem:$0x14880] =	vst v63  }
0xb1: {  	s20 =	sadd.s32 @!p0 $0x500, s11;
	s22 =	simm.s32 @!p0 $0x2800  }
0xb2: {  	[tilespmem:s22], [sflag:$0x1] =	stream.linear.gather @!p0 [hbm4b:s20+s18], $0x200, $0x38;
	[tilespmem:$0x14880] =	vst v63  }
0xb3: {  	s20 =	sadd.s32 @!p0 $0x580, s11;
	s22 =	simm.s32 @!p0 $0x2C00  }
0xb4: {  	[tilespmem:s22], [sflag:$0x1] =	stream.linear.gather @!p0 [hbm4b:s20+s18], $0x200, $0x38;
	[tilespmem:$0x14880] =	vst v63  }
0xb5: {  	s20 =	sadd.s32 @!p0 $0x600, s11;
	s22 =	simm.s32 @!p0 $0x3000  }
0xb6: {  	[tilespmem:s22], [sflag:$0x1] =	stream.linear.gather @!p0 [hbm4b:s20+s18], $0x200, $0x38;
	[tilespmem:$0x14880] =	vst v63  }
0xb7: {  	s20 =	sadd.s32 @!p0 $0x680, s11;
	s22 =	simm.s32 @!p0 $0x3400  }
0xb8: {  	[tilespmem:s22], [sflag:$0x1] =	stream.linear.gather @!p0 [hbm4b:s20+s18], $0x200, $0x38;
	[tilespmem:$0x14880] =	vst v63  }
0xb9: {  	s20 =	sadd.s32 @!p0 $0x700, s11;
	s22 =	simm.s32 @!p0 $0x3800  }
0xba: {  	[tilespmem:s22], [sflag:$0x1] =	stream.linear.gather @!p0 [hbm4b:s20+s18], $0x200, $0x38;
	[tilespmem:$0x14880] =	vst v63  }
0xbb: {  	s11 =	sadd.s32 @!p0 $0x780, s11;
	s20 =	simm.s32 @!p0 $0x3C00  }
0xbc: {  	[tilespmem:s20], [sflag:$0x1] =	stream.linear.gather @!p0 [hbm4b:s11+s18], $0x200, $0x38;
	[tilespmem:$0x14880] =	vst v63  }
0xbd: {  	s18 =	simm.s32 $0x0;
	s20 =	simm.s32 $0x0;
	_ =	swait.ge [sflag:s9], $0x2000  }
0xbe: {  	s22 =	sand.u32 $0x180, s20;
	s24 =	sand.u32 $0x3C00, s18;
	[sflag:s9] =	ssyncset.done $0x0  }
0xbf: {  	s11 =	sor.u32 s22, s24;
	[sflag:s9] =	ssyncadd.s32 $0xFFFFE000  }
0xc0: {  	v4 =	vld [tilespmem:s11+$0x270]  }
0xc1: {  	v5 =	vld [tilespmem:s11+$0x200]  }
0xc2: {  	v6 =	vld [tilespmem:s11+$0x210]  }
0xc3: {  	v8 =	vld [tilespmem:s11+$0x230]  }
0xc4: {  	v9 =	vld [tilespmem:s11+$0x240]  }
0xc5: {  	v12 =	vld [tilespmem:s11+$0x250]  }
0xc6: {  	v14 =	vld [tilespmem:s11+$0x260];
	_ =	sdelay $0x1  }
0xc7: {  	v7 =	vld [tilespmem:s11+$0x220]  }
0xc8: {  	v10 =	vshra.s32 v4, $0x1F;
	v11 =	vshra.s32 v5, $0x1F;
	v13 =	vshra.s32 v6, $0x1F  }
0xc9: {  	v15 =	vshra.s32 v8, $0x1F;
	v61 =	vshra.s32 v9, $0x1F;
	v18 =	vshra.s32 v12, $0x1F  }
0xca: {  	v63 =	vshra.s32 v14, $0x1F;
	v10 =	vor.u32 $0x80000000, v10;
	v11 =	vor.u32 $0x80000000, v11  }
0xcb: {  	v15 =	vor.u32 $0x80000000, v15;
	v62 =	vor.u32 $0x80000000, v18;
	v4 =	vxor.u32 v4, v10  }
0xcc: {  	v10 =	vor.u32 $0x80000000, v13;
	v13 =	vshra.s32 v7, $0x1F;
	v4 =	vshrl.u32 v4, $0x15  }
0xcd: {  	v5 =	vxor.u32 v5, v11;
	v11 =	vxor.u32 v8, v15;
	v60 =	vand.u32 $0x780, v4  }
0xce: {  	v13 =	vor.u32 $0x80000000, v13;
	v4 =	vand.u32 $0x7F, v4;
	v16 =	vor.u32 v2, v60  }
0xcf: {  	v6 =	vxor.u32 v6, v10;
	v7 =	vxor.u32 v7, v13;
	v16 =	vor.u32 v4, v16  }
0xd0: {  	v10 =	vor.u32 $0x80000000, v63;
	v8 =	vshrl.u32 v7, $0x15;
	v4 =	vor.u32 $0x80000000, v61  }
0xd1: {  	v7 =	vshrl.u32 v11, $0x15;
	v11 =	vand.u32 $0x780, v8;
	v4 =	vxor.u32 v9, v4  }
0xd2: {  	v9 =	vshrl.u32 v5, $0x15;
	v5 =	vxor.u32 v12, v62;
	v12 =	vxor.u32 v14, v10  }
0xd3: {  	v10 =	vshrl.u32 v6, $0x15;
	v6 =	vshrl.u32 v4, $0x15;
	v5 =	vshrl.u32 v5, $0x15  }
0xd4: {  	v4 =	vshrl.u32 v12, $0x15;
	v12 =	vand.u32 $0x780, v9;
	v13 =	vand.u32 $0x780, v10;
	[tilespmem:v16+s8+$0x0] =	vst.idx.add.s32.msk $0xffff, v3  }
.LBB2_7:
0xd5: {  	s20 =	sadd.s32 $0x8, s20;
	v14 =	vand.u32 $0x780, v7;
	v15 =	vand.u32 $0x780, v6;
	v16 =	vand.u32 $0x780, v5;
	s18 =	sadd.s32 $0x400, s18  }
0xd6: {  	v12 =	vor.u32 v0, v12;
	v13 =	vor.u32 v2, v13;
	v17 =	vand.u32 $0x780, v4;
	s11 =	sand.u32 $0x180, s20;
	s22 =	sand.u32 $0x3C00, s18;
	p0 =	slt.u32 s20, $0x1F8  }
0xd7: {  	v11 =	vor.u32 v0, v11;
	v14 =	vor.u32 v2, v14;
	v15 =	vor.u32 v0, v15;
	s11 =	sor.u32 s11, s22  }
0xd8: {  	v9 =	vand.u32 $0x7F, v9;
	v16 =	vor.u32 v2, v16;
	v17 =	vor.u32 v0, v17;
	v18 =	vld [tilespmem:s11+$0x270]  }
0xd9: {  	v10 =	vand.u32 $0x7F, v10;
	v8 =	vand.u32 $0x7F, v8;
	v7 =	vand.u32 $0x7F, v7;
	v19 =	vld [tilespmem:s11+$0x200]  }
0xda: {  	v6 =	vand.u32 $0x7F, v6;
	v5 =	vand.u32 $0x7F, v5;
	v4 =	vand.u32 $0x7F, v4;
	v20 =	vld [tilespmem:s11+$0x210]  }
0xdb: {  	v9 =	vor.u32 v9, v12;
	v10 =	vor.u32 v10, v13;
	v8 =	vor.u32 v8, v11;
	v21 =	vld [tilespmem:s11+$0x220]  }
0xdc: {  	v7 =	vor.u32 v7, v14;
	v6 =	vor.u32 v6, v15;
	v5 =	vor.u32 v5, v16;
	v11 =	vld [tilespmem:s11+$0x230]  }
0xdd: {  	v4 =	vor.u32 v4, v17;
	v12 =	vld [tilespmem:s11+$0x240];
	v13 =	vshra.s32 v18, $0x1F  }
0xde: {  	v14 =	vshra.s32 v19, $0x1F;
	v15 =	vld [tilespmem:s11+$0x250];
	v13 =	vor.u32 $0x80000000, v13  }
0xdf: {  	v14 =	vor.u32 $0x80000000, v14;
	v16 =	vshra.s32 v20, $0x1F;
	v17 =	vld [tilespmem:s11+$0x260];
	v13 =	vxor.u32 v18, v13  }
0xe0: {  	v16 =	vor.u32 $0x80000000, v16;
	v18 =	vshra.s32 v21, $0x1F;
	v13 =	vshrl.u32 v13, $0x15;
	[tilespmem:v9+s8+$0x0] =	vst.idx.add.s32.msk $0xffff, v3  }
0xe1: {  	v9 =	vor.u32 $0x80000000, v18;
	v18 =	vshra.s32 v11, $0x1F;
	v22 =	vand.u32 $0x780, v13;
	[tilespmem:v10+s8+$0x0] =	vst.idx.add.s32.msk $0xffff, v3  }
0xe2: {  	v13 =	vand.u32 $0x7F, v13;
	v10 =	vshra.s32 v12, $0x1F;
	v22 =	vor.u32 v2, v22;
	[tilespmem:v8+s8+$0x0] =	vst.idx.add.s32.msk $0xffff, v3  }
0xe3: {  	v8 =	vor.u32 $0x80000000, v18;
	v18 =	vshra.s32 v15, $0x1F;
	v13 =	vor.u32 v13, v22;
	[tilespmem:v7+s8+$0x0] =	vst.idx.add.s32.msk $0xffff, v3  }
0xe4: {  	v7 =	vor.u32 $0x80000000, v10;
	v10 =	vor.u32 $0x80000000, v18;
	v18 =	vshra.s32 v17, $0x1F;
	[tilespmem:v6+s8+$0x0] =	vst.idx.add.s32.msk $0xffff, v3  }
0xe5: {  	v6 =	vxor.u32 v19, v14;
	v14 =	vxor.u32 v20, v16;
	v16 =	vor.u32 $0x80000000, v18;
	[tilespmem:v5+s8+$0x0] =	vst.idx.add.s32.msk $0xffff, v3  }
.Ltmp2:
0xe6: {  	v11 =	vxor.u32 v11, v8;
	v12 =	vxor.u32 v12, v7;
	v5 =	vxor.u32 v21, v9;
	(pc) =	sbr.rel @p0 .LBB2_7-.Ltmp2, $4  }
0xe7: {  	v9 =	vshrl.u32 v6, $0x15;
	v15 =	vxor.u32 v15, v10;
	v16 =	vxor.u32 v17, v16;
	[tilespmem:v4+s8+$0x0] =	vst.idx.add.s32.msk $0xffff, v3  }
0xe8: {  	v7 =	vshrl.u32 v11, $0x15;
	v10 =	vshrl.u32 v14, $0x15;
	v8 =	vshrl.u32 v5, $0x15;
	[tilespmem:v13+s8+$0x0] =	vst.idx.add.s32.msk $0xffff, v3  }
0xe9: {  	v6 =	vshrl.u32 v12, $0x15;
	v5 =	vshrl.u32 v15, $0x15;
	v4 =	vshrl.u32 v16, $0x15  }
0xea: {  	v12 =	vand.u32 $0x780, v9;
	v11 =	vand.u32 $0x780, v8;
	v13 =	vand.u32 $0x780, v10  }
0xeb: {  	v14 =	vand.u32 $0x780, v7;
	v15 =	vand.u32 $0x780, v6;
	v16 =	vand.u32 $0x780, v5  }
0xec: {  	v12 =	vor.u32 v0, v12;
	v13 =	vor.u32 v2, v13;
	v9 =	vand.u32 $0x7F, v9  }
0xed: {  	v17 =	vand.u32 $0x780, v4;
	v10 =	vand.u32 $0x7F, v10;
	v9 =	vor.u32 v9, v12  }
0xee: {  	v11 =	vor.u32 v0, v11;
	v8 =	vand.u32 $0x7F, v8;
	v10 =	vor.u32 v10, v13  }
0xef: {  	v59 =	vand.u32 $0x7F, v7;
	v58 =	vor.u32 v2, v14;
	v8 =	vor.u32 v8, v11  }
0xf0: {  	v61 =	vand.u32 $0x7F, v6;
	v60 =	vor.u32 v0, v15;
	v7 =	vor.u32 v59, v58  }
0xf1: {  	v5 =	vand.u32 $0x7F, v5;
	v62 =	vor.u32 v2, v16;
	v6 =	vor.u32 v61, v60  }
0xf2: {  	v4 =	vand.u32 $0x7F, v4;
	s16 =	sadd.s32 $0x1, s16;
	v63 =	vor.u32 v0, v17;
	v5 =	vor.u32 v5, v62;
	[tilespmem:v9+s8+$0x0] =	vst.idx.add.s32.msk $0xffff, v3  }
0xf3: {  	p0 =	sne.s32 s16, $0x20;
	v4 =	vor.u32 v4, v63;
	[tilespmem:v10+s8+$0x0] =	vst.idx.add.s32.msk $0xffff, v3  }
.Ltmp3:
0xf4: {  	[tilespmem:v8+s8+$0x0] =	vst.idx.add.s32.msk $0xffff, v3;
	(pc) =	sbr.rel @p0 .LBB2_4-.Ltmp3, $4  }
0xf5: {  	[tilespmem:v7+s8+$0x0] =	vst.idx.add.s32.msk $0xffff, v3  }
0xf6: {  	[tilespmem:v6+s8+$0x0] =	vst.idx.add.s32.msk $0xffff, v3  }
0xf7: {  	[tilespmem:v5+s8+$0x0] =	vst.idx.add.s32.msk $0xffff, v3  }
0xf8: {  	[tilespmem:v4+s8+$0x0] =	vst.idx.add.s32.msk $0xffff, v3  }
0xf9: {  	s11 =	simm.s32 $0x0;
	s14 =	simm.s32 $0x4000  }
0xfa: {  	s11 =	sand.u32 $0x7F0, s11;
	v5 =	vld [tilespmem:s14+$0x0]  }
0xfb: {  	v4 =	vld [tilespmem:s11+$0x4800]  }
0xfc: {  	v6 =	vld [tilespmem:s11+$0x5000]  }
0xfd: {  	v7 =	vld [tilespmem:s11+$0x5800]  }
0xfe: {  	v8 =	vld [tilespmem:s11+$0x6000]  }
0xff: {  	v9 =	vld [tilespmem:s11+$0x6800]  }
0x100: {  	v4 =	vadd.s32 v5, v4;
	v5 =	vld [tilespmem:s11+$0x7000]  }
0x101: {  	v4 =	vadd.s32 v6, v4;
	v6 =	vld [tilespmem:s11+$0x7800]  }
0x102: {  	v4 =	vadd.s32 v7, v4;
	v7 =	vld [tilespmem:s11+$0x8000]  }
0x103: {  	v54 =	vld [tilespmem:s11+$0x8800];
	v4 =	vadd.s32 v8, v4  }
0x104: {  	v55 =	vld [tilespmem:s11+$0x9000];
	v4 =	vadd.s32 v9, v4  }
0x105: {  	v4 =	vadd.s32 v5, v4;
	v5 =	vld [tilespmem:s11+$0x9800]  }
0x106: {  	v4 =	vadd.s32 v6, v4;
	v6 =	vld [tilespmem:s11+$0xA000]  }
0x107: {  	v4 =	vadd.s32 v7, v4;
	v7 =	vld [tilespmem:s11+$0xA800]  }
0x108: {  	v56 =	vld [tilespmem:s11+$0xB000];
	v4 =	vadd.s32 v54, v4  }
0x109: {  	v57 =	vld [tilespmem:s11+$0xB800];
	v4 =	vadd.s32 v55, v4  }
0x10a: {  	v4 =	vadd.s32 v5, v4;
	v5 =	vld [tilespmem:s11+$0xC000]  }
0x10b: {  	v4 =	vadd.s32 v6, v4;
	v6 =	vld [tilespmem:s11+$0xC800]  }
0x10c: {  	v4 =	vadd.s32 v7, v4;
	v7 =	vld [tilespmem:s11+$0xD000]  }
0x10d: {  	v58 =	vld [tilespmem:s11+$0xD800];
	v4 =	vadd.s32 v56, v4  }
0x10e: {  	v59 =	vld [tilespmem:s11+$0xE000];
	v4 =	vadd.s32 v57, v4  }
0x10f: {  	v4 =	vadd.s32 v5, v4;
	v5 =	vld [tilespmem:s11+$0xE800]  }
0x110: {  	v4 =	vadd.s32 v6, v4;
	v6 =	vld [tilespmem:s11+$0xF000]  }
0x111: {  	v4 =	vadd.s32 v7, v4;
	v7 =	vld [tilespmem:s11+$0xF800]  }
0x112: {  	v60 =	vld [tilespmem:s11+$0x10000];
	v4 =	vadd.s32 v58, v4  }
0x113: {  	v61 =	vld [tilespmem:s11+$0x10800];
	v4 =	vadd.s32 v59, v4  }
0x114: {  	v4 =	vadd.s32 v5, v4;
	v5 =	vld [tilespmem:s11+$0x11000]  }
0x115: {  	v4 =	vadd.s32 v6, v4;
	v6 =	vld [tilespmem:s11+$0x11800]  }
0x116: {  	v4 =	vadd.s32 v7, v4;
	v7 =	vld [tilespmem:s11+$0x12000]  }
0x117: {  	v62 =	vld [tilespmem:s11+$0x12800];
	v4 =	vadd.s32 v60, v4  }
0x118: {  	v63 =	vld [tilespmem:s11+$0x13000];
	v4 =	vadd.s32 v61, v4  }
0x119: {  	v4 =	vadd.s32 v5, v4;
	v5 =	vld [tilespmem:s11+$0x13800]  }
0x11a: {  	v4 =	vadd.s32 v6, v4  }
0x11b: {  	v4 =	vadd.s32 v7, v4  }
0x11c: {  	v4 =	vadd.s32 v62, v4  }
0x11d: {  	v4 =	vadd.s32 v63, v4  }
0x11e: {  	s24 =	simm.s32 $0x10;
	s14 =	simm.s32 $0x14000;
	v4 =	vadd.s32 v5, v4  }
0x11f: {  	s16 =	sand.u32 $0x7F0, s24;
	[tilespmem:s14+$0x0] =	vst v4  }
0x120: {  	s20 =	simm.s32 $0x20;
	s18 =	simm.s32 $0x4010;
	v4 =	vld [tilespmem:s16+$0x4800]  }
.LBB2_10:
0x121: {  	p0 =	sne.s32 s20, $0x7F0;
	v5 =	vld [tilespmem:s18+$0x0]  }
0x122: {  	v6 =	vld [tilespmem:s16+$0x5000]  }
0x123: {  	v7 =	vld [tilespmem:s16+$0x5800]  }
0x124: {  	v8 =	vld [tilespmem:s16+$0x6000]  }
0x125: {  	v9 =	vld [tilespmem:s16+$0x6800]  }
0x126: {  	v4 =	vadd.s32 v5, v4;
	v5 =	vld [tilespmem:s16+$0x7000]  }
0x127: {  	v4 =	vadd.s32 v6, v4;
	v6 =	vld [tilespmem:s16+$0x7800]  }
0x128: {  	v4 =	vadd.s32 v7, v4;
	v7 =	vld [tilespmem:s16+$0x8000]  }
0x129: {  	v4 =	vadd.s32 v8, v4;
	v8 =	vld [tilespmem:s16+$0x8800]  }
0x12a: {  	v4 =	vadd.s32 v9, v4;
	v9 =	vld [tilespmem:s16+$0x9000]  }
0x12b: {  	v4 =	vadd.s32 v5, v4;
	v5 =	vld [tilespmem:s16+$0x9800]  }
0x12c: {  	v4 =	vadd.s32 v6, v4;
	v6 =	vld [tilespmem:s16+$0xA000]  }
0x12d: {  	v4 =	vadd.s32 v7, v4;
	v7 =	vld [tilespmem:s16+$0xA800]  }
0x12e: {  	v4 =	vadd.s32 v8, v4;
	v8 =	vld [tilespmem:s16+$0xB000]  }
0x12f: {  	v4 =	vadd.s32 v9, v4;
	v9 =	vld [tilespmem:s16+$0xB800]  }
0x130: {  	v4 =	vadd.s32 v5, v4;
	v5 =	vld [tilespmem:s16+$0xC000]  }
0x131: {  	v4 =	vadd.s32 v6, v4;
	v6 =	vld [tilespmem:s16+$0xC800]  }
0x132: {  	v4 =	vadd.s32 v7, v4;
	v7 =	vld [tilespmem:s16+$0xD000]  }
0x133: {  	v4 =	vadd.s32 v8, v4;
	v8 =	vld [tilespmem:s16+$0xD800]  }
0x134: {  	v4 =	vadd.s32 v9, v4;
	v9 =	vld [tilespmem:s16+$0xE000]  }
0x135: {  	v4 =	vadd.s32 v5, v4;
	v5 =	vld [tilespmem:s16+$0xE800]  }
0x136: {  	v4 =	vadd.s32 v6, v4;
	v6 =	vld [tilespmem:s16+$0xF000]  }
0x137: {  	v4 =	vadd.s32 v7, v4;
	v7 =	vld [tilespmem:s16+$0xF800]  }
0x138: {  	v4 =	vadd.s32 v8, v4;
	v8 =	vld [tilespmem:s16+$0x10000]  }
0x139: {  	v4 =	vadd.s32 v9, v4;
	v9 =	vld [tilespmem:s16+$0x10800]  }
0x13a: {  	v4 =	vadd.s32 v5, v4;
	v5 =	vld [tilespmem:s16+$0x11000]  }
0x13b: {  	v4 =	vadd.s32 v6, v4;
	v6 =	vld [tilespmem:s16+$0x11800]  }
0x13c: {  	v4 =	vadd.s32 v7, v4;
	v7 =	vld [tilespmem:s16+$0x12000]  }
0x13d: {  	v4 =	vadd.s32 v8, v4;
	v8 =	vld [tilespmem:s16+$0x12800]  }
0x13e: {  	v4 =	vadd.s32 v9, v4;
	v9 =	vld [tilespmem:s16+$0x13000]  }
0x13f: {  	v4 =	vadd.s32 v5, v4;
	v5 =	vld [tilespmem:s16+$0x13800]  }
0x140: {  	v4 =	vadd.s32 v6, v4  }
0x141: {  	v4 =	vadd.s32 v7, v4  }
.Ltmp4:
0x142: {  	v4 =	vadd.s32 v8, v4;
	(pc) =	sbr.rel @p0 .LBB2_10-.Ltmp4, $4  }
0x143: {  	v4 =	vadd.s32 v9, v4  }
0x144: {  	s14 =	sadd.s32 $0x10, s14;
	v4 =	vadd.s32 v5, v4  }
0x145: {  	s16 =	sand.u32 $0x7F0, s20;
	[tilespmem:s14+$0x0] =	vst v4  }
0x146: {  	s18 =	sadd.s32 $0x10, s18;
	s20 =	sadd.s32 $0x10, s20;
	v4 =	vld [tilespmem:s16+$0x4800]  }
0x147: {  	v5 =	vld [tilespmem:s18+$0x0]  }
0x148: {  	v6 =	vld [tilespmem:s16+$0x5000]  }
0x149: {  	v7 =	vld [tilespmem:s16+$0x5800]  }
0x14a: {  	v8 =	vld [tilespmem:s16+$0x6000]  }
0x14b: {  	v9 =	vld [tilespmem:s16+$0x6800]  }
0x14c: {  	v4 =	vadd.s32 v5, v4;
	v5 =	vld [tilespmem:s16+$0x7000]  }
0x14d: {  	v44 =	vld [tilespmem:s16+$0x7800];
	v4 =	vadd.s32 v6, v4  }
0x14e: {  	v45 =	vld [tilespmem:s16+$0x8000];
	v4 =	vadd.s32 v7, v4  }
0x14f: {  	v46 =	vld [tilespmem:s16+$0x8800];
	v4 =	vadd.s32 v8, v4  }
0x150: {  	v47 =	vld [tilespmem:s16+$0x9000];
	v4 =	vadd.s32 v9, v4  }
0x151: {  	v4 =	vadd.s32 v5, v4;
	v5 =	vld [tilespmem:s16+$0x9800]  }
0x152: {  	v48 =	vld [tilespmem:s16+$0xA000];
	v4 =	vadd.s32 v44, v4  }
0x153: {  	v49 =	vld [tilespmem:s16+$0xA800];
	v4 =	vadd.s32 v45, v4  }
0x154: {  	v50 =	vld [tilespmem:s16+$0xB000];
	v4 =	vadd.s32 v46, v4  }
0x155: {  	v51 =	vld [tilespmem:s16+$0xB800];
	v4 =	vadd.s32 v47, v4  }
0x156: {  	v4 =	vadd.s32 v5, v4;
	v5 =	vld [tilespmem:s16+$0xC000]  }
0x157: {  	v52 =	vld [tilespmem:s16+$0xC800];
	v4 =	vadd.s32 v48, v4  }
0x158: {  	v53 =	vld [tilespmem:s16+$0xD000];
	v4 =	vadd.s32 v49, v4  }
0x159: {  	v54 =	vld [tilespmem:s16+$0xD800];
	v4 =	vadd.s32 v50, v4  }
0x15a: {  	v55 =	vld [tilespmem:s16+$0xE000];
	v4 =	vadd.s32 v51, v4  }
0x15b: {  	v4 =	vadd.s32 v5, v4;
	v5 =	vld [tilespmem:s16+$0xE800]  }
0x15c: {  	v56 =	vld [tilespmem:s16+$0xF000];
	v4 =	vadd.s32 v52, v4  }
0x15d: {  	v57 =	vld [tilespmem:s16+$0xF800];
	v4 =	vadd.s32 v53, v4  }
0x15e: {  	v58 =	vld [tilespmem:s16+$0x10000];
	v4 =	vadd.s32 v54, v4  }
0x15f: {  	v59 =	vld [tilespmem:s16+$0x10800];
	v4 =	vadd.s32 v55, v4  }
0x160: {  	v4 =	vadd.s32 v5, v4;
	v5 =	vld [tilespmem:s16+$0x11000]  }
0x161: {  	v60 =	vld [tilespmem:s16+$0x11800];
	v4 =	vadd.s32 v56, v4  }
0x162: {  	v61 =	vld [tilespmem:s16+$0x12000];
	v4 =	vadd.s32 v57, v4  }
0x163: {  	v62 =	vld [tilespmem:s16+$0x12800];
	v4 =	vadd.s32 v58, v4  }
0x164: {  	v63 =	vld [tilespmem:s16+$0x13000];
	v4 =	vadd.s32 v59, v4  }
0x165: {  	v4 =	vadd.s32 v5, v4;
	v5 =	vld [tilespmem:s16+$0x13800]  }
0x166: {  	v4 =	vadd.s32 v60, v4  }
0x167: {  	v4 =	vadd.s32 v61, v4  }
0x168: {  	v4 =	vadd.s32 v62, v4  }
0x169: {  	v4 =	vadd.s32 v63, v4  }
0x16a: {  	s11 =	sadd.s32 $0x10, s14;
	s20 =	simm.s32 $0x400;
	v4 =	vadd.s32 v5, v4  }
0x16b: {  	s18 =	simm.s32 $0x80;
	s22 =	simm.s32 $0x14000;
	s16 =	rddreg [dreg:$0x4];
	[tilespmem:s11+$0x0] =	vst v4  }
0x16c: {  	[hbm4b:s16+s18] =	stream.strided.scatter [tilespmem:s22], [sflag:$0x3], $0x800, s20, s18, $0x38;
	[tilespmem:$0x14880] =	vst v63  }
0x16d: {  	s18 =	simm.s32 $0x3  }
0x16e: {  	_ =	swait.ge [sflag:s18], $0x800  }
0x16f: {  	s12 =	sadd.s32 $0x1, s12;
	s24 =	rddreg [dreg:$0x5]  }
0x170: {  	p0 =	sne.s32 s12, s24  }
.Ltmp5:
0x171: {  	_ = 	snop;
	(pc) =	sbr.rel @p0 .LBB2_1-.Ltmp5, $3  }
0x172: {  	_ =	sdelay $0x1  }
0x173: {  	[sflag:s18] =	ssyncset.done $0x0  }
0x174: {  	[sflag:s18] =	ssyncadd.s32 $0xFFFFF800  }
0x175: {  	_ =	sfence.sel $0x180000  }
0x176: {  	[bflag:$0x0] =	sbarrier.arrive $0xFFFF  }
0x177: {  	_ =	strace $0x90000047  }
0x178: {  	s0 =	stileid.u32;
	[bflag:$0x2] =	sbarrier.arrive $0xFFFF  }
0x179: {  	p0 =	sne.s32 s0, $0x0;
	s0 =	rddreg [dreg:$0x3]  }
0x17a: {  	s0 =	sadd.s32 @!p0 $0x100000, s0  }
0x17b: {  	[sflag:s0] =	ssyncadd.tile.s32 @!p0 $0x1;
	_ =	shalt  }
.Lfunc_end2:
_tile_overlayer_lowered:
.L_overlay_start_2:
0x17c: {  	(tag) =	ssettag $0x2  }
0x17d: {  	s0 =	rddreg [dreg:$0x0];
	s2 =	stileid.u32  }
0x17e: {  	s1 =	rddreg [dreg:$0x1];
	p0 =	sne.s32 s2, $0x0  }
0x17f: {  	s3 =	rddreg [dreg:$0x2];
	[bflag:$0x3] =	sbarrier.arrive $0xFFFF;
	s2 =	simm.s32 @!p0 $0x1C03  }
0x180: {  	[timem:s3], [sflag:s2] =	dma.local @!p0 [hbm:s0], s1  }
0x181: {  	s0 =	simm.s32 @!p0 $0x3  }
0x182: {  	_ =	swait.ge @!p0 [sflag:s0], s1  }
0x183: {  	s1 =	ssub.s32 @!p0 $0x0, s1;
	[sflag:s0] =	ssyncset.done @!p0 $0x0  }
0x184: {  	[sflag:s0] =	ssyncadd.s32 @!p0 s1  }
0x185: {  	[bflag:$0x3] =	sbarrier.arrive $0xFFFF  }
0x186: {  	_ =	shalt  }

// kernel: kernel.9.cloned.1.call-start
scs
__scs_entry_jumppad:
0x0: {  	(pc) =	sbr.rel $0x88, $3  }
0x1: {  	(tag) =	ssettag $0x0;
	lr =	simm.s32 $0x1  }
0x2: {  	[smem:$0x3FA0] =	sst lr;
	_ =	strace $0xD0000000  }
0x3: {  	_ = 	snop  }
0x4: {  	_ = 	snop  }
0x5: {  	_ = 	snop  }
0x6: {  	_ = 	snop  }
0x7: {  	_ = 	snop  }
__scs_overlays_trampoline_lowered:
0x8: {  	[smem:$0x3FAF] =	sst s0  }
0x9: {  	[smem:$0x3FB0] =	sst s1  }
0xa: {  	[smem:$0x3FB1] =	sst s2  }
0xb: {  	[smem:$0x3FB2] =	sst s3  }
0xc: {  	[smem:$0x3FB3] =	sst s4  }
0xd: {  	[smem:$0x3FB4] =	sst s5  }
0xe: {  	[smem:$0x3FB5] =	sst s6  }
0xf: {  	[smem:$0x3FB6] =	sst s7  }
0x10: {  	[smem:$0x3FB7] =	sst s8  }
0x11: {  	[smem:$0x3FB8] =	sst s9;
	s0 =	simm.s32 @!p0 $0x0  }
0x12: {  	s1 =	sld [smem:$0x3F9E];
	s0 =	simm.s32 @p0 $0x1  }
0x13: {  	[smem:$0x3FB9] =	sst s0;
	s0 =	simm.s32 @!p1 $0x0  }
0x14: {  	s2 =	sld [smem:$0x3F9D];
	s0 =	simm.s32 @p1 $0x1  }
0x15: {  	[smem:$0x3FBA] =	sst s0;
	s0 =	simm.s32 @!p2 $0x0  }
0x16: {  	s3 =	sld [smem:$0x3FDB];
	s0 =	simm.s32 @p2 $0x1  }
0x17: {  	s4 =	simm.s32 $0x1BF5;
	[smem:$0x3FBC] =	sst s0  }
0x18: {  	s0 =	sld [smem:$0x3F9F];
	_ =	swait.ge [sflag:s4], $0x0  }
0x19: {  	s7 =	sld [smem:$0x3FA0]  }
0x1a: {  	s8 =	sadd.s32 $0xFFFFE003, lr  }
0x1b: {  	s9 =	sadd.s32 $0xFFFFFEF7, lr;
	s5 =	simm.s32 $0xFFFFFFFF;
	p2 =	slt.u32 s8, $0xFFFFF086  }
0x1c: {  	p1 =	slt.u32 s9, $0xF7A;
	s5 =	simm.s32 @!p2 $0x0  }
0x1d: {  	s5 =	simm.s32 @p1 $0x1;
	p0 =	seq.s32 s7, s2  }
0x1e: {  	s7 =	smul.u32 @!p0 $0xF7A, s2;
	p2 =	seq.s32 @!p0 s5, $0x0  }
0x1f: {  	s9 =	smul.u32 $0xF7A, s1;
	s8 =	simm.s32 @!p0 $0x1BF5;
	p2 =	por !p2, p0  }
0x20: {  	[sflag:s8] =	ssyncset.s32 @!p0 $0xFFFFF086;
	s6 =	sadd.s32 @!p0 s3, s7;
	s7 =	simm.s32 @!p0 $0x108  }
0x21: {  	s3 =	sadd.s32 s3, s9;
	s6 =	sadd.s32 @!p0 $0x88, s6;
	s7 =	simm.s32 @p2 $0x1082  }
0x22: {  	[simem:s7], [sflag:s8] =	dma.local @!p0 [hbm:s6], $0xF7A  }
0x23: {  	s9 =	sor.u32 $0xD0000000, s2;
	s6 =	simm.s32 $0x108;
	_ =	swait.ge @!p0 [sflag:s8], $0x0  }
0x24: {  	s3 =	sadd.s32 $0x88, s3;
	s6 =	simm.s32 @!p1 $0x1082;
	[sflag:s4] =	ssyncset.s32 $0xFFFFF086  }
0x25: {  	[simem:s6], [sflag:s4] =	dma.local [hbm:s3], $0xF7A  }
0x26: {  	[smem:$0x3FA0] =	sst s1;
	(tag) =	ssettag s2;
	_ =	strace s9  }
0x27: {  	s1 =	sld [smem:$0x3FB0]  }
0x28: {  	s2 =	sld [smem:$0x3FB1]  }
0x29: {  	s4 =	sld [smem:$0x3FB3]  }
0x2a: {  	p0 =	seq.s32 s5, $0x0;
	s5 =	sld [smem:$0x3FB4]  }
0x2b: {  	s6 =	sld [smem:$0x3FB5]  }
0x2c: {  	s7 =	sld [smem:$0x3FB6]  }
0x2d: {  	s3 =	simm.s32 $0x108;
	s8 =	sld [smem:$0x3FB7]  }
0x2e: {  	s3 =	simm.s32 @!p0 $0x1082;
	s9 =	sld [smem:$0x3FB8]  }
0x2f: {  	lr =	sadd.s32 s0, s3;
	s0 =	sld [smem:$0x3FAF]  }
0x30: {  	s3 =	sld [smem:$0x3FB2]  }
0x31: {  	[smem:$0x3FBB] =	sst s10  }
0x32: {  	s10 =	sld [smem:$0x3FB9];
	_ =	sdelay $0x3  }
0x33: {  	p0 =	seq.s32 s10, $0x1;
	s10 =	sld [smem:$0x3FBB];
	_ =	sdelay $0x3  }
0x34: {  	[smem:$0x3FBB] =	sst s10  }
0x35: {  	s10 =	sld [smem:$0x3FBA];
	_ =	sdelay $0x3  }
0x36: {  	p1 =	seq.s32 s10, $0x1;
	s10 =	sld [smem:$0x3FBB];
	_ =	sdelay $0x3  }
0x37: {  	[smem:$0x3FBB] =	sst s10  }
0x38: {  	s10 =	sld [smem:$0x3FBC]  }
0x39: {  	_ = 	snop;
	(pc) =	sbr.ind lr, $3  }
0x3a: {  	_ = 	snop  }
0x3b: {  	_ = 	snop  }
0x3c: {  	p2 =	seq.s32 s10, $0x1;
	s10 =	sld [smem:$0x3FBB]  }
0x3d: {  	_ =	shalt  }
0x3e: {  	_ =	shalt  }
0x3f: {  	_ =	shalt  }
0x40: {  	_ =	shalt  }
0x41: {  	_ =	shalt  }
0x42: {  	_ =	shalt  }
0x43: {  	_ =	shalt  }
0x44: {  	_ =	shalt  }
0x45: {  	_ =	shalt  }
0x46: {  	_ =	shalt  }
0x47: {  	_ =	shalt  }
0x48: {  	_ =	shalt  }
0x49: {  	_ =	shalt  }
0x4a: {  	_ =	shalt  }
0x4b: {  	_ =	shalt  }
0x4c: {  	_ =	shalt  }
0x4d: {  	_ =	shalt  }
0x4e: {  	_ =	shalt  }
0x4f: {  	_ =	shalt  }
0x50: {  	_ =	shalt  }
0x51: {  	_ =	shalt  }
0x52: {  	_ =	shalt  }
0x53: {  	_ =	shalt  }
0x54: {  	_ =	shalt  }
0x55: {  	_ =	shalt  }
0x56: {  	_ =	shalt  }
0x57: {  	_ =	shalt  }
0x58: {  	_ =	shalt  }
0x59: {  	_ =	shalt  }
0x5a: {  	_ =	shalt  }
0x5b: {  	_ =	shalt  }
0x5c: {  	_ =	shalt  }
0x5d: {  	_ =	shalt  }
0x5e: {  	_ =	shalt  }
0x5f: {  	_ =	shalt  }
0x60: {  	_ =	shalt  }
0x61: {  	_ =	shalt  }
0x62: {  	_ =	shalt  }
0x63: {  	_ =	shalt  }
0x64: {  	_ =	shalt  }
0x65: {  	_ =	shalt  }
0x66: {  	_ =	shalt  }
0x67: {  	_ =	shalt  }
0x68: {  	_ =	shalt  }
0x69: {  	_ =	shalt  }
0x6a: {  	_ =	shalt  }
0x6b: {  	_ =	shalt  }
0x6c: {  	_ =	shalt  }
0x6d: {  	_ =	shalt  }
0x6e: {  	_ =	shalt  }
0x6f: {  	_ =	shalt  }
0x70: {  	_ =	shalt  }
0x71: {  	_ =	shalt  }
0x72: {  	_ =	shalt  }
0x73: {  	_ =	shalt  }
0x74: {  	_ =	shalt  }
0x75: {  	_ =	shalt  }
0x76: {  	_ =	shalt  }
0x77: {  	_ =	shalt  }
0x78: {  	_ =	shalt  }
0x79: {  	_ =	shalt  }
0x7a: {  	_ =	shalt  }
0x7b: {  	_ =	shalt  }
0x7c: {  	_ =	shalt  }
0x7d: {  	_ =	shalt  }
0x7e: {  	_ =	shalt  }
0x7f: {  	_ =	shalt  }
0x80: {  	_ =	shalt  }
0x81: {  	_ =	shalt  }
0x82: {  	_ =	shalt  }
0x83: {  	_ =	shalt  }
0x84: {  	_ =	shalt  }
0x85: {  	_ =	shalt  }
0x86: {  	_ =	shalt  }
0x87: {  	_ =	shalt  }
.Lfunc_end0:
.L_simem_size_0:
called_computation.1_lowered:
.L_overlay_start_0:
0x88: {  	s2 =	sld [smem:$0x3FD9]  }
0x89: {  	s3 =	sld [smem:$0x3FFE];
	_ =	sdelay $0x1  }
0x8a: {  	s1 =	srdreg.scid  }
0x8b: {  	s0 =	sand.u32 $0x1, s1  }
0x8c: {  	s17 =	sshll.u32 s0, $0xA;
	s2 =	sadd.s32 s3, s2  }
0x8d: {  	s2 =	sadd.s32 s2, s17  }
0x8e: {  	[smem:$0x3FC7] =	sst s2  }
0x8f: {  	_ = 	snop  }
0x90: {  	s2 =	sld [smem:$0x3FC9]  }
0x91: {  	s18 =	sld [smem:$0x3FD0];
	(tm) =	ssettm $0x1  }
0x92: {  	s4 =	sld [smem:$0x3FFB];
	_ =	sdelay $0x3  }
0x93: {  	_ =	strace s4  }
0x94: {  	s4 =	sld [smem:$0x3FFC];
	_ =	sdelay $0x3  }
0x95: {  	_ =	strace s4  }
0x96: {  	s4 =	sld [smem:$0x3FFD];
	_ =	sdelay $0x3  }
0x97: {  	_ =	strace s4  }
0x98: {  	_ =	strace $0x8FFFFFFF  }
0x99: {  	s19 =	sld [smem:$0x3FDB];
	_ =	sdelay $0x1  }
0x9a: {  	s5 =	simm.s32 $_scs_section_size  }
0x9b: {  	s6 =	simm.s32 $_size__tile_overlayer_lowered;
	s7 =	simm.s32 $_tile_overlayer_lowered  }
0x9c: {  	s22 =	simm.s32 $0x1BFF;
	s21 =	sshll.u32 s7, $0x1;
	s4 =	sadd.s32 s5, s19  }
0x9d: {  	s8 =	simm.s32 $0x0;
	s20 =	sshll.u32 s6, $0x1;
	s6 =	sadd.s32 s21, s4  }
0x9e: {  	[timem:s8], [sflag:s22] =	dma.local [hbm:s6], s20  }
0x9f: {  	_ =	swait.ge [sflag:s22], s20  }
0xa0: {  	s5 =	ssub.s32 $0x0, s20;
	[sflag:s22] =	ssyncset.done $0x0  }
0xa1: {  	[sflag:s22] =	ssyncadd.s32 s5;
	_ =	sdelay $0x1  }
0xa2: {  	s23 =	simm.s32 $0x1B8B  }
0xa3: {  	_ =	swait.ge [sflag:s23], $0x1  }
0xa4: {  	[sflag:s23] =	ssyncset.done $0x0  }
0xa5: {  	s25 =	simm.s32 $0x1B8E;
	s24 =	sld [smem:$0x3FFE];
	[sflag:s23] =	ssyncadd.s32 $0xFFFFFFFF  }
0xa6: {  	s26 =	simm.s32 $execute0_lowered;
	[smem:$0x3FD2] =	sst s25  }
0xa7: {  	s6 =	sshll.u32 s26, $0x1;
	_ =	strace $0x80000049;
	[dreg:$0x1] =	wrdreg $0xFFFFFFFF  }
0xa8: {  	s28 =	simm.s32 $_size_execute0_lowered;
	s4 =	sadd.s32 s4, s6;
	[dreg:$0x0] =	wrdreg $0x0  }
0xa9: {  	s6 =	sshll.u32 s28, $0x1;
	[dreg:$0x2] =	wrdreg s4  }
0xaa: {  	[dreg:$0x3] =	wrdreg s6  }
0xab: {  	[dreg:$0x4] =	wrdreg $0xC0  }
0xac: {  	_ =	task [dreg:s8], $0x5FFFF  }
0xad: {  	[dreg:$0x1] =	wrdreg $0xFFFFFFFF  }
0xae: {  	[dreg:$0x0] =	wrdreg $0x60  }
0xaf: {  	[dreg:$0x2] =	wrdreg s2  }
0xb0: {  	[dreg:$0x3] =	wrdreg s24  }
0xb1: {  	[dreg:$0x4] =	wrdreg s18  }
0xb2: {  	[dreg:$0x5] =	wrdreg $0x9  }
0xb3: {  	_ =	task.clear_ibuf [dreg:s8], $0x6FFFF;
	_ =	strace $0x90000049  }
0xb4: {  	s29 =	simm.s32 $0x9;
	_ =	strace $0x8000004B  }
0xb5: {  	_ =	swait.ge [sflag:s29], $0x1  }
0xb6: {  	[sflag:s29] =	ssyncadd.s32 $0xFFFFFFFF  }
0xb7: {  	_ =	strace $0x9000004B  }
0xb8: {  	_ =	sfence  }
0xb9: {  	s30 =	sld [smem:$0x0];
	_ =	sdelay $0x2  }
0xba: {  	s31 =	sshll.u32 s1, $0xD;
	s1 =	sshrl.u32 s1, $0x2  }
0xbb: {  	s3 =	sand.u32 $0x4000, s31;
	s1 =	sadd.s32 s1, s30  }
0xbc: {  	s0 =	sor.u32 s3, s0;
	s1 =	sshll.u32 s1, $0x11  }
0xbd: {  	s0 =	sor.u32 s1, s0  }
0xbe: {  	s0 =	sadd.s32 $0x8F2B, s0  }
0xbf: {  	[sflag:s0] =	ssyncadd.remote.s32 $0x1  }
0xc0: {  	_ =	sfence.sel $0xFFFF  }
0xc1: {  	[dreg:$0x0] =	wrdreg $0xFFFFFFFF;
	(pc) =	sbr.abs _section_cstart, $3  }
0xc2: {  	[dreg:$0x1] =	wrdreg $0xFFFFFFFF  }
0xc3: {  	_ =	task.clear_ibuf [dreg:s8], $0x2FFFF;
	_ =	strace $0x9FFFFFFF  }
0xc4: {  	(tm) =	ssettm $0x7FFFFFFF  }
0xc5: {  	_ =	shalt  }
tec
execute0_lowered:
.L_overlay_start_1:
0x0: {  	(tag) =	ssettag $0x1  }
0x1: {  	s0 =	rddreg [dreg:$0x0]  }
0x2: {  	s1 =	rddreg [dreg:$0x1]  }
0x3: {  	s2 =	srdreg.scid;
	s6 =	stileid.u32  }
0x4: {  	s3 =	rddreg [dreg:$0x2];
	s10 =	simm.s32 $0x0;
	s11 =	simm.s32 $0x3  }
0x5: {  	s12 =	simm.s32 $0x400;
	s28 =	simm.s32 $0x2600;
	s29 =	simm.s32 $0x2A00  }
0x6: {  	s30 =	simm.s32 $0x2E00;
	s31 =	simm.s32 $0x3200;
	s15 =	simm.s32 $0x3E00  }
0x7: {  	s2 =	sand.u32 $0x1, s2;
	s4 =	sshll.u32 s6, $0x1;
	s16 =	sshrl.u32 s6, $0x2  }
0x8: {  	[smem:$0x7FF] =	sst s10;
	s8 =	sadd.s32 $0x200, s1;
	s5 =	sor.u32 s2, s4  }
0x9: {  	s7 =	sshll.u32 s16, $0xE;
	_ =	strace $0x8000004A;
	s4 =	sshll.u32 s16, $0xA  }
0xa: {  	[dreg:$0x4] =	wrdreg s8;
	s2 =	ssub.s32 $0x2, s2;
	s17 =	sshll.u32 s5, $0x7  }
0xb: {  	s8 =	simm.s32 $0x4000;
	s19 =	sshrl.u32 s2, $0x1;
	s6 =	sand.u32 $0x380, s17  }
0xc: {  	s21 =	sshll.u32 s5, $0xC;
	s2 =	ssub.s32 s2, s19;
	s7 =	sor.u32 s7, s6  }
0xd: {  	s4 =	sor.u32 s4, s6;
	s6 =	sadd.s32 $0x40, s0;
	s7 =	sshrl.u32 s7, $0x3  }
0xe: {  	s22 =	smax.u32 s2, $0x1;
	s4 =	sshrl.u32 s4, $0x3;
	s18 =	sadd.s32 s7, s1  }
0xf: {  	[dreg:$0x9] =	wrdreg s22;
	s1 =	sadd.s32 s4, s1;
	s20 =	sadd.s32 $0x400, s18  }
0x10: {  	s4 =	sshll.u32 s5, $0x10;
	s1 =	sadd.s32 $0x2400, s1;
	[dreg:$0x6] =	wrdreg s20  }
0x11: {  	s9 =	sadd.s32 s0, s4;
	s0 =	sadd.s32 s3, s21;
	[dreg:$0x7] =	wrdreg s1  }
0x12: {  	s22 =	simm.s32 $0x1200;
	s5 =	simm.s32 $0x0;
	[dreg:$0x8] =	wrdreg s0  }
0x13: {  	s3 =	simm.s32 $0x1;
	s23 =	sadd.s32 $0x80, s9;
	[dreg:$0x5] =	wrdreg s9  }
0x14: {  	s7 =	sadd.s32 $0x800, s9;
	s24 =	sadd.s32 $0x100, s9;
	[dreg:$0xa] =	wrdreg s23  }
0x15: {  	v0 =	vlaneseq.u32;
	s25 =	sadd.s32 $0x180, s9;
	s26 =	sadd.s32 $0x200, s9;
	[dreg:$0xb] =	wrdreg s24  }
0x16: {  	v0 =	vmul.u32 $0x800, v0;
	s1 =	simm.s32 $0x3600;
	s0 =	simm.s32 $0x3A00;
	[dreg:$0xc] =	wrdreg s25  }
0x17: {  	s9 =	simm.s32 $0x2;
	[dreg:$0xd] =	wrdreg s26;
	s23 =	simm.s32 $0x1600  }
0x18: {  	v1 =	vimm.s32 $0x0;
	v2 =	vimm.s32 $0x1;
	v3 =	vor.u32 $0x8000, v0;
	s24 =	simm.s32 $0x1A00;
	s25 =	simm.s32 $0x1E00;
	s26 =	simm.s32 $0x2200  }
.LBB2_1:
0x19: {  	[dreg:$0xe] =	wrdreg s5  }
0x1a: {  	s2 =	rddreg [dreg:$0x4];
	s21 =	simm.s32 $0x1C800  }
0x1b: {  	[tilespmem:s21], [sflag:$0x3] =	stream.linear.gather [hbm4b:s2+s10], $0x80, $0x38;
	[tilespmem:$0x1C900] =	vst v63  }
0x1c: {  	_ =	swait.ge [sflag:s11], $0x80  }
0x1d: {  	[sflag:s11] =	ssyncset.done $0x0  }
0x1e: {  	[sflag:s11] =	ssyncadd.s32 $0xFFFFFF80  }
0x1f: {  	s5 =	simm.s32 $0x0;
	s2 =	simm.s32 $0x40;
	v4 =	vld [tilespmem:$0x1C800]  }
.LBB2_2:
0x20: {  	p0 =	sne.s32 s2, $0x3FFC0;
	[tilespmem:s5+$0x4000] =	vst v1;
	s5 =	smov.u32 s2;
	s2 =	sadd.s32 $0x40, s2  }
.Ltmp0:
0x21: {  	(pc) =	sbr.rel @p0 .LBB2_2-.Ltmp0, $2  }
0x22: {  	_ =	sdelay $0x2  }
0x23: {  	s5 =	sshra.s32 s5, $0x2  }
0x24: {  	[tilespmem:s5+$0x4000] =	vst v1;
	s11 =	simm.s32 $0x0;
	s5 =	rddreg [dreg:$0x5]  }
0x25: {  	[tilespmem:s11], [sflag:$0x1] =	stream.linear.gather [hbm4b:s5+s11], $0x200, $0x38;
	[tilespmem:$0x1C900] =	vst v63  }
0x26: {  	s2 =	rddreg [dreg:$0xa]  }
0x27: {  	[tilespmem:s12], [sflag:$0x1] =	stream.linear.gather [hbm4b:s2+s11], $0x200, $0x38;
	[tilespmem:$0x1C900] =	vst v63  }
0x28: {  	s14 =	rddreg [dreg:$0xb];
	s10 =	simm.s32 $0x800  }
0x29: {  	[tilespmem:s10], [sflag:$0x1] =	stream.linear.gather [hbm4b:s14+s11], $0x200, $0x38;
	[tilespmem:$0x1C900] =	vst v63  }
0x2a: {  	s16 =	rddreg [dreg:$0xc];
	s17 =	simm.s32 $0xC00  }
0x2b: {  	[tilespmem:s17], [sflag:$0x1] =	stream.linear.gather [hbm4b:s16+s11], $0x200, $0x38;
	[tilespmem:$0x1C900] =	vst v63  }
0x2c: {  	s18 =	rddreg [dreg:$0xd];
	s19 =	simm.s32 $0x1000  }
0x2d: {  	[tilespmem:s19], [sflag:$0x1] =	stream.linear.gather [hbm4b:s18+s11], $0x200, $0x38;
	[tilespmem:$0x1C900] =	vst v63  }
0x2e: {  	s21 =	simm.s32 $0x1400;
	s20 =	sadd.s32 $0x280, s5  }
0x2f: {  	[tilespmem:s21], [sflag:$0x1] =	stream.linear.gather [hbm4b:s20+s11], $0x200, $0x38;
	[tilespmem:$0x1C900] =	vst v63  }
0x30: {  	s12 =	simm.s32 $0x1800;
	s10 =	sadd.s32 $0x300, s5  }
0x31: {  	[tilespmem:s12], [sflag:$0x1] =	stream.linear.gather [hbm4b:s10+s11], $0x200, $0x38;
	[tilespmem:$0x1C900] =	vst v63  }
0x32: {  	s13 =	sadd.s32 $0x380, s5;
	s14 =	simm.s32 $0x1C00  }
0x33: {  	[tilespmem:s14], [sflag:$0x1] =	stream.linear.gather [hbm4b:s13+s11], $0x200, $0x38;
	[tilespmem:$0x1C900] =	vst v63  }
0x34: {  	s16 =	sadd.s32 $0x400, s5;
	s17 =	simm.s32 $0x2000  }
0x35: {  	[tilespmem:s17], [sflag:$0x1] =	stream.linear.gather [hbm4b:s16+s11], $0x200, $0x38;
	[tilespmem:$0x1C900] =	vst v63  }
0x36: {  	s18 =	sadd.s32 $0x480, s5;
	s19 =	simm.s32 $0x2400  }
0x37: {  	[tilespmem:s19], [sflag:$0x1] =	stream.linear.gather [hbm4b:s18+s11], $0x200, $0x38;
	[tilespmem:$0x1C900] =	vst v63  }
0x38: {  	s20 =	sadd.s32 $0x500, s5;
	s21 =	simm.s32 $0x2800  }
0x39: {  	[tilespmem:s21], [sflag:$0x1] =	stream.linear.gather [hbm4b:s20+s11], $0x200, $0x38;
	[tilespmem:$0x1C900] =	vst v63  }
0x3a: {  	s10 =	sadd.s32 $0x580, s5;
	s12 =	simm.s32 $0x2C00  }
0x3b: {  	[tilespmem:s12], [sflag:$0x1] =	stream.linear.gather [hbm4b:s10+s11], $0x200, $0x38;
	[tilespmem:$0x1C900] =	vst v63  }
0x3c: {  	s13 =	sadd.s32 $0x600, s5;
	s14 =	simm.s32 $0x3000  }
0x3d: {  	[tilespmem:s14], [sflag:$0x1] =	stream.linear.gather [hbm4b:s13+s11], $0x200, $0x38;
	[tilespmem:$0x1C900] =	vst v63  }
0x3e: {  	s16 =	sadd.s32 $0x680, s5;
	s17 =	simm.s32 $0x3400  }
0x3f: {  	[tilespmem:s17], [sflag:$0x1] =	stream.linear.gather [hbm4b:s16+s11], $0x200, $0x38;
	[tilespmem:$0x1C900] =	vst v63  }
0x40: {  	s18 =	sadd.s32 $0x700, s5;
	s19 =	simm.s32 $0x3800;
	s20 =	sadd.s32 $0x780, s5  }
0x41: {  	[tilespmem:s19], [sflag:$0x1] =	stream.linear.gather [hbm4b:s18+s11], $0x200, $0x38;
	[tilespmem:$0x1C900] =	vst v63  }
0x42: {  	s21 =	simm.s32 $0x3C00;
	s14 =	simm.s32 $0x0;
	s19 =	simm.s32 $0x0  }
0x43: {  	[tilespmem:s21], [sflag:$0x1] =	stream.linear.gather [hbm4b:s20+s11], $0x200, $0x38;
	[tilespmem:$0x1C900] =	vst v63  }
.LBB2_4:
0x44: {  	s16 =	sshll.u32 s14, $0xB  }
0x45: {  	s2 =	sor.u32 s16, s4  }
0x46: {  	s5 =	simm.s32 $0x200;
	s2 =	sadd.s32 s2, s6  }
0x47: {  	[tilespmem:s5], [sflag:$0x2] =	stream.linear.gather [hbm4b:s2+s11], $0x200, $0x38;
	[tilespmem:$0x1C900] =	vst v63  }
0x48: {  	s10 =	simm.s32 $0x600;
	s21 =	sadd.s32 $0x80, s2  }
0x49: {  	[tilespmem:s10], [sflag:$0x2] =	stream.linear.gather [hbm4b:s21+s11], $0x200, $0x38;
	[tilespmem:$0x1C900] =	vst v63  }
0x4a: {  	s12 =	simm.s32 $0xA00;
	s10 =	sadd.s32 $0x100, s2  }
0x4b: {  	[tilespmem:s12], [sflag:$0x2] =	stream.linear.gather [hbm4b:s10+s11], $0x200, $0x38;
	[tilespmem:$0x1C900] =	vst v63  }
0x4c: {  	s17 =	simm.s32 $0xE00;
	s13 =	sadd.s32 $0x180, s2  }
0x4d: {  	[tilespmem:s17], [sflag:$0x2] =	stream.linear.gather [hbm4b:s13+s11], $0x200, $0x38;
	[tilespmem:$0x1C900] =	vst v63  }
0x4e: {  	s18 =	sadd.s32 $0x200, s2  }
0x4f: {  	[tilespmem:s22], [sflag:$0x2] =	stream.linear.gather [hbm4b:s18+s11], $0x200, $0x38;
	[tilespmem:$0x1C900] =	vst v63  }
0x50: {  	s20 =	sadd.s32 $0x280, s2  }
0x51: {  	[tilespmem:s23], [sflag:$0x2] =	stream.linear.gather [hbm4b:s20+s11], $0x200, $0x38;
	[tilespmem:$0x1C900] =	vst v63  }
0x52: {  	s21 =	sadd.s32 $0x300, s2  }
0x53: {  	[tilespmem:s24], [sflag:$0x2] =	stream.linear.gather [hbm4b:s21+s11], $0x200, $0x38;
	[tilespmem:$0x1C900] =	vst v63  }
0x54: {  	s10 =	sadd.s32 $0x380, s2  }
0x55: {  	[tilespmem:s25], [sflag:$0x2] =	stream.linear.gather [hbm4b:s10+s11], $0x200, $0x38;
	[tilespmem:$0x1C900] =	vst v63  }
0x56: {  	s12 =	sadd.s32 $0x400, s2  }
0x57: {  	[tilespmem:s26], [sflag:$0x2] =	stream.linear.gather [hbm4b:s12+s11], $0x200, $0x38;
	[tilespmem:$0x1C900] =	vst v63  }
0x58: {  	s13 =	sadd.s32 $0x480, s2  }
0x59: {  	[tilespmem:s28], [sflag:$0x2] =	stream.linear.gather [hbm4b:s13+s11], $0x200, $0x38;
	[tilespmem:$0x1C900] =	vst v63  }
0x5a: {  	s17 =	sadd.s32 $0x500, s2  }
0x5b: {  	[tilespmem:s29], [sflag:$0x2] =	stream.linear.gather [hbm4b:s17+s11], $0x200, $0x38;
	[tilespmem:$0x1C900] =	vst v63  }
0x5c: {  	s18 =	sadd.s32 $0x580, s2  }
0x5d: {  	[tilespmem:s30], [sflag:$0x2] =	stream.linear.gather [hbm4b:s18+s11], $0x200, $0x38;
	[tilespmem:$0x1C900] =	vst v63  }
0x5e: {  	s20 =	sadd.s32 $0x600, s2  }
0x5f: {  	[tilespmem:s31], [sflag:$0x2] =	stream.linear.gather [hbm4b:s20+s11], $0x200, $0x38;
	[tilespmem:$0x1C900] =	vst v63  }
0x60: {  	s21 =	sadd.s32 $0x680, s2  }
0x61: {  	[tilespmem:s1], [sflag:$0x2] =	stream.linear.gather [hbm4b:s21+s11], $0x200, $0x38;
	[tilespmem:$0x1C900] =	vst v63  }
0x62: {  	s10 =	sadd.s32 $0x700, s2  }
0x63: {  	[tilespmem:s0], [sflag:$0x2] =	stream.linear.gather [hbm4b:s10+s11], $0x200, $0x38;
	[tilespmem:$0x1C900] =	vst v63  }
0x64: {  	s2 =	sadd.s32 $0x780, s2  }
0x65: {  	[tilespmem:s15], [sflag:$0x2] =	stream.linear.gather [hbm4b:s2+s11], $0x200, $0x38;
	[tilespmem:$0x1C900] =	vst v63  }
0x66: {  	s12 =	simm.s32 $0x0;
	_ =	swait.ge [sflag:s3], $0x2000  }
0x67: {  	s13 =	sand.u32 $0x3C00, s11;
	s2 =	sand.u32 $0x180, s12;
	[sflag:s3] =	ssyncset.done $0x0  }
0x68: {  	s2 =	sor.u32 s2, s13;
	[sflag:s3] =	ssyncadd.s32 $0xFFFFE000  }
0x69: {  	v5 =	vld [tilespmem:s2+$0x30]  }
0x6a: {  	v6 =	vld [tilespmem:s2+$0x10]  }
0x6b: {  	v8 =	vld [tilespmem:s2+$0x0];
	_ =	sdelay $0x2  }
0x6c: {  	v11 =	vld [tilespmem:s2+$0x20]  }
0x6d: {  	v9 =	vld [tilespmem:s2+$0x40];
	v7 =	vshra.s32 v5, $0x1F  }
0x6e: {  	v10 =	vshra.s32 v8, $0x1F;
	v12 =	vshra.s32 v6, $0x1F;
	v7 =	vor.u32 $0x80000000, v7  }
0x6f: {  	v13 =	vld [tilespmem:s2+$0x50];
	v12 =	vor.u32 $0x80000000, v12;
	v10 =	vor.u32 $0x80000000, v10;
	v5 =	vxor.u32 v5, v7  }
0x70: {  	v7 =	vxor.u32 v6, v12;
	v14 =	vxor.u32 v8, v10;
	v8 =	vld [tilespmem:s2+$0x60];
	v6 =	vshrl.u32 v5, $0x15  }
0x71: {  	v19 =	vshra.s32 v11, $0x1F;
	v12 =	vshrl.u32 v7, $0xA;
	vm0 =	veq.s32 v6, v4  }
0x72: {  	v10 =	vshrl.u32 v7, $0x15;
	v6 =	vshra.s32 v9, $0x1F;
	v15 =	vmpcnt.ones.xlane vm0  }
0x73: {  	v16 =	vshrl.u32 v14, $0x15;
	vm4 =	veq.s32 v10, v4;
	v6 =	vor.u32 $0x80000000, v6  }
0x74: {  	v10 =	vxor.u32 v9, v6;
	v6 =	vshra.s32 v13, $0x1F;
	(v2sf) =	vpush v15, $0x0  }
0x75: {  	v9 =	vshrl.u32 v10, $0x15;
	v6 =	vor.u32 $0x80000000, v6;
	v15 =	vshra.s32 v8, $0x1F  }
0x76: {  	vm5 =	veq.s32 v9, v4;
	v18 =	vxor.u32 v13, v6;
	v6 =	vor.u32 $0x80000000, v15  }
0x77: {  	v13 =	vmpcnt.ones.xlane vm5;
	v15 =	vshrl.u32 v18, $0x15;
	v17 =	vxor.u32 v8, v6  }
0x78: {  	vm6 =	veq.s32 v16, v4;
	vm3 =	veq.s32 v15, v4;
	v8 =	vshrl.u32 v17, $0x15  }
0x79: {  	(v2sf) =	vpush v13, $0x0;
	v13 =	vmpcnt.ones.xlane vm3;
	vm1 =	veq.s32 v8, v4  }
0x7a: {  	v12 =	vand.u32 $0x7FF, v12;
	v8 =	vor.u32 $0x80000000, v19;
	v15 =	vmpcnt.ones.xlane vm1  }
0x7b: {  	v16 =	vmpcnt.ones.xlane vm6;
	v19 =	vxor.u32 v11, v8;
	(v2sf) =	vpush v13, $0x0  }
0x7c: {  	v9 =	vld [tilespmem:s2+$0x70];
	v6 =	vmpcnt.ones.xlane vm4;
	v11 =	vshrl.u32 v19, $0x15;
	(v2sf) =	vpush v15, $0x0  }
0x7d: {  	s20 =	simm.s32 $0x8;
	s2 =	simm.s32 $0x400;
	v13 =	vshrl.u32 v19, $0xA;
	vm2 =	veq.s32 v11, v4;
	(v2sf) =	vpush v16, $0x0  }
0x7e: {  	s17 =	sand.u32 $0x180, s20;
	vm0 =	vmmov vm0;
	s18 =	sand.u32 $0x3C00, s2;
	v11 =	vand.u32 $0x7FF, v13;
	v13 =	vmpcnt.ones.xlane vm2  }
0x7f: {  	vm11 =	vmmov vm4;
	v24 =	vor.u32 v3, v12;
	s12 =	sor.u32 s17, s18;
	(v2sf) =	vpush v6, $0x0  }
0x80: {  	vm8 =	vmmov vm5;
	v22 =	vld [tilespmem:s12+$0x10];
	vm10 =	vmmov vm3;
	(v2sf) =	vpush v13, $0x0  }
0x81: {  	v23 =	vld [tilespmem:s12+$0x0];
	vm9 =	vmmov vm1;
	v8 =	vshra.s32 v9, $0x1F;
	v15 =	vshrl.u32 v18, $0xA  }
0x82: {  	v28 =	vld [tilespmem:s12+$0x20];
	v8 =	vor.u32 $0x80000000, v8;
	v15 =	vand.u32 $0x7FF, v15;
	v16 =	vshrl.u32 v5, $0xA  }
0x83: {  	v12 =	vxor.u32 v9, v8;
	v26 =	vor.u32 v0, v11;
	v6 =	vshrl.u32 v17, $0xA  }
0x84: {  	v55 =	vld [tilespmem:s12+$0x50];
	v20 =	vor.u32 v3, v15;
	v15 =	vshrl.u32 v14, $0xA;
	v6 =	vand.u32 $0x7FF, v6  }
0x85: {  	v16 =	vand.u32 $0x7FF, v16;
	v8 =	vshrl.u32 v12, $0xA;
	v21 =	vor.u32 v0, v6;
	v6 =	vld [tilespmem:s12+$0x30]  }
0x86: {  	v9 =	vshrl.u32 v12, $0x15;
	v29 =	vshra.s32 v23, $0x1F;
	v15 =	vand.u32 $0x7FF, v15  }
0x87: {  	v11 =	vshra.s32 v22, $0x1F;
	v59 =	vshra.s32 v28, $0x1F;
	v15 =	vor.u32 v0, v15  }
0x88: {  	v13 =	vshrl.u32 v10, $0xA;
	vm1 =	veq.s32 v9, v4;
	v8 =	vand.u32 $0x7FF, v8;
	s13 =	spop (v2sf)  }
0x89: {  	v25 =	vor.u32 v3, v16;
	v16 =	vld [tilespmem:s12+$0x40];
	v27 =	vor.u32 v3, v8;
	v8 =	vmpcnt.ones.xlane vm1;
	s17 =	spop (v2sf)  }
0x8a: {  	v60 =	vshra.s32 v55, $0x1F;
	v13 =	vand.u32 $0x7FF, v13;
	v9 =	vshra.s32 v6, $0x1F;
	s10 =	spop (v2sf)  }
0x8b: {  	(v2sf) =	vpush v8, $0x0;
	v8 =	vor.u32 $0x80000000, v29;
	v9 =	vor.u32 $0x80000000, v9;
	s5 =	spop (v2sf)  }
0x8c: {  	p0 =	slt.s32 s19, $0x7FF0;
	s18 =	smov.u32 s19;
	v8 =	vxor.u32 v23, v8;
	[tilespmem:v15+s8+$0x0] =	vst.idx.add.s32.msk vm6, v2;
	v15 =	vor.u32 $0x80000000, v11;
	v11 =	vxor.u32 v6, v9;
	s21 =	spop (v2sf)  }
0x8d: {  	s18 =	simm.s32 @!p0 $0x7FF0;
	v56 =	vld [tilespmem:s12+$0x60];
	v13 =	vor.u32 v0, v13;
	v58 =	vshrl.u32 v8, $0x15;
	v9 =	vshrl.u32 v11, $0x15;
	s19 =	sadd.s32 s19, s21  }
0x8e: {  	[tilespmem:s18+$0x14000] =	vst.msk vm6, v14;
	v14 =	vld [tilespmem:s12+$0x70];
	vm6 =	veq.s32 v58, v4;
	vm4 =	veq.s32 v9, v4;
	v9 =	vshra.s32 v16, $0x1F;
	s21 =	spop (v2sf);
	p0 =	slt.s32 s19, $0x7FF0;
	s12 =	smov.u32 s19  }
0x8f: {  	[tilespmem:v24+s8+$0x0] =	vst.idx.add.s32.msk vm11, v2;
	v6 =	vxor.u32 v22, v15;
	v30 =	vmpcnt.ones.xlane vm4;
	v9 =	vor.u32 $0x80000000, v9;
	s19 =	sadd.s32 s19, s21;
	s21 =	spop (v2sf);
	s12 =	simm.s32 @!p0 $0x7FF0  }
0x90: {  	v61 =	vmpcnt.ones.xlane vm6;
	v15 =	vshrl.u32 v6, $0xA;
	p0 =	slt.s32 s19, $0x7FF0;
	s18 =	sadd.s32 s19, s21;
	[tilespmem:s12+$0x14000] =	vst.msk vm11, v7;
	v7 =	vxor.u32 v16, v9  }
0x91: {  	[tilespmem:v26+s8+$0x0] =	vst.idx.add.s32.msk vm2, v2;
	v57 =	vshrl.u32 v6, $0x15;
	(v2sf) =	vpush v30, $0x0;
	s19 =	simm.s32 @!p0 $0x7FF0;
	s12 =	sadd.s32 s18, s13;
	v9 =	vshrl.u32 v7, $0x15  }
0x92: {  	[tilespmem:s19+$0x14000] =	vst.msk vm2, v19;
	v19 =	vshra.s32 v56, $0x1F;
	p0 =	slt.s32 s12, $0x7FF0;
	vm2 =	veq.s32 v9, v4;
	v9 =	vor.u32 $0x80000000, v60  }
0x93: {  	[tilespmem:v13+s8+$0x0] =	vst.idx.add.s32.msk vm5, v2;
	vm7 =	veq.s32 v57, v4;
	s13 =	sadd.s32 s12, s17;
	v19 =	vor.u32 $0x80000000, v19;
	s12 =	simm.s32 @!p0 $0x7FF0;
	v9 =	vxor.u32 v55, v9  }
0x94: {  	v13 =	vmpcnt.ones.xlane vm2;
	[tilespmem:s12+$0x14000] =	vst.msk vm8, v10;
	v10 =	vxor.u32 v56, v19;
	v22 =	vshrl.u32 v9, $0x15  }
0x95: {  	[tilespmem:v20+s8+$0x0] =	vst.idx.add.s32.msk vm3, v2;
	v16 =	vmpcnt.ones.xlane vm7;
	v20 =	vshrl.u32 v10, $0x15;
	vm5 =	veq.s32 v22, v4  }
0x96: {  	[tilespmem:v25+s8+$0x0] =	vst.idx.add.s32.msk vm0, v2;
	p1 =	slt.s32 s13, $0x7FF0;
	(v2sf) =	vpush v13, $0x0;
	vm8 =	veq.s32 v20, v4;
	v22 =	vmpcnt.ones.xlane vm5  }
0x97: {  	[tilespmem:v27+s8+$0x0] =	vst.idx.add.s32.msk vm1, v2;
	p0 =	slt.s32 s18, $0x7FF0;
	s17 =	sadd.s32 s13, s10;
	v19 =	vshra.s32 v14, $0x1F;
	s13 =	simm.s32 @!p1 $0x7FF0;
	v13 =	vor.u32 $0x80000000, v59;
	v20 =	vmpcnt.ones.xlane vm8  }
0x98: {  	[tilespmem:v21+s8+$0x0] =	vst.idx.add.s32.msk vm9, v2;
	p1 =	slt.s32 s17, $0x7FF0;
	s10 =	sadd.s32 s17, s5;
	s18 =	simm.s32 @!p0 $0x7FF0;
	v19 =	vor.u32 $0x80000000, v19;
	v13 =	vxor.u32 v28, v13;
	(v2sf) =	vpush v22, $0x0  }
0x99: {  	[tilespmem:s13+$0x14000] =	vst.msk vm10, v18;
	s17 =	simm.s32 @!p1 $0x7FF0;
	p0 =	slt.s32 s10, $0x7FF0;
	s12 =	smov.u32 s10;
	v62 =	vshrl.u32 v13, $0xA;
	v63 =	vshrl.u32 v13, $0x15;
	(v2sf) =	vpush v20, $0x0  }
0x9a: {  	s5 =	spop (v2sf);
	[tilespmem:s17+$0x14000] =	vst.msk vm9, v17;
	s12 =	simm.s32 @!p0 $0x7FF0;
	vm3 =	veq.s32 v63, v4;
	v18 =	vand.u32 $0x7FF, v62;
	(v2sf) =	vpush v61, $0x0  }
.LBB2_5:
0x9b: {  	v15 =	vand.u32 $0x7FF, v15;
	v17 =	vshrl.u32 v9, $0xA  }
0x9c: {  	s20 =	sadd.s32 $0x8, s20;
	v20 =	vshrl.u32 v10, $0xA;
	s2 =	sadd.s32 $0x400, s2;
	[tilespmem:s18+$0x14000] =	vst.msk vm0, v5;
	v5 =	vmovc v11;
	vm0 =	vmmov vm4;
	vm12 =	vmmov vm7  }
0x9d: {  	v11 =	vshrl.u32 v7, $0xA;
	s5 =	sadd.s32 s10, s5;
	s13 =	sand.u32 $0x180, s20;
	s17 =	sand.u32 $0x3C00, s2;
	v17 =	vand.u32 $0x7FF, v17;
	v20 =	vand.u32 $0x7FF, v20;
	[tilespmem:s12+$0x14000] =	vst.msk vm1, v12  }
0x9e: {  	p0 =	slt.u32 s20, $0x1F8;
	p1 =	slt.s32 s5, $0x7FF0;
	v11 =	vand.u32 $0x7FF, v11;
	s18 =	sor.u32 s13, s17;
	v12 =	vor.u32 v3, v17;
	v17 =	vor.u32 v0, v20  }
0x9f: {  	v21 =	vshrl.u32 v8, $0xA;
	v22 =	vmpcnt.ones.xlane vm3;
	v11 =	vor.u32 v0, v11;
	v20 =	vld [tilespmem:s18+$0x30]  }
0xa0: {  	v21 =	vand.u32 $0x7FF, v21;
	v24 =	vshrl.u32 v5, $0xA;
	v23 =	vld [tilespmem:s18+$0x20];
	(v2sf) =	vpush v16, $0x0;
	s13 =	spop (v2sf)  }
0xa1: {  	v21 =	vor.u32 v0, v21;
	v24 =	vand.u32 $0x7FF, v24;
	v16 =	vld [tilespmem:s18+$0x10];
	(v2sf) =	vpush v22, $0x0  }
0xa2: {  	vm11 =	vmmov vm2;
	v15 =	vor.u32 v3, v15;
	v24 =	vor.u32 v3, v24;
	v22 =	vld [tilespmem:s18+$0x0]  }
0xa3: {  	vm10 =	vmmov vm5;
	vm9 =	vmmov vm8;
	[tilespmem:v12+s8+$0x0] =	vst.idx.add.s32.msk vm5, v2;
	v12 =	vxor.u32 v14, v19  }
0xa4: {  	[tilespmem:v11+s8+$0x0] =	vst.idx.add.s32.msk vm2, v2;
	v11 =	vshrl.u32 v12, $0xA;
	v14 =	vshrl.u32 v12, $0x15  }
0xa5: {  	v18 =	vor.u32 v0, v18;
	v19 =	vld [tilespmem:s18+$0x40];
	vm1 =	veq.s32 v14, v4;
	v11 =	vand.u32 $0x7FF, v11;
	s10 =	spop (v2sf)  }
0xa6: {  	v14 =	vshra.s32 v20, $0x1F;
	[tilespmem:v21+s8+$0x0] =	vst.idx.add.s32.msk vm6, v2;
	v21 =	vor.u32 v3, v11;
	v25 =	vmpcnt.ones.xlane vm1  }
0xa7: {  	s17 =	smov.u32 s5;
	v11 =	vshra.s32 v16, $0x1F;
	v14 =	vor.u32 $0x80000000, v14;
	v26 =	vshra.s32 v22, $0x1F;
	[tilespmem:v15+s8+$0x0] =	vst.idx.add.s32.msk vm12, v2  }
0xa8: {  	s17 =	simm.s32 @!p1 $0x7FF0;
	v15 =	vor.u32 $0x80000000, v11;
	v11 =	vxor.u32 v20, v14;
	[tilespmem:v24+s8+$0x0] =	vst.idx.add.s32.msk vm0, v2;
	s12 =	spop (v2sf);
	(v2sf) =	vpush v25, $0x0  }
0xa9: {  	v14 =	vor.u32 $0x80000000, v26;
	v20 =	vxor.u32 v16, v15;
	v15 =	vshrl.u32 v11, $0x15;
	v24 =	vld [tilespmem:s18+$0x50];
	[tilespmem:s17+$0x14000] =	vst.msk vm6, v8;
	s17 =	spop (v2sf)  }
0xaa: {  	v8 =	vxor.u32 v22, v14;
	vm4 =	veq.s32 v15, v4;
	v14 =	vshra.s32 v19, $0x1F;
	v22 =	vld [tilespmem:s18+$0x60];
	s19 =	spop (v2sf)  }
0xab: {  	v15 =	vshrl.u32 v20, $0xA;
	v16 =	vshrl.u32 v20, $0x15;
	v25 =	vmpcnt.ones.xlane vm4;
	s5 =	sadd.s32 s5, s19;
	[tilespmem:v18+s8+$0x0] =	vst.idx.add.s32.msk vm3, v2  }
0xac: {  	vm7 =	veq.s32 v16, v4;
	v18 =	vshrl.u32 v8, $0x15;
	v16 =	vor.u32 $0x80000000, v14;
	v14 =	vld [tilespmem:s18+$0x70];
	p1 =	slt.s32 s5, $0x7FF0;
	s18 =	smov.u32 s5  }
0xad: {  	v26 =	vshra.s32 v23, $0x1F;
	v27 =	vxor.u32 v19, v16;
	(v2sf) =	vpush v25, $0x0;
	s18 =	simm.s32 @!p1 $0x7FF0;
	[tilespmem:v21+s8+$0x0] =	vst.idx.add.s32.msk vm1, v2  }
0xae: {  	v16 =	vmpcnt.ones.xlane vm7;
	v19 =	vshrl.u32 v27, $0x15;
	v21 =	vshra.s32 v24, $0x1F;
	[tilespmem:s18+$0x14000] =	vst.msk vm12, v6;
	v6 =	vmovc v20  }
0xaf: {  	vm2 =	veq.s32 v19, v4;
	v19 =	vor.u32 $0x80000000, v21;
	v20 =	vshra.s32 v22, $0x1F;
	[tilespmem:v17+s8+$0x0] =	vst.idx.add.s32.msk vm9, v2;
	s18 =	spop (v2sf)  }
0xb0: {  	s5 =	sadd.s32 s5, s18;
	s18 =	spop (v2sf)  }
0xb1: {  	v17 =	vmpcnt.ones.xlane vm2;
	v21 =	vxor.u32 v24, v19;
	v19 =	vor.u32 $0x80000000, v20;
	s18 =	sadd.s32 s5, s18  }
0xb2: {  	v20 =	vshrl.u32 v21, $0x15;
	v22 =	vxor.u32 v22, v19;
	v19 =	vshra.s32 v14, $0x1F;
	p1 =	slt.s32 s5, $0x7FF0;
	s13 =	sadd.s32 s18, s13  }
0xb3: {  	vm5 =	veq.s32 v20, v4;
	v20 =	vshrl.u32 v22, $0x15;
	(v2sf) =	vpush v17, $0x0;
	s5 =	simm.s32 @!p1 $0x7FF0;
	p1 =	slt.s32 s18, $0x7FF0;
	p2 =	slt.s32 s13, $0x7FF0  }
0xb4: {  	v19 =	vor.u32 $0x80000000, v19;
	v17 =	vmpcnt.ones.xlane vm5;
	vm8 =	veq.s32 v20, v4;
	[tilespmem:s5+$0x14000] =	vst.msk vm3, v13;
	s5 =	sadd.s32 s13, s10;
	s13 =	simm.s32 @!p2 $0x7FF0  }
.Ltmp1:
0xb5: {  	vm6 =	veq.s32 v18, v4;
	v13 =	vor.u32 $0x80000000, v26;
	v18 =	vmpcnt.ones.xlane vm8;
	p2 =	slt.s32 s5, $0x7FF0;
	s12 =	sadd.s32 s5, s12;
	(pc) =	sbr.rel @p0 .LBB2_5-.Ltmp1, $4  }
0xb6: {  	v20 =	vmpcnt.ones.xlane vm6;
	v13 =	vxor.u32 v23, v13;
	(v2sf) =	vpush v17, $0x0;
	[tilespmem:s13+$0x14000] =	vst.msk vm11, v7;
	s5 =	simm.s32 @!p2 $0x7FF0;
	p2 =	slt.s32 s12, $0x7FF0;
	s10 =	sadd.s32 s12, s17;
	v7 =	vmovc v27  }
0xb7: {  	s18 =	simm.s32 @!p1 $0x7FF0;
	v17 =	vshrl.u32 v13, $0xA;
	v23 =	vshrl.u32 v13, $0x15;
	(v2sf) =	vpush v18, $0x0;
	[tilespmem:s5+$0x14000] =	vst.msk vm10, v9;
	s12 =	simm.s32 @!p2 $0x7FF0;
	p1 =	slt.s32 s10, $0x7FF0;
	v9 =	vmovc v21  }
0xb8: {  	[tilespmem:s12+$0x14000] =	vst.msk vm9, v10;
	s12 =	smov.u32 s10  }
0xb9: {  	vm3 =	veq.s32 v23, v4;
	v18 =	vand.u32 $0x7FF, v17;
	(v2sf) =	vpush v20, $0x0;
	s5 =	spop (v2sf);
	v10 =	vmovc v22;
	s12 =	simm.s32 @!p1 $0x7FF0  }
0xba: {  	v17 =	vmpcnt.ones.xlane vm3  }
0xbb: {  	(v2sf) =	vpush v16, $0x0  }
0xbc: {  	(v2sf) =	vpush v17, $0x0;
	_ =	sdelay $0x1  }
0xbd: {  	v16 =	vshrl.u32 v9, $0xA  }
0xbe: {  	v20 =	vshrl.u32 v8, $0xA;
	v16 =	vand.u32 $0x7FF, v16;
	v17 =	vshrl.u32 v7, $0xA  }
0xbf: {  	v15 =	vand.u32 $0x7FF, v15;
	v16 =	vor.u32 v3, v16;
	v17 =	vand.u32 $0x7FF, v17  }
0xc0: {  	vm7 =	vmmov vm7;
	v21 =	vshrl.u32 v11, $0xA;
	v17 =	vor.u32 v0, v17  }
0xc1: {  	[tilespmem:s18+$0x14000] =	vst.msk vm0, v5;
	vm4 =	vmmov vm4;
	v20 =	vand.u32 $0x7FF, v20;
	v15 =	vor.u32 v3, v15  }
0xc2: {  	[tilespmem:s12+$0x14000] =	vst.msk vm1, v12;
	v12 =	vxor.u32 v14, v19;
	v5 =	vand.u32 $0x7FF, v21;
	v20 =	vor.u32 v0, v20  }
0xc3: {  	v14 =	vshrl.u32 v12, $0xA;
	v5 =	vor.u32 v3, v5;
	s2 =	spop (v2sf)  }
0xc4: {  	v14 =	vand.u32 $0x7FF, v14;
	[tilespmem:v16+s8+$0x0] =	vst.idx.add.s32.msk vm5, v2;
	v16 =	vshrl.u32 v12, $0x15;
	s12 =	spop (v2sf)  }
0xc5: {  	s5 =	sadd.s32 s10, s5;
	vm0 =	veq.s32 v16, v4;
	v16 =	vshrl.u32 v10, $0xA;
	[tilespmem:v17+s8+$0x0] =	vst.idx.add.s32.msk vm2, v2;
	v17 =	vor.u32 v0, v18;
	s10 =	spop (v2sf)  }
0xc6: {  	v14 =	vor.u32 v3, v14;
	[tilespmem:v15+s8+$0x0] =	vst.idx.add.s32.msk vm7, v2;
	v16 =	vand.u32 $0x7FF, v16;
	s17 =	spop (v2sf)  }
0xc7: {  	p0 =	slt.s32 s5, $0x7FF0;
	s13 =	smov.u32 s5;
	[tilespmem:v20+s8+$0x0] =	vst.idx.add.s32.msk vm6, v2;
	v15 =	vor.u32 v0, v16;
	s21 =	spop (v2sf)  }
0xc8: {  	s13 =	simm.s32 @!p0 $0x7FF0;
	[tilespmem:v5+s8+$0x0] =	vst.idx.add.s32.msk vm4, v2;
	s5 =	sadd.s32 s5, s21  }
0xc9: {  	[tilespmem:s13+$0x14000] =	vst.msk vm6, v8;
	s19 =	spop (v2sf);
	p0 =	slt.s32 s5, $0x7FF0  }
0xca: {  	[tilespmem:v17+s8+$0x0] =	vst.idx.add.s32.msk vm3, v2;
	s18 =	smov.u32 s5;
	s5 =	sadd.s32 s5, s19;
	s20 =	spop (v2sf)  }
0xcb: {  	[tilespmem:v14+s8+$0x0] =	vst.idx.add.s32.msk vm0, v2;
	s18 =	simm.s32 @!p0 $0x7FF0;
	p0 =	slt.s32 s5, $0x7FF0;
	s13 =	sadd.s32 s5, s20  }
0xcc: {  	[tilespmem:v15+s8+$0x0] =	vst.idx.add.s32.msk vm8, v2;
	s5 =	simm.s32 @!p0 $0x7FF0;
	s2 =	sadd.s32 s13, s2;
	p1 =	slt.s32 s13, $0x7FF0  }
0xcd: {  	[tilespmem:s18+$0x14000] =	vst.msk vm7, v6;
	p0 =	slt.s32 s2, $0x7FF0;
	s12 =	sadd.s32 s2, s12;
	s13 =	simm.s32 @!p1 $0x7FF0  }
0xce: {  	[tilespmem:s5+$0x14000] =	vst.msk vm3, v13;
	s2 =	simm.s32 @!p0 $0x7FF0;
	p0 =	slt.s32 s12, $0x7FF0;
	s5 =	sadd.s32 s12, s10  }
0xcf: {  	vm2 =	vmmov vm2;
	[tilespmem:s13+$0x14000] =	vst.msk vm4, v11;
	s12 =	simm.s32 @!p0 $0x7FF0;
	p0 =	slt.s32 s5, $0x7FF0  }
0xd0: {  	vm1 =	vmmov vm8;
	[tilespmem:s2+$0x14000] =	vst.msk vm2, v7;
	s21 =	sadd.s32 s5, s17;
	s5 =	simm.s32 @!p0 $0x7FF0  }
0xd1: {  	vm3 =	vmmov vm5;
	p0 =	slt.s32 s21, $0x7FF0;
	[tilespmem:s5+$0x14000] =	vst.msk vm1, v10;
	s5 =	smov.u32 s21  }
0xd2: {  	[tilespmem:s12+$0x14000] =	vst.msk vm3, v9;
	s5 =	simm.s32 @!p0 $0x7FF0;
	p0 =	seq.s32 s14, $0x1F  }
0xd3: {  	[tilespmem:s5+$0x14000] =	vst.msk vm0, v12;
	s5 =	sadd.s32 @!p0 s16, s7;
	s10 =	simm.s32 @!p0 $0x0  }
0xd4: {  	[tilespmem:s10], [sflag:$0x1] =	stream.linear.gather @!p0 [hbm4b:s5+s10], $0x200, $0x38;
	[tilespmem:$0x1C900] =	vst v63  }
0xd5: {  	s13 =	simm.s32 @!p0 $0x400;
	s12 =	sadd.s32 @!p0 $0x80, s5  }
0xd6: {  	[tilespmem:s13], [sflag:$0x1] =	stream.linear.gather @!p0 [hbm4b:s12+s10], $0x200, $0x38;
	[tilespmem:$0x1C900] =	vst v63  }
0xd7: {  	s12 =	sadd.s32 @!p0 $0x100, s5;
	s13 =	simm.s32 @!p0 $0x800  }
0xd8: {  	[tilespmem:s13], [sflag:$0x1] =	stream.linear.gather @!p0 [hbm4b:s12+s10], $0x200, $0x38;
	[tilespmem:$0x1C900] =	vst v63  }
0xd9: {  	s12 =	sadd.s32 @!p0 $0x180, s5;
	s13 =	simm.s32 @!p0 $0xC00  }
0xda: {  	[tilespmem:s13], [sflag:$0x1] =	stream.linear.gather @!p0 [hbm4b:s12+s10], $0x200, $0x38;
	[tilespmem:$0x1C900] =	vst v63  }
0xdb: {  	s12 =	sadd.s32 @!p0 $0x200, s5;
	s13 =	simm.s32 @!p0 $0x1000  }
0xdc: {  	[tilespmem:s13], [sflag:$0x1] =	stream.linear.gather @!p0 [hbm4b:s12+s10], $0x200, $0x38;
	[tilespmem:$0x1C900] =	vst v63  }
0xdd: {  	s12 =	sadd.s32 @!p0 $0x280, s5;
	s13 =	simm.s32 @!p0 $0x1400  }
0xde: {  	[tilespmem:s13], [sflag:$0x1] =	stream.linear.gather @!p0 [hbm4b:s12+s10], $0x200, $0x38;
	[tilespmem:$0x1C900] =	vst v63  }
0xdf: {  	s12 =	sadd.s32 @!p0 $0x300, s5;
	s13 =	simm.s32 @!p0 $0x1800  }
0xe0: {  	v5 =	vmpcnt.ones.xlane vm0;
	[tilespmem:s13], [sflag:$0x1] =	stream.linear.gather @!p0 [hbm4b:s12+s10], $0x200, $0x38;
	[tilespmem:$0x1C900] =	vst v63  }
0xe1: {  	s12 =	sadd.s32 @!p0 $0x380, s5;
	s13 =	simm.s32 @!p0 $0x1C00  }
0xe2: {  	(v2sf) =	vpush v5, $0x0;
	[tilespmem:s13], [sflag:$0x1] =	stream.linear.gather @!p0 [hbm4b:s12+s10], $0x200, $0x38;
	[tilespmem:$0x1C900] =	vst v63  }
0xe3: {  	s12 =	sadd.s32 @!p0 $0x400, s5;
	s13 =	simm.s32 @!p0 $0x2000  }
0xe4: {  	[tilespmem:s13], [sflag:$0x1] =	stream.linear.gather @!p0 [hbm4b:s12+s10], $0x200, $0x38;
	[tilespmem:$0x1C900] =	vst v63  }
0xe5: {  	s12 =	sadd.s32 @!p0 $0x480, s5;
	s13 =	simm.s32 @!p0 $0x2400  }
0xe6: {  	[tilespmem:s13], [sflag:$0x1] =	stream.linear.gather @!p0 [hbm4b:s12+s10], $0x200, $0x38;
	[tilespmem:$0x1C900] =	vst v63  }
0xe7: {  	s12 =	sadd.s32 @!p0 $0x500, s5;
	s13 =	simm.s32 @!p0 $0x2800  }
0xe8: {  	[tilespmem:s13], [sflag:$0x1] =	stream.linear.gather @!p0 [hbm4b:s12+s10], $0x200, $0x38;
	[tilespmem:$0x1C900] =	vst v63  }
0xe9: {  	s12 =	sadd.s32 @!p0 $0x580, s5;
	s13 =	simm.s32 @!p0 $0x2C00  }
0xea: {  	[tilespmem:s13], [sflag:$0x1] =	stream.linear.gather @!p0 [hbm4b:s12+s10], $0x200, $0x38;
	[tilespmem:$0x1C900] =	vst v63  }
0xeb: {  	s12 =	sadd.s32 @!p0 $0x600, s5;
	s13 =	simm.s32 @!p0 $0x3000  }
0xec: {  	[tilespmem:s13], [sflag:$0x1] =	stream.linear.gather @!p0 [hbm4b:s12+s10], $0x200, $0x38;
	[tilespmem:$0x1C900] =	vst v63  }
0xed: {  	s12 =	sadd.s32 @!p0 $0x680, s5;
	s13 =	simm.s32 @!p0 $0x3400  }
0xee: {  	[tilespmem:s13], [sflag:$0x1] =	stream.linear.gather @!p0 [hbm4b:s12+s10], $0x200, $0x38;
	[tilespmem:$0x1C900] =	vst v63  }
0xef: {  	s12 =	sadd.s32 @!p0 $0x700, s5;
	s13 =	simm.s32 @!p0 $0x3800  }
0xf0: {  	[tilespmem:s13], [sflag:$0x1] =	stream.linear.gather @!p0 [hbm4b:s12+s10], $0x200, $0x38;
	[tilespmem:$0x1C900] =	vst v63  }
0xf1: {  	s20 =	spop (v2sf);
	s5 =	sadd.s32 @!p0 $0x780, s5;
	s12 =	simm.s32 @!p0 $0x3C00  }
0xf2: {  	[tilespmem:s12], [sflag:$0x1] =	stream.linear.gather @!p0 [hbm4b:s5+s10], $0x200, $0x38;
	[tilespmem:$0x1C900] =	vst v63  }
0xf3: {  	s16 =	simm.s32 $0x0;
	s13 =	simm.s32 $0x0;
	_ =	swait.ge [sflag:s9], $0x2000  }
0xf4: {  	s10 =	sand.u32 $0x180, s16;
	s5 =	sand.u32 $0x3C00, s13;
	[sflag:s9] =	ssyncset.done $0x0  }
0xf5: {  	s5 =	sor.u32 s10, s5;
	[sflag:s9] =	ssyncadd.s32 $0xFFFFE000  }
0xf6: {  	v5 =	vld [tilespmem:s5+$0x230]  }
0xf7: {  	v6 =	vld [tilespmem:s5+$0x210]  }
0xf8: {  	v7 =	vld [tilespmem:s5+$0x200]  }
0xf9: {  	v10 =	vld [tilespmem:s5+$0x220];
	_ =	sdelay $0x2  }
0xfa: {  	v8 =	vld [tilespmem:s5+$0x240];
	v9 =	vshra.s32 v5, $0x1F  }
0xfb: {  	v11 =	vshra.s32 v7, $0x1F;
	v12 =	vshra.s32 v6, $0x1F;
	v9 =	vor.u32 $0x80000000, v9  }
0xfc: {  	v20 =	vshra.s32 v10, $0x1F;
	v12 =	vor.u32 $0x80000000, v12;
	v5 =	vxor.u32 v5, v9  }
0xfd: {  	v9 =	vor.u32 $0x80000000, v11;
	v13 =	vxor.u32 v6, v12;
	v6 =	vshrl.u32 v5, $0x15  }
0xfe: {  	v11 =	vld [tilespmem:s5+$0x250];
	v9 =	vxor.u32 v7, v9;
	v12 =	vshrl.u32 v13, $0xA;
	v14 =	vshrl.u32 v13, $0x15  }
0xff: {  	s18 =	simm.s32 $0x400;
	s16 =	simm.s32 $0x8;
	v7 =	vld [tilespmem:s5+$0x260];
	v23 =	vshrl.u32 v5, $0xA;
	vm0 =	veq.s32 v6, v4;
	v6 =	vshra.s32 v8, $0x1F  }
0x100: {  	s19 =	sand.u32 $0x3C00, s18;
	s17 =	sand.u32 $0x180, s16;
	v16 =	vshrl.u32 v9, $0x15;
	vm5 =	veq.s32 v14, v4;
	v15 =	vmpcnt.ones.xlane vm0  }
0x101: {  	v14 =	vld [tilespmem:s5+$0x270];
	s5 =	sor.u32 s17, s19;
	v6 =	vor.u32 $0x80000000, v6;
	vm2 =	veq.s32 v16, v4;
	vm0 =	vmmov vm0  }
0x102: {  	v27 =	vld [tilespmem:s5+$0x220];
	v18 =	vxor.u32 v8, v6;
	v8 =	vmpcnt.ones.xlane vm5;
	vm5 =	vmmov vm5  }
0x103: {  	(v2sf) =	vpush v15, $0x0;
	v6 =	vshra.s32 v11, $0x1F;
	v15 =	vshrl.u32 v18, $0x15  }
0x104: {  	v6 =	vor.u32 $0x80000000, v6;
	vm4 =	veq.s32 v15, v4;
	v15 =	vshra.s32 v7, $0x1F  }
0x105: {  	v19 =	vxor.u32 v11, v6;
	v6 =	vmpcnt.ones.xlane vm4;
	v11 =	vor.u32 $0x80000000, v15  }
0x106: {  	vm11 =	vmmov vm4;
	v15 =	vshrl.u32 v19, $0x15;
	v17 =	vxor.u32 v7, v11  }
0x107: {  	v7 =	vshra.s32 v14, $0x1F;
	v30 =	vshra.s32 v27, $0x1F;
	vm6 =	veq.s32 v15, v4  }
0x108: {  	v11 =	vshrl.u32 v17, $0x15;
	(v2sf) =	vpush v6, $0x0;
	v7 =	vor.u32 $0x80000000, v7  }
0x109: {  	v6 =	vmpcnt.ones.xlane vm6;
	vm1 =	veq.s32 v11, v4;
	v11 =	vor.u32 $0x80000000, v20  }
0x10a: {  	v15 =	vmpcnt.ones.xlane vm1;
	v21 =	vxor.u32 v10, v11;
	v10 =	vmpcnt.ones.xlane vm2  }
0x10b: {  	vm9 =	vmmov vm1;
	(v2sf) =	vpush v6, $0x0;
	v6 =	vshrl.u32 v21, $0x15  }
0x10c: {  	v11 =	vshrl.u32 v21, $0xA;
	(v2sf) =	vpush v15, $0x0;
	vm3 =	veq.s32 v6, v4  }
0x10d: {  	v6 =	vand.u32 $0x7FF, v11;
	v11 =	vshrl.u32 v19, $0xA;
	v15 =	vshrl.u32 v18, $0xA  }
0x10e: {  	(v2sf) =	vpush v10, $0x0;
	v10 =	vand.u32 $0x7FF, v12;
	v12 =	vshrl.u32 v17, $0xA  }
0x10f: {  	v11 =	vand.u32 $0x7FF, v11;
	v15 =	vand.u32 $0x7FF, v15;
	v16 =	vmpcnt.ones.xlane vm3  }
0x110: {  	v22 =	vld [tilespmem:s5+$0x230];
	v12 =	vand.u32 $0x7FF, v12;
	v11 =	vor.u32 v3, v11;
	(v2sf) =	vpush v8, $0x0  }
0x111: {  	v24 =	vld [tilespmem:s5+$0x210];
	v20 =	vor.u32 v0, v12;
	v12 =	vshrl.u32 v9, $0xA;
	(v2sf) =	vpush v16, $0x0  }
0x112: {  	v15 =	vor.u32 v0, v15;
	v8 =	vand.u32 $0x7FF, v12;
	v12 =	vand.u32 $0x7FF, v23  }
0x113: {  	v16 =	vor.u32 v0, v8;
	v8 =	vld [tilespmem:s5+$0x200];
	v23 =	vor.u32 v3, v12;
	v12 =	vxor.u32 v14, v7  }
0x114: {  	v26 =	vor.u32 v0, v6;
	v7 =	vshrl.u32 v12, $0xA;
	v14 =	vshrl.u32 v12, $0x15  }
0x115: {  	v25 =	vld [tilespmem:s5+$0x240];
	vm1 =	veq.s32 v14, v4;
	v6 =	vand.u32 $0x7FF, v7;
	v7 =	vshra.s32 v22, $0x1F  }
0x116: {  	[tilespmem:v11+s8+$0x0] =	vst.idx.add.s32.msk vm6, v2;
	v11 =	vshra.s32 v24, $0x1F;
	v28 =	vor.u32 v3, v6;
	v6 =	vmpcnt.ones.xlane vm1  }
0x117: {  	vm10 =	vmmov vm6;
	[tilespmem:v15+s8+$0x0] =	vst.idx.add.s32.msk vm4, v2;
	v7 =	vor.u32 $0x80000000, v7;
	v15 =	vor.u32 $0x80000000, v11  }
0x118: {  	v11 =	vxor.u32 v22, v7;
	v22 =	vld [tilespmem:s5+$0x250];
	v14 =	vshra.s32 v8, $0x1F;
	(v2sf) =	vpush v6, $0x0  }
0x119: {  	v10 =	vor.u32 v3, v10;
	s10 =	spop (v2sf);
	v6 =	vxor.u32 v24, v15;
	v7 =	vor.u32 $0x80000000, v14  }
0x11a: {  	v62 =	vld [tilespmem:s5+$0x260];
	v14 =	vshrl.u32 v11, $0x15;
	s12 =	spop (v2sf);
	v15 =	vshrl.u32 v6, $0xA;
	v8 =	vxor.u32 v8, v7  }
0x11b: {  	[tilespmem:v16+s8+$0x0] =	vst.idx.add.s32.msk vm2, v2;
	vm4 =	veq.s32 v14, v4;
	v7 =	vshra.s32 v25, $0x1F;
	v14 =	vshrl.u32 v6, $0x15;
	s13 =	spop (v2sf)  }
0x11c: {  	s2 =	sadd.s32 s21, s20;
	[tilespmem:v23+s8+$0x0] =	vst.idx.add.s32.msk vm0, v2;
	v16 =	vmpcnt.ones.xlane vm4;
	v29 =	vshrl.u32 v8, $0x15;
	v7 =	vor.u32 $0x80000000, v7;
	s17 =	spop (v2sf)  }
0x11d: {  	p0 =	slt.s32 s2, $0x7FF0;
	vm7 =	veq.s32 v14, v4;
	v14 =	vld [tilespmem:s5+$0x270];
	s5 =	smov.u32 s2;
	v7 =	vxor.u32 v25, v7;
	v23 =	vshra.s32 v22, $0x1F;
	s19 =	spop (v2sf)  }
0x11e: {  	[tilespmem:v10+s8+$0x0] =	vst.idx.add.s32.msk vm5, v2;
	s5 =	simm.s32 @!p0 $0x7FF0;
	vm6 =	veq.s32 v29, v4;
	(v2sf) =	vpush v16, $0x0;
	v10 =	vshrl.u32 v7, $0x15;
	s2 =	sadd.s32 s2, s19  }
0x11f: {  	[tilespmem:s5+$0x14000] =	vst.msk vm2, v9;
	v9 =	vor.u32 $0x80000000, v23;
	vm2 =	veq.s32 v10, v4;
	v10 =	vshra.s32 v62, $0x1F;
	s20 =	spop (v2sf);
	p0 =	slt.s32 s2, $0x7FF0  }
0x120: {  	[tilespmem:v26+s8+$0x0] =	vst.idx.add.s32.msk vm3, v2;
	v16 =	vmpcnt.ones.xlane vm7;
	v9 =	vxor.u32 v22, v9;
	v10 =	vor.u32 $0x80000000, v10;
	s19 =	smov.u32 s2;
	s5 =	sadd.s32 s2, s20;
	s21 =	spop (v2sf)  }
0x121: {  	[tilespmem:v20+s8+$0x0] =	vst.idx.add.s32.msk vm9, v2;
	v22 =	vmpcnt.ones.xlane vm2;
	v23 =	vshrl.u32 v9, $0x15;
	v10 =	vxor.u32 v62, v10;
	s19 =	simm.s32 @!p0 $0x7FF0;
	p0 =	slt.s32 s5, $0x7FF0;
	s2 =	sadd.s32 s5, s21  }
0x122: {  	v63 =	vshra.s32 v14, $0x1F;
	[tilespmem:s19+$0x14000] =	vst.msk vm5, v13;
	vm5 =	veq.s32 v23, v4;
	v13 =	vshrl.u32 v10, $0x15;
	s5 =	simm.s32 @!p0 $0x7FF0;
	s10 =	sadd.s32 s2, s10;
	p0 =	slt.s32 s2, $0x7FF0  }
0x123: {  	[tilespmem:v28+s8+$0x0] =	vst.idx.add.s32.msk vm1, v2;
	(v2sf) =	vpush v22, $0x0;
	v22 =	vmpcnt.ones.xlane vm5;
	vm8 =	veq.s32 v13, v4;
	p1 =	slt.s32 s10, $0x7FF0;
	s12 =	sadd.s32 s10, s12;
	s2 =	simm.s32 @!p0 $0x7FF0  }
0x124: {  	v20 =	vor.u32 $0x80000000, v63;
	[tilespmem:s5+$0x14000] =	vst.msk vm3, v21;
	v13 =	vor.u32 $0x80000000, v30;
	v21 =	vmpcnt.ones.xlane vm8;
	s10 =	simm.s32 @!p1 $0x7FF0;
	p1 =	slt.s32 s12, $0x7FF0;
	s13 =	sadd.s32 s12, s13  }
0x125: {  	v23 =	vmpcnt.ones.xlane vm6;
	v13 =	vxor.u32 v27, v13;
	(v2sf) =	vpush v22, $0x0;
	[tilespmem:s10+$0x14000] =	vst.msk vm11, v18;
	s12 =	simm.s32 @!p1 $0x7FF0;
	p1 =	slt.s32 s13, $0x7FF0;
	s10 =	sadd.s32 s13, s17  }
0x126: {  	v18 =	vshrl.u32 v13, $0xA;
	v22 =	vshrl.u32 v13, $0x15;
	(v2sf) =	vpush v21, $0x0;
	[tilespmem:s12+$0x14000] =	vst.msk vm10, v19;
	s13 =	simm.s32 @!p1 $0x7FF0;
	p0 =	slt.s32 s10, $0x7FF0;
	s5 =	smov.u32 s10  }
0x127: {  	vm3 =	veq.s32 v22, v4;
	v18 =	vand.u32 $0x7FF, v18;
	(v2sf) =	vpush v23, $0x0;
	[tilespmem:s13+$0x14000] =	vst.msk vm9, v17;
	s5 =	simm.s32 @!p0 $0x7FF0;
	s12 =	spop (v2sf)  }
.LBB2_7:
0x128: {  	v15 =	vand.u32 $0x7FF, v15;
	v17 =	vshrl.u32 v9, $0xA  }
0x129: {  	s16 =	sadd.s32 $0x8, s16;
	v19 =	vshrl.u32 v10, $0xA;
	s18 =	sadd.s32 $0x400, s18;
	[tilespmem:s2+$0x14000] =	vst.msk vm0, v5;
	v5 =	vmovc v11;
	vm0 =	vmmov vm4;
	vm12 =	vmmov vm7  }
0x12a: {  	v11 =	vshrl.u32 v7, $0xA;
	s2 =	sand.u32 $0x180, s16;
	s13 =	sand.u32 $0x3C00, s18;
	v17 =	vand.u32 $0x7FF, v17;
	v19 =	vand.u32 $0x7FF, v19;
	[tilespmem:s5+$0x14000] =	vst.msk vm1, v12;
	s5 =	sadd.s32 s10, s12  }
0x12b: {  	p0 =	slt.u32 s16, $0x1F8;
	v11 =	vand.u32 $0x7FF, v11;
	s2 =	sor.u32 s2, s13;
	p1 =	slt.s32 s5, $0x7FF0;
	v12 =	vor.u32 v3, v17;
	v17 =	vor.u32 v0, v19  }
0x12c: {  	v21 =	vshrl.u32 v8, $0xA;
	v22 =	vmpcnt.ones.xlane vm3;
	v11 =	vor.u32 v0, v11;
	v19 =	vld [tilespmem:s2+$0x230]  }
0x12d: {  	v21 =	vand.u32 $0x7FF, v21;
	v24 =	vshrl.u32 v5, $0xA;
	v23 =	vld [tilespmem:s2+$0x220];
	(v2sf) =	vpush v16, $0x0;
	s13 =	spop (v2sf)  }
0x12e: {  	v21 =	vor.u32 v0, v21;
	v24 =	vand.u32 $0x7FF, v24;
	v16 =	vld [tilespmem:s2+$0x210];
	(v2sf) =	vpush v22, $0x0  }
0x12f: {  	vm11 =	vmmov vm2;
	v15 =	vor.u32 v3, v15;
	v24 =	vor.u32 v3, v24;
	v22 =	vld [tilespmem:s2+$0x200]  }
0x130: {  	vm10 =	vmmov vm5;
	vm9 =	vmmov vm8;
	[tilespmem:v12+s8+$0x0] =	vst.idx.add.s32.msk vm5, v2;
	v12 =	vxor.u32 v14, v20  }
0x131: {  	[tilespmem:v11+s8+$0x0] =	vst.idx.add.s32.msk vm2, v2;
	v11 =	vshrl.u32 v12, $0xA;
	v14 =	vshrl.u32 v12, $0x15  }
0x132: {  	v18 =	vor.u32 v0, v18;
	v20 =	vld [tilespmem:s2+$0x240];
	vm1 =	veq.s32 v14, v4;
	v11 =	vand.u32 $0x7FF, v11;
	s10 =	spop (v2sf)  }
0x133: {  	v14 =	vshra.s32 v19, $0x1F;
	[tilespmem:v21+s8+$0x0] =	vst.idx.add.s32.msk vm6, v2;
	v21 =	vor.u32 v3, v11;
	v25 =	vmpcnt.ones.xlane vm1  }
0x134: {  	s17 =	smov.u32 s5;
	v11 =	vshra.s32 v16, $0x1F;
	v14 =	vor.u32 $0x80000000, v14;
	v26 =	vshra.s32 v22, $0x1F;
	[tilespmem:v15+s8+$0x0] =	vst.idx.add.s32.msk vm12, v2  }
0x135: {  	s17 =	simm.s32 @!p1 $0x7FF0;
	v15 =	vor.u32 $0x80000000, v11;
	v11 =	vxor.u32 v19, v14;
	[tilespmem:v24+s8+$0x0] =	vst.idx.add.s32.msk vm0, v2;
	s12 =	spop (v2sf);
	(v2sf) =	vpush v25, $0x0  }
0x136: {  	v14 =	vor.u32 $0x80000000, v26;
	v19 =	vxor.u32 v16, v15;
	v15 =	vshrl.u32 v11, $0x15;
	v24 =	vld [tilespmem:s2+$0x250];
	[tilespmem:s17+$0x14000] =	vst.msk vm6, v8;
	s17 =	spop (v2sf)  }
0x137: {  	v8 =	vxor.u32 v22, v14;
	vm4 =	veq.s32 v15, v4;
	v14 =	vshra.s32 v20, $0x1F;
	v22 =	vld [tilespmem:s2+$0x260];
	s19 =	spop (v2sf)  }
0x138: {  	v15 =	vshrl.u32 v19, $0xA;
	v16 =	vshrl.u32 v19, $0x15;
	v25 =	vmpcnt.ones.xlane vm4;
	s5 =	sadd.s32 s5, s19;
	[tilespmem:v18+s8+$0x0] =	vst.idx.add.s32.msk vm3, v2  }
0x139: {  	vm7 =	veq.s32 v16, v4;
	v18 =	vshrl.u32 v8, $0x15;
	v16 =	vor.u32 $0x80000000, v14;
	v14 =	vld [tilespmem:s2+$0x270];
	p1 =	slt.s32 s5, $0x7FF0;
	s2 =	smov.u32 s5  }
0x13a: {  	v26 =	vshra.s32 v23, $0x1F;
	v27 =	vxor.u32 v20, v16;
	(v2sf) =	vpush v25, $0x0;
	s2 =	simm.s32 @!p1 $0x7FF0;
	[tilespmem:v21+s8+$0x0] =	vst.idx.add.s32.msk vm1, v2  }
0x13b: {  	v16 =	vmpcnt.ones.xlane vm7;
	v20 =	vshrl.u32 v27, $0x15;
	v21 =	vshra.s32 v24, $0x1F;
	[tilespmem:s2+$0x14000] =	vst.msk vm12, v6;
	v6 =	vmovc v19  }
0x13c: {  	vm2 =	veq.s32 v20, v4;
	v19 =	vor.u32 $0x80000000, v21;
	v20 =	vshra.s32 v22, $0x1F;
	[tilespmem:v17+s8+$0x0] =	vst.idx.add.s32.msk vm9, v2;
	s2 =	spop (v2sf)  }
0x13d: {  	s5 =	sadd.s32 s5, s2;
	s2 =	spop (v2sf)  }
0x13e: {  	v17 =	vmpcnt.ones.xlane vm2;
	v19 =	vxor.u32 v24, v19;
	v20 =	vor.u32 $0x80000000, v20;
	s2 =	sadd.s32 s5, s2  }
0x13f: {  	v21 =	vshrl.u32 v19, $0x15;
	v22 =	vxor.u32 v22, v20;
	v20 =	vshra.s32 v14, $0x1F;
	p1 =	slt.s32 s5, $0x7FF0;
	s13 =	sadd.s32 s2, s13  }
0x140: {  	vm5 =	veq.s32 v21, v4;
	v21 =	vshrl.u32 v22, $0x15;
	(v2sf) =	vpush v17, $0x0;
	s5 =	simm.s32 @!p1 $0x7FF0;
	p1 =	slt.s32 s2, $0x7FF0;
	p2 =	slt.s32 s13, $0x7FF0  }
.Ltmp2:
0x141: {  	v20 =	vor.u32 $0x80000000, v20;
	v17 =	vmpcnt.ones.xlane vm5;
	vm8 =	veq.s32 v21, v4;
	[tilespmem:s5+$0x14000] =	vst.msk vm3, v13;
	s5 =	sadd.s32 s13, s10;
	s2 =	simm.s32 @!p1 $0x7FF0;
	(pc) =	sbr.rel @p0 .LBB2_7-.Ltmp2, $4  }
0x142: {  	vm6 =	veq.s32 v18, v4;
	v13 =	vor.u32 $0x80000000, v26;
	v18 =	vmpcnt.ones.xlane vm8;
	s13 =	simm.s32 @!p2 $0x7FF0;
	p2 =	slt.s32 s5, $0x7FF0;
	s12 =	sadd.s32 s5, s12  }
0x143: {  	v21 =	vmpcnt.ones.xlane vm6;
	v13 =	vxor.u32 v23, v13;
	(v2sf) =	vpush v17, $0x0;
	[tilespmem:s13+$0x14000] =	vst.msk vm11, v7;
	s5 =	simm.s32 @!p2 $0x7FF0;
	p2 =	slt.s32 s12, $0x7FF0;
	s10 =	sadd.s32 s12, s17;
	v7 =	vmovc v27  }
0x144: {  	v17 =	vshrl.u32 v13, $0xA;
	v23 =	vshrl.u32 v13, $0x15;
	(v2sf) =	vpush v18, $0x0;
	[tilespmem:s5+$0x14000] =	vst.msk vm10, v9;
	s12 =	simm.s32 @!p2 $0x7FF0;
	p1 =	slt.s32 s10, $0x7FF0;
	v9 =	vmovc v19;
	s5 =	smov.u32 s10  }
0x145: {  	vm3 =	veq.s32 v23, v4;
	v18 =	vand.u32 $0x7FF, v17;
	(v2sf) =	vpush v21, $0x0;
	[tilespmem:s12+$0x14000] =	vst.msk vm9, v10;
	s5 =	simm.s32 @!p1 $0x7FF0;
	s12 =	spop (v2sf);
	v10 =	vmovc v22  }
0x146: {  	v17 =	vmpcnt.ones.xlane vm3  }
0x147: {  	(v2sf) =	vpush v16, $0x0  }
0x148: {  	(v2sf) =	vpush v17, $0x0;
	_ =	sdelay $0x4  }
0x149: {  	v14 =	vxor.u32 v14, v20  }
0x14a: {  	v19 =	vshrl.u32 v8, $0xA;
	[tilespmem:s2+$0x14000] =	vst.msk vm0, v5;
	v5 =	vand.u32 $0x7FF, v15;
	vm7 =	vmmov vm7  }
0x14b: {  	v20 =	vshrl.u32 v14, $0x15;
	v19 =	vand.u32 $0x7FF, v19;
	v5 =	vor.u32 v3, v5  }
0x14c: {  	v57 =	vshrl.u32 v9, $0xA;
	vm9 =	veq.s32 v20, v4;
	v19 =	vor.u32 v0, v19;
	s13 =	spop (v2sf)  }
0x14d: {  	v16 =	vand.u32 $0x7FF, v57;
	v20 =	vmpcnt.ones.xlane vm9;
	s2 =	spop (v2sf)  }
0x14e: {  	v16 =	vor.u32 v3, v16;
	s20 =	spop (v2sf)  }
0x14f: {  	[tilespmem:s5+$0x14000] =	vst.msk vm1, v12;
	v59 =	vshrl.u32 v11, $0xA;
	s10 =	sadd.s32 s10, s12;
	(v2sf) =	vpush v20, $0x0;
	s21 =	spop (v2sf)  }
0x150: {  	v58 =	vshrl.u32 v7, $0xA;
	v62 =	vor.u32 v0, v18;
	v12 =	vand.u32 $0x7FF, v59;
	p0 =	slt.s32 s10, $0x7FF0;
	s16 =	smov.u32 s10;
	[tilespmem:v5+s8+$0x0] =	vst.idx.add.s32.msk vm7, v2;
	s17 =	spop (v2sf)  }
0x151: {  	v60 =	vshrl.u32 v14, $0xA;
	v17 =	vand.u32 $0x7FF, v58;
	v12 =	vor.u32 v3, v12;
	s16 =	simm.s32 @!p0 $0x7FF0;
	[tilespmem:v19+s8+$0x0] =	vst.idx.add.s32.msk vm6, v2;
	s10 =	sadd.s32 s10, s17  }
0x152: {  	v15 =	vand.u32 $0x7FF, v60;
	v17 =	vor.u32 v0, v17;
	[tilespmem:s16+$0x14000] =	vst.msk vm6, v8;
	s18 =	spop (v2sf);
	p0 =	slt.s32 s10, $0x7FF0;
	s16 =	smov.u32 s10  }
0x153: {  	v61 =	vshrl.u32 v10, $0xA;
	v15 =	vor.u32 v3, v15;
	[tilespmem:v16+s8+$0x0] =	vst.idx.add.s32.msk vm5, v2;
	s10 =	sadd.s32 s10, s18;
	s16 =	simm.s32 @!p0 $0x7FF0;
	s19 =	spop (v2sf)  }
0x154: {  	v16 =	vand.u32 $0x7FF, v61;
	[tilespmem:s16+$0x14000] =	vst.msk vm7, v6;
	s16 =	sadd.s32 s10, s19  }
0x155: {  	s14 =	sadd.s32 $0x1, s14;
	[tilespmem:v62+s8+$0x0] =	vst.idx.add.s32.msk vm3, v2;
	v63 =	vor.u32 v0, v16;
	p0 =	slt.s32 s10, $0x7FF0;
	s13 =	sadd.s32 s16, s13  }
0x156: {  	[tilespmem:v12+s8+$0x0] =	vst.idx.add.s32.msk vm4, v2;
	s10 =	simm.s32 @!p0 $0x7FF0;
	p0 =	slt.s32 s13, $0x7FF0;
	s2 =	sadd.s32 s13, s2  }
0x157: {  	[tilespmem:v17+s8+$0x0] =	vst.idx.add.s32.msk vm2, v2;
	s13 =	simm.s32 @!p0 $0x7FF0;
	p0 =	slt.s32 s2, $0x7FF0;
	s5 =	sadd.s32 s2, s20  }
0x158: {  	vm15 =	vmmov vm5;
	[tilespmem:v15+s8+$0x0] =	vst.idx.add.s32.msk vm9, v2;
	s2 =	simm.s32 @!p0 $0x7FF0;
	p0 =	slt.s32 s5, $0x7FF0;
	s20 =	sadd.s32 s5, s21  }
0x159: {  	[tilespmem:s2+$0x14000] =	vst.msk vm15, v9;
	s5 =	simm.s32 @!p0 $0x7FF0;
	p0 =	slt.s32 s20, $0x7FF0;
	s2 =	smov.u32 s20  }
0x15a: {  	[tilespmem:v63+s8+$0x0] =	vst.idx.add.s32.msk vm8, v2;
	p1 =	slt.s32 s16, $0x7FF0;
	s2 =	simm.s32 @!p0 $0x7FF0;
	p0 =	sne.s32 s14, $0x20  }
.Ltmp3:
0x15b: {  	vm12 =	vmmov vm4;
	[tilespmem:s10+$0x14000] =	vst.msk vm3, v13;
	s16 =	simm.s32 @!p1 $0x7FF0;
	(pc) =	sbr.rel @p0 .LBB2_4-.Ltmp3, $4  }
0x15c: {  	vm14 =	vmmov vm2;
	[tilespmem:s16+$0x14000] =	vst.msk vm12, v11  }
0x15d: {  	vm13 =	vmmov vm8;
	[tilespmem:s13+$0x14000] =	vst.msk vm14, v7  }
0x15e: {  	s21 =	spop (v2sf);
	[tilespmem:s5+$0x14000] =	vst.msk vm13, v10  }
0x15f: {  	s19 =	sadd.s32 s20, s21;
	[tilespmem:s2+$0x14000] =	vst.msk vm9, v14  }
0x160: {  	s2 =	simm.s32 $0x0;
	s5 =	simm.s32 $0x4000  }
0x161: {  	s2 =	sand.u32 $0x7F0, s2;
	v5 =	vld [tilespmem:s5+$0x0]  }
0x162: {  	v4 =	vld [tilespmem:s2+$0x4800]  }
0x163: {  	v6 =	vld [tilespmem:s2+$0x5000]  }
0x164: {  	v7 =	vld [tilespmem:s2+$0x5800]  }
0x165: {  	v8 =	vld [tilespmem:s2+$0x6000]  }
0x166: {  	v9 =	vld [tilespmem:s2+$0x6800]  }
0x167: {  	v4 =	vadd.s32 v5, v4;
	v5 =	vld [tilespmem:s2+$0x7000]  }
0x168: {  	v4 =	vadd.s32 v6, v4;
	v6 =	vld [tilespmem:s2+$0x7800]  }
0x169: {  	v4 =	vadd.s32 v7, v4;
	v7 =	vld [tilespmem:s2+$0x8000]  }
0x16a: {  	v54 =	vld [tilespmem:s2+$0x8800];
	v4 =	vadd.s32 v8, v4  }
0x16b: {  	v55 =	vld [tilespmem:s2+$0x9000];
	v4 =	vadd.s32 v9, v4  }
0x16c: {  	v4 =	vadd.s32 v5, v4;
	v5 =	vld [tilespmem:s2+$0x9800]  }
0x16d: {  	v4 =	vadd.s32 v6, v4;
	v6 =	vld [tilespmem:s2+$0xA000]  }
0x16e: {  	v4 =	vadd.s32 v7, v4;
	v7 =	vld [tilespmem:s2+$0xA800]  }
0x16f: {  	v56 =	vld [tilespmem:s2+$0xB000];
	v4 =	vadd.s32 v54, v4  }
0x170: {  	v57 =	vld [tilespmem:s2+$0xB800];
	v4 =	vadd.s32 v55, v4  }
0x171: {  	v4 =	vadd.s32 v5, v4;
	v5 =	vld [tilespmem:s2+$0xC000]  }
0x172: {  	v4 =	vadd.s32 v6, v4;
	v6 =	vld [tilespmem:s2+$0xC800]  }
0x173: {  	v4 =	vadd.s32 v7, v4;
	v7 =	vld [tilespmem:s2+$0xD000]  }
0x174: {  	v58 =	vld [tilespmem:s2+$0xD800];
	v4 =	vadd.s32 v56, v4  }
0x175: {  	v59 =	vld [tilespmem:s2+$0xE000];
	v4 =	vadd.s32 v57, v4  }
0x176: {  	v4 =	vadd.s32 v5, v4;
	v5 =	vld [tilespmem:s2+$0xE800]  }
0x177: {  	v4 =	vadd.s32 v6, v4;
	v6 =	vld [tilespmem:s2+$0xF000]  }
0x178: {  	v4 =	vadd.s32 v7, v4;
	v7 =	vld [tilespmem:s2+$0xF800]  }
0x179: {  	v60 =	vld [tilespmem:s2+$0x10000];
	v4 =	vadd.s32 v58, v4  }
0x17a: {  	v61 =	vld [tilespmem:s2+$0x10800];
	v4 =	vadd.s32 v59, v4  }
0x17b: {  	v4 =	vadd.s32 v5, v4;
	v5 =	vld [tilespmem:s2+$0x11000]  }
0x17c: {  	v4 =	vadd.s32 v6, v4;
	v6 =	vld [tilespmem:s2+$0x11800]  }
0x17d: {  	v4 =	vadd.s32 v7, v4;
	v7 =	vld [tilespmem:s2+$0x12000]  }
0x17e: {  	v62 =	vld [tilespmem:s2+$0x12800];
	v4 =	vadd.s32 v60, v4  }
0x17f: {  	v63 =	vld [tilespmem:s2+$0x13000];
	v4 =	vadd.s32 v61, v4  }
0x180: {  	v4 =	vadd.s32 v5, v4;
	v5 =	vld [tilespmem:s2+$0x13800]  }
0x181: {  	v4 =	vadd.s32 v6, v4  }
0x182: {  	v4 =	vadd.s32 v7, v4  }
0x183: {  	v4 =	vadd.s32 v62, v4  }
0x184: {  	v4 =	vadd.s32 v63, v4  }
0x185: {  	s21 =	simm.s32 $0x10;
	s2 =	simm.s32 $0x1C000;
	v4 =	vadd.s32 v5, v4  }
0x186: {  	s11 =	sand.u32 $0x7F0, s21;
	[tilespmem:s2+$0x0] =	vst v4  }
0x187: {  	s16 =	simm.s32 $0x20;
	s14 =	simm.s32 $0x4010;
	v4 =	vld [tilespmem:s11+$0x4800]  }
.LBB2_10:
0x188: {  	p0 =	sne.s32 s16, $0x7F0;
	v5 =	vld [tilespmem:s14+$0x0]  }
0x189: {  	v6 =	vld [tilespmem:s11+$0x5000]  }
0x18a: {  	v7 =	vld [tilespmem:s11+$0x5800]  }
0x18b: {  	v8 =	vld [tilespmem:s11+$0x6000]  }
0x18c: {  	v9 =	vld [tilespmem:s11+$0x6800]  }
0x18d: {  	v4 =	vadd.s32 v5, v4;
	v5 =	vld [tilespmem:s11+$0x7000]  }
0x18e: {  	v4 =	vadd.s32 v6, v4;
	v6 =	vld [tilespmem:s11+$0x7800]  }
0x18f: {  	v4 =	vadd.s32 v7, v4;
	v7 =	vld [tilespmem:s11+$0x8000]  }
0x190: {  	v4 =	vadd.s32 v8, v4;
	v8 =	vld [tilespmem:s11+$0x8800]  }
0x191: {  	v4 =	vadd.s32 v9, v4;
	v9 =	vld [tilespmem:s11+$0x9000]  }
0x192: {  	v4 =	vadd.s32 v5, v4;
	v5 =	vld [tilespmem:s11+$0x9800]  }
0x193: {  	v4 =	vadd.s32 v6, v4;
	v6 =	vld [tilespmem:s11+$0xA000]  }
0x194: {  	v4 =	vadd.s32 v7, v4;
	v7 =	vld [tilespmem:s11+$0xA800]  }
0x195: {  	v4 =	vadd.s32 v8, v4;
	v8 =	vld [tilespmem:s11+$0xB000]  }
0x196: {  	v4 =	vadd.s32 v9, v4;
	v9 =	vld [tilespmem:s11+$0xB800]  }
0x197: {  	v4 =	vadd.s32 v5, v4;
	v5 =	vld [tilespmem:s11+$0xC000]  }
0x198: {  	v4 =	vadd.s32 v6, v4;
	v6 =	vld [tilespmem:s11+$0xC800]  }
0x199: {  	v4 =	vadd.s32 v7, v4;
	v7 =	vld [tilespmem:s11+$0xD000]  }
0x19a: {  	v4 =	vadd.s32 v8, v4;
	v8 =	vld [tilespmem:s11+$0xD800]  }
0x19b: {  	v4 =	vadd.s32 v9, v4;
	v9 =	vld [tilespmem:s11+$0xE000]  }
0x19c: {  	v4 =	vadd.s32 v5, v4;
	v5 =	vld [tilespmem:s11+$0xE800]  }
0x19d: {  	v4 =	vadd.s32 v6, v4;
	v6 =	vld [tilespmem:s11+$0xF000]  }
0x19e: {  	v4 =	vadd.s32 v7, v4;
	v7 =	vld [tilespmem:s11+$0xF800]  }
0x19f: {  	v4 =	vadd.s32 v8, v4;
	v8 =	vld [tilespmem:s11+$0x10000]  }
0x1a0: {  	v4 =	vadd.s32 v9, v4;
	v9 =	vld [tilespmem:s11+$0x10800]  }
0x1a1: {  	v4 =	vadd.s32 v5, v4;
	v5 =	vld [tilespmem:s11+$0x11000]  }
0x1a2: {  	v4 =	vadd.s32 v6, v4;
	v6 =	vld [tilespmem:s11+$0x11800]  }
0x1a3: {  	v4 =	vadd.s32 v7, v4;
	v7 =	vld [tilespmem:s11+$0x12000]  }
0x1a4: {  	v4 =	vadd.s32 v8, v4;
	v8 =	vld [tilespmem:s11+$0x12800]  }
0x1a5: {  	v4 =	vadd.s32 v9, v4;
	v9 =	vld [tilespmem:s11+$0x13000]  }
0x1a6: {  	v4 =	vadd.s32 v5, v4;
	v5 =	vld [tilespmem:s11+$0x13800]  }
0x1a7: {  	v4 =	vadd.s32 v6, v4  }
0x1a8: {  	v4 =	vadd.s32 v7, v4  }
.Ltmp4:
0x1a9: {  	v4 =	vadd.s32 v8, v4;
	(pc) =	sbr.rel @p0 .LBB2_10-.Ltmp4, $4  }
0x1aa: {  	v4 =	vadd.s32 v9, v4  }
0x1ab: {  	s2 =	sadd.s32 $0x10, s2;
	v4 =	vadd.s32 v5, v4  }
0x1ac: {  	s11 =	sand.u32 $0x7F0, s16;
	[tilespmem:s2+$0x0] =	vst v4  }
0x1ad: {  	s14 =	sadd.s32 $0x10, s14;
	s16 =	sadd.s32 $0x10, s16;
	v4 =	vld [tilespmem:s11+$0x4800]  }
0x1ae: {  	v5 =	vld [tilespmem:s14+$0x0]  }
0x1af: {  	v6 =	vld [tilespmem:s11+$0x5000]  }
0x1b0: {  	v7 =	vld [tilespmem:s11+$0x5800]  }
0x1b1: {  	v8 =	vld [tilespmem:s11+$0x6000]  }
0x1b2: {  	v9 =	vld [tilespmem:s11+$0x6800]  }
0x1b3: {  	v4 =	vadd.s32 v5, v4;
	v5 =	vld [tilespmem:s11+$0x7000]  }
0x1b4: {  	v44 =	vld [tilespmem:s11+$0x7800];
	v4 =	vadd.s32 v6, v4  }
0x1b5: {  	v45 =	vld [tilespmem:s11+$0x8000];
	v4 =	vadd.s32 v7, v4  }
0x1b6: {  	v46 =	vld [tilespmem:s11+$0x8800];
	v4 =	vadd.s32 v8, v4  }
0x1b7: {  	v47 =	vld [tilespmem:s11+$0x9000];
	v4 =	vadd.s32 v9, v4  }
0x1b8: {  	v4 =	vadd.s32 v5, v4;
	v5 =	vld [tilespmem:s11+$0x9800]  }
0x1b9: {  	v48 =	vld [tilespmem:s11+$0xA000];
	v4 =	vadd.s32 v44, v4  }
0x1ba: {  	v49 =	vld [tilespmem:s11+$0xA800];
	v4 =	vadd.s32 v45, v4  }
0x1bb: {  	v50 =	vld [tilespmem:s11+$0xB000];
	v4 =	vadd.s32 v46, v4  }
0x1bc: {  	v51 =	vld [tilespmem:s11+$0xB800];
	v4 =	vadd.s32 v47, v4  }
0x1bd: {  	v4 =	vadd.s32 v5, v4;
	v5 =	vld [tilespmem:s11+$0xC000]  }
0x1be: {  	v52 =	vld [tilespmem:s11+$0xC800];
	v4 =	vadd.s32 v48, v4  }
0x1bf: {  	v53 =	vld [tilespmem:s11+$0xD000];
	v4 =	vadd.s32 v49, v4  }
0x1c0: {  	v54 =	vld [tilespmem:s11+$0xD800];
	v4 =	vadd.s32 v50, v4  }
0x1c1: {  	v55 =	vld [tilespmem:s11+$0xE000];
	v4 =	vadd.s32 v51, v4  }
0x1c2: {  	v4 =	vadd.s32 v5, v4;
	v5 =	vld [tilespmem:s11+$0xE800]  }
0x1c3: {  	v56 =	vld [tilespmem:s11+$0xF000];
	v4 =	vadd.s32 v52, v4  }
0x1c4: {  	v57 =	vld [tilespmem:s11+$0xF800];
	v4 =	vadd.s32 v53, v4  }
0x1c5: {  	v58 =	vld [tilespmem:s11+$0x10000];
	v4 =	vadd.s32 v54, v4  }
0x1c6: {  	v59 =	vld [tilespmem:s11+$0x10800];
	v4 =	vadd.s32 v55, v4  }
0x1c7: {  	v4 =	vadd.s32 v5, v4;
	v5 =	vld [tilespmem:s11+$0x11000]  }
0x1c8: {  	v60 =	vld [tilespmem:s11+$0x11800];
	v4 =	vadd.s32 v56, v4  }
0x1c9: {  	v61 =	vld [tilespmem:s11+$0x12000];
	v4 =	vadd.s32 v57, v4  }
0x1ca: {  	v62 =	vld [tilespmem:s11+$0x12800];
	v4 =	vadd.s32 v58, v4  }
0x1cb: {  	v63 =	vld [tilespmem:s11+$0x13000];
	v4 =	vadd.s32 v59, v4  }
0x1cc: {  	v4 =	vadd.s32 v5, v4;
	v5 =	vld [tilespmem:s11+$0x13800]  }
0x1cd: {  	v4 =	vadd.s32 v60, v4  }
0x1ce: {  	v4 =	vadd.s32 v61, v4  }
0x1cf: {  	v4 =	vadd.s32 v62, v4  }
0x1d0: {  	v4 =	vadd.s32 v63, v4  }
0x1d1: {  	s2 =	sadd.s32 $0x10, s2;
	s14 =	rddreg [dreg:$0x6];
	s12 =	simm.s32 $0x400;
	v4 =	vadd.s32 v5, v4  }
0x1d2: {  	s5 =	simm.s32 $0x80;
	s10 =	simm.s32 $0x1C000;
	s11 =	simm.s32 $0x3;
	[tilespmem:s2+$0x0] =	vst v4  }
0x1d3: {  	[hbm4b:s14+s5] =	stream.strided.scatter [tilespmem:s10], [sflag:$0x3], $0x800, s12, s5, $0x38;
	[tilespmem:$0x1C900] =	vst v63  }
0x1d4: {  	_ =	swait.ge [sflag:s11], $0x800  }
0x1d5: {  	[sflag:s11] =	ssyncset.done $0x0  }
0x1d6: {  	v4 =	vmov s19;
	[sflag:s11] =	ssyncadd.s32 $0xFFFFF800  }
0x1d7: {  	s17 =	simm.s32 $0x1C880;
	s10 =	simm.s32 $0x0;
	s16 =	rddreg [dreg:$0x7];
	[tilespmem:$0x1C880] =	vst v4  }
0x1d8: {  	[hbm4b:s16+s10] =	stream.linear.scatter [tilespmem:s17], [sflag:$0x3], $0x80, $0x38;
	[tilespmem:$0x1C900] =	vst v63  }
0x1d9: {  	_ =	swait.ge [sflag:s11], $0x80  }
0x1da: {  	[sflag:s11] =	ssyncset.done $0x0  }
0x1db: {  	s19 =	simm.s32 $0x14000;
	s18 =	rddreg [dreg:$0x8];
	[sflag:s11] =	ssyncadd.s32 $0xFFFFFF80  }
0x1dc: {  	[hbm4b:s18+s10] =	stream.linear.scatter [tilespmem:s19], [sflag:$0x3], $0x8000, $0x38;
	[tilespmem:$0x1C900] =	vst v63  }
0x1dd: {  	_ =	swait.ge [sflag:s11], $0x8000  }
0x1de: {  	s20 =	rddreg [dreg:$0xe]  }
0x1df: {  	s21 =	rddreg [dreg:$0x9];
	s5 =	sadd.s32 $0x1, s20  }
0x1e0: {  	p0 =	sne.s32 s5, s21  }
.Ltmp5:
0x1e1: {  	_ = 	snop;
	(pc) =	sbr.rel @p0 .LBB2_1-.Ltmp5, $3  }
0x1e2: {  	_ =	sdelay $0x1  }
0x1e3: {  	[sflag:s11] =	ssyncset.done $0x0  }
0x1e4: {  	[sflag:s11] =	ssyncadd.s32 $0xFFFF8000  }
0x1e5: {  	_ =	sfence.sel $0x180000  }
0x1e6: {  	[bflag:$0x0] =	sbarrier.arrive $0xFFFF  }
0x1e7: {  	_ =	strace $0x9000004A  }
0x1e8: {  	s0 =	stileid.u32;
	[bflag:$0x2] =	sbarrier.arrive $0xFFFF  }
0x1e9: {  	p0 =	sne.s32 s0, $0x0;
	s0 =	rddreg [dreg:$0x3]  }
0x1ea: {  	s0 =	sadd.s32 @!p0 $0x100000, s0  }
0x1eb: {  	[sflag:s0] =	ssyncadd.tile.s32 @!p0 $0x1;
	_ =	shalt  }
.Lfunc_end2:
_tile_overlayer_lowered:
.L_overlay_start_2:
0x1ec: {  	(tag) =	ssettag $0x2  }
0x1ed: {  	s0 =	rddreg [dreg:$0x0];
	s2 =	stileid.u32  }
0x1ee: {  	s1 =	rddreg [dreg:$0x1];
	p0 =	sne.s32 s2, $0x0  }
0x1ef: {  	s3 =	rddreg [dreg:$0x2];
	[bflag:$0x3] =	sbarrier.arrive $0xFFFF;
	s2 =	simm.s32 @!p0 $0x1C03  }
0x1f0: {  	[timem:s3], [sflag:s2] =	dma.local @!p0 [hbm:s0], s1  }
0x1f1: {  	s0 =	simm.s32 @!p0 $0x3  }
0x1f2: {  	_ =	swait.ge @!p0 [sflag:s0], s1  }
0x1f3: {  	s1 =	ssub.s32 @!p0 $0x0, s1;
	[sflag:s0] =	ssyncset.done @!p0 $0x0  }
0x1f4: {  	[sflag:s0] =	ssyncadd.s32 @!p0 s1  }
0x1f5: {  	[bflag:$0x3] =	sbarrier.arrive $0xFFFF  }
0x1f6: {  	_ =	shalt  }

</sc_bundles>
